<compile_context>
chip_gen: v7x
topology: tpu7x:2x2x1
jax: 0.10.2.dev20260603
libtpu: 0.0.44.dev20260713+nightly
codegen_flags: <defaults>
</compile_context>

<pallas_src>
import jax
import jax.numpy as jnp
from jax import lax
from jax.experimental import pallas as pl
from jax.experimental.pallas import tpu as pltpu
from jax.experimental.pallas import tpu_sc as plsc

_NC, _NS, _L = 2, 16, 16
_NW = _NC * _NS
_B, _T, _C = 8, 512, 1024
_LOUT = 2048
_QPB = _NW // _B
_QT = _LOUT // _QPB
_R = 32
_WR = 40
_NB = 3
_NCH = _QT // _R


def _body(x_hbm, dur_hbm, tl_hbm, out_hbm,
          tl_v, dur_v, hist_v, wbuf_v, zrow_v,
          gsem, ssem, msem):
    idx_v = hist_v
    wid = lax.axis_index("s") * _NC + lax.axis_index("c")
    b = wid // _QPB
    q = wid - b * _QPB
    brow0 = b * _LOUT

    tl_cp = pltpu.make_async_copy(tl_hbm, tl_v, msem.at[0])
    tl_cp.start()
    dur_cp = pltpu.make_async_copy(dur_hbm.at[b], dur_v, msem.at[1])
    dur_cp.start()

    zeros_i = jnp.zeros((_L,), jnp.int32)
    ones_i = jnp.ones((_L,), jnp.int32)
    zeros_f = jnp.zeros((_L,), jnp.float32)

    def _zero_hist(i, c):
        for u in range(4):
            hist_v[pl.ds(i * 4 * _L + u * _L, _L)] = zeros_i
        return c
    lax.fori_loop(0, _LOUT // _L // 4, _zero_hist, 0)

    def _zero_zrow(i, c):
        for u in range(4):
            zrow_v[0, pl.ds(i * 4 * _L + u * _L, _L)] = zeros_f
        return c
    lax.fori_loop(0, _C // _L // 4, _zero_zrow, 0)

    dur_cp.wait()
    tl_cp.wait()
    tl = jnp.max(tl_v[...])

    def _csum(i, carry):
        v = jnp.maximum(dur_v[pl.ds(i * _L, _L)], 1)
        s = plsc.cumsum(v) + carry
        plsc.addupdate_scatter(hist_v, [s], ones_i, mask=s < _LOUT)
        return jnp.max(s)
    total = lax.fori_loop(0, _T // _L, _csum, jnp.int32(0))
    limit = jnp.minimum(total, tl)

    base_row = b * _T
    def _psum(i, carry):
        ps = plsc.cumsum(hist_v[pl.ds(i * _L, _L)]) + carry
        hist_v[pl.ds(i * _L, _L)] = jnp.minimum(ps, _T - 1) + base_row
        return jnp.max(ps)
    psum_car = lax.fori_loop(0, 8, _psum, jnp.int32(0))

    def _t0(c):
        return (q + c * _QPB) * _R

    def _window(c):
        v0 = idx_v[pl.ds(_t0(c), _L)]
        vl = idx_v[pl.ds(_t0(c) + _R - _L, _L)]
        sw = pl.multiple_of(
            jnp.minimum((v0[0] // 8) * 8, _B * _T - _WR), 8)
        u4 = ((vl[15] - sw + 1 + 3) // 4) * 4
        return sw, u4

    def _win_dma(sw, u4, slot, do_wait):
        sw = pl.multiple_of(sw, 8)
        a32 = u4 >= 32
        r1 = jnp.where(a32, u4 - 32, u4)
        b16 = r1 >= 16
        r2 = jnp.where(b16, r1 - 16, r1)
        c8 = r2 >= 8
        r3 = jnp.where(c8, r2 - 8, r2)
        d4 = r3 >= 4
        off16 = pl.multiple_of(jnp.where(a32, _R, 0), 8)
        off8 = pl.multiple_of(off16 + jnp.where(b16, 16, 0), 8)
        off4 = pl.multiple_of(off8 + jnp.where(c8, 8, 0), 8)

        def _piece(pred, off, size):
            @pl.when(pred)
            def _():
                cp = pltpu.make_async_copy(
                    x_hbm.at[pl.ds(sw + off, size)],
                    wbuf_v.at[slot, pl.ds(off, size)],
                    gsem.at[slot])
                cp.wait() if do_wait else cp.start()

        _piece(a32, 0, _R)
        _piece(b16, off16, 16)
        _piece(c8, off8, 8)
        _piece(d4, off4, 4)

    def _store_wait(c):
        pltpu.make_async_copy(
            wbuf_v.at[c % _NB, pl.ds(0, _R)],
            out_hbm.at[pl.ds(brow0 + _t0(c), _R)],
            ssem.at[c % _NB]).wait()

    sw0, u40 = _window(0)
    _win_dma(sw0, u40, 0, False)
    lax.fori_loop(8, _LOUT // _L, _psum, psum_car)

    def _chunk(c, carry):
        sw, u4 = carry
        slot = c % _NB

        @pl.when(c >= _NB - 1)
        def _():
            _store_wait(c - (_NB - 1))

        swn, u4n = _window(jnp.minimum(c + 1, _NCH - 1))

        @pl.when(c + 1 < _NCH)
        def _():
            _win_dma(swn, u4n, (c + 1) % _NB, False)

        _win_dma(sw, u4, slot, True)

        t0c = _t0(c)
        out0 = brow0 + t0c
        for h in range(_R // _L):
            loc = idx_v[pl.ds(t0c + h * _L, _L)] - sw
            for r in range(_L):
                lr = loc[r]
                tpos = t0c + h * _L + r
                orow = out0 + h * _L + r

                @pl.when(tpos < limit)
                def _(lr=lr, orow=orow):
                    pltpu.make_async_copy(
                        wbuf_v.at[slot, pl.ds(lr, 1)],
                        out_hbm.at[pl.ds(orow, 1)],
                        ssem.at[slot]).start()

                @pl.when(tpos >= limit)
                def _(orow=orow):
                    pltpu.make_async_copy(
                        zrow_v,
                        out_hbm.at[pl.ds(orow, 1)],
                        ssem.at[slot]).start()
        return swn, u4n

    lax.fori_loop(0, _NCH, _chunk, (sw0, u40))

    def _drain(c, carry):
        _store_wait(c)
        return carry
    lax.fori_loop(_NCH - (_NB - 1), _NCH, _drain, 0)


_sc_call = pl.kernel(
    _body,
    out_type=jax.ShapeDtypeStruct((_B * _LOUT, _C), jnp.float32),
    mesh=plsc.VectorSubcoreMesh(core_axis_name="c", subcore_axis_name="s",
                                num_cores=_NC, num_subcores=_NS),
    compiler_params=pltpu.CompilerParams(needs_layout_passes=False),
    scratch_types=[
        pltpu.VMEM((_L,), jnp.int32),
        pltpu.VMEM((_T,), jnp.int32),
        pltpu.VMEM((_LOUT,), jnp.int32),
        pltpu.VMEM((_NB, _WR, _C), jnp.float32),
        pltpu.VMEM((1, _C), jnp.float32),
        pltpu.SemaphoreType.DMA((_NB,)),
        pltpu.SemaphoreType.DMA((_NB,)),
        pltpu.SemaphoreType.DMA((2,)),
    ],
)


def kernel(x, durations, target_length):
    x2 = x.reshape(_B * _T, _C)
    dur = durations.astype(jnp.int32)
    tl = jnp.full((_L,), target_length, dtype=jnp.int32)
    out = _sc_call(x2, dur, tl)
    return out.reshape(_B, _LOUT, _C)

# --- scband reference (transcript-rebuilt; emitter-appended) ---
"""Pipeline reference for scband-length-regulator-86174223827373 (READ-ONLY COPY).

The authoritative reference and input builder live on the scoring server;
editing this copy changes nothing except your own understanding.
"""

import jax, jax.numpy as jnp
import numpy as np

def setup_inputs(seed: int = 0) -> dict:
    key = jax.random.key(seed)
    k1, k2 = jax.random.split(key)
    x = jax.random.normal(k1, (8, 512, 1024), dtype=jnp.float32)
    durations = jax.random.randint(k2, (8, 512), 0, 8).astype(jnp.int64)
    return {"x": x, "durations": durations, "target_length": 2048}

def reference(x, durations, target_length):
    # durations: clamp(round(d), min=1).long()
    d = jnp.maximum(jnp.round(durations.astype(jnp.float32)), 1.0).astype(jnp.int32)  # [B, T]
    csum = jnp.cumsum(d, axis=1)  # [B, T]
    total = csum[:, -1]  # [B]
    L = 2048
    pos = jnp.arange(L, dtype=jnp.int32)  # [L]
    # repeat_interleave via searchsorted: source index for output frame t is
    # the first src s.t. csum[src] > t  (side='right')
    idx = jax.vmap(lambda c: jnp.searchsorted(c, pos, side='right'))(csum)  # [B, L]
    T = x.shape[1]
    idx_c = jnp.minimum(idx, T - 1)
    out = jnp.take_along_axis(x, idx_c[:, :, None], axis=1)  # [B, L, C]
    # zero-pad positions beyond each sequence's total expanded length
    limit = jnp.minimum(total.astype(jnp.int32), jnp.asarray(target_length, dtype=jnp.int32))  # [B]
    mask = (pos[None, :] < limit[:, None]).astype(x.dtype)  # [B, L]
    return out * mask[:, :, None]

if __name__ == "__main__":
    import jax
    _d = setup_inputs()
    print(jax.jit(kernel)(*tuple(_d.values())))

</pallas_src>

<mosaic_0001>
#map = affine_map<(d0, d1) -> (0, 0)>
#map1 = affine_map<(d0, d1) -> (0)>
module attributes {stable_mosaic.version = 14 : i64} {
  func.func @_body(%arg0: i32, %arg1: i32, %arg2: memref<4096x1024xf32, #tpu.memory_space<hbm>>, %arg3: memref<8x512xi32, #tpu.memory_space<hbm>>, %arg4: memref<16xi32, #tpu.memory_space<hbm>>, %arg5: memref<16384x1024xf32, #tpu.memory_space<hbm>>, %arg6: memref<16xi32, #tpu.memory_space<vmem>>, %arg7: memref<512xi32, #tpu.memory_space<vmem>>, %arg8: memref<2048xi32, #tpu.memory_space<vmem>>, %arg9: memref<3x40x1024xf32, #tpu.memory_space<vmem>>, %arg10: memref<1x1024xf32, #tpu.memory_space<vmem>>, %arg11: memref<3x!tpu.dma_semaphore, #tpu.memory_space<semaphore_mem>>, %arg12: memref<3x!tpu.dma_semaphore, #tpu.memory_space<semaphore_mem>>, %arg13: memref<2x!tpu.dma_semaphore, #tpu.memory_space<semaphore_mem>>) attributes {dimension_semantics = [#tpu.dimension_semantics<core_parallel>, #tpu.dimension_semantics<subcore_parallel>], iteration_bounds = array<i64: 2, 16>, scalar_prefetch = 0 : i64, scratch_operands = 8 : i64, tpu.core_type = #tpu.core_type<sc_vector_subcore>, window_params = [{transform_indices = #map}, {transform_indices = #map}, {transform_indices = #map1}, {transform_indices = #map}]} {
    %mul3A = arith.constant 2 : i32
    %mul3A_0 = arith.muli %arg1, %mul3A : i32
    %add3A = arith.addi %mul3A_0, %arg0 : i32
    %jit3A = arith.constant 4 : i32
    %div3A = arith.divsi %add3A, %jit3A : i32
    %sign3A = arith.constant 0 : i32
    %sign3A_1 = arith.cmpi sgt, %add3A, %sign3A : i32
    %sign3A_2 = arith.extui %sign3A_1 : i1 to i32
    %sign3A_3 = arith.constant 0 : i32
    %sign3A_4 = arith.cmpi slt, %add3A, %sign3A_3 : i32
    %sign3A_5 = arith.extui %sign3A_4 : i1 to i32
    %sign3A_6 = arith.subi %sign3A_2, %sign3A_5 : i32
    %sign3A_7 = arith.constant 0 : i32
    %sign3A_8 = arith.cmpi sgt, %jit3A, %sign3A_7 : i32
    %sign3A_9 = arith.extui %sign3A_8 : i1 to i32
    %sign3A_10 = arith.constant 0 : i32
    %sign3A_11 = arith.cmpi slt, %jit3A, %sign3A_10 : i32
    %sign3A_12 = arith.extui %sign3A_11 : i1 to i32
    %sign3A_13 = arith.subi %sign3A_9, %sign3A_12 : i32
    %ne3A = arith.cmpi ne, %sign3A_6, %sign3A_13 : i32
    %rem3A = arith.remsi %add3A, %jit3A : i32
    %ne3A_14 = arith.constant 0 : i32
    %ne3A_15 = arith.cmpi ne, %rem3A, %ne3A_14 : i32
    %and3A = arith.andi %ne3A, %ne3A_15 : i1
    %sub3A = arith.constant 1 : i32
    %sub3A_16 = arith.subi %div3A, %sub3A : i32
    %select_n3A = arith.select %and3A, %sub3A_16, %div3A : i32
    %mul3A_17 = arith.constant 4 : i32
    %mul3A_18 = arith.muli %select_n3A, %mul3A_17 : i32
    %sub3A_19 = arith.subi %add3A, %mul3A_18 : i32
    %mul3A_20 = arith.constant 2048 : i32
    %mul3A_21 = arith.muli %select_n3A, %mul3A_20 : i32
    %dma_start3A = arith.constant 0 : i32
    %dma_start3A_22 = tpu.memref_slice %arg13[%dma_start3A] : memref<2x!tpu.dma_semaphore, #tpu.memory_space<semaphore_mem>> -> memref<1x!tpu.dma_semaphore, #tpu.memory_space<semaphore_mem>>
    %dma_start3A_23 = tpu.memref_squeeze %dma_start3A_22 : memref<1x!tpu.dma_semaphore, #tpu.memory_space<semaphore_mem>> -> memref<!tpu.dma_semaphore, #tpu.memory_space<semaphore_mem>>
    tpu.enqueue_dma source(%arg4 : memref<16xi32, #tpu.memory_space<hbm>>) target(%arg6 : memref<16xi32, #tpu.memory_space<vmem>>) target_semaphore(%dma_start3A_23 : memref<!tpu.dma_semaphore, #tpu.memory_space<semaphore_mem>>)
    %dma_start3A_24 = arith.constant 1 : i32
    %dma_start3A_25 = arith.constant 0 : i32
    %dma_start3A_26 = tpu.memref_slice %arg3[%select_n3A, %dma_start3A_25] : memref<8x512xi32, #tpu.memory_space<hbm>> -> memref<1x512xi32, #tpu.memory_space<hbm>>
    %dma_start3A_27 = tpu.memref_squeeze %dma_start3A_26 : memref<1x512xi32, #tpu.memory_space<hbm>> -> memref<512xi32, #tpu.memory_space<hbm>>
    %dma_start3A_28 = tpu.memref_slice %arg13[%dma_start3A_24] : memref<2x!tpu.dma_semaphore, #tpu.memory_space<semaphore_mem>> -> memref<1x!tpu.dma_semaphore, #tpu.memory_space<semaphore_mem>>
    %dma_start3A_29 = tpu.memref_squeeze %dma_start3A_28 : memref<1x!tpu.dma_semaphore, #tpu.memory_space<semaphore_mem>> -> memref<!tpu.dma_semaphore, #tpu.memory_space<semaphore_mem>>
    %dma_start3A_30 = arith.constant 0 : i32
    %dma_start3A_31 = tpu.memref_slice %arg3[%select_n3A, %dma_start3A_30] : memref<8x512xi32, #tpu.memory_space<hbm>> -> memref<1x512xi32, #tpu.memory_space<hbm>>
    %dma_start3A_32 = tpu.memref_squeeze %dma_start3A_31 : memref<1x512xi32, #tpu.memory_space<hbm>> -> memref<512xi32, #tpu.memory_space<hbm>>
    tpu.enqueue_dma source(%dma_start3A_32 : memref<512xi32, #tpu.memory_space<hbm>>) target(%arg7 : memref<512xi32, #tpu.memory_space<vmem>>) target_semaphore(%dma_start3A_29 : memref<!tpu.dma_semaphore, #tpu.memory_space<semaphore_mem>>)
    %broadcast_in_dim3A = arith.constant 0 : i32
    %broadcast_in_dim3A_33 = vector.broadcast %broadcast_in_dim3A : i32 to vector<16xi32>
    %broadcast_in_dim3A_34 = arith.constant 1 : i32
    %broadcast_in_dim3A_35 = vector.broadcast %broadcast_in_dim3A_34 : i32 to vector<16xi32>
    %broadcast_in_dim3A_36 = arith.constant 0.000000e+00 : f32
    %broadcast_in_dim3A_37 = vector.broadcast %broadcast_in_dim3A_36 : f32 to vector<16xf32>
    %scan3A = arith.constant 0 : i32
    %scan3A_38 = arith.constant 0 : i32
    %scan3A_39 = arith.constant 32 : i32
    %scan3A_40 = arith.addi %scan3A_38, %scan3A_39 : i32
    %scan3A_41 = arith.constant 1 : i32
    scf.for %scan3A_220 = %scan3A_38 to %scan3A_40 step %scan3A_41  : i32 {
      %mul3A_221 = arith.constant 4 : i32
      %mul3A_222 = arith.muli %scan3A_220, %mul3A_221 : i32
      %mul3A_223 = arith.constant 16 : i32
      %mul3A_224 = arith.muli %mul3A_222, %mul3A_223 : i32
      %add3A_225 = arith.constant 0 : i32
      %add3A_226 = arith.addi %mul3A_224, %add3A_225 : i32
      %swap3A = arith.index_cast %add3A_226 : i32 to index
      %swap3A_227 = tpu.vector_load %arg8[%swap3A] {strides = array<i32>} : memref<2048xi32, #tpu.memory_space<vmem>>, vector<16xi32>,
      tpu.vector_store %arg8[%swap3A], %broadcast_in_dim3A_33 {strides = array<i32>} : memref<2048xi32, #tpu.memory_space<vmem>>, vector<16xi32>,
      %mul3A_228 = arith.constant 4 : i32
      %mul3A_229 = arith.muli %scan3A_220, %mul3A_228 : i32
      %mul3A_230 = arith.constant 16 : i32
      %mul3A_231 = arith.muli %mul3A_229, %mul3A_230 : i32
      %add3A_232 = arith.constant 16 : i32
      %add3A_233 = arith.addi %mul3A_231, %add3A_232 : i32
      %swap3A_234 = arith.index_cast %add3A_233 : i32 to index
      %swap3A_235 = tpu.vector_load %arg8[%swap3A_234] {strides = array<i32>} : memref<2048xi32, #tpu.memory_space<vmem>>, vector<16xi32>,
      tpu.vector_store %arg8[%swap3A_234], %broadcast_in_dim3A_33 {strides = array<i32>} : memref<2048xi32, #tpu.memory_space<vmem>>, vector<16xi32>,
      %mul3A_236 = arith.constant 4 : i32
      %mul3A_237 = arith.muli %scan3A_220, %mul3A_236 : i32
      %mul3A_238 = arith.constant 16 : i32
      %mul3A_239 = arith.muli %mul3A_237, %mul3A_238 : i32
      %add3A_240 = arith.constant 32 : i32
      %add3A_241 = arith.addi %mul3A_239, %add3A_240 : i32
      %swap3A_242 = arith.index_cast %add3A_241 : i32 to index
      %swap3A_243 = tpu.vector_load %arg8[%swap3A_242] {strides = array<i32>} : memref<2048xi32, #tpu.memory_space<vmem>>, vector<16xi32>,
      tpu.vector_store %arg8[%swap3A_242], %broadcast_in_dim3A_33 {strides = array<i32>} : memref<2048xi32, #tpu.memory_space<vmem>>, vector<16xi32>,
      %mul3A_244 = arith.constant 4 : i32
      %mul3A_245 = arith.muli %scan3A_220, %mul3A_244 : i32
      %mul3A_246 = arith.constant 16 : i32
      %mul3A_247 = arith.muli %mul3A_245, %mul3A_246 : i32
      %add3A_248 = arith.constant 48 : i32
      %add3A_249 = arith.addi %mul3A_247, %add3A_248 : i32
      %swap3A_250 = arith.index_cast %add3A_249 : i32 to index
      %swap3A_251 = tpu.vector_load %arg8[%swap3A_250] {strides = array<i32>} : memref<2048xi32, #tpu.memory_space<vmem>>, vector<16xi32>,
      tpu.vector_store %arg8[%swap3A_250], %broadcast_in_dim3A_33 {strides = array<i32>} : memref<2048xi32, #tpu.memory_space<vmem>>, vector<16xi32>,
    }
    %scan3A_42 = arith.constant 32 : i32
    %scan3A_43 = arith.constant 0 : i32
    %scan3A_44 = arith.constant 0 : i32
    %scan3A_45 = arith.constant 16 : i32
    %scan3A_46 = arith.addi %scan3A_44, %scan3A_45 : i32
    %scan3A_47 = arith.constant 1 : i32
    scf.for %scan3A_220 = %scan3A_44 to %scan3A_46 step %scan3A_47  : i32 {
      %mul3A_221 = arith.constant 4 : i32
      %mul3A_222 = arith.muli %scan3A_220, %mul3A_221 : i32
      %mul3A_223 = arith.constant 16 : i32
      %mul3A_224 = arith.muli %mul3A_222, %mul3A_223 : i32
      %add3A_225 = arith.constant 0 : i32
      %add3A_226 = arith.addi %mul3A_224, %add3A_225 : i32
      %swap3A = arith.constant 0 : i32
      %swap3A_227 = arith.index_cast %swap3A : i32 to index
      %swap3A_228 = arith.index_cast %add3A_226 : i32 to index
      %swap3A_229 = tpu.vector_load %arg10[%swap3A_227, %swap3A_228] {strides = array<i32>} : memref<1x1024xf32, #tpu.memory_space<vmem>>, vector<16xf32>,
      tpu.vector_store %arg10[%swap3A_227, %swap3A_228], %broadcast_in_dim3A_37 {strides = array<i32>} : memref<1x1024xf32, #tpu.memory_space<vmem>>, vector<16xf32>,
      %mul3A_230 = arith.constant 4 : i32
      %mul3A_231 = arith.muli %scan3A_220, %mul3A_230 : i32
      %mul3A_232 = arith.constant 16 : i32
      %mul3A_233 = arith.muli %mul3A_231, %mul3A_232 : i32
      %add3A_234 = arith.constant 16 : i32
      %add3A_235 = arith.addi %mul3A_233, %add3A_234 : i32
      %swap3A_236 = arith.constant 0 : i32
      %swap3A_237 = arith.index_cast %swap3A_236 : i32 to index
      %swap3A_238 = arith.index_cast %add3A_235 : i32 to index
      %swap3A_239 = tpu.vector_load %arg10[%swap3A_237, %swap3A_238] {strides = array<i32>} : memref<1x1024xf32, #tpu.memory_space<vmem>>, vector<16xf32>,
      tpu.vector_store %arg10[%swap3A_237, %swap3A_238], %broadcast_in_dim3A_37 {strides = array<i32>} : memref<1x1024xf32, #tpu.memory_space<vmem>>, vector<16xf32>,
      %mul3A_240 = arith.constant 4 : i32
      %mul3A_241 = arith.muli %scan3A_220, %mul3A_240 : i32
      %mul3A_242 = arith.constant 16 : i32
      %mul3A_243 = arith.muli %mul3A_241, %mul3A_242 : i32
      %add3A_244 = arith.constant 32 : i32
      %add3A_245 = arith.addi %mul3A_243, %add3A_244 : i32
      %swap3A_246 = arith.constant 0 : i32
      %swap3A_247 = arith.index_cast %swap3A_246 : i32 to index
      %swap3A_248 = arith.index_cast %add3A_245 : i32 to index
      %swap3A_249 = tpu.vector_load %arg10[%swap3A_247, %swap3A_248] {strides = array<i32>} : memref<1x1024xf32, #tpu.memory_space<vmem>>, vector<16xf32>,
      tpu.vector_store %arg10[%swap3A_247, %swap3A_248], %broadcast_in_dim3A_37 {strides = array<i32>} : memref<1x1024xf32, #tpu.memory_space<vmem>>, vector<16xf32>,
      %mul3A_250 = arith.constant 4 : i32
      %mul3A_251 = arith.muli %scan3A_220, %mul3A_250 : i32
      %mul3A_252 = arith.constant 16 : i32
      %mul3A_253 = arith.muli %mul3A_251, %mul3A_252 : i32
      %add3A_254 = arith.constant 48 : i32
      %add3A_255 = arith.addi %mul3A_253, %add3A_254 : i32
      %swap3A_256 = arith.constant 0 : i32
      %swap3A_257 = arith.index_cast %swap3A_256 : i32 to index
      %swap3A_258 = arith.index_cast %add3A_255 : i32 to index
      %swap3A_259 = tpu.vector_load %arg10[%swap3A_257, %swap3A_258] {strides = array<i32>} : memref<1x1024xf32, #tpu.memory_space<vmem>>, vector<16xf32>,
      tpu.vector_store %arg10[%swap3A_257, %swap3A_258], %broadcast_in_dim3A_37 {strides = array<i32>} : memref<1x1024xf32, #tpu.memory_space<vmem>>, vector<16xf32>,
    }
    %scan3A_48 = arith.constant 16 : i32
    %dma_wait3A = arith.constant 1 : i32
    %dma_wait3A_49 = arith.constant 0 : i32
    %dma_wait3A_50 = tpu.memref_slice %arg3[%select_n3A, %dma_wait3A_49] : memref<8x512xi32, #tpu.memory_space<hbm>> -> memref<1x512xi32, #tpu.memory_space<hbm>>
    %dma_wait3A_51 = tpu.memref_squeeze %dma_wait3A_50 : memref<1x512xi32, #tpu.memory_space<hbm>> -> memref<512xi32, #tpu.memory_space<hbm>>
    %dma_wait3A_52 = tpu.memref_slice %arg13[%dma_wait3A] : memref<2x!tpu.dma_semaphore, #tpu.memory_space<semaphore_mem>> -> memref<1x!tpu.dma_semaphore, #tpu.memory_space<semaphore_mem>>
    %dma_wait3A_53 = tpu.memref_squeeze %dma_wait3A_52 : memref<1x!tpu.dma_semaphore, #tpu.memory_space<semaphore_mem>> -> memref<!tpu.dma_semaphore, #tpu.memory_space<semaphore_mem>>
    %dma_wait3A_54 = arith.constant 0 : i32
    %dma_wait3A_55 = tpu.memref_slice %arg3[%select_n3A, %dma_wait3A_54] : memref<8x512xi32, #tpu.memory_space<hbm>> -> memref<1x512xi32, #tpu.memory_space<hbm>>
    %dma_wait3A_56 = tpu.memref_squeeze %dma_wait3A_55 : memref<1x512xi32, #tpu.memory_space<hbm>> -> memref<512xi32, #tpu.memory_space<hbm>>
    tpu.wait_dma2 semaphore(%dma_wait3A_53 : memref<!tpu.dma_semaphore, #tpu.memory_space<semaphore_mem>>) src(%dma_wait3A_56 : memref<512xi32, #tpu.memory_space<hbm>>) dst(%arg7 : memref<512xi32, #tpu.memory_space<vmem>>)
    %dma_wait3A_57 = arith.constant 0 : i32
    %dma_wait3A_58 = tpu.memref_slice %arg13[%dma_wait3A_57] : memref<2x!tpu.dma_semaphore, #tpu.memory_space<semaphore_mem>> -> memref<1x!tpu.dma_semaphore, #tpu.memory_space<semaphore_mem>>
    %dma_wait3A_59 = tpu.memref_squeeze %dma_wait3A_58 : memref<1x!tpu.dma_semaphore, #tpu.memory_space<semaphore_mem>> -> memref<!tpu.dma_semaphore, #tpu.memory_space<semaphore_mem>>
    tpu.wait_dma2 semaphore(%dma_wait3A_59 : memref<!tpu.dma_semaphore, #tpu.memory_space<semaphore_mem>>) src(%arg4 : memref<16xi32, #tpu.memory_space<hbm>>) dst(%arg6 : memref<16xi32, #tpu.memory_space<vmem>>)
    %get3A = arith.constant 0 : index
    %get3A_60 = tpu.vector_load %arg6[%get3A] {strides = array<i32>} : memref<16xi32, #tpu.memory_space<vmem>>, vector<16xi32>,
    %reduce_max3A = arith.constant true
    %reduce_max3A_61 = vector.broadcast %reduce_max3A : i1 to vector<16xi1>
    %reduce_max3A_62 = arith.constant -2147483648 : i32
    %reduce_max3A_63 = vector.broadcast %reduce_max3A_62 : i32 to vector<16xi32>
    %reduce_max3A_64 = arith.xori %get3A_60, %reduce_max3A_63 : vector<16xi32>
    %reduce_max3A_65 = tpu.scan <max>, %reduce_max3A_64 masked %reduce_max3A_61 : vector<16xi32>, vector<16xi1> -> vector<16xi32>
    %reduce_max3A_66 = arith.xori %reduce_max3A_65, %reduce_max3A_63 : vector<16xi32>
    %reduce_max3A_67 = vector.extract %reduce_max3A_66[15] : i32 from vector<16xi32>
    %scan3A_68 = arith.constant 0 : i32
    %scan3A_69 = arith.constant 0 : i32
    %scan3A_70 = arith.constant 32 : i32
    %scan3A_71 = arith.addi %scan3A_69, %scan3A_70 : i32
    %scan3A_72 = arith.constant 1 : i32
    %scan3A_73 = scf.for %scan3A_220 = %scan3A_69 to %scan3A_71 step %scan3A_72 iter_args(%scan3A_221 = %scan3A_68) -> (i32)  : i32 {
      %mul3A_222 = arith.constant 16 : i32
      %mul3A_223 = arith.muli %scan3A_220, %mul3A_222 : i32
      %get3A_224 = arith.index_cast %mul3A_223 : i32 to index
      %get3A_225 = tpu.vector_load %arg7[%get3A_224] {strides = array<i32>} : memref<512xi32, #tpu.memory_space<vmem>>, vector<16xi32>,
      %max3A = arith.constant 1 : i32
      %max3A_226 = vector.broadcast %max3A : i32 to vector<16xi32>
      %max3A_227 = arith.maxsi %get3A_225, %max3A_226 : vector<16xi32>
      %broadcast_in_dim3A_228 = arith.constant true
      %broadcast_in_dim3A_229 = vector.broadcast %broadcast_in_dim3A_228 : i1 to vector<16xi1>
      %masked_cumsum3A = tpu.scan <sum>, %max3A_227 masked %broadcast_in_dim3A_229 : vector<16xi32>, vector<16xi1> -> vector<16xi32>
      %add3A_230 = vector.broadcast %scan3A_221 : i32 to vector<16xi32>
      %add3A_231 = arith.addi %masked_cumsum3A, %add3A_230 : vector<16xi32>
      %lt3A = arith.constant 2048 : i32
      %lt3A_232 = vector.broadcast %lt3A : i32 to vector<16xi32>
      %lt3A_233 = arith.cmpi slt, %add3A_231, %lt3A_232 : vector<16xi32>
      tpu.vector_store_idx %arg8[%add3A_231], %broadcast_in_dim3A_35 masked %lt3A_233 {add = true} : memref<2048xi32, #tpu.memory_space<vmem>>[vector<16xi32>], vector<16xi32>, vector<16xi1>
      %reduce_max3A_234 = arith.constant true
      %reduce_max3A_235 = vector.broadcast %reduce_max3A_234 : i1 to vector<16xi1>
      %reduce_max3A_236 = arith.constant -2147483648 : i32
      %reduce_max3A_237 = vector.broadcast %reduce_max3A_236 : i32 to vector<16xi32>
      %reduce_max3A_238 = arith.xori %add3A_231, %reduce_max3A_237 : vector<16xi32>
      %reduce_max3A_239 = tpu.scan <max>, %reduce_max3A_238 masked %reduce_max3A_235 : vector<16xi32>, vector<16xi1> -> vector<16xi32>
      %reduce_max3A_240 = arith.xori %reduce_max3A_239, %reduce_max3A_237 : vector<16xi32>
      %reduce_max3A_241 = vector.extract %reduce_max3A_240[15] : i32 from vector<16xi32>
      scf.yield %reduce_max3A_241 : i32
    }
    %scan3A_74 = arith.constant 32 : i32
    %min3A = arith.minsi %scan3A_73, %reduce_max3A_67 : i32
    %mul3A_75 = arith.constant 512 : i32
    %mul3A_76 = arith.muli %select_n3A, %mul3A_75 : i32
    %scan3A_77 = arith.constant 0 : i32
    %scan3A_78 = arith.constant 0 : i32
    %scan3A_79 = arith.constant 8 : i32
    %scan3A_80 = arith.addi %scan3A_78, %scan3A_79 : i32
    %scan3A_81 = arith.constant 1 : i32
    %scan3A_82 = scf.for %scan3A_220 = %scan3A_78 to %scan3A_80 step %scan3A_81 iter_args(%scan3A_221 = %scan3A_77) -> (i32)  : i32 {
      %mul3A_222 = arith.constant 16 : i32
      %mul3A_223 = arith.muli %scan3A_220, %mul3A_222 : i32
      %get3A_224 = arith.index_cast %mul3A_223 : i32 to index
      %get3A_225 = tpu.vector_load %arg8[%get3A_224] {strides = array<i32>} : memref<2048xi32, #tpu.memory_space<vmem>>, vector<16xi32>,
      %broadcast_in_dim3A_226 = arith.constant true
      %broadcast_in_dim3A_227 = vector.broadcast %broadcast_in_dim3A_226 : i1 to vector<16xi1>
      %masked_cumsum3A = tpu.scan <sum>, %get3A_225 masked %broadcast_in_dim3A_227 : vector<16xi32>, vector<16xi1> -> vector<16xi32>
      %add3A_228 = vector.broadcast %scan3A_221 : i32 to vector<16xi32>
      %add3A_229 = arith.addi %masked_cumsum3A, %add3A_228 : vector<16xi32>
      %min3A_230 = arith.constant 511 : i32
      %min3A_231 = vector.broadcast %min3A_230 : i32 to vector<16xi32>
      %min3A_232 = arith.minsi %add3A_229, %min3A_231 : vector<16xi32>
      %add3A_233 = vector.broadcast %mul3A_76 : i32 to vector<16xi32>
      %add3A_234 = arith.addi %min3A_232, %add3A_233 : vector<16xi32>
      %mul3A_235 = arith.constant 16 : i32
      %mul3A_236 = arith.muli %scan3A_220, %mul3A_235 : i32
      %swap3A = arith.index_cast %mul3A_236 : i32 to index
      %swap3A_237 = tpu.vector_load %arg8[%swap3A] {strides = array<i32>} : memref<2048xi32, #tpu.memory_space<vmem>>, vector<16xi32>,
      tpu.vector_store %arg8[%swap3A], %add3A_234 {strides = array<i32>} : memref<2048xi32, #tpu.memory_space<vmem>>, vector<16xi32>,
      %reduce_max3A_238 = arith.constant true
      %reduce_max3A_239 = vector.broadcast %reduce_max3A_238 : i1 to vector<16xi1>
      %reduce_max3A_240 = arith.constant -2147483648 : i32
      %reduce_max3A_241 = vector.broadcast %reduce_max3A_240 : i32 to vector<16xi32>
      %reduce_max3A_242 = arith.xori %add3A_229, %reduce_max3A_241 : vector<16xi32>
      %reduce_max3A_243 = tpu.scan <max>, %reduce_max3A_242 masked %reduce_max3A_239 : vector<16xi32>, vector<16xi1> -> vector<16xi32>
      %reduce_max3A_244 = arith.xori %reduce_max3A_243, %reduce_max3A_241 : vector<16xi32>
      %reduce_max3A_245 = vector.extract %reduce_max3A_244[15] : i32 from vector<16xi32>
      scf.yield %reduce_max3A_245 : i32
    }
    %scan3A_83 = arith.constant 8 : i32
    %add3A_84 = arith.constant 0 : i32
    %add3A_85 = arith.addi %sub3A_19, %add3A_84 : i32
    %mul3A_86 = arith.constant 32 : i32
    %mul3A_87 = arith.muli %add3A_85, %mul3A_86 : i32
    %get3A_88 = arith.index_cast %mul3A_87 : i32 to index
    %get3A_89 = tpu.vector_load %arg8[%get3A_88] {strides = array<i32>} : memref<2048xi32, #tpu.memory_space<vmem>>, vector<16xi32>,
    %add3A_90 = arith.constant 0 : i32
    %add3A_91 = arith.addi %sub3A_19, %add3A_90 : i32
    %mul3A_92 = arith.constant 32 : i32
    %mul3A_93 = arith.muli %add3A_91, %mul3A_92 : i32
    %add3A_94 = arith.constant 32 : i32
    %add3A_95 = arith.addi %mul3A_93, %add3A_94 : i32
    %sub3A_96 = arith.constant 16 : i32
    %sub3A_97 = arith.subi %add3A_95, %sub3A_96 : i32
    %get3A_98 = arith.index_cast %sub3A_97 : i32 to index
    %get3A_99 = tpu.vector_load %arg8[%get3A_98] {strides = array<i32>} : memref<2048xi32, #tpu.memory_space<vmem>>, vector<16xi32>,
    %slice3A = vector.extract_strided_slice %get3A_89 {offsets = [0], sizes = [1], strides = [1]} : vector<16xi32> to vector<1xi32>
    %squeeze3A = vector.extract %slice3A[0] : i32 from vector<1xi32>
    %jit3A_100 = arith.constant 8 : i32
    %div3A_101 = arith.divsi %squeeze3A, %jit3A_100 : i32
    %sign3A_102 = arith.constant 0 : i32
    %sign3A_103 = arith.cmpi sgt, %squeeze3A, %sign3A_102 : i32
    %sign3A_104 = arith.extui %sign3A_103 : i1 to i32
    %sign3A_105 = arith.constant 0 : i32
    %sign3A_106 = arith.cmpi slt, %squeeze3A, %sign3A_105 : i32
    %sign3A_107 = arith.extui %sign3A_106 : i1 to i32
    %sign3A_108 = arith.subi %sign3A_104, %sign3A_107 : i32
    %sign3A_109 = arith.constant 0 : i32
    %sign3A_110 = arith.cmpi sgt, %jit3A_100, %sign3A_109 : i32
    %sign3A_111 = arith.extui %sign3A_110 : i1 to i32
    %sign3A_112 = arith.constant 0 : i32
    %sign3A_113 = arith.cmpi slt, %jit3A_100, %sign3A_112 : i32
    %sign3A_114 = arith.extui %sign3A_113 : i1 to i32
    %sign3A_115 = arith.subi %sign3A_111, %sign3A_114 : i32
    %ne3A_116 = arith.cmpi ne, %sign3A_108, %sign3A_115 : i32
    %rem3A_117 = arith.remsi %squeeze3A, %jit3A_100 : i32
    %ne3A_118 = arith.constant 0 : i32
    %ne3A_119 = arith.cmpi ne, %rem3A_117, %ne3A_118 : i32
    %and3A_120 = arith.andi %ne3A_116, %ne3A_119 : i1
    %sub3A_121 = arith.constant 1 : i32
    %sub3A_122 = arith.subi %div3A_101, %sub3A_121 : i32
    %select_n3A_123 = arith.select %and3A_120, %sub3A_122, %div3A_101 : i32
    %mul3A_124 = arith.constant 8 : i32
    %mul3A_125 = arith.muli %select_n3A_123, %mul3A_124 : i32
    %min3A_126 = arith.constant 4056 : i32
    %min3A_127 = arith.minsi %mul3A_125, %min3A_126 : i32
    %multiple_of3A = tpu.assume_multiple %min3A_127, 8 : i32
    %slice3A_128 = vector.extract_strided_slice %get3A_99 {offsets = [15], sizes = [1], strides = [1]} : vector<16xi32> to vector<1xi32>
    %squeeze3A_129 = vector.extract %slice3A_128[0] : i32 from vector<1xi32>
    %sub3A_130 = arith.subi %squeeze3A_129, %multiple_of3A : i32
    %add3A_131 = arith.constant 1 : i32
    %add3A_132 = arith.addi %sub3A_130, %add3A_131 : i32
    %add3A_133 = arith.constant 3 : i32
    %add3A_134 = arith.addi %add3A_132, %add3A_133 : i32
    %jit3A_135 = arith.constant 4 : i32
    %div3A_136 = arith.divsi %add3A_134, %jit3A_135 : i32
    %sign3A_137 = arith.constant 0 : i32
    %sign3A_138 = arith.cmpi sgt, %add3A_134, %sign3A_137 : i32
    %sign3A_139 = arith.extui %sign3A_138 : i1 to i32
    %sign3A_140 = arith.constant 0 : i32
    %sign3A_141 = arith.cmpi slt, %add3A_134, %sign3A_140 : i32
    %sign3A_142 = arith.extui %sign3A_141 : i1 to i32
    %sign3A_143 = arith.subi %sign3A_139, %sign3A_142 : i32
    %sign3A_144 = arith.constant 0 : i32
    %sign3A_145 = arith.cmpi sgt, %jit3A_135, %sign3A_144 : i32
    %sign3A_146 = arith.extui %sign3A_145 : i1 to i32
    %sign3A_147 = arith.constant 0 : i32
    %sign3A_148 = arith.cmpi slt, %jit3A_135, %sign3A_147 : i32
    %sign3A_149 = arith.extui %sign3A_148 : i1 to i32
    %sign3A_150 = arith.subi %sign3A_146, %sign3A_149 : i32
    %ne3A_151 = arith.cmpi ne, %sign3A_143, %sign3A_150 : i32
    %rem3A_152 = arith.remsi %add3A_134, %jit3A_135 : i32
    %ne3A_153 = arith.constant 0 : i32
    %ne3A_154 = arith.cmpi ne, %rem3A_152, %ne3A_153 : i32
    %and3A_155 = arith.andi %ne3A_151, %ne3A_154 : i1
    %sub3A_156 = arith.constant 1 : i32
    %sub3A_157 = arith.subi %div3A_136, %sub3A_156 : i32
    %select_n3A_158 = arith.select %and3A_155, %sub3A_157, %div3A_136 : i32
    %mul3A_159 = arith.constant 4 : i32
    %mul3A_160 = arith.muli %select_n3A_158, %mul3A_159 : i32
    %multiple_of3A_161 = tpu.assume_multiple %multiple_of3A, 8 : i32
    %ge3A = arith.constant 32 : i32
    %ge3A_162 = arith.cmpi sge, %mul3A_160, %ge3A : i32
    %sub3A_163 = arith.constant 32 : i32
    %sub3A_164 = arith.subi %mul3A_160, %sub3A_163 : i32
    %select_n3A_165 = arith.select %ge3A_162, %sub3A_164, %mul3A_160 : i32
    %ge3A_166 = arith.constant 16 : i32
    %ge3A_167 = arith.cmpi sge, %select_n3A_165, %ge3A_166 : i32
    %sub3A_168 = arith.constant 16 : i32
    %sub3A_169 = arith.subi %select_n3A_165, %sub3A_168 : i32
    %select_n3A_170 = arith.select %ge3A_167, %sub3A_169, %select_n3A_165 : i32
    %ge3A_171 = arith.constant 8 : i32
    %ge3A_172 = arith.cmpi sge, %select_n3A_170, %ge3A_171 : i32
    %sub3A_173 = arith.constant 8 : i32
    %sub3A_174 = arith.subi %select_n3A_170, %sub3A_173 : i32
    %select_n3A_175 = arith.select %ge3A_172, %sub3A_174, %select_n3A_170 : i32
    %ge3A_176 = arith.constant 4 : i32
    %ge3A_177 = arith.cmpi sge, %select_n3A_175, %ge3A_176 : i32
    %jit3A_178 = arith.constant 32 : i32
    %jit3A_179 = arith.constant 0 : i32
    %select_n3A_180 = arith.select %ge3A_162, %jit3A_178, %jit3A_179 : i32
    %multiple_of3A_181 = tpu.assume_multiple %select_n3A_180, 8 : i32
    %jit3A_182 = arith.constant 16 : i32
    %jit3A_183 = arith.constant 0 : i32
    %select_n3A_184 = arith.select %ge3A_167, %jit3A_182, %jit3A_183 : i32
    %add3A_185 = arith.addi %multiple_of3A_181, %select_n3A_184 : i32
    %multiple_of3A_186 = tpu.assume_multiple %add3A_185, 8 : i32
    %jit3A_187 = arith.constant 8 : i32
    %jit3A_188 = arith.constant 0 : i32
    %select_n3A_189 = arith.select %ge3A_172, %jit3A_187, %jit3A_188 : i32
    %add3A_190 = arith.addi %multiple_of3A_186, %select_n3A_189 : i32
    %multiple_of3A_191 = tpu.assume_multiple %add3A_190, 8 : i32
    %convert_element_type3A = arith.extui %ge3A_162 : i1 to i32
    %cond3A = arith.constant 0 : i32
    %cond3A_192 = arith.cmpi ne, %convert_element_type3A, %cond3A : i32
    scf.if %cond3A_192 {
      %add3A_220 = arith.constant 0 : i32
      %add3A_221 = arith.addi %multiple_of3A_161, %add3A_220 : i32
      %dma_start3A_222 = arith.constant 0 : i32
      %dma_start3A_223 = arith.constant 0 : i32
      %dma_start3A_224 = arith.constant 0 : i32
      %dma_start3A_225 = arith.constant 0 : i32
      %dma_start3A_226 = tpu.memref_slice %arg9[%dma_start3A_222, %dma_start3A_224, %dma_start3A_225] : memref<3x40x1024xf32, #tpu.memory_space<vmem>> -> memref<1x32x1024xf32, #tpu.memory_space<vmem>>
      %dma_start3A_227 = tpu.memref_squeeze %dma_start3A_226 : memref<1x32x1024xf32, #tpu.memory_space<vmem>> -> memref<32x1024xf32, #tpu.memory_space<vmem>>
      %dma_start3A_228 = arith.constant 0 : i32
      %dma_start3A_229 = tpu.memref_slice %arg2[%add3A_221, %dma_start3A_228] : memref<4096x1024xf32, #tpu.memory_space<hbm>> -> memref<32x1024xf32, #tpu.memory_space<hbm>>
      %dma_start3A_230 = tpu.memref_slice %arg11[%dma_start3A_223] : memref<3x!tpu.dma_semaphore, #tpu.memory_space<semaphore_mem>> -> memref<1x!tpu.dma_semaphore, #tpu.memory_space<semaphore_mem>>
      %dma_start3A_231 = tpu.memref_squeeze %dma_start3A_230 : memref<1x!tpu.dma_semaphore, #tpu.memory_space<semaphore_mem>> -> memref<!tpu.dma_semaphore, #tpu.memory_space<semaphore_mem>>
      %dma_start3A_232 = arith.constant 0 : i32
      %dma_start3A_233 = arith.constant 0 : i32
      %dma_start3A_234 = tpu.memref_slice %arg9[%dma_start3A_222, %dma_start3A_232, %dma_start3A_233] : memref<3x40x1024xf32, #tpu.memory_space<vmem>> -> memref<1x32x1024xf32, #tpu.memory_space<vmem>>
      %dma_start3A_235 = tpu.memref_squeeze %dma_start3A_234 : memref<1x32x1024xf32, #tpu.memory_space<vmem>> -> memref<32x1024xf32, #tpu.memory_space<vmem>>
      %dma_start3A_236 = arith.constant 0 : i32
      %dma_start3A_237 = tpu.memref_slice %arg2[%add3A_221, %dma_start3A_236] : memref<4096x1024xf32, #tpu.memory_space<hbm>> -> memref<32x1024xf32, #tpu.memory_space<hbm>>
      tpu.enqueue_dma source(%dma_start3A_237 : memref<32x1024xf32, #tpu.memory_space<hbm>>) target(%dma_start3A_235 : memref<32x1024xf32, #tpu.memory_space<vmem>>) target_semaphore(%dma_start3A_231 : memref<!tpu.dma_semaphore, #tpu.memory_space<semaphore_mem>>)
    } else {
    }
    %convert_element_type3A_193 = arith.extui %ge3A_167 : i1 to i32
    %cond3A_194 = arith.constant 0 : i32
    %cond3A_195 = arith.cmpi ne, %convert_element_type3A_193, %cond3A_194 : i32
    scf.if %cond3A_195 {
      %add3A_220 = arith.addi %multiple_of3A_161, %multiple_of3A_181 : i32
      %dma_start3A_221 = arith.constant 0 : i32
      %dma_start3A_222 = arith.constant 0 : i32
      %dma_start3A_223 = arith.constant 0 : i32
      %dma_start3A_224 = tpu.memref_slice %arg9[%dma_start3A_221, %multiple_of3A_181, %dma_start3A_223] : memref<3x40x1024xf32, #tpu.memory_space<vmem>> -> memref<1x16x1024xf32, #tpu.memory_space<vmem>>
      %dma_start3A_225 = tpu.memref_squeeze %dma_start3A_224 : memref<1x16x1024xf32, #tpu.memory_space<vmem>> -> memref<16x1024xf32, #tpu.memory_space<vmem>>
      %dma_start3A_226 = arith.constant 0 : i32
      %dma_start3A_227 = tpu.memref_slice %arg2[%add3A_220, %dma_start3A_226] : memref<4096x1024xf32, #tpu.memory_space<hbm>> -> memref<16x1024xf32, #tpu.memory_space<hbm>>
      %dma_start3A_228 = tpu.memref_slice %arg11[%dma_start3A_222] : memref<3x!tpu.dma_semaphore, #tpu.memory_space<semaphore_mem>> -> memref<1x!tpu.dma_semaphore, #tpu.memory_space<semaphore_mem>>
      %dma_start3A_229 = tpu.memref_squeeze %dma_start3A_228 : memref<1x!tpu.dma_semaphore, #tpu.memory_space<semaphore_mem>> -> memref<!tpu.dma_semaphore, #tpu.memory_space<semaphore_mem>>
      %dma_start3A_230 = arith.constant 0 : i32
      %dma_start3A_231 = tpu.memref_slice %arg9[%dma_start3A_221, %multiple_of3A_181, %dma_start3A_230] : memref<3x40x1024xf32, #tpu.memory_space<vmem>> -> memref<1x16x1024xf32, #tpu.memory_space<vmem>>
      %dma_start3A_232 = tpu.memref_squeeze %dma_start3A_231 : memref<1x16x1024xf32, #tpu.memory_space<vmem>> -> memref<16x1024xf32, #tpu.memory_space<vmem>>
      %dma_start3A_233 = arith.constant 0 : i32
      %dma_start3A_234 = tpu.memref_slice %arg2[%add3A_220, %dma_start3A_233] : memref<4096x1024xf32, #tpu.memory_space<hbm>> -> memref<16x1024xf32, #tpu.memory_space<hbm>>
      tpu.enqueue_dma source(%dma_start3A_234 : memref<16x1024xf32, #tpu.memory_space<hbm>>) target(%dma_start3A_232 : memref<16x1024xf32, #tpu.memory_space<vmem>>) target_semaphore(%dma_start3A_229 : memref<!tpu.dma_semaphore, #tpu.memory_space<semaphore_mem>>)
    } else {
    }
    %convert_element_type3A_196 = arith.extui %ge3A_172 : i1 to i32
    %cond3A_197 = arith.constant 0 : i32
    %cond3A_198 = arith.cmpi ne, %convert_element_type3A_196, %cond3A_197 : i32
    scf.if %cond3A_198 {
      %add3A_220 = arith.addi %multiple_of3A_161, %multiple_of3A_186 : i32
      %dma_start3A_221 = arith.constant 0 : i32
      %dma_start3A_222 = arith.constant 0 : i32
      %dma_start3A_223 = arith.constant 0 : i32
      %dma_start3A_224 = tpu.memref_slice %arg9[%dma_start3A_221, %multiple_of3A_186, %dma_start3A_223] : memref<3x40x1024xf32, #tpu.memory_space<vmem>> -> memref<1x8x1024xf32, #tpu.memory_space<vmem>>
      %dma_start3A_225 = tpu.memref_squeeze %dma_start3A_224 : memref<1x8x1024xf32, #tpu.memory_space<vmem>> -> memref<8x1024xf32, #tpu.memory_space<vmem>>
      %dma_start3A_226 = arith.constant 0 : i32
      %dma_start3A_227 = tpu.memref_slice %arg2[%add3A_220, %dma_start3A_226] : memref<4096x1024xf32, #tpu.memory_space<hbm>> -> memref<8x1024xf32, #tpu.memory_space<hbm>>
      %dma_start3A_228 = tpu.memref_slice %arg11[%dma_start3A_222] : memref<3x!tpu.dma_semaphore, #tpu.memory_space<semaphore_mem>> -> memref<1x!tpu.dma_semaphore, #tpu.memory_space<semaphore_mem>>
      %dma_start3A_229 = tpu.memref_squeeze %dma_start3A_228 : memref<1x!tpu.dma_semaphore, #tpu.memory_space<semaphore_mem>> -> memref<!tpu.dma_semaphore, #tpu.memory_space<semaphore_mem>>
      %dma_start3A_230 = arith.constant 0 : i32
      %dma_start3A_231 = tpu.memref_slice %arg9[%dma_start3A_221, %multiple_of3A_186, %dma_start3A_230] : memref<3x40x1024xf32, #tpu.memory_space<vmem>> -> memref<1x8x1024xf32, #tpu.memory_space<vmem>>
      %dma_start3A_232 = tpu.memref_squeeze %dma_start3A_231 : memref<1x8x1024xf32, #tpu.memory_space<vmem>> -> memref<8x1024xf32, #tpu.memory_space<vmem>>
      %dma_start3A_233 = arith.constant 0 : i32
      %dma_start3A_234 = tpu.memref_slice %arg2[%add3A_220, %dma_start3A_233] : memref<4096x1024xf32, #tpu.memory_space<hbm>> -> memref<8x1024xf32, #tpu.memory_space<hbm>>
      tpu.enqueue_dma source(%dma_start3A_234 : memref<8x1024xf32, #tpu.memory_space<hbm>>) target(%dma_start3A_232 : memref<8x1024xf32, #tpu.memory_space<vmem>>) target_semaphore(%dma_start3A_229 : memref<!tpu.dma_semaphore, #tpu.memory_space<semaphore_mem>>)
    } else {
    }
    %convert_element_type3A_199 = arith.extui %ge3A_177 : i1 to i32
    %cond3A_200 = arith.constant 0 : i32
    %cond3A_201 = arith.cmpi ne, %convert_element_type3A_199, %cond3A_200 : i32
    scf.if %cond3A_201 {
      %add3A_220 = arith.addi %multiple_of3A_161, %multiple_of3A_191 : i32
      %dma_start3A_221 = arith.constant 0 : i32
      %dma_start3A_222 = arith.constant 0 : i32
      %dma_start3A_223 = arith.constant 0 : i32
      %dma_start3A_224 = tpu.memref_slice %arg9[%dma_start3A_221, %multiple_of3A_191, %dma_start3A_223] : memref<3x40x1024xf32, #tpu.memory_space<vmem>> -> memref<1x4x1024xf32, #tpu.memory_space<vmem>>
      %dma_start3A_225 = tpu.memref_squeeze %dma_start3A_224 : memref<1x4x1024xf32, #tpu.memory_space<vmem>> -> memref<4x1024xf32, #tpu.memory_space<vmem>>
      %dma_start3A_226 = arith.constant 0 : i32
      %dma_start3A_227 = tpu.memref_slice %arg2[%add3A_220, %dma_start3A_226] : memref<4096x1024xf32, #tpu.memory_space<hbm>> -> memref<4x1024xf32, #tpu.memory_space<hbm>>
      %dma_start3A_228 = tpu.memref_slice %arg11[%dma_start3A_222] : memref<3x!tpu.dma_semaphore, #tpu.memory_space<semaphore_mem>> -> memref<1x!tpu.dma_semaphore, #tpu.memory_space<semaphore_mem>>
      %dma_start3A_229 = tpu.memref_squeeze %dma_start3A_228 : memref<1x!tpu.dma_semaphore, #tpu.memory_space<semaphore_mem>> -> memref<!tpu.dma_semaphore, #tpu.memory_space<semaphore_mem>>
      %dma_start3A_230 = arith.constant 0 : i32
      %dma_start3A_231 = tpu.memref_slice %arg9[%dma_start3A_221, %multiple_of3A_191, %dma_start3A_230] : memref<3x40x1024xf32, #tpu.memory_space<vmem>> -> memref<1x4x1024xf32, #tpu.memory_space<vmem>>
      %dma_start3A_232 = tpu.memref_squeeze %dma_start3A_231 : memref<1x4x1024xf32, #tpu.memory_space<vmem>> -> memref<4x1024xf32, #tpu.memory_space<vmem>>
      %dma_start3A_233 = arith.constant 0 : i32
      %dma_start3A_234 = tpu.memref_slice %arg2[%add3A_220, %dma_start3A_233] : memref<4096x1024xf32, #tpu.memory_space<hbm>> -> memref<4x1024xf32, #tpu.memory_space<hbm>>
      tpu.enqueue_dma source(%dma_start3A_234 : memref<4x1024xf32, #tpu.memory_space<hbm>>) target(%dma_start3A_232 : memref<4x1024xf32, #tpu.memory_space<vmem>>) target_semaphore(%dma_start3A_229 : memref<!tpu.dma_semaphore, #tpu.memory_space<semaphore_mem>>)
    } else {
    }
    %scan3A_202 = arith.constant 8 : i32
    %scan3A_203 = arith.constant 120 : i32
    %scan3A_204 = arith.addi %scan3A_202, %scan3A_203 : i32
    %scan3A_205 = arith.constant 1 : i32
    %scan3A_206 = scf.for %scan3A_220 = %scan3A_202 to %scan3A_204 step %scan3A_205 iter_args(%scan3A_221 = %scan3A_82) -> (i32)  : i32 {
      %mul3A_222 = arith.constant 16 : i32
      %mul3A_223 = arith.muli %scan3A_220, %mul3A_222 : i32
      %get3A_224 = arith.index_cast %mul3A_223 : i32 to index
      %get3A_225 = tpu.vector_load %arg8[%get3A_224] {strides = array<i32>} : memref<2048xi32, #tpu.memory_space<vmem>>, vector<16xi32>,
      %broadcast_in_dim3A_226 = arith.constant true
      %broadcast_in_dim3A_227 = vector.broadcast %broadcast_in_dim3A_226 : i1 to vector<16xi1>
      %masked_cumsum3A = tpu.scan <sum>, %get3A_225 masked %broadcast_in_dim3A_227 : vector<16xi32>, vector<16xi1> -> vector<16xi32>
      %add3A_228 = vector.broadcast %scan3A_221 : i32 to vector<16xi32>
      %add3A_229 = arith.addi %masked_cumsum3A, %add3A_228 : vector<16xi32>
      %min3A_230 = arith.constant 511 : i32
      %min3A_231 = vector.broadcast %min3A_230 : i32 to vector<16xi32>
      %min3A_232 = arith.minsi %add3A_229, %min3A_231 : vector<16xi32>
      %add3A_233 = vector.broadcast %mul3A_76 : i32 to vector<16xi32>
      %add3A_234 = arith.addi %min3A_232, %add3A_233 : vector<16xi32>
      %mul3A_235 = arith.constant 16 : i32
      %mul3A_236 = arith.muli %scan3A_220, %mul3A_235 : i32
      %swap3A = arith.index_cast %mul3A_236 : i32 to index
      %swap3A_237 = tpu.vector_load %arg8[%swap3A] {strides = array<i32>} : memref<2048xi32, #tpu.memory_space<vmem>>, vector<16xi32>,
      tpu.vector_store %arg8[%swap3A], %add3A_234 {strides = array<i32>} : memref<2048xi32, #tpu.memory_space<vmem>>, vector<16xi32>,
      %reduce_max3A_238 = arith.constant true
      %reduce_max3A_239 = vector.broadcast %reduce_max3A_238 : i1 to vector<16xi1>
      %reduce_max3A_240 = arith.constant -2147483648 : i32
      %reduce_max3A_241 = vector.broadcast %reduce_max3A_240 : i32 to vector<16xi32>
      %reduce_max3A_242 = arith.xori %add3A_229, %reduce_max3A_241 : vector<16xi32>
      %reduce_max3A_243 = tpu.scan <max>, %reduce_max3A_242 masked %reduce_max3A_239 : vector<16xi32>, vector<16xi1> -> vector<16xi32>
      %reduce_max3A_244 = arith.xori %reduce_max3A_243, %reduce_max3A_241 : vector<16xi32>
      %reduce_max3A_245 = vector.extract %reduce_max3A_244[15] : i32 from vector<16xi32>
      scf.yield %reduce_max3A_245 : i32
    }
    %scan3A_207 = arith.constant 120 : i32
    %scan3A_208 = arith.constant 0 : i32
    %scan3A_209 = arith.constant 16 : i32
    %scan3A_210 = arith.addi %scan3A_208, %scan3A_209 : i32
    %scan3A_211 = arith.constant 1 : i32
    %scan3A_212:2 = scf.for %scan3A_220 = %scan3A_208 to %scan3A_210 step %scan3A_211 iter_args(%scan3A_221 = %multiple_of3A, %scan3A_222 = %mul3A_160) -> (i32, i32)  : i32 {
      %jit3A_223 = arith.constant 3 : i32
      %eq3A = arith.constant 0 : i32
      %eq3A_224 = arith.cmpi eq, %jit3A_223, %eq3A : i32
      %jit3A_225 = arith.constant 1 : i32
      %select_n3A_226 = arith.select %eq3A_224, %jit3A_225, %jit3A_223 : i32
      %rem3A_227 = arith.remsi %scan3A_220, %select_n3A_226 : i32
      %ne3A_228 = arith.constant 0 : i32
      %ne3A_229 = arith.cmpi ne, %rem3A_227, %ne3A_228 : i32
      %lt3A = arith.constant 0 : i32
      %lt3A_230 = arith.cmpi slt, %rem3A_227, %lt3A : i32
      %lt3A_231 = arith.constant 0 : i32
      %lt3A_232 = arith.cmpi slt, %select_n3A_226, %lt3A_231 : i32
      %ne3A_233 = arith.xori %lt3A_230, %lt3A_232 : i1
      %and3A_234 = arith.andi %ne3A_233, %ne3A_229 : i1
      %add3A_235 = arith.addi %rem3A_227, %select_n3A_226 : i32
      %select_n3A_236 = arith.select %and3A_234, %add3A_235, %rem3A_227 : i32
      %ge3A_237 = arith.constant 2 : i32
      %ge3A_238 = arith.cmpi sge, %scan3A_220, %ge3A_237 : i32
      %convert_element_type3A_239 = arith.extui %ge3A_238 : i1 to i32
      %cond3A_240 = arith.constant 0 : i32
      %cond3A_241 = arith.cmpi ne, %convert_element_type3A_239, %cond3A_240 : i32
      scf.if %cond3A_241 {
        %sub3A_973 = arith.constant 2 : i32
        %sub3A_974 = arith.subi %scan3A_220, %sub3A_973 : i32
        %jit3A_975 = arith.constant 3 : i32
        %eq3A_976 = arith.constant 0 : i32
        %eq3A_977 = arith.cmpi eq, %jit3A_975, %eq3A_976 : i32
        %jit3A_978 = arith.constant 1 : i32
        %select_n3A_979 = arith.select %eq3A_977, %jit3A_978, %jit3A_975 : i32
        %rem3A_980 = arith.remsi %sub3A_974, %select_n3A_979 : i32
        %ne3A_981 = arith.constant 0 : i32
        %ne3A_982 = arith.cmpi ne, %rem3A_980, %ne3A_981 : i32
        %lt3A_983 = arith.constant 0 : i32
        %lt3A_984 = arith.cmpi slt, %rem3A_980, %lt3A_983 : i32
        %lt3A_985 = arith.constant 0 : i32
        %lt3A_986 = arith.cmpi slt, %select_n3A_979, %lt3A_985 : i32
        %ne3A_987 = arith.xori %lt3A_984, %lt3A_986 : i1
        %and3A_988 = arith.andi %ne3A_987, %ne3A_982 : i1
        %add3A_989 = arith.addi %rem3A_980, %select_n3A_979 : i32
        %select_n3A_990 = arith.select %and3A_988, %add3A_989, %rem3A_980 : i32
        %mul3A_991 = arith.constant 4 : i32
        %mul3A_992 = arith.muli %sub3A_974, %mul3A_991 : i32
        %add3A_993 = arith.addi %sub3A_19, %mul3A_992 : i32
        %mul3A_994 = arith.constant 32 : i32
        %mul3A_995 = arith.muli %add3A_993, %mul3A_994 : i32
        %add3A_996 = arith.addi %mul3A_21, %mul3A_995 : i32
        %jit3A_997 = arith.constant 3 : i32
        %eq3A_998 = arith.constant 0 : i32
        %eq3A_999 = arith.cmpi eq, %jit3A_997, %eq3A_998 : i32
        %jit3A_1000 = arith.constant 1 : i32
        %select_n3A_1001 = arith.select %eq3A_999, %jit3A_1000, %jit3A_997 : i32
        %rem3A_1002 = arith.remsi %sub3A_974, %select_n3A_1001 : i32
        %ne3A_1003 = arith.constant 0 : i32
        %ne3A_1004 = arith.cmpi ne, %rem3A_1002, %ne3A_1003 : i32
        %lt3A_1005 = arith.constant 0 : i32
        %lt3A_1006 = arith.cmpi slt, %rem3A_1002, %lt3A_1005 : i32
        %lt3A_1007 = arith.constant 0 : i32
        %lt3A_1008 = arith.cmpi slt, %select_n3A_1001, %lt3A_1007 : i32
        %ne3A_1009 = arith.xori %lt3A_1006, %lt3A_1008 : i1
        %and3A_1010 = arith.andi %ne3A_1009, %ne3A_1004 : i1
        %add3A_1011 = arith.addi %rem3A_1002, %select_n3A_1001 : i32
        %select_n3A_1012 = arith.select %and3A_1010, %add3A_1011, %rem3A_1002 : i32
        %dma_wait3A_1013 = arith.constant 0 : i32
        %dma_wait3A_1014 = arith.constant 0 : i32
        %dma_wait3A_1015 = tpu.memref_slice %arg9[%select_n3A_990, %dma_wait3A_1013, %dma_wait3A_1014] : memref<3x40x1024xf32, #tpu.memory_space<vmem>> -> memref<1x32x1024xf32, #tpu.memory_space<vmem>>
        %dma_wait3A_1016 = tpu.memref_squeeze %dma_wait3A_1015 : memref<1x32x1024xf32, #tpu.memory_space<vmem>> -> memref<32x1024xf32, #tpu.memory_space<vmem>>
        %dma_wait3A_1017 = arith.constant 0 : i32
        %dma_wait3A_1018 = tpu.memref_slice %arg5[%add3A_996, %dma_wait3A_1017] : memref<16384x1024xf32, #tpu.memory_space<hbm>> -> memref<32x1024xf32, #tpu.memory_space<hbm>>
        %dma_wait3A_1019 = tpu.memref_slice %arg12[%select_n3A_1012] : memref<3x!tpu.dma_semaphore, #tpu.memory_space<semaphore_mem>> -> memref<1x!tpu.dma_semaphore, #tpu.memory_space<semaphore_mem>>
        %dma_wait3A_1020 = tpu.memref_squeeze %dma_wait3A_1019 : memref<1x!tpu.dma_semaphore, #tpu.memory_space<semaphore_mem>> -> memref<!tpu.dma_semaphore, #tpu.memory_space<semaphore_mem>>
        %dma_wait3A_1021 = arith.constant 0 : i32
        %dma_wait3A_1022 = tpu.memref_slice %arg5[%add3A_996, %dma_wait3A_1021] : memref<16384x1024xf32, #tpu.memory_space<hbm>> -> memref<32x1024xf32, #tpu.memory_space<hbm>>
        %dma_wait3A_1023 = arith.constant 0 : i32
        %dma_wait3A_1024 = arith.constant 0 : i32
        %dma_wait3A_1025 = tpu.memref_slice %arg9[%select_n3A_990, %dma_wait3A_1023, %dma_wait3A_1024] : memref<3x40x1024xf32, #tpu.memory_space<vmem>> -> memref<1x32x1024xf32, #tpu.memory_space<vmem>>
        %dma_wait3A_1026 = tpu.memref_squeeze %dma_wait3A_1025 : memref<1x32x1024xf32, #tpu.memory_space<vmem>> -> memref<32x1024xf32, #tpu.memory_space<vmem>>
        tpu.wait_dma2 semaphore(%dma_wait3A_1020 : memref<!tpu.dma_semaphore, #tpu.memory_space<semaphore_mem>>) src(%dma_wait3A_1026 : memref<32x1024xf32, #tpu.memory_space<vmem>>) dst(%dma_wait3A_1022 : memref<32x1024xf32, #tpu.memory_space<hbm>>)
      } else {
      }
      %add3A_242 = arith.constant 1 : i32
      %add3A_243 = arith.addi %scan3A_220, %add3A_242 : i32
      %min3A_244 = arith.constant 15 : i32
      %min3A_245 = arith.minsi %add3A_243, %min3A_244 : i32
      %mul3A_246 = arith.constant 4 : i32
      %mul3A_247 = arith.muli %min3A_245, %mul3A_246 : i32
      %add3A_248 = arith.addi %sub3A_19, %mul3A_247 : i32
      %mul3A_249 = arith.constant 32 : i32
      %mul3A_250 = arith.muli %add3A_248, %mul3A_249 : i32
      %get3A_251 = arith.index_cast %mul3A_250 : i32 to index
      %get3A_252 = tpu.vector_load %arg8[%get3A_251] {strides = array<i32>} : memref<2048xi32, #tpu.memory_space<vmem>>, vector<16xi32>,
      %mul3A_253 = arith.constant 4 : i32
      %mul3A_254 = arith.muli %min3A_245, %mul3A_253 : i32
      %add3A_255 = arith.addi %sub3A_19, %mul3A_254 : i32
      %mul3A_256 = arith.constant 32 : i32
      %mul3A_257 = arith.muli %add3A_255, %mul3A_256 : i32
      %add3A_258 = arith.constant 32 : i32
      %add3A_259 = arith.addi %mul3A_257, %add3A_258 : i32
      %sub3A_260 = arith.constant 16 : i32
      %sub3A_261 = arith.subi %add3A_259, %sub3A_260 : i32
      %get3A_262 = arith.index_cast %sub3A_261 : i32 to index
      %get3A_263 = tpu.vector_load %arg8[%get3A_262] {strides = array<i32>} : memref<2048xi32, #tpu.memory_space<vmem>>, vector<16xi32>,
      %slice3A_264 = vector.extract_strided_slice %get3A_252 {offsets = [0], sizes = [1], strides = [1]} : vector<16xi32> to vector<1xi32>
      %squeeze3A_265 = vector.extract %slice3A_264[0] : i32 from vector<1xi32>
      %jit3A_266 = arith.constant 8 : i32
      %div3A_267 = arith.divsi %squeeze3A_265, %jit3A_266 : i32
      %sign3A_268 = arith.constant 0 : i32
      %sign3A_269 = arith.cmpi sgt, %squeeze3A_265, %sign3A_268 : i32
      %sign3A_270 = arith.extui %sign3A_269 : i1 to i32
      %sign3A_271 = arith.constant 0 : i32
      %sign3A_272 = arith.cmpi slt, %squeeze3A_265, %sign3A_271 : i32
      %sign3A_273 = arith.extui %sign3A_272 : i1 to i32
      %sign3A_274 = arith.subi %sign3A_270, %sign3A_273 : i32
      %sign3A_275 = arith.constant 0 : i32
      %sign3A_276 = arith.cmpi sgt, %jit3A_266, %sign3A_275 : i32
      %sign3A_277 = arith.extui %sign3A_276 : i1 to i32
      %sign3A_278 = arith.constant 0 : i32
      %sign3A_279 = arith.cmpi slt, %jit3A_266, %sign3A_278 : i32
      %sign3A_280 = arith.extui %sign3A_279 : i1 to i32
      %sign3A_281 = arith.subi %sign3A_277, %sign3A_280 : i32
      %ne3A_282 = arith.cmpi ne, %sign3A_274, %sign3A_281 : i32
      %rem3A_283 = arith.remsi %squeeze3A_265, %jit3A_266 : i32
      %ne3A_284 = arith.constant 0 : i32
      %ne3A_285 = arith.cmpi ne, %rem3A_283, %ne3A_284 : i32
      %and3A_286 = arith.andi %ne3A_282, %ne3A_285 : i1
      %sub3A_287 = arith.constant 1 : i32
      %sub3A_288 = arith.subi %div3A_267, %sub3A_287 : i32
      %select_n3A_289 = arith.select %and3A_286, %sub3A_288, %div3A_267 : i32
      %mul3A_290 = arith.constant 8 : i32
      %mul3A_291 = arith.muli %select_n3A_289, %mul3A_290 : i32
      %min3A_292 = arith.constant 4056 : i32
      %min3A_293 = arith.minsi %mul3A_291, %min3A_292 : i32
      %multiple_of3A_294 = tpu.assume_multiple %min3A_293, 8 : i32
      %slice3A_295 = vector.extract_strided_slice %get3A_263 {offsets = [15], sizes = [1], strides = [1]} : vector<16xi32> to vector<1xi32>
      %squeeze3A_296 = vector.extract %slice3A_295[0] : i32 from vector<1xi32>
      %sub3A_297 = arith.subi %squeeze3A_296, %multiple_of3A_294 : i32
      %add3A_298 = arith.constant 1 : i32
      %add3A_299 = arith.addi %sub3A_297, %add3A_298 : i32
      %add3A_300 = arith.constant 3 : i32
      %add3A_301 = arith.addi %add3A_299, %add3A_300 : i32
      %jit3A_302 = arith.constant 4 : i32
      %div3A_303 = arith.divsi %add3A_301, %jit3A_302 : i32
      %sign3A_304 = arith.constant 0 : i32
      %sign3A_305 = arith.cmpi sgt, %add3A_301, %sign3A_304 : i32
      %sign3A_306 = arith.extui %sign3A_305 : i1 to i32
      %sign3A_307 = arith.constant 0 : i32
      %sign3A_308 = arith.cmpi slt, %add3A_301, %sign3A_307 : i32
      %sign3A_309 = arith.extui %sign3A_308 : i1 to i32
      %sign3A_310 = arith.subi %sign3A_306, %sign3A_309 : i32
      %sign3A_311 = arith.constant 0 : i32
      %sign3A_312 = arith.cmpi sgt, %jit3A_302, %sign3A_311 : i32
      %sign3A_313 = arith.extui %sign3A_312 : i1 to i32
      %sign3A_314 = arith.constant 0 : i32
      %sign3A_315 = arith.cmpi slt, %jit3A_302, %sign3A_314 : i32
      %sign3A_316 = arith.extui %sign3A_315 : i1 to i32
      %sign3A_317 = arith.subi %sign3A_313, %sign3A_316 : i32
      %ne3A_318 = arith.cmpi ne, %sign3A_310, %sign3A_317 : i32
      %rem3A_319 = arith.remsi %add3A_301, %jit3A_302 : i32
      %ne3A_320 = arith.constant 0 : i32
      %ne3A_321 = arith.cmpi ne, %rem3A_319, %ne3A_320 : i32
      %and3A_322 = arith.andi %ne3A_318, %ne3A_321 : i1
      %sub3A_323 = arith.constant 1 : i32
      %sub3A_324 = arith.subi %div3A_303, %sub3A_323 : i32
      %select_n3A_325 = arith.select %and3A_322, %sub3A_324, %div3A_303 : i32
      %mul3A_326 = arith.constant 4 : i32
      %mul3A_327 = arith.muli %select_n3A_325, %mul3A_326 : i32
      %add3A_328 = arith.constant 1 : i32
      %add3A_329 = arith.addi %scan3A_220, %add3A_328 : i32
      %lt3A_330 = arith.constant 16 : i32
      %lt3A_331 = arith.cmpi slt, %add3A_329, %lt3A_330 : i32
      %convert_element_type3A_332 = arith.extui %lt3A_331 : i1 to i32
      %cond3A_333 = arith.constant 0 : i32
      %cond3A_334 = arith.cmpi ne, %convert_element_type3A_332, %cond3A_333 : i32
      scf.if %cond3A_334 {
        %add3A_973 = arith.constant 1 : i32
        %add3A_974 = arith.addi %scan3A_220, %add3A_973 : i32
        %jit3A_975 = arith.constant 3 : i32
        %eq3A_976 = arith.constant 0 : i32
        %eq3A_977 = arith.cmpi eq, %jit3A_975, %eq3A_976 : i32
        %jit3A_978 = arith.constant 1 : i32
        %select_n3A_979 = arith.select %eq3A_977, %jit3A_978, %jit3A_975 : i32
        %rem3A_980 = arith.remsi %add3A_974, %select_n3A_979 : i32
        %ne3A_981 = arith.constant 0 : i32
        %ne3A_982 = arith.cmpi ne, %rem3A_980, %ne3A_981 : i32
        %lt3A_983 = arith.constant 0 : i32
        %lt3A_984 = arith.cmpi slt, %rem3A_980, %lt3A_983 : i32
        %lt3A_985 = arith.constant 0 : i32
        %lt3A_986 = arith.cmpi slt, %select_n3A_979, %lt3A_985 : i32
        %ne3A_987 = arith.xori %lt3A_984, %lt3A_986 : i1
        %and3A_988 = arith.andi %ne3A_987, %ne3A_982 : i1
        %add3A_989 = arith.addi %rem3A_980, %select_n3A_979 : i32
        %select_n3A_990 = arith.select %and3A_988, %add3A_989, %rem3A_980 : i32
        %multiple_of3A_991 = tpu.assume_multiple %multiple_of3A_294, 8 : i32
        %ge3A_992 = arith.constant 32 : i32
        %ge3A_993 = arith.cmpi sge, %mul3A_327, %ge3A_992 : i32
        %sub3A_994 = arith.constant 32 : i32
        %sub3A_995 = arith.subi %mul3A_327, %sub3A_994 : i32
        %select_n3A_996 = arith.select %ge3A_993, %sub3A_995, %mul3A_327 : i32
        %ge3A_997 = arith.constant 16 : i32
        %ge3A_998 = arith.cmpi sge, %select_n3A_996, %ge3A_997 : i32
        %sub3A_999 = arith.constant 16 : i32
        %sub3A_1000 = arith.subi %select_n3A_996, %sub3A_999 : i32
        %select_n3A_1001 = arith.select %ge3A_998, %sub3A_1000, %select_n3A_996 : i32
        %ge3A_1002 = arith.constant 8 : i32
        %ge3A_1003 = arith.cmpi sge, %select_n3A_1001, %ge3A_1002 : i32
        %sub3A_1004 = arith.constant 8 : i32
        %sub3A_1005 = arith.subi %select_n3A_1001, %sub3A_1004 : i32
        %select_n3A_1006 = arith.select %ge3A_1003, %sub3A_1005, %select_n3A_1001 : i32
        %ge3A_1007 = arith.constant 4 : i32
        %ge3A_1008 = arith.cmpi sge, %select_n3A_1006, %ge3A_1007 : i32
        %jit3A_1009 = arith.constant 32 : i32
        %jit3A_1010 = arith.constant 0 : i32
        %select_n3A_1011 = arith.select %ge3A_993, %jit3A_1009, %jit3A_1010 : i32
        %multiple_of3A_1012 = tpu.assume_multiple %select_n3A_1011, 8 : i32
        %jit3A_1013 = arith.constant 16 : i32
        %jit3A_1014 = arith.constant 0 : i32
        %select_n3A_1015 = arith.select %ge3A_998, %jit3A_1013, %jit3A_1014 : i32
        %add3A_1016 = arith.addi %multiple_of3A_1012, %select_n3A_1015 : i32
        %multiple_of3A_1017 = tpu.assume_multiple %add3A_1016, 8 : i32
        %jit3A_1018 = arith.constant 8 : i32
        %jit3A_1019 = arith.constant 0 : i32
        %select_n3A_1020 = arith.select %ge3A_1003, %jit3A_1018, %jit3A_1019 : i32
        %add3A_1021 = arith.addi %multiple_of3A_1017, %select_n3A_1020 : i32
        %multiple_of3A_1022 = tpu.assume_multiple %add3A_1021, 8 : i32
        %convert_element_type3A_1023 = arith.extui %ge3A_993 : i1 to i32
        %cond3A_1024 = arith.constant 0 : i32
        %cond3A_1025 = arith.cmpi ne, %convert_element_type3A_1023, %cond3A_1024 : i32
        scf.if %cond3A_1025 {
          %add3A_1035 = arith.constant 0 : i32
          %add3A_1036 = arith.addi %multiple_of3A_991, %add3A_1035 : i32
          %dma_start3A_1037 = arith.constant 0 : i32
          %dma_start3A_1038 = arith.constant 0 : i32
          %dma_start3A_1039 = tpu.memref_slice %arg9[%select_n3A_990, %dma_start3A_1037, %dma_start3A_1038] : memref<3x40x1024xf32, #tpu.memory_space<vmem>> -> memref<1x32x1024xf32, #tpu.memory_space<vmem>>
          %dma_start3A_1040 = tpu.memref_squeeze %dma_start3A_1039 : memref<1x32x1024xf32, #tpu.memory_space<vmem>> -> memref<32x1024xf32, #tpu.memory_space<vmem>>
          %dma_start3A_1041 = arith.constant 0 : i32
          %dma_start3A_1042 = tpu.memref_slice %arg2[%add3A_1036, %dma_start3A_1041] : memref<4096x1024xf32, #tpu.memory_space<hbm>> -> memref<32x1024xf32, #tpu.memory_space<hbm>>
          %dma_start3A_1043 = tpu.memref_slice %arg11[%select_n3A_990] : memref<3x!tpu.dma_semaphore, #tpu.memory_space<semaphore_mem>> -> memref<1x!tpu.dma_semaphore, #tpu.memory_space<semaphore_mem>>
          %dma_start3A_1044 = tpu.memref_squeeze %dma_start3A_1043 : memref<1x!tpu.dma_semaphore, #tpu.memory_space<semaphore_mem>> -> memref<!tpu.dma_semaphore, #tpu.memory_space<semaphore_mem>>
          %dma_start3A_1045 = arith.constant 0 : i32
          %dma_start3A_1046 = arith.constant 0 : i32
          %dma_start3A_1047 = tpu.memref_slice %arg9[%select_n3A_990, %dma_start3A_1045, %dma_start3A_1046] : memref<3x40x1024xf32, #tpu.memory_space<vmem>> -> memref<1x32x1024xf32, #tpu.memory_space<vmem>>
          %dma_start3A_1048 = tpu.memref_squeeze %dma_start3A_1047 : memref<1x32x1024xf32, #tpu.memory_space<vmem>> -> memref<32x1024xf32, #tpu.memory_space<vmem>>
          %dma_start3A_1049 = arith.constant 0 : i32
          %dma_start3A_1050 = tpu.memref_slice %arg2[%add3A_1036, %dma_start3A_1049] : memref<4096x1024xf32, #tpu.memory_space<hbm>> -> memref<32x1024xf32, #tpu.memory_space<hbm>>
          tpu.enqueue_dma source(%dma_start3A_1050 : memref<32x1024xf32, #tpu.memory_space<hbm>>) target(%dma_start3A_1048 : memref<32x1024xf32, #tpu.memory_space<vmem>>) target_semaphore(%dma_start3A_1044 : memref<!tpu.dma_semaphore, #tpu.memory_space<semaphore_mem>>)
        } else {
        }
        %convert_element_type3A_1026 = arith.extui %ge3A_998 : i1 to i32
        %cond3A_1027 = arith.constant 0 : i32
        %cond3A_1028 = arith.cmpi ne, %convert_element_type3A_1026, %cond3A_1027 : i32
        scf.if %cond3A_1028 {
          %add3A_1035 = arith.addi %multiple_of3A_991, %multiple_of3A_1012 : i32
          %dma_start3A_1036 = arith.constant 0 : i32
          %dma_start3A_1037 = tpu.memref_slice %arg9[%select_n3A_990, %multiple_of3A_1012, %dma_start3A_1036] : memref<3x40x1024xf32, #tpu.memory_space<vmem>> -> memref<1x16x1024xf32, #tpu.memory_space<vmem>>
          %dma_start3A_1038 = tpu.memref_squeeze %dma_start3A_1037 : memref<1x16x1024xf32, #tpu.memory_space<vmem>> -> memref<16x1024xf32, #tpu.memory_space<vmem>>
          %dma_start3A_1039 = arith.constant 0 : i32
          %dma_start3A_1040 = tpu.memref_slice %arg2[%add3A_1035, %dma_start3A_1039] : memref<4096x1024xf32, #tpu.memory_space<hbm>> -> memref<16x1024xf32, #tpu.memory_space<hbm>>
          %dma_start3A_1041 = tpu.memref_slice %arg11[%select_n3A_990] : memref<3x!tpu.dma_semaphore, #tpu.memory_space<semaphore_mem>> -> memref<1x!tpu.dma_semaphore, #tpu.memory_space<semaphore_mem>>
          %dma_start3A_1042 = tpu.memref_squeeze %dma_start3A_1041 : memref<1x!tpu.dma_semaphore, #tpu.memory_space<semaphore_mem>> -> memref<!tpu.dma_semaphore, #tpu.memory_space<semaphore_mem>>
          %dma_start3A_1043 = arith.constant 0 : i32
          %dma_start3A_1044 = tpu.memref_slice %arg9[%select_n3A_990, %multiple_of3A_1012, %dma_start3A_1043] : memref<3x40x1024xf32, #tpu.memory_space<vmem>> -> memref<1x16x1024xf32, #tpu.memory_space<vmem>>
          %dma_start3A_1045 = tpu.memref_squeeze %dma_start3A_1044 : memref<1x16x1024xf32, #tpu.memory_space<vmem>> -> memref<16x1024xf32, #tpu.memory_space<vmem>>
          %dma_start3A_1046 = arith.constant 0 : i32
          %dma_start3A_1047 = tpu.memref_slice %arg2[%add3A_1035, %dma_start3A_1046] : memref<4096x1024xf32, #tpu.memory_space<hbm>> -> memref<16x1024xf32, #tpu.memory_space<hbm>>
          tpu.enqueue_dma source(%dma_start3A_1047 : memref<16x1024xf32, #tpu.memory_space<hbm>>) target(%dma_start3A_1045 : memref<16x1024xf32, #tpu.memory_space<vmem>>) target_semaphore(%dma_start3A_1042 : memref<!tpu.dma_semaphore, #tpu.memory_space<semaphore_mem>>)
        } else {
        }
        %convert_element_type3A_1029 = arith.extui %ge3A_1003 : i1 to i32
        %cond3A_1030 = arith.constant 0 : i32
        %cond3A_1031 = arith.cmpi ne, %convert_element_type3A_1029, %cond3A_1030 : i32
        scf.if %cond3A_1031 {
          %add3A_1035 = arith.addi %multiple_of3A_991, %multiple_of3A_1017 : i32
          %dma_start3A_1036 = arith.constant 0 : i32
          %dma_start3A_1037 = tpu.memref_slice %arg9[%select_n3A_990, %multiple_of3A_1017, %dma_start3A_1036] : memref<3x40x1024xf32, #tpu.memory_space<vmem>> -> memref<1x8x1024xf32, #tpu.memory_space<vmem>>
          %dma_start3A_1038 = tpu.memref_squeeze %dma_start3A_1037 : memref<1x8x1024xf32, #tpu.memory_space<vmem>> -> memref<8x1024xf32, #tpu.memory_space<vmem>>
          %dma_start3A_1039 = arith.constant 0 : i32
          %dma_start3A_1040 = tpu.memref_slice %arg2[%add3A_1035, %dma_start3A_1039] : memref<4096x1024xf32, #tpu.memory_space<hbm>> -> memref<8x1024xf32, #tpu.memory_space<hbm>>
          %dma_start3A_1041 = tpu.memref_slice %arg11[%select_n3A_990] : memref<3x!tpu.dma_semaphore, #tpu.memory_space<semaphore_mem>> -> memref<1x!tpu.dma_semaphore, #tpu.memory_space<semaphore_mem>>
          %dma_start3A_1042 = tpu.memref_squeeze %dma_start3A_1041 : memref<1x!tpu.dma_semaphore, #tpu.memory_space<semaphore_mem>> -> memref<!tpu.dma_semaphore, #tpu.memory_space<semaphore_mem>>
          %dma_start3A_1043 = arith.constant 0 : i32
          %dma_start3A_1044 = tpu.memref_slice %arg9[%select_n3A_990, %multiple_of3A_1017, %dma_start3A_1043] : memref<3x40x1024xf32, #tpu.memory_space<vmem>> -> memref<1x8x1024xf32, #tpu.memory_space<vmem>>
          %dma_start3A_1045 = tpu.memref_squeeze %dma_start3A_1044 : memref<1x8x1024xf32, #tpu.memory_space<vmem>> -> memref<8x1024xf32, #tpu.memory_space<vmem>>
          %dma_start3A_1046 = arith.constant 0 : i32
          %dma_start3A_1047 = tpu.memref_slice %arg2[%add3A_1035, %dma_start3A_1046] : memref<4096x1024xf32, #tpu.memory_space<hbm>> -> memref<8x1024xf32, #tpu.memory_space<hbm>>
          tpu.enqueue_dma source(%dma_start3A_1047 : memref<8x1024xf32, #tpu.memory_space<hbm>>) target(%dma_start3A_1045 : memref<8x1024xf32, #tpu.memory_space<vmem>>) target_semaphore(%dma_start3A_1042 : memref<!tpu.dma_semaphore, #tpu.memory_space<semaphore_mem>>)
        } else {
        }
        %convert_element_type3A_1032 = arith.extui %ge3A_1008 : i1 to i32
        %cond3A_1033 = arith.constant 0 : i32
        %cond3A_1034 = arith.cmpi ne, %convert_element_type3A_1032, %cond3A_1033 : i32
        scf.if %cond3A_1034 {
          %add3A_1035 = arith.addi %multiple_of3A_991, %multiple_of3A_1022 : i32
          %dma_start3A_1036 = arith.constant 0 : i32
          %dma_start3A_1037 = tpu.memref_slice %arg9[%select_n3A_990, %multiple_of3A_1022, %dma_start3A_1036] : memref<3x40x1024xf32, #tpu.memory_space<vmem>> -> memref<1x4x1024xf32, #tpu.memory_space<vmem>>
          %dma_start3A_1038 = tpu.memref_squeeze %dma_start3A_1037 : memref<1x4x1024xf32, #tpu.memory_space<vmem>> -> memref<4x1024xf32, #tpu.memory_space<vmem>>
          %dma_start3A_1039 = arith.constant 0 : i32
          %dma_start3A_1040 = tpu.memref_slice %arg2[%add3A_1035, %dma_start3A_1039] : memref<4096x1024xf32, #tpu.memory_space<hbm>> -> memref<4x1024xf32, #tpu.memory_space<hbm>>
          %dma_start3A_1041 = tpu.memref_slice %arg11[%select_n3A_990] : memref<3x!tpu.dma_semaphore, #tpu.memory_space<semaphore_mem>> -> memref<1x!tpu.dma_semaphore, #tpu.memory_space<semaphore_mem>>
          %dma_start3A_1042 = tpu.memref_squeeze %dma_start3A_1041 : memref<1x!tpu.dma_semaphore, #tpu.memory_space<semaphore_mem>> -> memref<!tpu.dma_semaphore, #tpu.memory_space<semaphore_mem>>
          %dma_start3A_1043 = arith.constant 0 : i32
          %dma_start3A_1044 = tpu.memref_slice %arg9[%select_n3A_990, %multiple_of3A_1022, %dma_start3A_1043] : memref<3x40x1024xf32, #tpu.memory_space<vmem>> -> memref<1x4x1024xf32, #tpu.memory_space<vmem>>
          %dma_start3A_1045 = tpu.memref_squeeze %dma_start3A_1044 : memref<1x4x1024xf32, #tpu.memory_space<vmem>> -> memref<4x1024xf32, #tpu.memory_space<vmem>>
          %dma_start3A_1046 = arith.constant 0 : i32
          %dma_start3A_1047 = tpu.memref_slice %arg2[%add3A_1035, %dma_start3A_1046] : memref<4096x1024xf32, #tpu.memory_space<hbm>> -> memref<4x1024xf32, #tpu.memory_space<hbm>>
          tpu.enqueue_dma source(%dma_start3A_1047 : memref<4x1024xf32, #tpu.memory_space<hbm>>) target(%dma_start3A_1045 : memref<4x1024xf32, #tpu.memory_space<vmem>>) target_semaphore(%dma_start3A_1042 : memref<!tpu.dma_semaphore, #tpu.memory_space<semaphore_mem>>)
        } else {
        }
      } else {
      }
      %multiple_of3A_335 = tpu.assume_multiple %scan3A_221, 8 : i32
      %ge3A_336 = arith.constant 32 : i32
      %ge3A_337 = arith.cmpi sge, %scan3A_222, %ge3A_336 : i32
      %sub3A_338 = arith.constant 32 : i32
      %sub3A_339 = arith.subi %scan3A_222, %sub3A_338 : i32
      %select_n3A_340 = arith.select %ge3A_337, %sub3A_339, %scan3A_222 : i32
      %ge3A_341 = arith.constant 16 : i32
      %ge3A_342 = arith.cmpi sge, %select_n3A_340, %ge3A_341 : i32
      %sub3A_343 = arith.constant 16 : i32
      %sub3A_344 = arith.subi %select_n3A_340, %sub3A_343 : i32
      %select_n3A_345 = arith.select %ge3A_342, %sub3A_344, %select_n3A_340 : i32
      %ge3A_346 = arith.constant 8 : i32
      %ge3A_347 = arith.cmpi sge, %select_n3A_345, %ge3A_346 : i32
      %sub3A_348 = arith.constant 8 : i32
      %sub3A_349 = arith.subi %select_n3A_345, %sub3A_348 : i32
      %select_n3A_350 = arith.select %ge3A_347, %sub3A_349, %select_n3A_345 : i32
      %ge3A_351 = arith.constant 4 : i32
      %ge3A_352 = arith.cmpi sge, %select_n3A_350, %ge3A_351 : i32
      %jit3A_353 = arith.constant 32 : i32
      %jit3A_354 = arith.constant 0 : i32
      %select_n3A_355 = arith.select %ge3A_337, %jit3A_353, %jit3A_354 : i32
      %multiple_of3A_356 = tpu.assume_multiple %select_n3A_355, 8 : i32
      %jit3A_357 = arith.constant 16 : i32
      %jit3A_358 = arith.constant 0 : i32
      %select_n3A_359 = arith.select %ge3A_342, %jit3A_357, %jit3A_358 : i32
      %add3A_360 = arith.addi %multiple_of3A_356, %select_n3A_359 : i32
      %multiple_of3A_361 = tpu.assume_multiple %add3A_360, 8 : i32
      %jit3A_362 = arith.constant 8 : i32
      %jit3A_363 = arith.constant 0 : i32
      %select_n3A_364 = arith.select %ge3A_347, %jit3A_362, %jit3A_363 : i32
      %add3A_365 = arith.addi %multiple_of3A_361, %select_n3A_364 : i32
      %multiple_of3A_366 = tpu.assume_multiple %add3A_365, 8 : i32
      %convert_element_type3A_367 = arith.extui %ge3A_337 : i1 to i32
      %cond3A_368 = arith.constant 0 : i32
      %cond3A_369 = arith.cmpi ne, %convert_element_type3A_367, %cond3A_368 : i32
      scf.if %cond3A_369 {
        %add3A_973 = arith.constant 0 : i32
        %add3A_974 = arith.addi %multiple_of3A_335, %add3A_973 : i32
        %dma_wait3A_975 = arith.constant 0 : i32
        %dma_wait3A_976 = arith.constant 0 : i32
        %dma_wait3A_977 = tpu.memref_slice %arg9[%select_n3A_236, %dma_wait3A_975, %dma_wait3A_976] : memref<3x40x1024xf32, #tpu.memory_space<vmem>> -> memref<1x32x1024xf32, #tpu.memory_space<vmem>>
        %dma_wait3A_978 = tpu.memref_squeeze %dma_wait3A_977 : memref<1x32x1024xf32, #tpu.memory_space<vmem>> -> memref<32x1024xf32, #tpu.memory_space<vmem>>
        %dma_wait3A_979 = arith.constant 0 : i32
        %dma_wait3A_980 = tpu.memref_slice %arg2[%add3A_974, %dma_wait3A_979] : memref<4096x1024xf32, #tpu.memory_space<hbm>> -> memref<32x1024xf32, #tpu.memory_space<hbm>>
        %dma_wait3A_981 = tpu.memref_slice %arg11[%select_n3A_236] : memref<3x!tpu.dma_semaphore, #tpu.memory_space<semaphore_mem>> -> memref<1x!tpu.dma_semaphore, #tpu.memory_space<semaphore_mem>>
        %dma_wait3A_982 = tpu.memref_squeeze %dma_wait3A_981 : memref<1x!tpu.dma_semaphore, #tpu.memory_space<semaphore_mem>> -> memref<!tpu.dma_semaphore, #tpu.memory_space<semaphore_mem>>
        %dma_wait3A_983 = arith.constant 0 : i32
        %dma_wait3A_984 = arith.constant 0 : i32
        %dma_wait3A_985 = tpu.memref_slice %arg9[%select_n3A_236, %dma_wait3A_983, %dma_wait3A_984] : memref<3x40x1024xf32, #tpu.memory_space<vmem>> -> memref<1x32x1024xf32, #tpu.memory_space<vmem>>
        %dma_wait3A_986 = tpu.memref_squeeze %dma_wait3A_985 : memref<1x32x1024xf32, #tpu.memory_space<vmem>> -> memref<32x1024xf32, #tpu.memory_space<vmem>>
        %dma_wait3A_987 = arith.constant 0 : i32
        %dma_wait3A_988 = tpu.memref_slice %arg2[%add3A_974, %dma_wait3A_987] : memref<4096x1024xf32, #tpu.memory_space<hbm>> -> memref<32x1024xf32, #tpu.memory_space<hbm>>
        tpu.wait_dma2 semaphore(%dma_wait3A_982 : memref<!tpu.dma_semaphore, #tpu.memory_space<semaphore_mem>>) src(%dma_wait3A_988 : memref<32x1024xf32, #tpu.memory_space<hbm>>) dst(%dma_wait3A_986 : memref<32x1024xf32, #tpu.memory_space<vmem>>)
      } else {
      }
      %convert_element_type3A_370 = arith.extui %ge3A_342 : i1 to i32
      %cond3A_371 = arith.constant 0 : i32
      %cond3A_372 = arith.cmpi ne, %convert_element_type3A_370, %cond3A_371 : i32
      scf.if %cond3A_372 {
        %add3A_973 = arith.addi %multiple_of3A_335, %multiple_of3A_356 : i32
        %dma_wait3A_974 = arith.constant 0 : i32
        %dma_wait3A_975 = tpu.memref_slice %arg9[%select_n3A_236, %multiple_of3A_356, %dma_wait3A_974] : memref<3x40x1024xf32, #tpu.memory_space<vmem>> -> memref<1x16x1024xf32, #tpu.memory_space<vmem>>
        %dma_wait3A_976 = tpu.memref_squeeze %dma_wait3A_975 : memref<1x16x1024xf32, #tpu.memory_space<vmem>> -> memref<16x1024xf32, #tpu.memory_space<vmem>>
        %dma_wait3A_977 = arith.constant 0 : i32
        %dma_wait3A_978 = tpu.memref_slice %arg2[%add3A_973, %dma_wait3A_977] : memref<4096x1024xf32, #tpu.memory_space<hbm>> -> memref<16x1024xf32, #tpu.memory_space<hbm>>
        %dma_wait3A_979 = tpu.memref_slice %arg11[%select_n3A_236] : memref<3x!tpu.dma_semaphore, #tpu.memory_space<semaphore_mem>> -> memref<1x!tpu.dma_semaphore, #tpu.memory_space<semaphore_mem>>
        %dma_wait3A_980 = tpu.memref_squeeze %dma_wait3A_979 : memref<1x!tpu.dma_semaphore, #tpu.memory_space<semaphore_mem>> -> memref<!tpu.dma_semaphore, #tpu.memory_space<semaphore_mem>>
        %dma_wait3A_981 = arith.constant 0 : i32
        %dma_wait3A_982 = tpu.memref_slice %arg9[%select_n3A_236, %multiple_of3A_356, %dma_wait3A_981] : memref<3x40x1024xf32, #tpu.memory_space<vmem>> -> memref<1x16x1024xf32, #tpu.memory_space<vmem>>
        %dma_wait3A_983 = tpu.memref_squeeze %dma_wait3A_982 : memref<1x16x1024xf32, #tpu.memory_space<vmem>> -> memref<16x1024xf32, #tpu.memory_space<vmem>>
        %dma_wait3A_984 = arith.constant 0 : i32
        %dma_wait3A_985 = tpu.memref_slice %arg2[%add3A_973, %dma_wait3A_984] : memref<4096x1024xf32, #tpu.memory_space<hbm>> -> memref<16x1024xf32, #tpu.memory_space<hbm>>
        tpu.wait_dma2 semaphore(%dma_wait3A_980 : memref<!tpu.dma_semaphore, #tpu.memory_space<semaphore_mem>>) src(%dma_wait3A_985 : memref<16x1024xf32, #tpu.memory_space<hbm>>) dst(%dma_wait3A_983 : memref<16x1024xf32, #tpu.memory_space<vmem>>)
      } else {
      }
      %convert_element_type3A_373 = arith.extui %ge3A_347 : i1 to i32
      %cond3A_374 = arith.constant 0 : i32
      %cond3A_375 = arith.cmpi ne, %convert_element_type3A_373, %cond3A_374 : i32
      scf.if %cond3A_375 {
        %add3A_973 = arith.addi %multiple_of3A_335, %multiple_of3A_361 : i32
        %dma_wait3A_974 = arith.constant 0 : i32
        %dma_wait3A_975 = tpu.memref_slice %arg9[%select_n3A_236, %multiple_of3A_361, %dma_wait3A_974] : memref<3x40x1024xf32, #tpu.memory_space<vmem>> -> memref<1x8x1024xf32, #tpu.memory_space<vmem>>
        %dma_wait3A_976 = tpu.memref_squeeze %dma_wait3A_975 : memref<1x8x1024xf32, #tpu.memory_space<vmem>> -> memref<8x1024xf32, #tpu.memory_space<vmem>>
        %dma_wait3A_977 = arith.constant 0 : i32
        %dma_wait3A_978 = tpu.memref_slice %arg2[%add3A_973, %dma_wait3A_977] : memref<4096x1024xf32, #tpu.memory_space<hbm>> -> memref<8x1024xf32, #tpu.memory_space<hbm>>
        %dma_wait3A_979 = tpu.memref_slice %arg11[%select_n3A_236] : memref<3x!tpu.dma_semaphore, #tpu.memory_space<semaphore_mem>> -> memref<1x!tpu.dma_semaphore, #tpu.memory_space<semaphore_mem>>
        %dma_wait3A_980 = tpu.memref_squeeze %dma_wait3A_979 : memref<1x!tpu.dma_semaphore, #tpu.memory_space<semaphore_mem>> -> memref<!tpu.dma_semaphore, #tpu.memory_space<semaphore_mem>>
        %dma_wait3A_981 = arith.constant 0 : i32
        %dma_wait3A_982 = tpu.memref_slice %arg9[%select_n3A_236, %multiple_of3A_361, %dma_wait3A_981] : memref<3x40x1024xf32, #tpu.memory_space<vmem>> -> memref<1x8x1024xf32, #tpu.memory_space<vmem>>
        %dma_wait3A_983 = tpu.memref_squeeze %dma_wait3A_982 : memref<1x8x1024xf32, #tpu.memory_space<vmem>> -> memref<8x1024xf32, #tpu.memory_space<vmem>>
        %dma_wait3A_984 = arith.constant 0 : i32
        %dma_wait3A_985 = tpu.memref_slice %arg2[%add3A_973, %dma_wait3A_984] : memref<4096x1024xf32, #tpu.memory_space<hbm>> -> memref<8x1024xf32, #tpu.memory_space<hbm>>
        tpu.wait_dma2 semaphore(%dma_wait3A_980 : memref<!tpu.dma_semaphore, #tpu.memory_space<semaphore_mem>>) src(%dma_wait3A_985 : memref<8x1024xf32, #tpu.memory_space<hbm>>) dst(%dma_wait3A_983 : memref<8x1024xf32, #tpu.memory_space<vmem>>)
      } else {
      }
      %convert_element_type3A_376 = arith.extui %ge3A_352 : i1 to i32
      %cond3A_377 = arith.constant 0 : i32
      %cond3A_378 = arith.cmpi ne, %convert_element_type3A_376, %cond3A_377 : i32
      scf.if %cond3A_378 {
        %add3A_973 = arith.addi %multiple_of3A_335, %multiple_of3A_366 : i32
        %dma_wait3A_974 = arith.constant 0 : i32
        %dma_wait3A_975 = tpu.memref_slice %arg9[%select_n3A_236, %multiple_of3A_366, %dma_wait3A_974] : memref<3x40x1024xf32, #tpu.memory_space<vmem>> -> memref<1x4x1024xf32, #tpu.memory_space<vmem>>
        %dma_wait3A_976 = tpu.memref_squeeze %dma_wait3A_975 : memref<1x4x1024xf32, #tpu.memory_space<vmem>> -> memref<4x1024xf32, #tpu.memory_space<vmem>>
        %dma_wait3A_977 = arith.constant 0 : i32
        %dma_wait3A_978 = tpu.memref_slice %arg2[%add3A_973, %dma_wait3A_977] : memref<4096x1024xf32, #tpu.memory_space<hbm>> -> memref<4x1024xf32, #tpu.memory_space<hbm>>
        %dma_wait3A_979 = tpu.memref_slice %arg11[%select_n3A_236] : memref<3x!tpu.dma_semaphore, #tpu.memory_space<semaphore_mem>> -> memref<1x!tpu.dma_semaphore, #tpu.memory_space<semaphore_mem>>
        %dma_wait3A_980 = tpu.memref_squeeze %dma_wait3A_979 : memref<1x!tpu.dma_semaphore, #tpu.memory_space<semaphore_mem>> -> memref<!tpu.dma_semaphore, #tpu.memory_space<semaphore_mem>>
        %dma_wait3A_981 = arith.constant 0 : i32
        %dma_wait3A_982 = tpu.memref_slice %arg9[%select_n3A_236, %multiple_of3A_366, %dma_wait3A_981] : memref<3x40x1024xf32, #tpu.memory_space<vmem>> -> memref<1x4x1024xf32, #tpu.memory_space<vmem>>
        %dma_wait3A_983 = tpu.memref_squeeze %dma_wait3A_982 : memref<1x4x1024xf32, #tpu.memory_space<vmem>> -> memref<4x1024xf32, #tpu.memory_space<vmem>>
        %dma_wait3A_984 = arith.constant 0 : i32
        %dma_wait3A_985 = tpu.memref_slice %arg2[%add3A_973, %dma_wait3A_984] : memref<4096x1024xf32, #tpu.memory_space<hbm>> -> memref<4x1024xf32, #tpu.memory_space<hbm>>
        tpu.wait_dma2 semaphore(%dma_wait3A_980 : memref<!tpu.dma_semaphore, #tpu.memory_space<semaphore_mem>>) src(%dma_wait3A_985 : memref<4x1024xf32, #tpu.memory_space<hbm>>) dst(%dma_wait3A_983 : memref<4x1024xf32, #tpu.memory_space<vmem>>)
      } else {
      }
      %mul3A_379 = arith.constant 4 : i32
      %mul3A_380 = arith.muli %scan3A_220, %mul3A_379 : i32
      %add3A_381 = arith.addi %sub3A_19, %mul3A_380 : i32
      %mul3A_382 = arith.constant 32 : i32
      %mul3A_383 = arith.muli %add3A_381, %mul3A_382 : i32
      %add3A_384 = arith.addi %mul3A_21, %mul3A_383 : i32
      %add3A_385 = arith.constant 0 : i32
      %add3A_386 = arith.addi %mul3A_383, %add3A_385 : i32
      %get3A_387 = arith.index_cast %add3A_386 : i32 to index
      %get3A_388 = tpu.vector_load %arg8[%get3A_387] {strides = array<i32>} : memref<2048xi32, #tpu.memory_space<vmem>>, vector<16xi32>,
      %sub3A_389 = vector.broadcast %scan3A_221 : i32 to vector<16xi32>
      %sub3A_390 = arith.subi %get3A_388, %sub3A_389 : vector<16xi32>
      %slice3A_391 = vector.extract_strided_slice %sub3A_390 {offsets = [0], sizes = [1], strides = [1]} : vector<16xi32> to vector<1xi32>
      %squeeze3A_392 = vector.extract %slice3A_391[0] : i32 from vector<1xi32>
      %add3A_393 = arith.constant 0 : i32
      %add3A_394 = arith.addi %mul3A_383, %add3A_393 : i32
      %add3A_395 = arith.constant 0 : i32
      %add3A_396 = arith.addi %add3A_394, %add3A_395 : i32
      %add3A_397 = arith.constant 0 : i32
      %add3A_398 = arith.addi %add3A_384, %add3A_397 : i32
      %add3A_399 = arith.constant 0 : i32
      %add3A_400 = arith.addi %add3A_398, %add3A_399 : i32
      %lt3A_401 = arith.cmpi slt, %add3A_396, %min3A : i32
      %convert_element_type3A_402 = arith.extui %lt3A_401 : i1 to i32
      %cond3A_403 = arith.constant 0 : i32
      %cond3A_404 = arith.cmpi ne, %convert_element_type3A_402, %cond3A_403 : i32
      scf.if %cond3A_404 {
        %dma_start3A_973 = arith.constant 0 : i32
        %dma_start3A_974 = tpu.memref_slice %arg9[%select_n3A_236, %squeeze3A_392, %dma_start3A_973] : memref<3x40x1024xf32, #tpu.memory_space<vmem>> -> memref<1x1x1024xf32, #tpu.memory_space<vmem>>
        %dma_start3A_975 = tpu.memref_squeeze %dma_start3A_974 : memref<1x1x1024xf32, #tpu.memory_space<vmem>> -> memref<1x1024xf32, #tpu.memory_space<vmem>>
        %dma_start3A_976 = arith.constant 0 : i32
        %dma_start3A_977 = tpu.memref_slice %arg5[%add3A_400, %dma_start3A_976] : memref<16384x1024xf32, #tpu.memory_space<hbm>> -> memref<1x1024xf32, #tpu.memory_space<hbm>>
        %dma_start3A_978 = tpu.memref_slice %arg12[%select_n3A_236] : memref<3x!tpu.dma_semaphore, #tpu.memory_space<semaphore_mem>> -> memref<1x!tpu.dma_semaphore, #tpu.memory_space<semaphore_mem>>
        %dma_start3A_979 = tpu.memref_squeeze %dma_start3A_978 : memref<1x!tpu.dma_semaphore, #tpu.memory_space<semaphore_mem>> -> memref<!tpu.dma_semaphore, #tpu.memory_space<semaphore_mem>>
        %dma_start3A_980 = arith.constant 0 : i32
        %dma_start3A_981 = tpu.memref_slice %arg5[%add3A_400, %dma_start3A_980] : memref<16384x1024xf32, #tpu.memory_space<hbm>> -> memref<1x1024xf32, #tpu.memory_space<hbm>>
        %dma_start3A_982 = arith.constant 0 : i32
        %dma_start3A_983 = tpu.memref_slice %arg9[%select_n3A_236, %squeeze3A_392, %dma_start3A_982] : memref<3x40x1024xf32, #tpu.memory_space<vmem>> -> memref<1x1x1024xf32, #tpu.memory_space<vmem>>
        %dma_start3A_984 = tpu.memref_squeeze %dma_start3A_983 : memref<1x1x1024xf32, #tpu.memory_space<vmem>> -> memref<1x1024xf32, #tpu.memory_space<vmem>>
        tpu.enqueue_dma source(%dma_start3A_984 : memref<1x1024xf32, #tpu.memory_space<vmem>>) target(%dma_start3A_981 : memref<1x1024xf32, #tpu.memory_space<hbm>>) target_semaphore(%dma_start3A_979 : memref<!tpu.dma_semaphore, #tpu.memory_space<semaphore_mem>>)
      } else {
      }
      %ge3A_405 = arith.cmpi sge, %add3A_396, %min3A : i32
      %convert_element_type3A_406 = arith.extui %ge3A_405 : i1 to i32
      %cond3A_407 = arith.constant 0 : i32
      %cond3A_408 = arith.cmpi ne, %convert_element_type3A_406, %cond3A_407 : i32
      scf.if %cond3A_408 {
        %dma_start3A_973 = arith.constant 0 : i32
        %dma_start3A_974 = tpu.memref_slice %arg5[%add3A_400, %dma_start3A_973] : memref<16384x1024xf32, #tpu.memory_space<hbm>> -> memref<1x1024xf32, #tpu.memory_space<hbm>>
        %dma_start3A_975 = tpu.memref_slice %arg12[%select_n3A_236] : memref<3x!tpu.dma_semaphore, #tpu.memory_space<semaphore_mem>> -> memref<1x!tpu.dma_semaphore, #tpu.memory_space<semaphore_mem>>
        %dma_start3A_976 = tpu.memref_squeeze %dma_start3A_975 : memref<1x!tpu.dma_semaphore, #tpu.memory_space<semaphore_mem>> -> memref<!tpu.dma_semaphore, #tpu.memory_space<semaphore_mem>>
        %dma_start3A_977 = arith.constant 0 : i32
        %dma_start3A_978 = tpu.memref_slice %arg5[%add3A_400, %dma_start3A_977] : memref<16384x1024xf32, #tpu.memory_space<hbm>> -> memref<1x1024xf32, #tpu.memory_space<hbm>>
        tpu.enqueue_dma source(%arg10 : memref<1x1024xf32, #tpu.memory_space<vmem>>) target(%dma_start3A_978 : memref<1x1024xf32, #tpu.memory_space<hbm>>) target_semaphore(%dma_start3A_976 : memref<!tpu.dma_semaphore, #tpu.memory_space<semaphore_mem>>)
      } else {
      }
      %slice3A_409 = vector.extract_strided_slice %sub3A_390 {offsets = [1], sizes = [1], strides = [1]} : vector<16xi32> to vector<1xi32>
      %squeeze3A_410 = vector.extract %slice3A_409[0] : i32 from vector<1xi32>
      %add3A_411 = arith.constant 0 : i32
      %add3A_412 = arith.addi %mul3A_383, %add3A_411 : i32
      %add3A_413 = arith.constant 1 : i32
      %add3A_414 = arith.addi %add3A_412, %add3A_413 : i32
      %add3A_415 = arith.constant 0 : i32
      %add3A_416 = arith.addi %add3A_384, %add3A_415 : i32
      %add3A_417 = arith.constant 1 : i32
      %add3A_418 = arith.addi %add3A_416, %add3A_417 : i32
      %lt3A_419 = arith.cmpi slt, %add3A_414, %min3A : i32
      %convert_element_type3A_420 = arith.extui %lt3A_419 : i1 to i32
      %cond3A_421 = arith.constant 0 : i32
      %cond3A_422 = arith.cmpi ne, %convert_element_type3A_420, %cond3A_421 : i32
      scf.if %cond3A_422 {
        %dma_start3A_973 = arith.constant 0 : i32
        %dma_start3A_974 = tpu.memref_slice %arg9[%select_n3A_236, %squeeze3A_410, %dma_start3A_973] : memref<3x40x1024xf32, #tpu.memory_space<vmem>> -> memref<1x1x1024xf32, #tpu.memory_space<vmem>>
        %dma_start3A_975 = tpu.memref_squeeze %dma_start3A_974 : memref<1x1x1024xf32, #tpu.memory_space<vmem>> -> memref<1x1024xf32, #tpu.memory_space<vmem>>
        %dma_start3A_976 = arith.constant 0 : i32
        %dma_start3A_977 = tpu.memref_slice %arg5[%add3A_418, %dma_start3A_976] : memref<16384x1024xf32, #tpu.memory_space<hbm>> -> memref<1x1024xf32, #tpu.memory_space<hbm>>
        %dma_start3A_978 = tpu.memref_slice %arg12[%select_n3A_236] : memref<3x!tpu.dma_semaphore, #tpu.memory_space<semaphore_mem>> -> memref<1x!tpu.dma_semaphore, #tpu.memory_space<semaphore_mem>>
        %dma_start3A_979 = tpu.memref_squeeze %dma_start3A_978 : memref<1x!tpu.dma_semaphore, #tpu.memory_space<semaphore_mem>> -> memref<!tpu.dma_semaphore, #tpu.memory_space<semaphore_mem>>
        %dma_start3A_980 = arith.constant 0 : i32
        %dma_start3A_981 = tpu.memref_slice %arg5[%add3A_418, %dma_start3A_980] : memref<16384x1024xf32, #tpu.memory_space<hbm>> -> memref<1x1024xf32, #tpu.memory_space<hbm>>
        %dma_start3A_982 = arith.constant 0 : i32
        %dma_start3A_983 = tpu.memref_slice %arg9[%select_n3A_236, %squeeze3A_410, %dma_start3A_982] : memref<3x40x1024xf32, #tpu.memory_space<vmem>> -> memref<1x1x1024xf32, #tpu.memory_space<vmem>>
        %dma_start3A_984 = tpu.memref_squeeze %dma_start3A_983 : memref<1x1x1024xf32, #tpu.memory_space<vmem>> -> memref<1x1024xf32, #tpu.memory_space<vmem>>
        tpu.enqueue_dma source(%dma_start3A_984 : memref<1x1024xf32, #tpu.memory_space<vmem>>) target(%dma_start3A_981 : memref<1x1024xf32, #tpu.memory_space<hbm>>) target_semaphore(%dma_start3A_979 : memref<!tpu.dma_semaphore, #tpu.memory_space<semaphore_mem>>)
      } else {
      }
      %ge3A_423 = arith.cmpi sge, %add3A_414, %min3A : i32
      %convert_element_type3A_424 = arith.extui %ge3A_423 : i1 to i32
      %cond3A_425 = arith.constant 0 : i32
      %cond3A_426 = arith.cmpi ne, %convert_element_type3A_424, %cond3A_425 : i32
      scf.if %cond3A_426 {
        %dma_start3A_973 = arith.constant 0 : i32
        %dma_start3A_974 = tpu.memref_slice %arg5[%add3A_418, %dma_start3A_973] : memref<16384x1024xf32, #tpu.memory_space<hbm>> -> memref<1x1024xf32, #tpu.memory_space<hbm>>
        %dma_start3A_975 = tpu.memref_slice %arg12[%select_n3A_236] : memref<3x!tpu.dma_semaphore, #tpu.memory_space<semaphore_mem>> -> memref<1x!tpu.dma_semaphore, #tpu.memory_space<semaphore_mem>>
        %dma_start3A_976 = tpu.memref_squeeze %dma_start3A_975 : memref<1x!tpu.dma_semaphore, #tpu.memory_space<semaphore_mem>> -> memref<!tpu.dma_semaphore, #tpu.memory_space<semaphore_mem>>
        %dma_start3A_977 = arith.constant 0 : i32
        %dma_start3A_978 = tpu.memref_slice %arg5[%add3A_418, %dma_start3A_977] : memref<16384x1024xf32, #tpu.memory_space<hbm>> -> memref<1x1024xf32, #tpu.memory_space<hbm>>
        tpu.enqueue_dma source(%arg10 : memref<1x1024xf32, #tpu.memory_space<vmem>>) target(%dma_start3A_978 : memref<1x1024xf32, #tpu.memory_space<hbm>>) target_semaphore(%dma_start3A_976 : memref<!tpu.dma_semaphore, #tpu.memory_space<semaphore_mem>>)
      } else {
      }
      %slice3A_427 = vector.extract_strided_slice %sub3A_390 {offsets = [2], sizes = [1], strides = [1]} : vector<16xi32> to vector<1xi32>
      %squeeze3A_428 = vector.extract %slice3A_427[0] : i32 from vector<1xi32>
      %add3A_429 = arith.constant 0 : i32
      %add3A_430 = arith.addi %mul3A_383, %add3A_429 : i32
      %add3A_431 = arith.constant 2 : i32
      %add3A_432 = arith.addi %add3A_430, %add3A_431 : i32
      %add3A_433 = arith.constant 0 : i32
      %add3A_434 = arith.addi %add3A_384, %add3A_433 : i32
      %add3A_435 = arith.constant 2 : i32
      %add3A_436 = arith.addi %add3A_434, %add3A_435 : i32
      %lt3A_437 = arith.cmpi slt, %add3A_432, %min3A : i32
      %convert_element_type3A_438 = arith.extui %lt3A_437 : i1 to i32
      %cond3A_439 = arith.constant 0 : i32
      %cond3A_440 = arith.cmpi ne, %convert_element_type3A_438, %cond3A_439 : i32
      scf.if %cond3A_440 {
        %dma_start3A_973 = arith.constant 0 : i32
        %dma_start3A_974 = tpu.memref_slice %arg9[%select_n3A_236, %squeeze3A_428, %dma_start3A_973] : memref<3x40x1024xf32, #tpu.memory_space<vmem>> -> memref<1x1x1024xf32, #tpu.memory_space<vmem>>
        %dma_start3A_975 = tpu.memref_squeeze %dma_start3A_974 : memref<1x1x1024xf32, #tpu.memory_space<vmem>> -> memref<1x1024xf32, #tpu.memory_space<vmem>>
        %dma_start3A_976 = arith.constant 0 : i32
        %dma_start3A_977 = tpu.memref_slice %arg5[%add3A_436, %dma_start3A_976] : memref<16384x1024xf32, #tpu.memory_space<hbm>> -> memref<1x1024xf32, #tpu.memory_space<hbm>>
        %dma_start3A_978 = tpu.memref_slice %arg12[%select_n3A_236] : memref<3x!tpu.dma_semaphore, #tpu.memory_space<semaphore_mem>> -> memref<1x!tpu.dma_semaphore, #tpu.memory_space<semaphore_mem>>
        %dma_start3A_979 = tpu.memref_squeeze %dma_start3A_978 : memref<1x!tpu.dma_semaphore, #tpu.memory_space<semaphore_mem>> -> memref<!tpu.dma_semaphore, #tpu.memory_space<semaphore_mem>>
        %dma_start3A_980 = arith.constant 0 : i32
        %dma_start3A_981 = tpu.memref_slice %arg5[%add3A_436, %dma_start3A_980] : memref<16384x1024xf32, #tpu.memory_space<hbm>> -> memref<1x1024xf32, #tpu.memory_space<hbm>>
        %dma_start3A_982 = arith.constant 0 : i32
        %dma_start3A_983 = tpu.memref_slice %arg9[%select_n3A_236, %squeeze3A_428, %dma_start3A_982] : memref<3x40x1024xf32, #tpu.memory_space<vmem>> -> memref<1x1x1024xf32, #tpu.memory_space<vmem>>
        %dma_start3A_984 = tpu.memref_squeeze %dma_start3A_983 : memref<1x1x1024xf32, #tpu.memory_space<vmem>> -> memref<1x1024xf32, #tpu.memory_space<vmem>>
        tpu.enqueue_dma source(%dma_start3A_984 : memref<1x1024xf32, #tpu.memory_space<vmem>>) target(%dma_start3A_981 : memref<1x1024xf32, #tpu.memory_space<hbm>>) target_semaphore(%dma_start3A_979 : memref<!tpu.dma_semaphore, #tpu.memory_space<semaphore_mem>>)
      } else {
      }
      %ge3A_441 = arith.cmpi sge, %add3A_432, %min3A : i32
      %convert_element_type3A_442 = arith.extui %ge3A_441 : i1 to i32
      %cond3A_443 = arith.constant 0 : i32
      %cond3A_444 = arith.cmpi ne, %convert_element_type3A_442, %cond3A_443 : i32
      scf.if %cond3A_444 {
        %dma_start3A_973 = arith.constant 0 : i32
        %dma_start3A_974 = tpu.memref_slice %arg5[%add3A_436, %dma_start3A_973] : memref<16384x1024xf32, #tpu.memory_space<hbm>> -> memref<1x1024xf32, #tpu.memory_space<hbm>>
        %dma_start3A_975 = tpu.memref_slice %arg12[%select_n3A_236] : memref<3x!tpu.dma_semaphore, #tpu.memory_space<semaphore_mem>> -> memref<1x!tpu.dma_semaphore, #tpu.memory_space<semaphore_mem>>
        %dma_start3A_976 = tpu.memref_squeeze %dma_start3A_975 : memref<1x!tpu.dma_semaphore, #tpu.memory_space<semaphore_mem>> -> memref<!tpu.dma_semaphore, #tpu.memory_space<semaphore_mem>>
        %dma_start3A_977 = arith.constant 0 : i32
        %dma_start3A_978 = tpu.memref_slice %arg5[%add3A_436, %dma_start3A_977] : memref<16384x1024xf32, #tpu.memory_space<hbm>> -> memref<1x1024xf32, #tpu.memory_space<hbm>>
        tpu.enqueue_dma source(%arg10 : memref<1x1024xf32, #tpu.memory_space<vmem>>) target(%dma_start3A_978 : memref<1x1024xf32, #tpu.memory_space<hbm>>) target_semaphore(%dma_start3A_976 : memref<!tpu.dma_semaphore, #tpu.memory_space<semaphore_mem>>)
      } else {
      }
      %slice3A_445 = vector.extract_strided_slice %sub3A_390 {offsets = [3], sizes = [1], strides = [1]} : vector<16xi32> to vector<1xi32>
      %squeeze3A_446 = vector.extract %slice3A_445[0] : i32 from vector<1xi32>
      %add3A_447 = arith.constant 0 : i32
      %add3A_448 = arith.addi %mul3A_383, %add3A_447 : i32
      %add3A_449 = arith.constant 3 : i32
      %add3A_450 = arith.addi %add3A_448, %add3A_449 : i32
      %add3A_451 = arith.constant 0 : i32
      %add3A_452 = arith.addi %add3A_384, %add3A_451 : i32
      %add3A_453 = arith.constant 3 : i32
      %add3A_454 = arith.addi %add3A_452, %add3A_453 : i32
      %lt3A_455 = arith.cmpi slt, %add3A_450, %min3A : i32
      %convert_element_type3A_456 = arith.extui %lt3A_455 : i1 to i32
      %cond3A_457 = arith.constant 0 : i32
      %cond3A_458 = arith.cmpi ne, %convert_element_type3A_456, %cond3A_457 : i32
      scf.if %cond3A_458 {
        %dma_start3A_973 = arith.constant 0 : i32
        %dma_start3A_974 = tpu.memref_slice %arg9[%select_n3A_236, %squeeze3A_446, %dma_start3A_973] : memref<3x40x1024xf32, #tpu.memory_space<vmem>> -> memref<1x1x1024xf32, #tpu.memory_space<vmem>>
        %dma_start3A_975 = tpu.memref_squeeze %dma_start3A_974 : memref<1x1x1024xf32, #tpu.memory_space<vmem>> -> memref<1x1024xf32, #tpu.memory_space<vmem>>
        %dma_start3A_976 = arith.constant 0 : i32
        %dma_start3A_977 = tpu.memref_slice %arg5[%add3A_454, %dma_start3A_976] : memref<16384x1024xf32, #tpu.memory_space<hbm>> -> memref<1x1024xf32, #tpu.memory_space<hbm>>
        %dma_start3A_978 = tpu.memref_slice %arg12[%select_n3A_236] : memref<3x!tpu.dma_semaphore, #tpu.memory_space<semaphore_mem>> -> memref<1x!tpu.dma_semaphore, #tpu.memory_space<semaphore_mem>>
        %dma_start3A_979 = tpu.memref_squeeze %dma_start3A_978 : memref<1x!tpu.dma_semaphore, #tpu.memory_space<semaphore_mem>> -> memref<!tpu.dma_semaphore, #tpu.memory_space<semaphore_mem>>
        %dma_start3A_980 = arith.constant 0 : i32
        %dma_start3A_981 = tpu.memref_slice %arg5[%add3A_454, %dma_start3A_980] : memref<16384x1024xf32, #tpu.memory_space<hbm>> -> memref<1x1024xf32, #tpu.memory_space<hbm>>
        %dma_start3A_982 = arith.constant 0 : i32
        %dma_start3A_983 = tpu.memref_slice %arg9[%select_n3A_236, %squeeze3A_446, %dma_start3A_982] : memref<3x40x1024xf32, #tpu.memory_space<vmem>> -> memref<1x1x1024xf32, #tpu.memory_space<vmem>>
        %dma_start3A_984 = tpu.memref_squeeze %dma_start3A_983 : memref<1x1x1024xf32, #tpu.memory_space<vmem>> -> memref<1x1024xf32, #tpu.memory_space<vmem>>
        tpu.enqueue_dma source(%dma_start3A_984 : memref<1x1024xf32, #tpu.memory_space<vmem>>) target(%dma_start3A_981 : memref<1x1024xf32, #tpu.memory_space<hbm>>) target_semaphore(%dma_start3A_979 : memref<!tpu.dma_semaphore, #tpu.memory_space<semaphore_mem>>)
      } else {
      }
      %ge3A_459 = arith.cmpi sge, %add3A_450, %min3A : i32
      %convert_element_type3A_460 = arith.extui %ge3A_459 : i1 to i32
      %cond3A_461 = arith.constant 0 : i32
      %cond3A_462 = arith.cmpi ne, %convert_element_type3A_460, %cond3A_461 : i32
      scf.if %cond3A_462 {
        %dma_start3A_973 = arith.constant 0 : i32
        %dma_start3A_974 = tpu.memref_slice %arg5[%add3A_454, %dma_start3A_973] : memref<16384x1024xf32, #tpu.memory_space<hbm>> -> memref<1x1024xf32, #tpu.memory_space<hbm>>
        %dma_start3A_975 = tpu.memref_slice %arg12[%select_n3A_236] : memref<3x!tpu.dma_semaphore, #tpu.memory_space<semaphore_mem>> -> memref<1x!tpu.dma_semaphore, #tpu.memory_space<semaphore_mem>>
        %dma_start3A_976 = tpu.memref_squeeze %dma_start3A_975 : memref<1x!tpu.dma_semaphore, #tpu.memory_space<semaphore_mem>> -> memref<!tpu.dma_semaphore, #tpu.memory_space<semaphore_mem>>
        %dma_start3A_977 = arith.constant 0 : i32
        %dma_start3A_978 = tpu.memref_slice %arg5[%add3A_454, %dma_start3A_977] : memref<16384x1024xf32, #tpu.memory_space<hbm>> -> memref<1x1024xf32, #tpu.memory_space<hbm>>
        tpu.enqueue_dma source(%arg10 : memref<1x1024xf32, #tpu.memory_space<vmem>>) target(%dma_start3A_978 : memref<1x1024xf32, #tpu.memory_space<hbm>>) target_semaphore(%dma_start3A_976 : memref<!tpu.dma_semaphore, #tpu.memory_space<semaphore_mem>>)
      } else {
      }
      %slice3A_463 = vector.extract_strided_slice %sub3A_390 {offsets = [4], sizes = [1], strides = [1]} : vector<16xi32> to vector<1xi32>
      %squeeze3A_464 = vector.extract %slice3A_463[0] : i32 from vector<1xi32>
      %add3A_465 = arith.constant 0 : i32
      %add3A_466 = arith.addi %mul3A_383, %add3A_465 : i32
      %add3A_467 = arith.constant 4 : i32
      %add3A_468 = arith.addi %add3A_466, %add3A_467 : i32
      %add3A_469 = arith.constant 0 : i32
      %add3A_470 = arith.addi %add3A_384, %add3A_469 : i32
      %add3A_471 = arith.constant 4 : i32
      %add3A_472 = arith.addi %add3A_470, %add3A_471 : i32
      %lt3A_473 = arith.cmpi slt, %add3A_468, %min3A : i32
      %convert_element_type3A_474 = arith.extui %lt3A_473 : i1 to i32
      %cond3A_475 = arith.constant 0 : i32
      %cond3A_476 = arith.cmpi ne, %convert_element_type3A_474, %cond3A_475 : i32
      scf.if %cond3A_476 {
        %dma_start3A_973 = arith.constant 0 : i32
        %dma_start3A_974 = tpu.memref_slice %arg9[%select_n3A_236, %squeeze3A_464, %dma_start3A_973] : memref<3x40x1024xf32, #tpu.memory_space<vmem>> -> memref<1x1x1024xf32, #tpu.memory_space<vmem>>
        %dma_start3A_975 = tpu.memref_squeeze %dma_start3A_974 : memref<1x1x1024xf32, #tpu.memory_space<vmem>> -> memref<1x1024xf32, #tpu.memory_space<vmem>>
        %dma_start3A_976 = arith.constant 0 : i32
        %dma_start3A_977 = tpu.memref_slice %arg5[%add3A_472, %dma_start3A_976] : memref<16384x1024xf32, #tpu.memory_space<hbm>> -> memref<1x1024xf32, #tpu.memory_space<hbm>>
        %dma_start3A_978 = tpu.memref_slice %arg12[%select_n3A_236] : memref<3x!tpu.dma_semaphore, #tpu.memory_space<semaphore_mem>> -> memref<1x!tpu.dma_semaphore, #tpu.memory_space<semaphore_mem>>
        %dma_start3A_979 = tpu.memref_squeeze %dma_start3A_978 : memref<1x!tpu.dma_semaphore, #tpu.memory_space<semaphore_mem>> -> memref<!tpu.dma_semaphore, #tpu.memory_space<semaphore_mem>>
        %dma_start3A_980 = arith.constant 0 : i32
        %dma_start3A_981 = tpu.memref_slice %arg5[%add3A_472, %dma_start3A_980] : memref<16384x1024xf32, #tpu.memory_space<hbm>> -> memref<1x1024xf32, #tpu.memory_space<hbm>>
        %dma_start3A_982 = arith.constant 0 : i32
        %dma_start3A_983 = tpu.memref_slice %arg9[%select_n3A_236, %squeeze3A_464, %dma_start3A_982] : memref<3x40x1024xf32, #tpu.memory_space<vmem>> -> memref<1x1x1024xf32, #tpu.memory_space<vmem>>
        %dma_start3A_984 = tpu.memref_squeeze %dma_start3A_983 : memref<1x1x1024xf32, #tpu.memory_space<vmem>> -> memref<1x1024xf32, #tpu.memory_space<vmem>>
        tpu.enqueue_dma source(%dma_start3A_984 : memref<1x1024xf32, #tpu.memory_space<vmem>>) target(%dma_start3A_981 : memref<1x1024xf32, #tpu.memory_space<hbm>>) target_semaphore(%dma_start3A_979 : memref<!tpu.dma_semaphore, #tpu.memory_space<semaphore_mem>>)
      } else {
      }
      %ge3A_477 = arith.cmpi sge, %add3A_468, %min3A : i32
      %convert_element_type3A_478 = arith.extui %ge3A_477 : i1 to i32
      %cond3A_479 = arith.constant 0 : i32
      %cond3A_480 = arith.cmpi ne, %convert_element_type3A_478, %cond3A_479 : i32
      scf.if %cond3A_480 {
        %dma_start3A_973 = arith.constant 0 : i32
        %dma_start3A_974 = tpu.memref_slice %arg5[%add3A_472, %dma_start3A_973] : memref<16384x1024xf32, #tpu.memory_space<hbm>> -> memref<1x1024xf32, #tpu.memory_space<hbm>>
        %dma_start3A_975 = tpu.memref_slice %arg12[%select_n3A_236] : memref<3x!tpu.dma_semaphore, #tpu.memory_space<semaphore_mem>> -> memref<1x!tpu.dma_semaphore, #tpu.memory_space<semaphore_mem>>
        %dma_start3A_976 = tpu.memref_squeeze %dma_start3A_975 : memref<1x!tpu.dma_semaphore, #tpu.memory_space<semaphore_mem>> -> memref<!tpu.dma_semaphore, #tpu.memory_space<semaphore_mem>>
        %dma_start3A_977 = arith.constant 0 : i32
        %dma_start3A_978 = tpu.memref_slice %arg5[%add3A_472, %dma_start3A_977] : memref<16384x1024xf32, #tpu.memory_space<hbm>> -> memref<1x1024xf32, #tpu.memory_space<hbm>>
        tpu.enqueue_dma source(%arg10 : memref<1x1024xf32, #tpu.memory_space<vmem>>) target(%dma_start3A_978 : memref<1x1024xf32, #tpu.memory_space<hbm>>) target_semaphore(%dma_start3A_976 : memref<!tpu.dma_semaphore, #tpu.memory_space<semaphore_mem>>)
      } else {
      }
      %slice3A_481 = vector.extract_strided_slice %sub3A_390 {offsets = [5], sizes = [1], strides = [1]} : vector<16xi32> to vector<1xi32>
      %squeeze3A_482 = vector.extract %slice3A_481[0] : i32 from vector<1xi32>
      %add3A_483 = arith.constant 0 : i32
      %add3A_484 = arith.addi %mul3A_383, %add3A_483 : i32
      %add3A_485 = arith.constant 5 : i32
      %add3A_486 = arith.addi %add3A_484, %add3A_485 : i32
      %add3A_487 = arith.constant 0 : i32
      %add3A_488 = arith.addi %add3A_384, %add3A_487 : i32
      %add3A_489 = arith.constant 5 : i32
      %add3A_490 = arith.addi %add3A_488, %add3A_489 : i32
      %lt3A_491 = arith.cmpi slt, %add3A_486, %min3A : i32
      %convert_element_type3A_492 = arith.extui %lt3A_491 : i1 to i32
      %cond3A_493 = arith.constant 0 : i32
      %cond3A_494 = arith.cmpi ne, %convert_element_type3A_492, %cond3A_493 : i32
      scf.if %cond3A_494 {
        %dma_start3A_973 = arith.constant 0 : i32
        %dma_start3A_974 = tpu.memref_slice %arg9[%select_n3A_236, %squeeze3A_482, %dma_start3A_973] : memref<3x40x1024xf32, #tpu.memory_space<vmem>> -> memref<1x1x1024xf32, #tpu.memory_space<vmem>>
        %dma_start3A_975 = tpu.memref_squeeze %dma_start3A_974 : memref<1x1x1024xf32, #tpu.memory_space<vmem>> -> memref<1x1024xf32, #tpu.memory_space<vmem>>
        %dma_start3A_976 = arith.constant 0 : i32
        %dma_start3A_977 = tpu.memref_slice %arg5[%add3A_490, %dma_start3A_976] : memref<16384x1024xf32, #tpu.memory_space<hbm>> -> memref<1x1024xf32, #tpu.memory_space<hbm>>
        %dma_start3A_978 = tpu.memref_slice %arg12[%select_n3A_236] : memref<3x!tpu.dma_semaphore, #tpu.memory_space<semaphore_mem>> -> memref<1x!tpu.dma_semaphore, #tpu.memory_space<semaphore_mem>>
        %dma_start3A_979 = tpu.memref_squeeze %dma_start3A_978 : memref<1x!tpu.dma_semaphore, #tpu.memory_space<semaphore_mem>> -> memref<!tpu.dma_semaphore, #tpu.memory_space<semaphore_mem>>
        %dma_start3A_980 = arith.constant 0 : i32
        %dma_start3A_981 = tpu.memref_slice %arg5[%add3A_490, %dma_start3A_980] : memref<16384x1024xf32, #tpu.memory_space<hbm>> -> memref<1x1024xf32, #tpu.memory_space<hbm>>
        %dma_start3A_982 = arith.constant 0 : i32
        %dma_start3A_983 = tpu.memref_slice %arg9[%select_n3A_236, %squeeze3A_482, %dma_start3A_982] : memref<3x40x1024xf32, #tpu.memory_space<vmem>> -> memref<1x1x1024xf32, #tpu.memory_space<vmem>>
        %dma_start3A_984 = tpu.memref_squeeze %dma_start3A_983 : memref<1x1x1024xf32, #tpu.memory_space<vmem>> -> memref<1x1024xf32, #tpu.memory_space<vmem>>
        tpu.enqueue_dma source(%dma_start3A_984 : memref<1x1024xf32, #tpu.memory_space<vmem>>) target(%dma_start3A_981 : memref<1x1024xf32, #tpu.memory_space<hbm>>) target_semaphore(%dma_start3A_979 : memref<!tpu.dma_semaphore, #tpu.memory_space<semaphore_mem>>)
      } else {
      }
      %ge3A_495 = arith.cmpi sge, %add3A_486, %min3A : i32
      %convert_element_type3A_496 = arith.extui %ge3A_495 : i1 to i32
      %cond3A_497 = arith.constant 0 : i32
      %cond3A_498 = arith.cmpi ne, %convert_element_type3A_496, %cond3A_497 : i32
      scf.if %cond3A_498 {
        %dma_start3A_973 = arith.constant 0 : i32
        %dma_start3A_974 = tpu.memref_slice %arg5[%add3A_490, %dma_start3A_973] : memref<16384x1024xf32, #tpu.memory_space<hbm>> -> memref<1x1024xf32, #tpu.memory_space<hbm>>
        %dma_start3A_975 = tpu.memref_slice %arg12[%select_n3A_236] : memref<3x!tpu.dma_semaphore, #tpu.memory_space<semaphore_mem>> -> memref<1x!tpu.dma_semaphore, #tpu.memory_space<semaphore_mem>>
        %dma_start3A_976 = tpu.memref_squeeze %dma_start3A_975 : memref<1x!tpu.dma_semaphore, #tpu.memory_space<semaphore_mem>> -> memref<!tpu.dma_semaphore, #tpu.memory_space<semaphore_mem>>
        %dma_start3A_977 = arith.constant 0 : i32
        %dma_start3A_978 = tpu.memref_slice %arg5[%add3A_490, %dma_start3A_977] : memref<16384x1024xf32, #tpu.memory_space<hbm>> -> memref<1x1024xf32, #tpu.memory_space<hbm>>
        tpu.enqueue_dma source(%arg10 : memref<1x1024xf32, #tpu.memory_space<vmem>>) target(%dma_start3A_978 : memref<1x1024xf32, #tpu.memory_space<hbm>>) target_semaphore(%dma_start3A_976 : memref<!tpu.dma_semaphore, #tpu.memory_space<semaphore_mem>>)
      } else {
      }
      %slice3A_499 = vector.extract_strided_slice %sub3A_390 {offsets = [6], sizes = [1], strides = [1]} : vector<16xi32> to vector<1xi32>
      %squeeze3A_500 = vector.extract %slice3A_499[0] : i32 from vector<1xi32>
      %add3A_501 = arith.constant 0 : i32
      %add3A_502 = arith.addi %mul3A_383, %add3A_501 : i32
      %add3A_503 = arith.constant 6 : i32
      %add3A_504 = arith.addi %add3A_502, %add3A_503 : i32
      %add3A_505 = arith.constant 0 : i32
      %add3A_506 = arith.addi %add3A_384, %add3A_505 : i32
      %add3A_507 = arith.constant 6 : i32
      %add3A_508 = arith.addi %add3A_506, %add3A_507 : i32
      %lt3A_509 = arith.cmpi slt, %add3A_504, %min3A : i32
      %convert_element_type3A_510 = arith.extui %lt3A_509 : i1 to i32
      %cond3A_511 = arith.constant 0 : i32
      %cond3A_512 = arith.cmpi ne, %convert_element_type3A_510, %cond3A_511 : i32
      scf.if %cond3A_512 {
        %dma_start3A_973 = arith.constant 0 : i32
        %dma_start3A_974 = tpu.memref_slice %arg9[%select_n3A_236, %squeeze3A_500, %dma_start3A_973] : memref<3x40x1024xf32, #tpu.memory_space<vmem>> -> memref<1x1x1024xf32, #tpu.memory_space<vmem>>
        %dma_start3A_975 = tpu.memref_squeeze %dma_start3A_974 : memref<1x1x1024xf32, #tpu.memory_space<vmem>> -> memref<1x1024xf32, #tpu.memory_space<vmem>>
        %dma_start3A_976 = arith.constant 0 : i32
        %dma_start3A_977 = tpu.memref_slice %arg5[%add3A_508, %dma_start3A_976] : memref<16384x1024xf32, #tpu.memory_space<hbm>> -> memref<1x1024xf32, #tpu.memory_space<hbm>>
        %dma_start3A_978 = tpu.memref_slice %arg12[%select_n3A_236] : memref<3x!tpu.dma_semaphore, #tpu.memory_space<semaphore_mem>> -> memref<1x!tpu.dma_semaphore, #tpu.memory_space<semaphore_mem>>
        %dma_start3A_979 = tpu.memref_squeeze %dma_start3A_978 : memref<1x!tpu.dma_semaphore, #tpu.memory_space<semaphore_mem>> -> memref<!tpu.dma_semaphore, #tpu.memory_space<semaphore_mem>>
        %dma_start3A_980 = arith.constant 0 : i32
        %dma_start3A_981 = tpu.memref_slice %arg5[%add3A_508, %dma_start3A_980] : memref<16384x1024xf32, #tpu.memory_space<hbm>> -> memref<1x1024xf32, #tpu.memory_space<hbm>>
        %dma_start3A_982 = arith.constant 0 : i32
        %dma_start3A_983 = tpu.memref_slice %arg9[%select_n3A_236, %squeeze3A_500, %dma_start3A_982] : memref<3x40x1024xf32, #tpu.memory_space<vmem>> -> memref<1x1x1024xf32, #tpu.memory_space<vmem>>
        %dma_start3A_984 = tpu.memref_squeeze %dma_start3A_983 : memref<1x1x1024xf32, #tpu.memory_space<vmem>> -> memref<1x1024xf32, #tpu.memory_space<vmem>>
        tpu.enqueue_dma source(%dma_start3A_984 : memref<1x1024xf32, #tpu.memory_space<vmem>>) target(%dma_start3A_981 : memref<1x1024xf32, #tpu.memory_space<hbm>>) target_semaphore(%dma_start3A_979 : memref<!tpu.dma_semaphore, #tpu.memory_space<semaphore_mem>>)
      } else {
      }
      %ge3A_513 = arith.cmpi sge, %add3A_504, %min3A : i32
      %convert_element_type3A_514 = arith.extui %ge3A_513 : i1 to i32
      %cond3A_515 = arith.constant 0 : i32
      %cond3A_516 = arith.cmpi ne, %convert_element_type3A_514, %cond3A_515 : i32
      scf.if %cond3A_516 {
        %dma_start3A_973 = arith.constant 0 : i32
        %dma_start3A_974 = tpu.memref_slice %arg5[%add3A_508, %dma_start3A_973] : memref<16384x1024xf32, #tpu.memory_space<hbm>> -> memref<1x1024xf32, #tpu.memory_space<hbm>>
        %dma_start3A_975 = tpu.memref_slice %arg12[%select_n3A_236] : memref<3x!tpu.dma_semaphore, #tpu.memory_space<semaphore_mem>> -> memref<1x!tpu.dma_semaphore, #tpu.memory_space<semaphore_mem>>
        %dma_start3A_976 = tpu.memref_squeeze %dma_start3A_975 : memref<1x!tpu.dma_semaphore, #tpu.memory_space<semaphore_mem>> -> memref<!tpu.dma_semaphore, #tpu.memory_space<semaphore_mem>>
        %dma_start3A_977 = arith.constant 0 : i32
        %dma_start3A_978 = tpu.memref_slice %arg5[%add3A_508, %dma_start3A_977] : memref<16384x1024xf32, #tpu.memory_space<hbm>> -> memref<1x1024xf32, #tpu.memory_space<hbm>>
        tpu.enqueue_dma source(%arg10 : memref<1x1024xf32, #tpu.memory_space<vmem>>) target(%dma_start3A_978 : memref<1x1024xf32, #tpu.memory_space<hbm>>) target_semaphore(%dma_start3A_976 : memref<!tpu.dma_semaphore, #tpu.memory_space<semaphore_mem>>)
      } else {
      }
      %slice3A_517 = vector.extract_strided_slice %sub3A_390 {offsets = [7], sizes = [1], strides = [1]} : vector<16xi32> to vector<1xi32>
      %squeeze3A_518 = vector.extract %slice3A_517[0] : i32 from vector<1xi32>
      %add3A_519 = arith.constant 0 : i32
      %add3A_520 = arith.addi %mul3A_383, %add3A_519 : i32
      %add3A_521 = arith.constant 7 : i32
      %add3A_522 = arith.addi %add3A_520, %add3A_521 : i32
      %add3A_523 = arith.constant 0 : i32
      %add3A_524 = arith.addi %add3A_384, %add3A_523 : i32
      %add3A_525 = arith.constant 7 : i32
      %add3A_526 = arith.addi %add3A_524, %add3A_525 : i32
      %lt3A_527 = arith.cmpi slt, %add3A_522, %min3A : i32
      %convert_element_type3A_528 = arith.extui %lt3A_527 : i1 to i32
      %cond3A_529 = arith.constant 0 : i32
      %cond3A_530 = arith.cmpi ne, %convert_element_type3A_528, %cond3A_529 : i32
      scf.if %cond3A_530 {
        %dma_start3A_973 = arith.constant 0 : i32
        %dma_start3A_974 = tpu.memref_slice %arg9[%select_n3A_236, %squeeze3A_518, %dma_start3A_973] : memref<3x40x1024xf32, #tpu.memory_space<vmem>> -> memref<1x1x1024xf32, #tpu.memory_space<vmem>>
        %dma_start3A_975 = tpu.memref_squeeze %dma_start3A_974 : memref<1x1x1024xf32, #tpu.memory_space<vmem>> -> memref<1x1024xf32, #tpu.memory_space<vmem>>
        %dma_start3A_976 = arith.constant 0 : i32
        %dma_start3A_977 = tpu.memref_slice %arg5[%add3A_526, %dma_start3A_976] : memref<16384x1024xf32, #tpu.memory_space<hbm>> -> memref<1x1024xf32, #tpu.memory_space<hbm>>
        %dma_start3A_978 = tpu.memref_slice %arg12[%select_n3A_236] : memref<3x!tpu.dma_semaphore, #tpu.memory_space<semaphore_mem>> -> memref<1x!tpu.dma_semaphore, #tpu.memory_space<semaphore_mem>>
        %dma_start3A_979 = tpu.memref_squeeze %dma_start3A_978 : memref<1x!tpu.dma_semaphore, #tpu.memory_space<semaphore_mem>> -> memref<!tpu.dma_semaphore, #tpu.memory_space<semaphore_mem>>
        %dma_start3A_980 = arith.constant 0 : i32
        %dma_start3A_981 = tpu.memref_slice %arg5[%add3A_526, %dma_start3A_980] : memref<16384x1024xf32, #tpu.memory_space<hbm>> -> memref<1x1024xf32, #tpu.memory_space<hbm>>
        %dma_start3A_982 = arith.constant 0 : i32
        %dma_start3A_983 = tpu.memref_slice %arg9[%select_n3A_236, %squeeze3A_518, %dma_start3A_982] : memref<3x40x1024xf32, #tpu.memory_space<vmem>> -> memref<1x1x1024xf32, #tpu.memory_space<vmem>>
        %dma_start3A_984 = tpu.memref_squeeze %dma_start3A_983 : memref<1x1x1024xf32, #tpu.memory_space<vmem>> -> memref<1x1024xf32, #tpu.memory_space<vmem>>
        tpu.enqueue_dma source(%dma_start3A_984 : memref<1x1024xf32, #tpu.memory_space<vmem>>) target(%dma_start3A_981 : memref<1x1024xf32, #tpu.memory_space<hbm>>) target_semaphore(%dma_start3A_979 : memref<!tpu.dma_semaphore, #tpu.memory_space<semaphore_mem>>)
      } else {
      }
      %ge3A_531 = arith.cmpi sge, %add3A_522, %min3A : i32
      %convert_element_type3A_532 = arith.extui %ge3A_531 : i1 to i32
      %cond3A_533 = arith.constant 0 : i32
      %cond3A_534 = arith.cmpi ne, %convert_element_type3A_532, %cond3A_533 : i32
      scf.if %cond3A_534 {
        %dma_start3A_973 = arith.constant 0 : i32
        %dma_start3A_974 = tpu.memref_slice %arg5[%add3A_526, %dma_start3A_973] : memref<16384x1024xf32, #tpu.memory_space<hbm>> -> memref<1x1024xf32, #tpu.memory_space<hbm>>
        %dma_start3A_975 = tpu.memref_slice %arg12[%select_n3A_236] : memref<3x!tpu.dma_semaphore, #tpu.memory_space<semaphore_mem>> -> memref<1x!tpu.dma_semaphore, #tpu.memory_space<semaphore_mem>>
        %dma_start3A_976 = tpu.memref_squeeze %dma_start3A_975 : memref<1x!tpu.dma_semaphore, #tpu.memory_space<semaphore_mem>> -> memref<!tpu.dma_semaphore, #tpu.memory_space<semaphore_mem>>
        %dma_start3A_977 = arith.constant 0 : i32
        %dma_start3A_978 = tpu.memref_slice %arg5[%add3A_526, %dma_start3A_977] : memref<16384x1024xf32, #tpu.memory_space<hbm>> -> memref<1x1024xf32, #tpu.memory_space<hbm>>
        tpu.enqueue_dma source(%arg10 : memref<1x1024xf32, #tpu.memory_space<vmem>>) target(%dma_start3A_978 : memref<1x1024xf32, #tpu.memory_space<hbm>>) target_semaphore(%dma_start3A_976 : memref<!tpu.dma_semaphore, #tpu.memory_space<semaphore_mem>>)
      } else {
      }
      %slice3A_535 = vector.extract_strided_slice %sub3A_390 {offsets = [8], sizes = [1], strides = [1]} : vector<16xi32> to vector<1xi32>
      %squeeze3A_536 = vector.extract %slice3A_535[0] : i32 from vector<1xi32>
      %add3A_537 = arith.constant 0 : i32
      %add3A_538 = arith.addi %mul3A_383, %add3A_537 : i32
      %add3A_539 = arith.constant 8 : i32
      %add3A_540 = arith.addi %add3A_538, %add3A_539 : i32
      %add3A_541 = arith.constant 0 : i32
      %add3A_542 = arith.addi %add3A_384, %add3A_541 : i32
      %add3A_543 = arith.constant 8 : i32
      %add3A_544 = arith.addi %add3A_542, %add3A_543 : i32
      %lt3A_545 = arith.cmpi slt, %add3A_540, %min3A : i32
      %convert_element_type3A_546 = arith.extui %lt3A_545 : i1 to i32
      %cond3A_547 = arith.constant 0 : i32
      %cond3A_548 = arith.cmpi ne, %convert_element_type3A_546, %cond3A_547 : i32
      scf.if %cond3A_548 {
        %dma_start3A_973 = arith.constant 0 : i32
        %dma_start3A_974 = tpu.memref_slice %arg9[%select_n3A_236, %squeeze3A_536, %dma_start3A_973] : memref<3x40x1024xf32, #tpu.memory_space<vmem>> -> memref<1x1x1024xf32, #tpu.memory_space<vmem>>
        %dma_start3A_975 = tpu.memref_squeeze %dma_start3A_974 : memref<1x1x1024xf32, #tpu.memory_space<vmem>> -> memref<1x1024xf32, #tpu.memory_space<vmem>>
        %dma_start3A_976 = arith.constant 0 : i32
        %dma_start3A_977 = tpu.memref_slice %arg5[%add3A_544, %dma_start3A_976] : memref<16384x1024xf32, #tpu.memory_space<hbm>> -> memref<1x1024xf32, #tpu.memory_space<hbm>>
        %dma_start3A_978 = tpu.memref_slice %arg12[%select_n3A_236] : memref<3x!tpu.dma_semaphore, #tpu.memory_space<semaphore_mem>> -> memref<1x!tpu.dma_semaphore, #tpu.memory_space<semaphore_mem>>
        %dma_start3A_979 = tpu.memref_squeeze %dma_start3A_978 : memref<1x!tpu.dma_semaphore, #tpu.memory_space<semaphore_mem>> -> memref<!tpu.dma_semaphore, #tpu.memory_space<semaphore_mem>>
        %dma_start3A_980 = arith.constant 0 : i32
        %dma_start3A_981 = tpu.memref_slice %arg5[%add3A_544, %dma_start3A_980] : memref<16384x1024xf32, #tpu.memory_space<hbm>> -> memref<1x1024xf32, #tpu.memory_space<hbm>>
        %dma_start3A_982 = arith.constant 0 : i32
        %dma_start3A_983 = tpu.memref_slice %arg9[%select_n3A_236, %squeeze3A_536, %dma_start3A_982] : memref<3x40x1024xf32, #tpu.memory_space<vmem>> -> memref<1x1x1024xf32, #tpu.memory_space<vmem>>
        %dma_start3A_984 = tpu.memref_squeeze %dma_start3A_983 : memref<1x1x1024xf32, #tpu.memory_space<vmem>> -> memref<1x1024xf32, #tpu.memory_space<vmem>>
        tpu.enqueue_dma source(%dma_start3A_984 : memref<1x1024xf32, #tpu.memory_space<vmem>>) target(%dma_start3A_981 : memref<1x1024xf32, #tpu.memory_space<hbm>>) target_semaphore(%dma_start3A_979 : memref<!tpu.dma_semaphore, #tpu.memory_space<semaphore_mem>>)
      } else {
      }
      %ge3A_549 = arith.cmpi sge, %add3A_540, %min3A : i32
      %convert_element_type3A_550 = arith.extui %ge3A_549 : i1 to i32
      %cond3A_551 = arith.constant 0 : i32
      %cond3A_552 = arith.cmpi ne, %convert_element_type3A_550, %cond3A_551 : i32
      scf.if %cond3A_552 {
        %dma_start3A_973 = arith.constant 0 : i32
        %dma_start3A_974 = tpu.memref_slice %arg5[%add3A_544, %dma_start3A_973] : memref<16384x1024xf32, #tpu.memory_space<hbm>> -> memref<1x1024xf32, #tpu.memory_space<hbm>>
        %dma_start3A_975 = tpu.memref_slice %arg12[%select_n3A_236] : memref<3x!tpu.dma_semaphore, #tpu.memory_space<semaphore_mem>> -> memref<1x!tpu.dma_semaphore, #tpu.memory_space<semaphore_mem>>
        %dma_start3A_976 = tpu.memref_squeeze %dma_start3A_975 : memref<1x!tpu.dma_semaphore, #tpu.memory_space<semaphore_mem>> -> memref<!tpu.dma_semaphore, #tpu.memory_space<semaphore_mem>>
        %dma_start3A_977 = arith.constant 0 : i32
        %dma_start3A_978 = tpu.memref_slice %arg5[%add3A_544, %dma_start3A_977] : memref<16384x1024xf32, #tpu.memory_space<hbm>> -> memref<1x1024xf32, #tpu.memory_space<hbm>>
        tpu.enqueue_dma source(%arg10 : memref<1x1024xf32, #tpu.memory_space<vmem>>) target(%dma_start3A_978 : memref<1x1024xf32, #tpu.memory_space<hbm>>) target_semaphore(%dma_start3A_976 : memref<!tpu.dma_semaphore, #tpu.memory_space<semaphore_mem>>)
      } else {
      }
      %slice3A_553 = vector.extract_strided_slice %sub3A_390 {offsets = [9], sizes = [1], strides = [1]} : vector<16xi32> to vector<1xi32>
      %squeeze3A_554 = vector.extract %slice3A_553[0] : i32 from vector<1xi32>
      %add3A_555 = arith.constant 0 : i32
      %add3A_556 = arith.addi %mul3A_383, %add3A_555 : i32
      %add3A_557 = arith.constant 9 : i32
      %add3A_558 = arith.addi %add3A_556, %add3A_557 : i32
      %add3A_559 = arith.constant 0 : i32
      %add3A_560 = arith.addi %add3A_384, %add3A_559 : i32
      %add3A_561 = arith.constant 9 : i32
      %add3A_562 = arith.addi %add3A_560, %add3A_561 : i32
      %lt3A_563 = arith.cmpi slt, %add3A_558, %min3A : i32
      %convert_element_type3A_564 = arith.extui %lt3A_563 : i1 to i32
      %cond3A_565 = arith.constant 0 : i32
      %cond3A_566 = arith.cmpi ne, %convert_element_type3A_564, %cond3A_565 : i32
      scf.if %cond3A_566 {
        %dma_start3A_973 = arith.constant 0 : i32
        %dma_start3A_974 = tpu.memref_slice %arg9[%select_n3A_236, %squeeze3A_554, %dma_start3A_973] : memref<3x40x1024xf32, #tpu.memory_space<vmem>> -> memref<1x1x1024xf32, #tpu.memory_space<vmem>>
        %dma_start3A_975 = tpu.memref_squeeze %dma_start3A_974 : memref<1x1x1024xf32, #tpu.memory_space<vmem>> -> memref<1x1024xf32, #tpu.memory_space<vmem>>
        %dma_start3A_976 = arith.constant 0 : i32
        %dma_start3A_977 = tpu.memref_slice %arg5[%add3A_562, %dma_start3A_976] : memref<16384x1024xf32, #tpu.memory_space<hbm>> -> memref<1x1024xf32, #tpu.memory_space<hbm>>
        %dma_start3A_978 = tpu.memref_slice %arg12[%select_n3A_236] : memref<3x!tpu.dma_semaphore, #tpu.memory_space<semaphore_mem>> -> memref<1x!tpu.dma_semaphore, #tpu.memory_space<semaphore_mem>>
        %dma_start3A_979 = tpu.memref_squeeze %dma_start3A_978 : memref<1x!tpu.dma_semaphore, #tpu.memory_space<semaphore_mem>> -> memref<!tpu.dma_semaphore, #tpu.memory_space<semaphore_mem>>
        %dma_start3A_980 = arith.constant 0 : i32
        %dma_start3A_981 = tpu.memref_slice %arg5[%add3A_562, %dma_start3A_980] : memref<16384x1024xf32, #tpu.memory_space<hbm>> -> memref<1x1024xf32, #tpu.memory_space<hbm>>
        %dma_start3A_982 = arith.constant 0 : i32
        %dma_start3A_983 = tpu.memref_slice %arg9[%select_n3A_236, %squeeze3A_554, %dma_start3A_982] : memref<3x40x1024xf32, #tpu.memory_space<vmem>> -> memref<1x1x1024xf32, #tpu.memory_space<vmem>>
        %dma_start3A_984 = tpu.memref_squeeze %dma_start3A_983 : memref<1x1x1024xf32, #tpu.memory_space<vmem>> -> memref<1x1024xf32, #tpu.memory_space<vmem>>
        tpu.enqueue_dma source(%dma_start3A_984 : memref<1x1024xf32, #tpu.memory_space<vmem>>) target(%dma_start3A_981 : memref<1x1024xf32, #tpu.memory_space<hbm>>) target_semaphore(%dma_start3A_979 : memref<!tpu.dma_semaphore, #tpu.memory_space<semaphore_mem>>)
      } else {
      }
      %ge3A_567 = arith.cmpi sge, %add3A_558, %min3A : i32
      %convert_element_type3A_568 = arith.extui %ge3A_567 : i1 to i32
      %cond3A_569 = arith.constant 0 : i32
      %cond3A_570 = arith.cmpi ne, %convert_element_type3A_568, %cond3A_569 : i32
      scf.if %cond3A_570 {
        %dma_start3A_973 = arith.constant 0 : i32
        %dma_start3A_974 = tpu.memref_slice %arg5[%add3A_562, %dma_start3A_973] : memref<16384x1024xf32, #tpu.memory_space<hbm>> -> memref<1x1024xf32, #tpu.memory_space<hbm>>
        %dma_start3A_975 = tpu.memref_slice %arg12[%select_n3A_236] : memref<3x!tpu.dma_semaphore, #tpu.memory_space<semaphore_mem>> -> memref<1x!tpu.dma_semaphore, #tpu.memory_space<semaphore_mem>>
        %dma_start3A_976 = tpu.memref_squeeze %dma_start3A_975 : memref<1x!tpu.dma_semaphore, #tpu.memory_space<semaphore_mem>> -> memref<!tpu.dma_semaphore, #tpu.memory_space<semaphore_mem>>
        %dma_start3A_977 = arith.constant 0 : i32
        %dma_start3A_978 = tpu.memref_slice %arg5[%add3A_562, %dma_start3A_977] : memref<16384x1024xf32, #tpu.memory_space<hbm>> -> memref<1x1024xf32, #tpu.memory_space<hbm>>
        tpu.enqueue_dma source(%arg10 : memref<1x1024xf32, #tpu.memory_space<vmem>>) target(%dma_start3A_978 : memref<1x1024xf32, #tpu.memory_space<hbm>>) target_semaphore(%dma_start3A_976 : memref<!tpu.dma_semaphore, #tpu.memory_space<semaphore_mem>>)
      } else {
      }
      %slice3A_571 = vector.extract_strided_slice %sub3A_390 {offsets = [10], sizes = [1], strides = [1]} : vector<16xi32> to vector<1xi32>
      %squeeze3A_572 = vector.extract %slice3A_571[0] : i32 from vector<1xi32>
      %add3A_573 = arith.constant 0 : i32
      %add3A_574 = arith.addi %mul3A_383, %add3A_573 : i32
      %add3A_575 = arith.constant 10 : i32
      %add3A_576 = arith.addi %add3A_574, %add3A_575 : i32
      %add3A_577 = arith.constant 0 : i32
      %add3A_578 = arith.addi %add3A_384, %add3A_577 : i32
      %add3A_579 = arith.constant 10 : i32
      %add3A_580 = arith.addi %add3A_578, %add3A_579 : i32
      %lt3A_581 = arith.cmpi slt, %add3A_576, %min3A : i32
      %convert_element_type3A_582 = arith.extui %lt3A_581 : i1 to i32
      %cond3A_583 = arith.constant 0 : i32
      %cond3A_584 = arith.cmpi ne, %convert_element_type3A_582, %cond3A_583 : i32
      scf.if %cond3A_584 {
        %dma_start3A_973 = arith.constant 0 : i32
        %dma_start3A_974 = tpu.memref_slice %arg9[%select_n3A_236, %squeeze3A_572, %dma_start3A_973] : memref<3x40x1024xf32, #tpu.memory_space<vmem>> -> memref<1x1x1024xf32, #tpu.memory_space<vmem>>
        %dma_start3A_975 = tpu.memref_squeeze %dma_start3A_974 : memref<1x1x1024xf32, #tpu.memory_space<vmem>> -> memref<1x1024xf32, #tpu.memory_space<vmem>>
        %dma_start3A_976 = arith.constant 0 : i32
        %dma_start3A_977 = tpu.memref_slice %arg5[%add3A_580, %dma_start3A_976] : memref<16384x1024xf32, #tpu.memory_space<hbm>> -> memref<1x1024xf32, #tpu.memory_space<hbm>>
        %dma_start3A_978 = tpu.memref_slice %arg12[%select_n3A_236] : memref<3x!tpu.dma_semaphore, #tpu.memory_space<semaphore_mem>> -> memref<1x!tpu.dma_semaphore, #tpu.memory_space<semaphore_mem>>
        %dma_start3A_979 = tpu.memref_squeeze %dma_start3A_978 : memref<1x!tpu.dma_semaphore, #tpu.memory_space<semaphore_mem>> -> memref<!tpu.dma_semaphore, #tpu.memory_space<semaphore_mem>>
        %dma_start3A_980 = arith.constant 0 : i32
        %dma_start3A_981 = tpu.memref_slice %arg5[%add3A_580, %dma_start3A_980] : memref<16384x1024xf32, #tpu.memory_space<hbm>> -> memref<1x1024xf32, #tpu.memory_space<hbm>>
        %dma_start3A_982 = arith.constant 0 : i32
        %dma_start3A_983 = tpu.memref_slice %arg9[%select_n3A_236, %squeeze3A_572, %dma_start3A_982] : memref<3x40x1024xf32, #tpu.memory_space<vmem>> -> memref<1x1x1024xf32, #tpu.memory_space<vmem>>
        %dma_start3A_984 = tpu.memref_squeeze %dma_start3A_983 : memref<1x1x1024xf32, #tpu.memory_space<vmem>> -> memref<1x1024xf32, #tpu.memory_space<vmem>>
        tpu.enqueue_dma source(%dma_start3A_984 : memref<1x1024xf32, #tpu.memory_space<vmem>>) target(%dma_start3A_981 : memref<1x1024xf32, #tpu.memory_space<hbm>>) target_semaphore(%dma_start3A_979 : memref<!tpu.dma_semaphore, #tpu.memory_space<semaphore_mem>>)
      } else {
      }
      %ge3A_585 = arith.cmpi sge, %add3A_576, %min3A : i32
      %convert_element_type3A_586 = arith.extui %ge3A_585 : i1 to i32
      %cond3A_587 = arith.constant 0 : i32
      %cond3A_588 = arith.cmpi ne, %convert_element_type3A_586, %cond3A_587 : i32
      scf.if %cond3A_588 {
        %dma_start3A_973 = arith.constant 0 : i32
        %dma_start3A_974 = tpu.memref_slice %arg5[%add3A_580, %dma_start3A_973] : memref<16384x1024xf32, #tpu.memory_space<hbm>> -> memref<1x1024xf32, #tpu.memory_space<hbm>>
        %dma_start3A_975 = tpu.memref_slice %arg12[%select_n3A_236] : memref<3x!tpu.dma_semaphore, #tpu.memory_space<semaphore_mem>> -> memref<1x!tpu.dma_semaphore, #tpu.memory_space<semaphore_mem>>
        %dma_start3A_976 = tpu.memref_squeeze %dma_start3A_975 : memref<1x!tpu.dma_semaphore, #tpu.memory_space<semaphore_mem>> -> memref<!tpu.dma_semaphore, #tpu.memory_space<semaphore_mem>>
        %dma_start3A_977 = arith.constant 0 : i32
        %dma_start3A_978 = tpu.memref_slice %arg5[%add3A_580, %dma_start3A_977] : memref<16384x1024xf32, #tpu.memory_space<hbm>> -> memref<1x1024xf32, #tpu.memory_space<hbm>>
        tpu.enqueue_dma source(%arg10 : memref<1x1024xf32, #tpu.memory_space<vmem>>) target(%dma_start3A_978 : memref<1x1024xf32, #tpu.memory_space<hbm>>) target_semaphore(%dma_start3A_976 : memref<!tpu.dma_semaphore, #tpu.memory_space<semaphore_mem>>)
      } else {
      }
      %slice3A_589 = vector.extract_strided_slice %sub3A_390 {offsets = [11], sizes = [1], strides = [1]} : vector<16xi32> to vector<1xi32>
      %squeeze3A_590 = vector.extract %slice3A_589[0] : i32 from vector<1xi32>
      %add3A_591 = arith.constant 0 : i32
      %add3A_592 = arith.addi %mul3A_383, %add3A_591 : i32
      %add3A_593 = arith.constant 11 : i32
      %add3A_594 = arith.addi %add3A_592, %add3A_593 : i32
      %add3A_595 = arith.constant 0 : i32
      %add3A_596 = arith.addi %add3A_384, %add3A_595 : i32
      %add3A_597 = arith.constant 11 : i32
      %add3A_598 = arith.addi %add3A_596, %add3A_597 : i32
      %lt3A_599 = arith.cmpi slt, %add3A_594, %min3A : i32
      %convert_element_type3A_600 = arith.extui %lt3A_599 : i1 to i32
      %cond3A_601 = arith.constant 0 : i32
      %cond3A_602 = arith.cmpi ne, %convert_element_type3A_600, %cond3A_601 : i32
      scf.if %cond3A_602 {
        %dma_start3A_973 = arith.constant 0 : i32
        %dma_start3A_974 = tpu.memref_slice %arg9[%select_n3A_236, %squeeze3A_590, %dma_start3A_973] : memref<3x40x1024xf32, #tpu.memory_space<vmem>> -> memref<1x1x1024xf32, #tpu.memory_space<vmem>>
        %dma_start3A_975 = tpu.memref_squeeze %dma_start3A_974 : memref<1x1x1024xf32, #tpu.memory_space<vmem>> -> memref<1x1024xf32, #tpu.memory_space<vmem>>
        %dma_start3A_976 = arith.constant 0 : i32
        %dma_start3A_977 = tpu.memref_slice %arg5[%add3A_598, %dma_start3A_976] : memref<16384x1024xf32, #tpu.memory_space<hbm>> -> memref<1x1024xf32, #tpu.memory_space<hbm>>
        %dma_start3A_978 = tpu.memref_slice %arg12[%select_n3A_236] : memref<3x!tpu.dma_semaphore, #tpu.memory_space<semaphore_mem>> -> memref<1x!tpu.dma_semaphore, #tpu.memory_space<semaphore_mem>>
        %dma_start3A_979 = tpu.memref_squeeze %dma_start3A_978 : memref<1x!tpu.dma_semaphore, #tpu.memory_space<semaphore_mem>> -> memref<!tpu.dma_semaphore, #tpu.memory_space<semaphore_mem>>
        %dma_start3A_980 = arith.constant 0 : i32
        %dma_start3A_981 = tpu.memref_slice %arg5[%add3A_598, %dma_start3A_980] : memref<16384x1024xf32, #tpu.memory_space<hbm>> -> memref<1x1024xf32, #tpu.memory_space<hbm>>
        %dma_start3A_982 = arith.constant 0 : i32
        %dma_start3A_983 = tpu.memref_slice %arg9[%select_n3A_236, %squeeze3A_590, %dma_start3A_982] : memref<3x40x1024xf32, #tpu.memory_space<vmem>> -> memref<1x1x1024xf32, #tpu.memory_space<vmem>>
        %dma_start3A_984 = tpu.memref_squeeze %dma_start3A_983 : memref<1x1x1024xf32, #tpu.memory_space<vmem>> -> memref<1x1024xf32, #tpu.memory_space<vmem>>
        tpu.enqueue_dma source(%dma_start3A_984 : memref<1x1024xf32, #tpu.memory_space<vmem>>) target(%dma_start3A_981 : memref<1x1024xf32, #tpu.memory_space<hbm>>) target_semaphore(%dma_start3A_979 : memref<!tpu.dma_semaphore, #tpu.memory_space<semaphore_mem>>)
      } else {
      }
      %ge3A_603 = arith.cmpi sge, %add3A_594, %min3A : i32
      %convert_element_type3A_604 = arith.extui %ge3A_603 : i1 to i32
      %cond3A_605 = arith.constant 0 : i32
      %cond3A_606 = arith.cmpi ne, %convert_element_type3A_604, %cond3A_605 : i32
      scf.if %cond3A_606 {
        %dma_start3A_973 = arith.constant 0 : i32
        %dma_start3A_974 = tpu.memref_slice %arg5[%add3A_598, %dma_start3A_973] : memref<16384x1024xf32, #tpu.memory_space<hbm>> -> memref<1x1024xf32, #tpu.memory_space<hbm>>
        %dma_start3A_975 = tpu.memref_slice %arg12[%select_n3A_236] : memref<3x!tpu.dma_semaphore, #tpu.memory_space<semaphore_mem>> -> memref<1x!tpu.dma_semaphore, #tpu.memory_space<semaphore_mem>>
        %dma_start3A_976 = tpu.memref_squeeze %dma_start3A_975 : memref<1x!tpu.dma_semaphore, #tpu.memory_space<semaphore_mem>> -> memref<!tpu.dma_semaphore, #tpu.memory_space<semaphore_mem>>
        %dma_start3A_977 = arith.constant 0 : i32
        %dma_start3A_978 = tpu.memref_slice %arg5[%add3A_598, %dma_start3A_977] : memref<16384x1024xf32, #tpu.memory_space<hbm>> -> memref<1x1024xf32, #tpu.memory_space<hbm>>
        tpu.enqueue_dma source(%arg10 : memref<1x1024xf32, #tpu.memory_space<vmem>>) target(%dma_start3A_978 : memref<1x1024xf32, #tpu.memory_space<hbm>>) target_semaphore(%dma_start3A_976 : memref<!tpu.dma_semaphore, #tpu.memory_space<semaphore_mem>>)
      } else {
      }
      %slice3A_607 = vector.extract_strided_slice %sub3A_390 {offsets = [12], sizes = [1], strides = [1]} : vector<16xi32> to vector<1xi32>
      %squeeze3A_608 = vector.extract %slice3A_607[0] : i32 from vector<1xi32>
      %add3A_609 = arith.constant 0 : i32
      %add3A_610 = arith.addi %mul3A_383, %add3A_609 : i32
      %add3A_611 = arith.constant 12 : i32
      %add3A_612 = arith.addi %add3A_610, %add3A_611 : i32
      %add3A_613 = arith.constant 0 : i32
      %add3A_614 = arith.addi %add3A_384, %add3A_613 : i32
      %add3A_615 = arith.constant 12 : i32
      %add3A_616 = arith.addi %add3A_614, %add3A_615 : i32
      %lt3A_617 = arith.cmpi slt, %add3A_612, %min3A : i32
      %convert_element_type3A_618 = arith.extui %lt3A_617 : i1 to i32
      %cond3A_619 = arith.constant 0 : i32
      %cond3A_620 = arith.cmpi ne, %convert_element_type3A_618, %cond3A_619 : i32
      scf.if %cond3A_620 {
        %dma_start3A_973 = arith.constant 0 : i32
        %dma_start3A_974 = tpu.memref_slice %arg9[%select_n3A_236, %squeeze3A_608, %dma_start3A_973] : memref<3x40x1024xf32, #tpu.memory_space<vmem>> -> memref<1x1x1024xf32, #tpu.memory_space<vmem>>
        %dma_start3A_975 = tpu.memref_squeeze %dma_start3A_974 : memref<1x1x1024xf32, #tpu.memory_space<vmem>> -> memref<1x1024xf32, #tpu.memory_space<vmem>>
        %dma_start3A_976 = arith.constant 0 : i32
        %dma_start3A_977 = tpu.memref_slice %arg5[%add3A_616, %dma_start3A_976] : memref<16384x1024xf32, #tpu.memory_space<hbm>> -> memref<1x1024xf32, #tpu.memory_space<hbm>>
        %dma_start3A_978 = tpu.memref_slice %arg12[%select_n3A_236] : memref<3x!tpu.dma_semaphore, #tpu.memory_space<semaphore_mem>> -> memref<1x!tpu.dma_semaphore, #tpu.memory_space<semaphore_mem>>
        %dma_start3A_979 = tpu.memref_squeeze %dma_start3A_978 : memref<1x!tpu.dma_semaphore, #tpu.memory_space<semaphore_mem>> -> memref<!tpu.dma_semaphore, #tpu.memory_space<semaphore_mem>>
        %dma_start3A_980 = arith.constant 0 : i32
        %dma_start3A_981 = tpu.memref_slice %arg5[%add3A_616, %dma_start3A_980] : memref<16384x1024xf32, #tpu.memory_space<hbm>> -> memref<1x1024xf32, #tpu.memory_space<hbm>>
        %dma_start3A_982 = arith.constant 0 : i32
        %dma_start3A_983 = tpu.memref_slice %arg9[%select_n3A_236, %squeeze3A_608, %dma_start3A_982] : memref<3x40x1024xf32, #tpu.memory_space<vmem>> -> memref<1x1x1024xf32, #tpu.memory_space<vmem>>
        %dma_start3A_984 = tpu.memref_squeeze %dma_start3A_983 : memref<1x1x1024xf32, #tpu.memory_space<vmem>> -> memref<1x1024xf32, #tpu.memory_space<vmem>>
        tpu.enqueue_dma source(%dma_start3A_984 : memref<1x1024xf32, #tpu.memory_space<vmem>>) target(%dma_start3A_981 : memref<1x1024xf32, #tpu.memory_space<hbm>>) target_semaphore(%dma_start3A_979 : memref<!tpu.dma_semaphore, #tpu.memory_space<semaphore_mem>>)
      } else {
      }
      %ge3A_621 = arith.cmpi sge, %add3A_612, %min3A : i32
      %convert_element_type3A_622 = arith.extui %ge3A_621 : i1 to i32
      %cond3A_623 = arith.constant 0 : i32
      %cond3A_624 = arith.cmpi ne, %convert_element_type3A_622, %cond3A_623 : i32
      scf.if %cond3A_624 {
        %dma_start3A_973 = arith.constant 0 : i32
        %dma_start3A_974 = tpu.memref_slice %arg5[%add3A_616, %dma_start3A_973] : memref<16384x1024xf32, #tpu.memory_space<hbm>> -> memref<1x1024xf32, #tpu.memory_space<hbm>>
        %dma_start3A_975 = tpu.memref_slice %arg12[%select_n3A_236] : memref<3x!tpu.dma_semaphore, #tpu.memory_space<semaphore_mem>> -> memref<1x!tpu.dma_semaphore, #tpu.memory_space<semaphore_mem>>
        %dma_start3A_976 = tpu.memref_squeeze %dma_start3A_975 : memref<1x!tpu.dma_semaphore, #tpu.memory_space<semaphore_mem>> -> memref<!tpu.dma_semaphore, #tpu.memory_space<semaphore_mem>>
        %dma_start3A_977 = arith.constant 0 : i32
        %dma_start3A_978 = tpu.memref_slice %arg5[%add3A_616, %dma_start3A_977] : memref<16384x1024xf32, #tpu.memory_space<hbm>> -> memref<1x1024xf32, #tpu.memory_space<hbm>>
        tpu.enqueue_dma source(%arg10 : memref<1x1024xf32, #tpu.memory_space<vmem>>) target(%dma_start3A_978 : memref<1x1024xf32, #tpu.memory_space<hbm>>) target_semaphore(%dma_start3A_976 : memref<!tpu.dma_semaphore, #tpu.memory_space<semaphore_mem>>)
      } else {
      }
      %slice3A_625 = vector.extract_strided_slice %sub3A_390 {offsets = [13], sizes = [1], strides = [1]} : vector<16xi32> to vector<1xi32>
      %squeeze3A_626 = vector.extract %slice3A_625[0] : i32 from vector<1xi32>
      %add3A_627 = arith.constant 0 : i32
      %add3A_628 = arith.addi %mul3A_383, %add3A_627 : i32
      %add3A_629 = arith.constant 13 : i32
      %add3A_630 = arith.addi %add3A_628, %add3A_629 : i32
      %add3A_631 = arith.constant 0 : i32
      %add3A_632 = arith.addi %add3A_384, %add3A_631 : i32
      %add3A_633 = arith.constant 13 : i32
      %add3A_634 = arith.addi %add3A_632, %add3A_633 : i32
      %lt3A_635 = arith.cmpi slt, %add3A_630, %min3A : i32
      %convert_element_type3A_636 = arith.extui %lt3A_635 : i1 to i32
      %cond3A_637 = arith.constant 0 : i32
      %cond3A_638 = arith.cmpi ne, %convert_element_type3A_636, %cond3A_637 : i32
      scf.if %cond3A_638 {
        %dma_start3A_973 = arith.constant 0 : i32
        %dma_start3A_974 = tpu.memref_slice %arg9[%select_n3A_236, %squeeze3A_626, %dma_start3A_973] : memref<3x40x1024xf32, #tpu.memory_space<vmem>> -> memref<1x1x1024xf32, #tpu.memory_space<vmem>>
        %dma_start3A_975 = tpu.memref_squeeze %dma_start3A_974 : memref<1x1x1024xf32, #tpu.memory_space<vmem>> -> memref<1x1024xf32, #tpu.memory_space<vmem>>
        %dma_start3A_976 = arith.constant 0 : i32
        %dma_start3A_977 = tpu.memref_slice %arg5[%add3A_634, %dma_start3A_976] : memref<16384x1024xf32, #tpu.memory_space<hbm>> -> memref<1x1024xf32, #tpu.memory_space<hbm>>
        %dma_start3A_978 = tpu.memref_slice %arg12[%select_n3A_236] : memref<3x!tpu.dma_semaphore, #tpu.memory_space<semaphore_mem>> -> memref<1x!tpu.dma_semaphore, #tpu.memory_space<semaphore_mem>>
        %dma_start3A_979 = tpu.memref_squeeze %dma_start3A_978 : memref<1x!tpu.dma_semaphore, #tpu.memory_space<semaphore_mem>> -> memref<!tpu.dma_semaphore, #tpu.memory_space<semaphore_mem>>
        %dma_start3A_980 = arith.constant 0 : i32
        %dma_start3A_981 = tpu.memref_slice %arg5[%add3A_634, %dma_start3A_980] : memref<16384x1024xf32, #tpu.memory_space<hbm>> -> memref<1x1024xf32, #tpu.memory_space<hbm>>
        %dma_start3A_982 = arith.constant 0 : i32
        %dma_start3A_983 = tpu.memref_slice %arg9[%select_n3A_236, %squeeze3A_626, %dma_start3A_982] : memref<3x40x1024xf32, #tpu.memory_space<vmem>> -> memref<1x1x1024xf32, #tpu.memory_space<vmem>>
        %dma_start3A_984 = tpu.memref_squeeze %dma_start3A_983 : memref<1x1x1024xf32, #tpu.memory_space<vmem>> -> memref<1x1024xf32, #tpu.memory_space<vmem>>
        tpu.enqueue_dma source(%dma_start3A_984 : memref<1x1024xf32, #tpu.memory_space<vmem>>) target(%dma_start3A_981 : memref<1x1024xf32, #tpu.memory_space<hbm>>) target_semaphore(%dma_start3A_979 : memref<!tpu.dma_semaphore, #tpu.memory_space<semaphore_mem>>)
      } else {
      }
      %ge3A_639 = arith.cmpi sge, %add3A_630, %min3A : i32
      %convert_element_type3A_640 = arith.extui %ge3A_639 : i1 to i32
      %cond3A_641 = arith.constant 0 : i32
      %cond3A_642 = arith.cmpi ne, %convert_element_type3A_640, %cond3A_641 : i32
      scf.if %cond3A_642 {
        %dma_start3A_973 = arith.constant 0 : i32
        %dma_start3A_974 = tpu.memref_slice %arg5[%add3A_634, %dma_start3A_973] : memref<16384x1024xf32, #tpu.memory_space<hbm>> -> memref<1x1024xf32, #tpu.memory_space<hbm>>
        %dma_start3A_975 = tpu.memref_slice %arg12[%select_n3A_236] : memref<3x!tpu.dma_semaphore, #tpu.memory_space<semaphore_mem>> -> memref<1x!tpu.dma_semaphore, #tpu.memory_space<semaphore_mem>>
        %dma_start3A_976 = tpu.memref_squeeze %dma_start3A_975 : memref<1x!tpu.dma_semaphore, #tpu.memory_space<semaphore_mem>> -> memref<!tpu.dma_semaphore, #tpu.memory_space<semaphore_mem>>
        %dma_start3A_977 = arith.constant 0 : i32
        %dma_start3A_978 = tpu.memref_slice %arg5[%add3A_634, %dma_start3A_977] : memref<16384x1024xf32, #tpu.memory_space<hbm>> -> memref<1x1024xf32, #tpu.memory_space<hbm>>
        tpu.enqueue_dma source(%arg10 : memref<1x1024xf32, #tpu.memory_space<vmem>>) target(%dma_start3A_978 : memref<1x1024xf32, #tpu.memory_space<hbm>>) target_semaphore(%dma_start3A_976 : memref<!tpu.dma_semaphore, #tpu.memory_space<semaphore_mem>>)
      } else {
      }
      %slice3A_643 = vector.extract_strided_slice %sub3A_390 {offsets = [14], sizes = [1], strides = [1]} : vector<16xi32> to vector<1xi32>
      %squeeze3A_644 = vector.extract %slice3A_643[0] : i32 from vector<1xi32>
      %add3A_645 = arith.constant 0 : i32
      %add3A_646 = arith.addi %mul3A_383, %add3A_645 : i32
      %add3A_647 = arith.constant 14 : i32
      %add3A_648 = arith.addi %add3A_646, %add3A_647 : i32
      %add3A_649 = arith.constant 0 : i32
      %add3A_650 = arith.addi %add3A_384, %add3A_649 : i32
      %add3A_651 = arith.constant 14 : i32
      %add3A_652 = arith.addi %add3A_650, %add3A_651 : i32
      %lt3A_653 = arith.cmpi slt, %add3A_648, %min3A : i32
      %convert_element_type3A_654 = arith.extui %lt3A_653 : i1 to i32
      %cond3A_655 = arith.constant 0 : i32
      %cond3A_656 = arith.cmpi ne, %convert_element_type3A_654, %cond3A_655 : i32
      scf.if %cond3A_656 {
        %dma_start3A_973 = arith.constant 0 : i32
        %dma_start3A_974 = tpu.memref_slice %arg9[%select_n3A_236, %squeeze3A_644, %dma_start3A_973] : memref<3x40x1024xf32, #tpu.memory_space<vmem>> -> memref<1x1x1024xf32, #tpu.memory_space<vmem>>
        %dma_start3A_975 = tpu.memref_squeeze %dma_start3A_974 : memref<1x1x1024xf32, #tpu.memory_space<vmem>> -> memref<1x1024xf32, #tpu.memory_space<vmem>>
        %dma_start3A_976 = arith.constant 0 : i32
        %dma_start3A_977 = tpu.memref_slice %arg5[%add3A_652, %dma_start3A_976] : memref<16384x1024xf32, #tpu.memory_space<hbm>> -> memref<1x1024xf32, #tpu.memory_space<hbm>>
        %dma_start3A_978 = tpu.memref_slice %arg12[%select_n3A_236] : memref<3x!tpu.dma_semaphore, #tpu.memory_space<semaphore_mem>> -> memref<1x!tpu.dma_semaphore, #tpu.memory_space<semaphore_mem>>
        %dma_start3A_979 = tpu.memref_squeeze %dma_start3A_978 : memref<1x!tpu.dma_semaphore, #tpu.memory_space<semaphore_mem>> -> memref<!tpu.dma_semaphore, #tpu.memory_space<semaphore_mem>>
        %dma_start3A_980 = arith.constant 0 : i32
        %dma_start3A_981 = tpu.memref_slice %arg5[%add3A_652, %dma_start3A_980] : memref<16384x1024xf32, #tpu.memory_space<hbm>> -> memref<1x1024xf32, #tpu.memory_space<hbm>>
        %dma_start3A_982 = arith.constant 0 : i32
        %dma_start3A_983 = tpu.memref_slice %arg9[%select_n3A_236, %squeeze3A_644, %dma_start3A_982] : memref<3x40x1024xf32, #tpu.memory_space<vmem>> -> memref<1x1x1024xf32, #tpu.memory_space<vmem>>
        %dma_start3A_984 = tpu.memref_squeeze %dma_start3A_983 : memref<1x1x1024xf32, #tpu.memory_space<vmem>> -> memref<1x1024xf32, #tpu.memory_space<vmem>>
        tpu.enqueue_dma source(%dma_start3A_984 : memref<1x1024xf32, #tpu.memory_space<vmem>>) target(%dma_start3A_981 : memref<1x1024xf32, #tpu.memory_space<hbm>>) target_semaphore(%dma_start3A_979 : memref<!tpu.dma_semaphore, #tpu.memory_space<semaphore_mem>>)
      } else {
      }
      %ge3A_657 = arith.cmpi sge, %add3A_648, %min3A : i32
      %convert_element_type3A_658 = arith.extui %ge3A_657 : i1 to i32
      %cond3A_659 = arith.constant 0 : i32
      %cond3A_660 = arith.cmpi ne, %convert_element_type3A_658, %cond3A_659 : i32
      scf.if %cond3A_660 {
        %dma_start3A_973 = arith.constant 0 : i32
        %dma_start3A_974 = tpu.memref_slice %arg5[%add3A_652, %dma_start3A_973] : memref<16384x1024xf32, #tpu.memory_space<hbm>> -> memref<1x1024xf32, #tpu.memory_space<hbm>>
        %dma_start3A_975 = tpu.memref_slice %arg12[%select_n3A_236] : memref<3x!tpu.dma_semaphore, #tpu.memory_space<semaphore_mem>> -> memref<1x!tpu.dma_semaphore, #tpu.memory_space<semaphore_mem>>
        %dma_start3A_976 = tpu.memref_squeeze %dma_start3A_975 : memref<1x!tpu.dma_semaphore, #tpu.memory_space<semaphore_mem>> -> memref<!tpu.dma_semaphore, #tpu.memory_space<semaphore_mem>>
        %dma_start3A_977 = arith.constant 0 : i32
        %dma_start3A_978 = tpu.memref_slice %arg5[%add3A_652, %dma_start3A_977] : memref<16384x1024xf32, #tpu.memory_space<hbm>> -> memref<1x1024xf32, #tpu.memory_space<hbm>>
        tpu.enqueue_dma source(%arg10 : memref<1x1024xf32, #tpu.memory_space<vmem>>) target(%dma_start3A_978 : memref<1x1024xf32, #tpu.memory_space<hbm>>) target_semaphore(%dma_start3A_976 : memref<!tpu.dma_semaphore, #tpu.memory_space<semaphore_mem>>)
      } else {
      }
      %slice3A_661 = vector.extract_strided_slice %sub3A_390 {offsets = [15], sizes = [1], strides = [1]} : vector<16xi32> to vector<1xi32>
      %squeeze3A_662 = vector.extract %slice3A_661[0] : i32 from vector<1xi32>
      %add3A_663 = arith.constant 0 : i32
      %add3A_664 = arith.addi %mul3A_383, %add3A_663 : i32
      %add3A_665 = arith.constant 15 : i32
      %add3A_666 = arith.addi %add3A_664, %add3A_665 : i32
      %add3A_667 = arith.constant 0 : i32
      %add3A_668 = arith.addi %add3A_384, %add3A_667 : i32
      %add3A_669 = arith.constant 15 : i32
      %add3A_670 = arith.addi %add3A_668, %add3A_669 : i32
      %lt3A_671 = arith.cmpi slt, %add3A_666, %min3A : i32
      %convert_element_type3A_672 = arith.extui %lt3A_671 : i1 to i32
      %cond3A_673 = arith.constant 0 : i32
      %cond3A_674 = arith.cmpi ne, %convert_element_type3A_672, %cond3A_673 : i32
      scf.if %cond3A_674 {
        %dma_start3A_973 = arith.constant 0 : i32
        %dma_start3A_974 = tpu.memref_slice %arg9[%select_n3A_236, %squeeze3A_662, %dma_start3A_973] : memref<3x40x1024xf32, #tpu.memory_space<vmem>> -> memref<1x1x1024xf32, #tpu.memory_space<vmem>>
        %dma_start3A_975 = tpu.memref_squeeze %dma_start3A_974 : memref<1x1x1024xf32, #tpu.memory_space<vmem>> -> memref<1x1024xf32, #tpu.memory_space<vmem>>
        %dma_start3A_976 = arith.constant 0 : i32
        %dma_start3A_977 = tpu.memref_slice %arg5[%add3A_670, %dma_start3A_976] : memref<16384x1024xf32, #tpu.memory_space<hbm>> -> memref<1x1024xf32, #tpu.memory_space<hbm>>
        %dma_start3A_978 = tpu.memref_slice %arg12[%select_n3A_236] : memref<3x!tpu.dma_semaphore, #tpu.memory_space<semaphore_mem>> -> memref<1x!tpu.dma_semaphore, #tpu.memory_space<semaphore_mem>>
        %dma_start3A_979 = tpu.memref_squeeze %dma_start3A_978 : memref<1x!tpu.dma_semaphore, #tpu.memory_space<semaphore_mem>> -> memref<!tpu.dma_semaphore, #tpu.memory_space<semaphore_mem>>
        %dma_start3A_980 = arith.constant 0 : i32
        %dma_start3A_981 = tpu.memref_slice %arg5[%add3A_670, %dma_start3A_980] : memref<16384x1024xf32, #tpu.memory_space<hbm>> -> memref<1x1024xf32, #tpu.memory_space<hbm>>
        %dma_start3A_982 = arith.constant 0 : i32
        %dma_start3A_983 = tpu.memref_slice %arg9[%select_n3A_236, %squeeze3A_662, %dma_start3A_982] : memref<3x40x1024xf32, #tpu.memory_space<vmem>> -> memref<1x1x1024xf32, #tpu.memory_space<vmem>>
        %dma_start3A_984 = tpu.memref_squeeze %dma_start3A_983 : memref<1x1x1024xf32, #tpu.memory_space<vmem>> -> memref<1x1024xf32, #tpu.memory_space<vmem>>
        tpu.enqueue_dma source(%dma_start3A_984 : memref<1x1024xf32, #tpu.memory_space<vmem>>) target(%dma_start3A_981 : memref<1x1024xf32, #tpu.memory_space<hbm>>) target_semaphore(%dma_start3A_979 : memref<!tpu.dma_semaphore, #tpu.memory_space<semaphore_mem>>)
      } else {
      }
      %ge3A_675 = arith.cmpi sge, %add3A_666, %min3A : i32
      %convert_element_type3A_676 = arith.extui %ge3A_675 : i1 to i32
      %cond3A_677 = arith.constant 0 : i32
      %cond3A_678 = arith.cmpi ne, %convert_element_type3A_676, %cond3A_677 : i32
      scf.if %cond3A_678 {
        %dma_start3A_973 = arith.constant 0 : i32
        %dma_start3A_974 = tpu.memref_slice %arg5[%add3A_670, %dma_start3A_973] : memref<16384x1024xf32, #tpu.memory_space<hbm>> -> memref<1x1024xf32, #tpu.memory_space<hbm>>
        %dma_start3A_975 = tpu.memref_slice %arg12[%select_n3A_236] : memref<3x!tpu.dma_semaphore, #tpu.memory_space<semaphore_mem>> -> memref<1x!tpu.dma_semaphore, #tpu.memory_space<semaphore_mem>>
        %dma_start3A_976 = tpu.memref_squeeze %dma_start3A_975 : memref<1x!tpu.dma_semaphore, #tpu.memory_space<semaphore_mem>> -> memref<!tpu.dma_semaphore, #tpu.memory_space<semaphore_mem>>
        %dma_start3A_977 = arith.constant 0 : i32
        %dma_start3A_978 = tpu.memref_slice %arg5[%add3A_670, %dma_start3A_977] : memref<16384x1024xf32, #tpu.memory_space<hbm>> -> memref<1x1024xf32, #tpu.memory_space<hbm>>
        tpu.enqueue_dma source(%arg10 : memref<1x1024xf32, #tpu.memory_space<vmem>>) target(%dma_start3A_978 : memref<1x1024xf32, #tpu.memory_space<hbm>>) target_semaphore(%dma_start3A_976 : memref<!tpu.dma_semaphore, #tpu.memory_space<semaphore_mem>>)
      } else {
      }
      %add3A_679 = arith.constant 16 : i32
      %add3A_680 = arith.addi %mul3A_383, %add3A_679 : i32
      %get3A_681 = arith.index_cast %add3A_680 : i32 to index
      %get3A_682 = tpu.vector_load %arg8[%get3A_681] {strides = array<i32>} : memref<2048xi32, #tpu.memory_space<vmem>>, vector<16xi32>,
      %sub3A_683 = vector.broadcast %scan3A_221 : i32 to vector<16xi32>
      %sub3A_684 = arith.subi %get3A_682, %sub3A_683 : vector<16xi32>
      %slice3A_685 = vector.extract_strided_slice %sub3A_684 {offsets = [0], sizes = [1], strides = [1]} : vector<16xi32> to vector<1xi32>
      %squeeze3A_686 = vector.extract %slice3A_685[0] : i32 from vector<1xi32>
      %add3A_687 = arith.constant 16 : i32
      %add3A_688 = arith.addi %mul3A_383, %add3A_687 : i32
      %add3A_689 = arith.constant 0 : i32
      %add3A_690 = arith.addi %add3A_688, %add3A_689 : i32
      %add3A_691 = arith.constant 16 : i32
      %add3A_692 = arith.addi %add3A_384, %add3A_691 : i32
      %add3A_693 = arith.constant 0 : i32
      %add3A_694 = arith.addi %add3A_692, %add3A_693 : i32
      %lt3A_695 = arith.cmpi slt, %add3A_690, %min3A : i32
      %convert_element_type3A_696 = arith.extui %lt3A_695 : i1 to i32
      %cond3A_697 = arith.constant 0 : i32
      %cond3A_698 = arith.cmpi ne, %convert_element_type3A_696, %cond3A_697 : i32
      scf.if %cond3A_698 {
        %dma_start3A_973 = arith.constant 0 : i32
        %dma_start3A_974 = tpu.memref_slice %arg9[%select_n3A_236, %squeeze3A_686, %dma_start3A_973] : memref<3x40x1024xf32, #tpu.memory_space<vmem>> -> memref<1x1x1024xf32, #tpu.memory_space<vmem>>
        %dma_start3A_975 = tpu.memref_squeeze %dma_start3A_974 : memref<1x1x1024xf32, #tpu.memory_space<vmem>> -> memref<1x1024xf32, #tpu.memory_space<vmem>>
        %dma_start3A_976 = arith.constant 0 : i32
        %dma_start3A_977 = tpu.memref_slice %arg5[%add3A_694, %dma_start3A_976] : memref<16384x1024xf32, #tpu.memory_space<hbm>> -> memref<1x1024xf32, #tpu.memory_space<hbm>>
        %dma_start3A_978 = tpu.memref_slice %arg12[%select_n3A_236] : memref<3x!tpu.dma_semaphore, #tpu.memory_space<semaphore_mem>> -> memref<1x!tpu.dma_semaphore, #tpu.memory_space<semaphore_mem>>
        %dma_start3A_979 = tpu.memref_squeeze %dma_start3A_978 : memref<1x!tpu.dma_semaphore, #tpu.memory_space<semaphore_mem>> -> memref<!tpu.dma_semaphore, #tpu.memory_space<semaphore_mem>>
        %dma_start3A_980 = arith.constant 0 : i32
        %dma_start3A_981 = tpu.memref_slice %arg5[%add3A_694, %dma_start3A_980] : memref<16384x1024xf32, #tpu.memory_space<hbm>> -> memref<1x1024xf32, #tpu.memory_space<hbm>>
        %dma_start3A_982 = arith.constant 0 : i32
        %dma_start3A_983 = tpu.memref_slice %arg9[%select_n3A_236, %squeeze3A_686, %dma_start3A_982] : memref<3x40x1024xf32, #tpu.memory_space<vmem>> -> memref<1x1x1024xf32, #tpu.memory_space<vmem>>
        %dma_start3A_984 = tpu.memref_squeeze %dma_start3A_983 : memref<1x1x1024xf32, #tpu.memory_space<vmem>> -> memref<1x1024xf32, #tpu.memory_space<vmem>>
        tpu.enqueue_dma source(%dma_start3A_984 : memref<1x1024xf32, #tpu.memory_space<vmem>>) target(%dma_start3A_981 : memref<1x1024xf32, #tpu.memory_space<hbm>>) target_semaphore(%dma_start3A_979 : memref<!tpu.dma_semaphore, #tpu.memory_space<semaphore_mem>>)
      } else {
      }
      %ge3A_699 = arith.cmpi sge, %add3A_690, %min3A : i32
      %convert_element_type3A_700 = arith.extui %ge3A_699 : i1 to i32
      %cond3A_701 = arith.constant 0 : i32
      %cond3A_702 = arith.cmpi ne, %convert_element_type3A_700, %cond3A_701 : i32
      scf.if %cond3A_702 {
        %dma_start3A_973 = arith.constant 0 : i32
        %dma_start3A_974 = tpu.memref_slice %arg5[%add3A_694, %dma_start3A_973] : memref<16384x1024xf32, #tpu.memory_space<hbm>> -> memref<1x1024xf32, #tpu.memory_space<hbm>>
        %dma_start3A_975 = tpu.memref_slice %arg12[%select_n3A_236] : memref<3x!tpu.dma_semaphore, #tpu.memory_space<semaphore_mem>> -> memref<1x!tpu.dma_semaphore, #tpu.memory_space<semaphore_mem>>
        %dma_start3A_976 = tpu.memref_squeeze %dma_start3A_975 : memref<1x!tpu.dma_semaphore, #tpu.memory_space<semaphore_mem>> -> memref<!tpu.dma_semaphore, #tpu.memory_space<semaphore_mem>>
        %dma_start3A_977 = arith.constant 0 : i32
        %dma_start3A_978 = tpu.memref_slice %arg5[%add3A_694, %dma_start3A_977] : memref<16384x1024xf32, #tpu.memory_space<hbm>> -> memref<1x1024xf32, #tpu.memory_space<hbm>>
        tpu.enqueue_dma source(%arg10 : memref<1x1024xf32, #tpu.memory_space<vmem>>) target(%dma_start3A_978 : memref<1x1024xf32, #tpu.memory_space<hbm>>) target_semaphore(%dma_start3A_976 : memref<!tpu.dma_semaphore, #tpu.memory_space<semaphore_mem>>)
      } else {
      }
      %slice3A_703 = vector.extract_strided_slice %sub3A_684 {offsets = [1], sizes = [1], strides = [1]} : vector<16xi32> to vector<1xi32>
      %squeeze3A_704 = vector.extract %slice3A_703[0] : i32 from vector<1xi32>
      %add3A_705 = arith.constant 16 : i32
      %add3A_706 = arith.addi %mul3A_383, %add3A_705 : i32
      %add3A_707 = arith.constant 1 : i32
      %add3A_708 = arith.addi %add3A_706, %add3A_707 : i32
      %add3A_709 = arith.constant 16 : i32
      %add3A_710 = arith.addi %add3A_384, %add3A_709 : i32
      %add3A_711 = arith.constant 1 : i32
      %add3A_712 = arith.addi %add3A_710, %add3A_711 : i32
      %lt3A_713 = arith.cmpi slt, %add3A_708, %min3A : i32
      %convert_element_type3A_714 = arith.extui %lt3A_713 : i1 to i32
      %cond3A_715 = arith.constant 0 : i32
      %cond3A_716 = arith.cmpi ne, %convert_element_type3A_714, %cond3A_715 : i32
      scf.if %cond3A_716 {
        %dma_start3A_973 = arith.constant 0 : i32
        %dma_start3A_974 = tpu.memref_slice %arg9[%select_n3A_236, %squeeze3A_704, %dma_start3A_973] : memref<3x40x1024xf32, #tpu.memory_space<vmem>> -> memref<1x1x1024xf32, #tpu.memory_space<vmem>>
        %dma_start3A_975 = tpu.memref_squeeze %dma_start3A_974 : memref<1x1x1024xf32, #tpu.memory_space<vmem>> -> memref<1x1024xf32, #tpu.memory_space<vmem>>
        %dma_start3A_976 = arith.constant 0 : i32
        %dma_start3A_977 = tpu.memref_slice %arg5[%add3A_712, %dma_start3A_976] : memref<16384x1024xf32, #tpu.memory_space<hbm>> -> memref<1x1024xf32, #tpu.memory_space<hbm>>
        %dma_start3A_978 = tpu.memref_slice %arg12[%select_n3A_236] : memref<3x!tpu.dma_semaphore, #tpu.memory_space<semaphore_mem>> -> memref<1x!tpu.dma_semaphore, #tpu.memory_space<semaphore_mem>>
        %dma_start3A_979 = tpu.memref_squeeze %dma_start3A_978 : memref<1x!tpu.dma_semaphore, #tpu.memory_space<semaphore_mem>> -> memref<!tpu.dma_semaphore, #tpu.memory_space<semaphore_mem>>
        %dma_start3A_980 = arith.constant 0 : i32
        %dma_start3A_981 = tpu.memref_slice %arg5[%add3A_712, %dma_start3A_980] : memref<16384x1024xf32, #tpu.memory_space<hbm>> -> memref<1x1024xf32, #tpu.memory_space<hbm>>
        %dma_start3A_982 = arith.constant 0 : i32
        %dma_start3A_983 = tpu.memref_slice %arg9[%select_n3A_236, %squeeze3A_704, %dma_start3A_982] : memref<3x40x1024xf32, #tpu.memory_space<vmem>> -> memref<1x1x1024xf32, #tpu.memory_space<vmem>>
        %dma_start3A_984 = tpu.memref_squeeze %dma_start3A_983 : memref<1x1x1024xf32, #tpu.memory_space<vmem>> -> memref<1x1024xf32, #tpu.memory_space<vmem>>
        tpu.enqueue_dma source(%dma_start3A_984 : memref<1x1024xf32, #tpu.memory_space<vmem>>) target(%dma_start3A_981 : memref<1x1024xf32, #tpu.memory_space<hbm>>) target_semaphore(%dma_start3A_979 : memref<!tpu.dma_semaphore, #tpu.memory_space<semaphore_mem>>)
      } else {
      }
      %ge3A_717 = arith.cmpi sge, %add3A_708, %min3A : i32
      %convert_element_type3A_718 = arith.extui %ge3A_717 : i1 to i32
      %cond3A_719 = arith.constant 0 : i32
      %cond3A_720 = arith.cmpi ne, %convert_element_type3A_718, %cond3A_719 : i32
      scf.if %cond3A_720 {
        %dma_start3A_973 = arith.constant 0 : i32
        %dma_start3A_974 = tpu.memref_slice %arg5[%add3A_712, %dma_start3A_973] : memref<16384x1024xf32, #tpu.memory_space<hbm>> -> memref<1x1024xf32, #tpu.memory_space<hbm>>
        %dma_start3A_975 = tpu.memref_slice %arg12[%select_n3A_236] : memref<3x!tpu.dma_semaphore, #tpu.memory_space<semaphore_mem>> -> memref<1x!tpu.dma_semaphore, #tpu.memory_space<semaphore_mem>>
        %dma_start3A_976 = tpu.memref_squeeze %dma_start3A_975 : memref<1x!tpu.dma_semaphore, #tpu.memory_space<semaphore_mem>> -> memref<!tpu.dma_semaphore, #tpu.memory_space<semaphore_mem>>
        %dma_start3A_977 = arith.constant 0 : i32
        %dma_start3A_978 = tpu.memref_slice %arg5[%add3A_712, %dma_start3A_977] : memref<16384x1024xf32, #tpu.memory_space<hbm>> -> memref<1x1024xf32, #tpu.memory_space<hbm>>
        tpu.enqueue_dma source(%arg10 : memref<1x1024xf32, #tpu.memory_space<vmem>>) target(%dma_start3A_978 : memref<1x1024xf32, #tpu.memory_space<hbm>>) target_semaphore(%dma_start3A_976 : memref<!tpu.dma_semaphore, #tpu.memory_space<semaphore_mem>>)
      } else {
      }
      %slice3A_721 = vector.extract_strided_slice %sub3A_684 {offsets = [2], sizes = [1], strides = [1]} : vector<16xi32> to vector<1xi32>
      %squeeze3A_722 = vector.extract %slice3A_721[0] : i32 from vector<1xi32>
      %add3A_723 = arith.constant 16 : i32
      %add3A_724 = arith.addi %mul3A_383, %add3A_723 : i32
      %add3A_725 = arith.constant 2 : i32
      %add3A_726 = arith.addi %add3A_724, %add3A_725 : i32
      %add3A_727 = arith.constant 16 : i32
      %add3A_728 = arith.addi %add3A_384, %add3A_727 : i32
      %add3A_729 = arith.constant 2 : i32
      %add3A_730 = arith.addi %add3A_728, %add3A_729 : i32
      %lt3A_731 = arith.cmpi slt, %add3A_726, %min3A : i32
      %convert_element_type3A_732 = arith.extui %lt3A_731 : i1 to i32
      %cond3A_733 = arith.constant 0 : i32
      %cond3A_734 = arith.cmpi ne, %convert_element_type3A_732, %cond3A_733 : i32
      scf.if %cond3A_734 {
        %dma_start3A_973 = arith.constant 0 : i32
        %dma_start3A_974 = tpu.memref_slice %arg9[%select_n3A_236, %squeeze3A_722, %dma_start3A_973] : memref<3x40x1024xf32, #tpu.memory_space<vmem>> -> memref<1x1x1024xf32, #tpu.memory_space<vmem>>
        %dma_start3A_975 = tpu.memref_squeeze %dma_start3A_974 : memref<1x1x1024xf32, #tpu.memory_space<vmem>> -> memref<1x1024xf32, #tpu.memory_space<vmem>>
        %dma_start3A_976 = arith.constant 0 : i32
        %dma_start3A_977 = tpu.memref_slice %arg5[%add3A_730, %dma_start3A_976] : memref<16384x1024xf32, #tpu.memory_space<hbm>> -> memref<1x1024xf32, #tpu.memory_space<hbm>>
        %dma_start3A_978 = tpu.memref_slice %arg12[%select_n3A_236] : memref<3x!tpu.dma_semaphore, #tpu.memory_space<semaphore_mem>> -> memref<1x!tpu.dma_semaphore, #tpu.memory_space<semaphore_mem>>
        %dma_start3A_979 = tpu.memref_squeeze %dma_start3A_978 : memref<1x!tpu.dma_semaphore, #tpu.memory_space<semaphore_mem>> -> memref<!tpu.dma_semaphore, #tpu.memory_space<semaphore_mem>>
        %dma_start3A_980 = arith.constant 0 : i32
        %dma_start3A_981 = tpu.memref_slice %arg5[%add3A_730, %dma_start3A_980] : memref<16384x1024xf32, #tpu.memory_space<hbm>> -> memref<1x1024xf32, #tpu.memory_space<hbm>>
        %dma_start3A_982 = arith.constant 0 : i32
        %dma_start3A_983 = tpu.memref_slice %arg9[%select_n3A_236, %squeeze3A_722, %dma_start3A_982] : memref<3x40x1024xf32, #tpu.memory_space<vmem>> -> memref<1x1x1024xf32, #tpu.memory_space<vmem>>
        %dma_start3A_984 = tpu.memref_squeeze %dma_start3A_983 : memref<1x1x1024xf32, #tpu.memory_space<vmem>> -> memref<1x1024xf32, #tpu.memory_space<vmem>>
        tpu.enqueue_dma source(%dma_start3A_984 : memref<1x1024xf32, #tpu.memory_space<vmem>>) target(%dma_start3A_981 : memref<1x1024xf32, #tpu.memory_space<hbm>>) target_semaphore(%dma_start3A_979 : memref<!tpu.dma_semaphore, #tpu.memory_space<semaphore_mem>>)
      } else {
      }
      %ge3A_735 = arith.cmpi sge, %add3A_726, %min3A : i32
      %convert_element_type3A_736 = arith.extui %ge3A_735 : i1 to i32
      %cond3A_737 = arith.constant 0 : i32
      %cond3A_738 = arith.cmpi ne, %convert_element_type3A_736, %cond3A_737 : i32
      scf.if %cond3A_738 {
        %dma_start3A_973 = arith.constant 0 : i32
        %dma_start3A_974 = tpu.memref_slice %arg5[%add3A_730, %dma_start3A_973] : memref<16384x1024xf32, #tpu.memory_space<hbm>> -> memref<1x1024xf32, #tpu.memory_space<hbm>>
        %dma_start3A_975 = tpu.memref_slice %arg12[%select_n3A_236] : memref<3x!tpu.dma_semaphore, #tpu.memory_space<semaphore_mem>> -> memref<1x!tpu.dma_semaphore, #tpu.memory_space<semaphore_mem>>
        %dma_start3A_976 = tpu.memref_squeeze %dma_start3A_975 : memref<1x!tpu.dma_semaphore, #tpu.memory_space<semaphore_mem>> -> memref<!tpu.dma_semaphore, #tpu.memory_space<semaphore_mem>>
        %dma_start3A_977 = arith.constant 0 : i32
        %dma_start3A_978 = tpu.memref_slice %arg5[%add3A_730, %dma_start3A_977] : memref<16384x1024xf32, #tpu.memory_space<hbm>> -> memref<1x1024xf32, #tpu.memory_space<hbm>>
        tpu.enqueue_dma source(%arg10 : memref<1x1024xf32, #tpu.memory_space<vmem>>) target(%dma_start3A_978 : memref<1x1024xf32, #tpu.memory_space<hbm>>) target_semaphore(%dma_start3A_976 : memref<!tpu.dma_semaphore, #tpu.memory_space<semaphore_mem>>)
      } else {
      }
      %slice3A_739 = vector.extract_strided_slice %sub3A_684 {offsets = [3], sizes = [1], strides = [1]} : vector<16xi32> to vector<1xi32>
      %squeeze3A_740 = vector.extract %slice3A_739[0] : i32 from vector<1xi32>
      %add3A_741 = arith.constant 16 : i32
      %add3A_742 = arith.addi %mul3A_383, %add3A_741 : i32
      %add3A_743 = arith.constant 3 : i32
      %add3A_744 = arith.addi %add3A_742, %add3A_743 : i32
      %add3A_745 = arith.constant 16 : i32
      %add3A_746 = arith.addi %add3A_384, %add3A_745 : i32
      %add3A_747 = arith.constant 3 : i32
      %add3A_748 = arith.addi %add3A_746, %add3A_747 : i32
      %lt3A_749 = arith.cmpi slt, %add3A_744, %min3A : i32
      %convert_element_type3A_750 = arith.extui %lt3A_749 : i1 to i32
      %cond3A_751 = arith.constant 0 : i32
      %cond3A_752 = arith.cmpi ne, %convert_element_type3A_750, %cond3A_751 : i32
      scf.if %cond3A_752 {
        %dma_start3A_973 = arith.constant 0 : i32
        %dma_start3A_974 = tpu.memref_slice %arg9[%select_n3A_236, %squeeze3A_740, %dma_start3A_973] : memref<3x40x1024xf32, #tpu.memory_space<vmem>> -> memref<1x1x1024xf32, #tpu.memory_space<vmem>>
        %dma_start3A_975 = tpu.memref_squeeze %dma_start3A_974 : memref<1x1x1024xf32, #tpu.memory_space<vmem>> -> memref<1x1024xf32, #tpu.memory_space<vmem>>
        %dma_start3A_976 = arith.constant 0 : i32
        %dma_start3A_977 = tpu.memref_slice %arg5[%add3A_748, %dma_start3A_976] : memref<16384x1024xf32, #tpu.memory_space<hbm>> -> memref<1x1024xf32, #tpu.memory_space<hbm>>
        %dma_start3A_978 = tpu.memref_slice %arg12[%select_n3A_236] : memref<3x!tpu.dma_semaphore, #tpu.memory_space<semaphore_mem>> -> memref<1x!tpu.dma_semaphore, #tpu.memory_space<semaphore_mem>>
        %dma_start3A_979 = tpu.memref_squeeze %dma_start3A_978 : memref<1x!tpu.dma_semaphore, #tpu.memory_space<semaphore_mem>> -> memref<!tpu.dma_semaphore, #tpu.memory_space<semaphore_mem>>
        %dma_start3A_980 = arith.constant 0 : i32
        %dma_start3A_981 = tpu.memref_slice %arg5[%add3A_748, %dma_start3A_980] : memref<16384x1024xf32, #tpu.memory_space<hbm>> -> memref<1x1024xf32, #tpu.memory_space<hbm>>
        %dma_start3A_982 = arith.constant 0 : i32
        %dma_start3A_983 = tpu.memref_slice %arg9[%select_n3A_236, %squeeze3A_740, %dma_start3A_982] : memref<3x40x1024xf32, #tpu.memory_space<vmem>> -> memref<1x1x1024xf32, #tpu.memory_space<vmem>>
        %dma_start3A_984 = tpu.memref_squeeze %dma_start3A_983 : memref<1x1x1024xf32, #tpu.memory_space<vmem>> -> memref<1x1024xf32, #tpu.memory_space<vmem>>
        tpu.enqueue_dma source(%dma_start3A_984 : memref<1x1024xf32, #tpu.memory_space<vmem>>) target(%dma_start3A_981 : memref<1x1024xf32, #tpu.memory_space<hbm>>) target_semaphore(%dma_start3A_979 : memref<!tpu.dma_semaphore, #tpu.memory_space<semaphore_mem>>)
      } else {
      }
      %ge3A_753 = arith.cmpi sge, %add3A_744, %min3A : i32
      %convert_element_type3A_754 = arith.extui %ge3A_753 : i1 to i32
      %cond3A_755 = arith.constant 0 : i32
      %cond3A_756 = arith.cmpi ne, %convert_element_type3A_754, %cond3A_755 : i32
      scf.if %cond3A_756 {
        %dma_start3A_973 = arith.constant 0 : i32
        %dma_start3A_974 = tpu.memref_slice %arg5[%add3A_748, %dma_start3A_973] : memref<16384x1024xf32, #tpu.memory_space<hbm>> -> memref<1x1024xf32, #tpu.memory_space<hbm>>
        %dma_start3A_975 = tpu.memref_slice %arg12[%select_n3A_236] : memref<3x!tpu.dma_semaphore, #tpu.memory_space<semaphore_mem>> -> memref<1x!tpu.dma_semaphore, #tpu.memory_space<semaphore_mem>>
        %dma_start3A_976 = tpu.memref_squeeze %dma_start3A_975 : memref<1x!tpu.dma_semaphore, #tpu.memory_space<semaphore_mem>> -> memref<!tpu.dma_semaphore, #tpu.memory_space<semaphore_mem>>
        %dma_start3A_977 = arith.constant 0 : i32
        %dma_start3A_978 = tpu.memref_slice %arg5[%add3A_748, %dma_start3A_977] : memref<16384x1024xf32, #tpu.memory_space<hbm>> -> memref<1x1024xf32, #tpu.memory_space<hbm>>
        tpu.enqueue_dma source(%arg10 : memref<1x1024xf32, #tpu.memory_space<vmem>>) target(%dma_start3A_978 : memref<1x1024xf32, #tpu.memory_space<hbm>>) target_semaphore(%dma_start3A_976 : memref<!tpu.dma_semaphore, #tpu.memory_space<semaphore_mem>>)
      } else {
      }
      %slice3A_757 = vector.extract_strided_slice %sub3A_684 {offsets = [4], sizes = [1], strides = [1]} : vector<16xi32> to vector<1xi32>
      %squeeze3A_758 = vector.extract %slice3A_757[0] : i32 from vector<1xi32>
      %add3A_759 = arith.constant 16 : i32
      %add3A_760 = arith.addi %mul3A_383, %add3A_759 : i32
      %add3A_761 = arith.constant 4 : i32
      %add3A_762 = arith.addi %add3A_760, %add3A_761 : i32
      %add3A_763 = arith.constant 16 : i32
      %add3A_764 = arith.addi %add3A_384, %add3A_763 : i32
      %add3A_765 = arith.constant 4 : i32
      %add3A_766 = arith.addi %add3A_764, %add3A_765 : i32
      %lt3A_767 = arith.cmpi slt, %add3A_762, %min3A : i32
      %convert_element_type3A_768 = arith.extui %lt3A_767 : i1 to i32
      %cond3A_769 = arith.constant 0 : i32
      %cond3A_770 = arith.cmpi ne, %convert_element_type3A_768, %cond3A_769 : i32
      scf.if %cond3A_770 {
        %dma_start3A_973 = arith.constant 0 : i32
        %dma_start3A_974 = tpu.memref_slice %arg9[%select_n3A_236, %squeeze3A_758, %dma_start3A_973] : memref<3x40x1024xf32, #tpu.memory_space<vmem>> -> memref<1x1x1024xf32, #tpu.memory_space<vmem>>
        %dma_start3A_975 = tpu.memref_squeeze %dma_start3A_974 : memref<1x1x1024xf32, #tpu.memory_space<vmem>> -> memref<1x1024xf32, #tpu.memory_space<vmem>>
        %dma_start3A_976 = arith.constant 0 : i32
        %dma_start3A_977 = tpu.memref_slice %arg5[%add3A_766, %dma_start3A_976] : memref<16384x1024xf32, #tpu.memory_space<hbm>> -> memref<1x1024xf32, #tpu.memory_space<hbm>>
        %dma_start3A_978 = tpu.memref_slice %arg12[%select_n3A_236] : memref<3x!tpu.dma_semaphore, #tpu.memory_space<semaphore_mem>> -> memref<1x!tpu.dma_semaphore, #tpu.memory_space<semaphore_mem>>
        %dma_start3A_979 = tpu.memref_squeeze %dma_start3A_978 : memref<1x!tpu.dma_semaphore, #tpu.memory_space<semaphore_mem>> -> memref<!tpu.dma_semaphore, #tpu.memory_space<semaphore_mem>>
        %dma_start3A_980 = arith.constant 0 : i32
        %dma_start3A_981 = tpu.memref_slice %arg5[%add3A_766, %dma_start3A_980] : memref<16384x1024xf32, #tpu.memory_space<hbm>> -> memref<1x1024xf32, #tpu.memory_space<hbm>>
        %dma_start3A_982 = arith.constant 0 : i32
        %dma_start3A_983 = tpu.memref_slice %arg9[%select_n3A_236, %squeeze3A_758, %dma_start3A_982] : memref<3x40x1024xf32, #tpu.memory_space<vmem>> -> memref<1x1x1024xf32, #tpu.memory_space<vmem>>
        %dma_start3A_984 = tpu.memref_squeeze %dma_start3A_983 : memref<1x1x1024xf32, #tpu.memory_space<vmem>> -> memref<1x1024xf32, #tpu.memory_space<vmem>>
        tpu.enqueue_dma source(%dma_start3A_984 : memref<1x1024xf32, #tpu.memory_space<vmem>>) target(%dma_start3A_981 : memref<1x1024xf32, #tpu.memory_space<hbm>>) target_semaphore(%dma_start3A_979 : memref<!tpu.dma_semaphore, #tpu.memory_space<semaphore_mem>>)
      } else {
      }
      %ge3A_771 = arith.cmpi sge, %add3A_762, %min3A : i32
      %convert_element_type3A_772 = arith.extui %ge3A_771 : i1 to i32
      %cond3A_773 = arith.constant 0 : i32
      %cond3A_774 = arith.cmpi ne, %convert_element_type3A_772, %cond3A_773 : i32
      scf.if %cond3A_774 {
        %dma_start3A_973 = arith.constant 0 : i32
        %dma_start3A_974 = tpu.memref_slice %arg5[%add3A_766, %dma_start3A_973] : memref<16384x1024xf32, #tpu.memory_space<hbm>> -> memref<1x1024xf32, #tpu.memory_space<hbm>>
        %dma_start3A_975 = tpu.memref_slice %arg12[%select_n3A_236] : memref<3x!tpu.dma_semaphore, #tpu.memory_space<semaphore_mem>> -> memref<1x!tpu.dma_semaphore, #tpu.memory_space<semaphore_mem>>
        %dma_start3A_976 = tpu.memref_squeeze %dma_start3A_975 : memref<1x!tpu.dma_semaphore, #tpu.memory_space<semaphore_mem>> -> memref<!tpu.dma_semaphore, #tpu.memory_space<semaphore_mem>>
        %dma_start3A_977 = arith.constant 0 : i32
        %dma_start3A_978 = tpu.memref_slice %arg5[%add3A_766, %dma_start3A_977] : memref<16384x1024xf32, #tpu.memory_space<hbm>> -> memref<1x1024xf32, #tpu.memory_space<hbm>>
        tpu.enqueue_dma source(%arg10 : memref<1x1024xf32, #tpu.memory_space<vmem>>) target(%dma_start3A_978 : memref<1x1024xf32, #tpu.memory_space<hbm>>) target_semaphore(%dma_start3A_976 : memref<!tpu.dma_semaphore, #tpu.memory_space<semaphore_mem>>)
      } else {
      }
      %slice3A_775 = vector.extract_strided_slice %sub3A_684 {offsets = [5], sizes = [1], strides = [1]} : vector<16xi32> to vector<1xi32>
      %squeeze3A_776 = vector.extract %slice3A_775[0] : i32 from vector<1xi32>
      %add3A_777 = arith.constant 16 : i32
      %add3A_778 = arith.addi %mul3A_383, %add3A_777 : i32
      %add3A_779 = arith.constant 5 : i32
      %add3A_780 = arith.addi %add3A_778, %add3A_779 : i32
      %add3A_781 = arith.constant 16 : i32
      %add3A_782 = arith.addi %add3A_384, %add3A_781 : i32
      %add3A_783 = arith.constant 5 : i32
      %add3A_784 = arith.addi %add3A_782, %add3A_783 : i32
      %lt3A_785 = arith.cmpi slt, %add3A_780, %min3A : i32
      %convert_element_type3A_786 = arith.extui %lt3A_785 : i1 to i32
      %cond3A_787 = arith.constant 0 : i32
      %cond3A_788 = arith.cmpi ne, %convert_element_type3A_786, %cond3A_787 : i32
      scf.if %cond3A_788 {
        %dma_start3A_973 = arith.constant 0 : i32
        %dma_start3A_974 = tpu.memref_slice %arg9[%select_n3A_236, %squeeze3A_776, %dma_start3A_973] : memref<3x40x1024xf32, #tpu.memory_space<vmem>> -> memref<1x1x1024xf32, #tpu.memory_space<vmem>>
        %dma_start3A_975 = tpu.memref_squeeze %dma_start3A_974 : memref<1x1x1024xf32, #tpu.memory_space<vmem>> -> memref<1x1024xf32, #tpu.memory_space<vmem>>
        %dma_start3A_976 = arith.constant 0 : i32
        %dma_start3A_977 = tpu.memref_slice %arg5[%add3A_784, %dma_start3A_976] : memref<16384x1024xf32, #tpu.memory_space<hbm>> -> memref<1x1024xf32, #tpu.memory_space<hbm>>
        %dma_start3A_978 = tpu.memref_slice %arg12[%select_n3A_236] : memref<3x!tpu.dma_semaphore, #tpu.memory_space<semaphore_mem>> -> memref<1x!tpu.dma_semaphore, #tpu.memory_space<semaphore_mem>>
        %dma_start3A_979 = tpu.memref_squeeze %dma_start3A_978 : memref<1x!tpu.dma_semaphore, #tpu.memory_space<semaphore_mem>> -> memref<!tpu.dma_semaphore, #tpu.memory_space<semaphore_mem>>
        %dma_start3A_980 = arith.constant 0 : i32
        %dma_start3A_981 = tpu.memref_slice %arg5[%add3A_784, %dma_start3A_980] : memref<16384x1024xf32, #tpu.memory_space<hbm>> -> memref<1x1024xf32, #tpu.memory_space<hbm>>
        %dma_start3A_982 = arith.constant 0 : i32
        %dma_start3A_983 = tpu.memref_slice %arg9[%select_n3A_236, %squeeze3A_776, %dma_start3A_982] : memref<3x40x1024xf32, #tpu.memory_space<vmem>> -> memref<1x1x1024xf32, #tpu.memory_space<vmem>>
        %dma_start3A_984 = tpu.memref_squeeze %dma_start3A_983 : memref<1x1x1024xf32, #tpu.memory_space<vmem>> -> memref<1x1024xf32, #tpu.memory_space<vmem>>
        tpu.enqueue_dma source(%dma_start3A_984 : memref<1x1024xf32, #tpu.memory_space<vmem>>) target(%dma_start3A_981 : memref<1x1024xf32, #tpu.memory_space<hbm>>) target_semaphore(%dma_start3A_979 : memref<!tpu.dma_semaphore, #tpu.memory_space<semaphore_mem>>)
      } else {
      }
      %ge3A_789 = arith.cmpi sge, %add3A_780, %min3A : i32
      %convert_element_type3A_790 = arith.extui %ge3A_789 : i1 to i32
      %cond3A_791 = arith.constant 0 : i32
      %cond3A_792 = arith.cmpi ne, %convert_element_type3A_790, %cond3A_791 : i32
      scf.if %cond3A_792 {
        %dma_start3A_973 = arith.constant 0 : i32
        %dma_start3A_974 = tpu.memref_slice %arg5[%add3A_784, %dma_start3A_973] : memref<16384x1024xf32, #tpu.memory_space<hbm>> -> memref<1x1024xf32, #tpu.memory_space<hbm>>
        %dma_start3A_975 = tpu.memref_slice %arg12[%select_n3A_236] : memref<3x!tpu.dma_semaphore, #tpu.memory_space<semaphore_mem>> -> memref<1x!tpu.dma_semaphore, #tpu.memory_space<semaphore_mem>>
        %dma_start3A_976 = tpu.memref_squeeze %dma_start3A_975 : memref<1x!tpu.dma_semaphore, #tpu.memory_space<semaphore_mem>> -> memref<!tpu.dma_semaphore, #tpu.memory_space<semaphore_mem>>
        %dma_start3A_977 = arith.constant 0 : i32
        %dma_start3A_978 = tpu.memref_slice %arg5[%add3A_784, %dma_start3A_977] : memref<16384x1024xf32, #tpu.memory_space<hbm>> -> memref<1x1024xf32, #tpu.memory_space<hbm>>
        tpu.enqueue_dma source(%arg10 : memref<1x1024xf32, #tpu.memory_space<vmem>>) target(%dma_start3A_978 : memref<1x1024xf32, #tpu.memory_space<hbm>>) target_semaphore(%dma_start3A_976 : memref<!tpu.dma_semaphore, #tpu.memory_space<semaphore_mem>>)
      } else {
      }
      %slice3A_793 = vector.extract_strided_slice %sub3A_684 {offsets = [6], sizes = [1], strides = [1]} : vector<16xi32> to vector<1xi32>
      %squeeze3A_794 = vector.extract %slice3A_793[0] : i32 from vector<1xi32>
      %add3A_795 = arith.constant 16 : i32
      %add3A_796 = arith.addi %mul3A_383, %add3A_795 : i32
      %add3A_797 = arith.constant 6 : i32
      %add3A_798 = arith.addi %add3A_796, %add3A_797 : i32
      %add3A_799 = arith.constant 16 : i32
      %add3A_800 = arith.addi %add3A_384, %add3A_799 : i32
      %add3A_801 = arith.constant 6 : i32
      %add3A_802 = arith.addi %add3A_800, %add3A_801 : i32
      %lt3A_803 = arith.cmpi slt, %add3A_798, %min3A : i32
      %convert_element_type3A_804 = arith.extui %lt3A_803 : i1 to i32
      %cond3A_805 = arith.constant 0 : i32
      %cond3A_806 = arith.cmpi ne, %convert_element_type3A_804, %cond3A_805 : i32
      scf.if %cond3A_806 {
        %dma_start3A_973 = arith.constant 0 : i32
        %dma_start3A_974 = tpu.memref_slice %arg9[%select_n3A_236, %squeeze3A_794, %dma_start3A_973] : memref<3x40x1024xf32, #tpu.memory_space<vmem>> -> memref<1x1x1024xf32, #tpu.memory_space<vmem>>
        %dma_start3A_975 = tpu.memref_squeeze %dma_start3A_974 : memref<1x1x1024xf32, #tpu.memory_space<vmem>> -> memref<1x1024xf32, #tpu.memory_space<vmem>>
        %dma_start3A_976 = arith.constant 0 : i32
        %dma_start3A_977 = tpu.memref_slice %arg5[%add3A_802, %dma_start3A_976] : memref<16384x1024xf32, #tpu.memory_space<hbm>> -> memref<1x1024xf32, #tpu.memory_space<hbm>>
        %dma_start3A_978 = tpu.memref_slice %arg12[%select_n3A_236] : memref<3x!tpu.dma_semaphore, #tpu.memory_space<semaphore_mem>> -> memref<1x!tpu.dma_semaphore, #tpu.memory_space<semaphore_mem>>
        %dma_start3A_979 = tpu.memref_squeeze %dma_start3A_978 : memref<1x!tpu.dma_semaphore, #tpu.memory_space<semaphore_mem>> -> memref<!tpu.dma_semaphore, #tpu.memory_space<semaphore_mem>>
        %dma_start3A_980 = arith.constant 0 : i32
        %dma_start3A_981 = tpu.memref_slice %arg5[%add3A_802, %dma_start3A_980] : memref<16384x1024xf32, #tpu.memory_space<hbm>> -> memref<1x1024xf32, #tpu.memory_space<hbm>>
        %dma_start3A_982 = arith.constant 0 : i32
        %dma_start3A_983 = tpu.memref_slice %arg9[%select_n3A_236, %squeeze3A_794, %dma_start3A_982] : memref<3x40x1024xf32, #tpu.memory_space<vmem>> -> memref<1x1x1024xf32, #tpu.memory_space<vmem>>
        %dma_start3A_984 = tpu.memref_squeeze %dma_start3A_983 : memref<1x1x1024xf32, #tpu.memory_space<vmem>> -> memref<1x1024xf32, #tpu.memory_space<vmem>>
        tpu.enqueue_dma source(%dma_start3A_984 : memref<1x1024xf32, #tpu.memory_space<vmem>>) target(%dma_start3A_981 : memref<1x1024xf32, #tpu.memory_space<hbm>>) target_semaphore(%dma_start3A_979 : memref<!tpu.dma_semaphore, #tpu.memory_space<semaphore_mem>>)
      } else {
      }
      %ge3A_807 = arith.cmpi sge, %add3A_798, %min3A : i32
      %convert_element_type3A_808 = arith.extui %ge3A_807 : i1 to i32
      %cond3A_809 = arith.constant 0 : i32
      %cond3A_810 = arith.cmpi ne, %convert_element_type3A_808, %cond3A_809 : i32
      scf.if %cond3A_810 {
        %dma_start3A_973 = arith.constant 0 : i32
        %dma_start3A_974 = tpu.memref_slice %arg5[%add3A_802, %dma_start3A_973] : memref<16384x1024xf32, #tpu.memory_space<hbm>> -> memref<1x1024xf32, #tpu.memory_space<hbm>>
        %dma_start3A_975 = tpu.memref_slice %arg12[%select_n3A_236] : memref<3x!tpu.dma_semaphore, #tpu.memory_space<semaphore_mem>> -> memref<1x!tpu.dma_semaphore, #tpu.memory_space<semaphore_mem>>
        %dma_start3A_976 = tpu.memref_squeeze %dma_start3A_975 : memref<1x!tpu.dma_semaphore, #tpu.memory_space<semaphore_mem>> -> memref<!tpu.dma_semaphore, #tpu.memory_space<semaphore_mem>>
        %dma_start3A_977 = arith.constant 0 : i32
        %dma_start3A_978 = tpu.memref_slice %arg5[%add3A_802, %dma_start3A_977] : memref<16384x1024xf32, #tpu.memory_space<hbm>> -> memref<1x1024xf32, #tpu.memory_space<hbm>>
        tpu.enqueue_dma source(%arg10 : memref<1x1024xf32, #tpu.memory_space<vmem>>) target(%dma_start3A_978 : memref<1x1024xf32, #tpu.memory_space<hbm>>) target_semaphore(%dma_start3A_976 : memref<!tpu.dma_semaphore, #tpu.memory_space<semaphore_mem>>)
      } else {
      }
      %slice3A_811 = vector.extract_strided_slice %sub3A_684 {offsets = [7], sizes = [1], strides = [1]} : vector<16xi32> to vector<1xi32>
      %squeeze3A_812 = vector.extract %slice3A_811[0] : i32 from vector<1xi32>
      %add3A_813 = arith.constant 16 : i32
      %add3A_814 = arith.addi %mul3A_383, %add3A_813 : i32
      %add3A_815 = arith.constant 7 : i32
      %add3A_816 = arith.addi %add3A_814, %add3A_815 : i32
      %add3A_817 = arith.constant 16 : i32
      %add3A_818 = arith.addi %add3A_384, %add3A_817 : i32
      %add3A_819 = arith.constant 7 : i32
      %add3A_820 = arith.addi %add3A_818, %add3A_819 : i32
      %lt3A_821 = arith.cmpi slt, %add3A_816, %min3A : i32
      %convert_element_type3A_822 = arith.extui %lt3A_821 : i1 to i32
      %cond3A_823 = arith.constant 0 : i32
      %cond3A_824 = arith.cmpi ne, %convert_element_type3A_822, %cond3A_823 : i32
      scf.if %cond3A_824 {
        %dma_start3A_973 = arith.constant 0 : i32
        %dma_start3A_974 = tpu.memref_slice %arg9[%select_n3A_236, %squeeze3A_812, %dma_start3A_973] : memref<3x40x1024xf32, #tpu.memory_space<vmem>> -> memref<1x1x1024xf32, #tpu.memory_space<vmem>>
        %dma_start3A_975 = tpu.memref_squeeze %dma_start3A_974 : memref<1x1x1024xf32, #tpu.memory_space<vmem>> -> memref<1x1024xf32, #tpu.memory_space<vmem>>
        %dma_start3A_976 = arith.constant 0 : i32
        %dma_start3A_977 = tpu.memref_slice %arg5[%add3A_820, %dma_start3A_976] : memref<16384x1024xf32, #tpu.memory_space<hbm>> -> memref<1x1024xf32, #tpu.memory_space<hbm>>
        %dma_start3A_978 = tpu.memref_slice %arg12[%select_n3A_236] : memref<3x!tpu.dma_semaphore, #tpu.memory_space<semaphore_mem>> -> memref<1x!tpu.dma_semaphore, #tpu.memory_space<semaphore_mem>>
        %dma_start3A_979 = tpu.memref_squeeze %dma_start3A_978 : memref<1x!tpu.dma_semaphore, #tpu.memory_space<semaphore_mem>> -> memref<!tpu.dma_semaphore, #tpu.memory_space<semaphore_mem>>
        %dma_start3A_980 = arith.constant 0 : i32
        %dma_start3A_981 = tpu.memref_slice %arg5[%add3A_820, %dma_start3A_980] : memref<16384x1024xf32, #tpu.memory_space<hbm>> -> memref<1x1024xf32, #tpu.memory_space<hbm>>
        %dma_start3A_982 = arith.constant 0 : i32
        %dma_start3A_983 = tpu.memref_slice %arg9[%select_n3A_236, %squeeze3A_812, %dma_start3A_982] : memref<3x40x1024xf32, #tpu.memory_space<vmem>> -> memref<1x1x1024xf32, #tpu.memory_space<vmem>>
        %dma_start3A_984 = tpu.memref_squeeze %dma_start3A_983 : memref<1x1x1024xf32, #tpu.memory_space<vmem>> -> memref<1x1024xf32, #tpu.memory_space<vmem>>
        tpu.enqueue_dma source(%dma_start3A_984 : memref<1x1024xf32, #tpu.memory_space<vmem>>) target(%dma_start3A_981 : memref<1x1024xf32, #tpu.memory_space<hbm>>) target_semaphore(%dma_start3A_979 : memref<!tpu.dma_semaphore, #tpu.memory_space<semaphore_mem>>)
      } else {
      }
      %ge3A_825 = arith.cmpi sge, %add3A_816, %min3A : i32
      %convert_element_type3A_826 = arith.extui %ge3A_825 : i1 to i32
      %cond3A_827 = arith.constant 0 : i32
      %cond3A_828 = arith.cmpi ne, %convert_element_type3A_826, %cond3A_827 : i32
      scf.if %cond3A_828 {
        %dma_start3A_973 = arith.constant 0 : i32
        %dma_start3A_974 = tpu.memref_slice %arg5[%add3A_820, %dma_start3A_973] : memref<16384x1024xf32, #tpu.memory_space<hbm>> -> memref<1x1024xf32, #tpu.memory_space<hbm>>
        %dma_start3A_975 = tpu.memref_slice %arg12[%select_n3A_236] : memref<3x!tpu.dma_semaphore, #tpu.memory_space<semaphore_mem>> -> memref<1x!tpu.dma_semaphore, #tpu.memory_space<semaphore_mem>>
        %dma_start3A_976 = tpu.memref_squeeze %dma_start3A_975 : memref<1x!tpu.dma_semaphore, #tpu.memory_space<semaphore_mem>> -> memref<!tpu.dma_semaphore, #tpu.memory_space<semaphore_mem>>
        %dma_start3A_977 = arith.constant 0 : i32
        %dma_start3A_978 = tpu.memref_slice %arg5[%add3A_820, %dma_start3A_977] : memref<16384x1024xf32, #tpu.memory_space<hbm>> -> memref<1x1024xf32, #tpu.memory_space<hbm>>
        tpu.enqueue_dma source(%arg10 : memref<1x1024xf32, #tpu.memory_space<vmem>>) target(%dma_start3A_978 : memref<1x1024xf32, #tpu.memory_space<hbm>>) target_semaphore(%dma_start3A_976 : memref<!tpu.dma_semaphore, #tpu.memory_space<semaphore_mem>>)
      } else {
      }
      %slice3A_829 = vector.extract_strided_slice %sub3A_684 {offsets = [8], sizes = [1], strides = [1]} : vector<16xi32> to vector<1xi32>
      %squeeze3A_830 = vector.extract %slice3A_829[0] : i32 from vector<1xi32>
      %add3A_831 = arith.constant 16 : i32
      %add3A_832 = arith.addi %mul3A_383, %add3A_831 : i32
      %add3A_833 = arith.constant 8 : i32
      %add3A_834 = arith.addi %add3A_832, %add3A_833 : i32
      %add3A_835 = arith.constant 16 : i32
      %add3A_836 = arith.addi %add3A_384, %add3A_835 : i32
      %add3A_837 = arith.constant 8 : i32
      %add3A_838 = arith.addi %add3A_836, %add3A_837 : i32
      %lt3A_839 = arith.cmpi slt, %add3A_834, %min3A : i32
      %convert_element_type3A_840 = arith.extui %lt3A_839 : i1 to i32
      %cond3A_841 = arith.constant 0 : i32
      %cond3A_842 = arith.cmpi ne, %convert_element_type3A_840, %cond3A_841 : i32
      scf.if %cond3A_842 {
        %dma_start3A_973 = arith.constant 0 : i32
        %dma_start3A_974 = tpu.memref_slice %arg9[%select_n3A_236, %squeeze3A_830, %dma_start3A_973] : memref<3x40x1024xf32, #tpu.memory_space<vmem>> -> memref<1x1x1024xf32, #tpu.memory_space<vmem>>
        %dma_start3A_975 = tpu.memref_squeeze %dma_start3A_974 : memref<1x1x1024xf32, #tpu.memory_space<vmem>> -> memref<1x1024xf32, #tpu.memory_space<vmem>>
        %dma_start3A_976 = arith.constant 0 : i32
        %dma_start3A_977 = tpu.memref_slice %arg5[%add3A_838, %dma_start3A_976] : memref<16384x1024xf32, #tpu.memory_space<hbm>> -> memref<1x1024xf32, #tpu.memory_space<hbm>>
        %dma_start3A_978 = tpu.memref_slice %arg12[%select_n3A_236] : memref<3x!tpu.dma_semaphore, #tpu.memory_space<semaphore_mem>> -> memref<1x!tpu.dma_semaphore, #tpu.memory_space<semaphore_mem>>
        %dma_start3A_979 = tpu.memref_squeeze %dma_start3A_978 : memref<1x!tpu.dma_semaphore, #tpu.memory_space<semaphore_mem>> -> memref<!tpu.dma_semaphore, #tpu.memory_space<semaphore_mem>>
        %dma_start3A_980 = arith.constant 0 : i32
        %dma_start3A_981 = tpu.memref_slice %arg5[%add3A_838, %dma_start3A_980] : memref<16384x1024xf32, #tpu.memory_space<hbm>> -> memref<1x1024xf32, #tpu.memory_space<hbm>>
        %dma_start3A_982 = arith.constant 0 : i32
        %dma_start3A_983 = tpu.memref_slice %arg9[%select_n3A_236, %squeeze3A_830, %dma_start3A_982] : memref<3x40x1024xf32, #tpu.memory_space<vmem>> -> memref<1x1x1024xf32, #tpu.memory_space<vmem>>
        %dma_start3A_984 = tpu.memref_squeeze %dma_start3A_983 : memref<1x1x1024xf32, #tpu.memory_space<vmem>> -> memref<1x1024xf32, #tpu.memory_space<vmem>>
        tpu.enqueue_dma source(%dma_start3A_984 : memref<1x1024xf32, #tpu.memory_space<vmem>>) target(%dma_start3A_981 : memref<1x1024xf32, #tpu.memory_space<hbm>>) target_semaphore(%dma_start3A_979 : memref<!tpu.dma_semaphore, #tpu.memory_space<semaphore_mem>>)
      } else {
      }
      %ge3A_843 = arith.cmpi sge, %add3A_834, %min3A : i32
      %convert_element_type3A_844 = arith.extui %ge3A_843 : i1 to i32
      %cond3A_845 = arith.constant 0 : i32
      %cond3A_846 = arith.cmpi ne, %convert_element_type3A_844, %cond3A_845 : i32
      scf.if %cond3A_846 {
        %dma_start3A_973 = arith.constant 0 : i32
        %dma_start3A_974 = tpu.memref_slice %arg5[%add3A_838, %dma_start3A_973] : memref<16384x1024xf32, #tpu.memory_space<hbm>> -> memref<1x1024xf32, #tpu.memory_space<hbm>>
        %dma_start3A_975 = tpu.memref_slice %arg12[%select_n3A_236] : memref<3x!tpu.dma_semaphore, #tpu.memory_space<semaphore_mem>> -> memref<1x!tpu.dma_semaphore, #tpu.memory_space<semaphore_mem>>
        %dma_start3A_976 = tpu.memref_squeeze %dma_start3A_975 : memref<1x!tpu.dma_semaphore, #tpu.memory_space<semaphore_mem>> -> memref<!tpu.dma_semaphore, #tpu.memory_space<semaphore_mem>>
        %dma_start3A_977 = arith.constant 0 : i32
        %dma_start3A_978 = tpu.memref_slice %arg5[%add3A_838, %dma_start3A_977] : memref<16384x1024xf32, #tpu.memory_space<hbm>> -> memref<1x1024xf32, #tpu.memory_space<hbm>>
        tpu.enqueue_dma source(%arg10 : memref<1x1024xf32, #tpu.memory_space<vmem>>) target(%dma_start3A_978 : memref<1x1024xf32, #tpu.memory_space<hbm>>) target_semaphore(%dma_start3A_976 : memref<!tpu.dma_semaphore, #tpu.memory_space<semaphore_mem>>)
      } else {
      }
      %slice3A_847 = vector.extract_strided_slice %sub3A_684 {offsets = [9], sizes = [1], strides = [1]} : vector<16xi32> to vector<1xi32>
      %squeeze3A_848 = vector.extract %slice3A_847[0] : i32 from vector<1xi32>
      %add3A_849 = arith.constant 16 : i32
      %add3A_850 = arith.addi %mul3A_383, %add3A_849 : i32
      %add3A_851 = arith.constant 9 : i32
      %add3A_852 = arith.addi %add3A_850, %add3A_851 : i32
      %add3A_853 = arith.constant 16 : i32
      %add3A_854 = arith.addi %add3A_384, %add3A_853 : i32
      %add3A_855 = arith.constant 9 : i32
      %add3A_856 = arith.addi %add3A_854, %add3A_855 : i32
      %lt3A_857 = arith.cmpi slt, %add3A_852, %min3A : i32
      %convert_element_type3A_858 = arith.extui %lt3A_857 : i1 to i32
      %cond3A_859 = arith.constant 0 : i32
      %cond3A_860 = arith.cmpi ne, %convert_element_type3A_858, %cond3A_859 : i32
      scf.if %cond3A_860 {
        %dma_start3A_973 = arith.constant 0 : i32
        %dma_start3A_974 = tpu.memref_slice %arg9[%select_n3A_236, %squeeze3A_848, %dma_start3A_973] : memref<3x40x1024xf32, #tpu.memory_space<vmem>> -> memref<1x1x1024xf32, #tpu.memory_space<vmem>>
        %dma_start3A_975 = tpu.memref_squeeze %dma_start3A_974 : memref<1x1x1024xf32, #tpu.memory_space<vmem>> -> memref<1x1024xf32, #tpu.memory_space<vmem>>
        %dma_start3A_976 = arith.constant 0 : i32
        %dma_start3A_977 = tpu.memref_slice %arg5[%add3A_856, %dma_start3A_976] : memref<16384x1024xf32, #tpu.memory_space<hbm>> -> memref<1x1024xf32, #tpu.memory_space<hbm>>
        %dma_start3A_978 = tpu.memref_slice %arg12[%select_n3A_236] : memref<3x!tpu.dma_semaphore, #tpu.memory_space<semaphore_mem>> -> memref<1x!tpu.dma_semaphore, #tpu.memory_space<semaphore_mem>>
        %dma_start3A_979 = tpu.memref_squeeze %dma_start3A_978 : memref<1x!tpu.dma_semaphore, #tpu.memory_space<semaphore_mem>> -> memref<!tpu.dma_semaphore, #tpu.memory_space<semaphore_mem>>
        %dma_start3A_980 = arith.constant 0 : i32
        %dma_start3A_981 = tpu.memref_slice %arg5[%add3A_856, %dma_start3A_980] : memref<16384x1024xf32, #tpu.memory_space<hbm>> -> memref<1x1024xf32, #tpu.memory_space<hbm>>
        %dma_start3A_982 = arith.constant 0 : i32
        %dma_start3A_983 = tpu.memref_slice %arg9[%select_n3A_236, %squeeze3A_848, %dma_start3A_982] : memref<3x40x1024xf32, #tpu.memory_space<vmem>> -> memref<1x1x1024xf32, #tpu.memory_space<vmem>>
        %dma_start3A_984 = tpu.memref_squeeze %dma_start3A_983 : memref<1x1x1024xf32, #tpu.memory_space<vmem>> -> memref<1x1024xf32, #tpu.memory_space<vmem>>
        tpu.enqueue_dma source(%dma_start3A_984 : memref<1x1024xf32, #tpu.memory_space<vmem>>) target(%dma_start3A_981 : memref<1x1024xf32, #tpu.memory_space<hbm>>) target_semaphore(%dma_start3A_979 : memref<!tpu.dma_semaphore, #tpu.memory_space<semaphore_mem>>)
      } else {
      }
      %ge3A_861 = arith.cmpi sge, %add3A_852, %min3A : i32
      %convert_element_type3A_862 = arith.extui %ge3A_861 : i1 to i32
      %cond3A_863 = arith.constant 0 : i32
      %cond3A_864 = arith.cmpi ne, %convert_element_type3A_862, %cond3A_863 : i32
      scf.if %cond3A_864 {
        %dma_start3A_973 = arith.constant 0 : i32
        %dma_start3A_974 = tpu.memref_slice %arg5[%add3A_856, %dma_start3A_973] : memref<16384x1024xf32, #tpu.memory_space<hbm>> -> memref<1x1024xf32, #tpu.memory_space<hbm>>
        %dma_start3A_975 = tpu.memref_slice %arg12[%select_n3A_236] : memref<3x!tpu.dma_semaphore, #tpu.memory_space<semaphore_mem>> -> memref<1x!tpu.dma_semaphore, #tpu.memory_space<semaphore_mem>>
        %dma_start3A_976 = tpu.memref_squeeze %dma_start3A_975 : memref<1x!tpu.dma_semaphore, #tpu.memory_space<semaphore_mem>> -> memref<!tpu.dma_semaphore, #tpu.memory_space<semaphore_mem>>
        %dma_start3A_977 = arith.constant 0 : i32
        %dma_start3A_978 = tpu.memref_slice %arg5[%add3A_856, %dma_start3A_977] : memref<16384x1024xf32, #tpu.memory_space<hbm>> -> memref<1x1024xf32, #tpu.memory_space<hbm>>
        tpu.enqueue_dma source(%arg10 : memref<1x1024xf32, #tpu.memory_space<vmem>>) target(%dma_start3A_978 : memref<1x1024xf32, #tpu.memory_space<hbm>>) target_semaphore(%dma_start3A_976 : memref<!tpu.dma_semaphore, #tpu.memory_space<semaphore_mem>>)
      } else {
      }
      %slice3A_865 = vector.extract_strided_slice %sub3A_684 {offsets = [10], sizes = [1], strides = [1]} : vector<16xi32> to vector<1xi32>
      %squeeze3A_866 = vector.extract %slice3A_865[0] : i32 from vector<1xi32>
      %add3A_867 = arith.constant 16 : i32
      %add3A_868 = arith.addi %mul3A_383, %add3A_867 : i32
      %add3A_869 = arith.constant 10 : i32
      %add3A_870 = arith.addi %add3A_868, %add3A_869 : i32
      %add3A_871 = arith.constant 16 : i32
      %add3A_872 = arith.addi %add3A_384, %add3A_871 : i32
      %add3A_873 = arith.constant 10 : i32
      %add3A_874 = arith.addi %add3A_872, %add3A_873 : i32
      %lt3A_875 = arith.cmpi slt, %add3A_870, %min3A : i32
      %convert_element_type3A_876 = arith.extui %lt3A_875 : i1 to i32
      %cond3A_877 = arith.constant 0 : i32
      %cond3A_878 = arith.cmpi ne, %convert_element_type3A_876, %cond3A_877 : i32
      scf.if %cond3A_878 {
        %dma_start3A_973 = arith.constant 0 : i32
        %dma_start3A_974 = tpu.memref_slice %arg9[%select_n3A_236, %squeeze3A_866, %dma_start3A_973] : memref<3x40x1024xf32, #tpu.memory_space<vmem>> -> memref<1x1x1024xf32, #tpu.memory_space<vmem>>
        %dma_start3A_975 = tpu.memref_squeeze %dma_start3A_974 : memref<1x1x1024xf32, #tpu.memory_space<vmem>> -> memref<1x1024xf32, #tpu.memory_space<vmem>>
        %dma_start3A_976 = arith.constant 0 : i32
        %dma_start3A_977 = tpu.memref_slice %arg5[%add3A_874, %dma_start3A_976] : memref<16384x1024xf32, #tpu.memory_space<hbm>> -> memref<1x1024xf32, #tpu.memory_space<hbm>>
        %dma_start3A_978 = tpu.memref_slice %arg12[%select_n3A_236] : memref<3x!tpu.dma_semaphore, #tpu.memory_space<semaphore_mem>> -> memref<1x!tpu.dma_semaphore, #tpu.memory_space<semaphore_mem>>
        %dma_start3A_979 = tpu.memref_squeeze %dma_start3A_978 : memref<1x!tpu.dma_semaphore, #tpu.memory_space<semaphore_mem>> -> memref<!tpu.dma_semaphore, #tpu.memory_space<semaphore_mem>>
        %dma_start3A_980 = arith.constant 0 : i32
        %dma_start3A_981 = tpu.memref_slice %arg5[%add3A_874, %dma_start3A_980] : memref<16384x1024xf32, #tpu.memory_space<hbm>> -> memref<1x1024xf32, #tpu.memory_space<hbm>>
        %dma_start3A_982 = arith.constant 0 : i32
        %dma_start3A_983 = tpu.memref_slice %arg9[%select_n3A_236, %squeeze3A_866, %dma_start3A_982] : memref<3x40x1024xf32, #tpu.memory_space<vmem>> -> memref<1x1x1024xf32, #tpu.memory_space<vmem>>
        %dma_start3A_984 = tpu.memref_squeeze %dma_start3A_983 : memref<1x1x1024xf32, #tpu.memory_space<vmem>> -> memref<1x1024xf32, #tpu.memory_space<vmem>>
        tpu.enqueue_dma source(%dma_start3A_984 : memref<1x1024xf32, #tpu.memory_space<vmem>>) target(%dma_start3A_981 : memref<1x1024xf32, #tpu.memory_space<hbm>>) target_semaphore(%dma_start3A_979 : memref<!tpu.dma_semaphore, #tpu.memory_space<semaphore_mem>>)
      } else {
      }
      %ge3A_879 = arith.cmpi sge, %add3A_870, %min3A : i32
      %convert_element_type3A_880 = arith.extui %ge3A_879 : i1 to i32
      %cond3A_881 = arith.constant 0 : i32
      %cond3A_882 = arith.cmpi ne, %convert_element_type3A_880, %cond3A_881 : i32
      scf.if %cond3A_882 {
        %dma_start3A_973 = arith.constant 0 : i32
        %dma_start3A_974 = tpu.memref_slice %arg5[%add3A_874, %dma_start3A_973] : memref<16384x1024xf32, #tpu.memory_space<hbm>> -> memref<1x1024xf32, #tpu.memory_space<hbm>>
        %dma_start3A_975 = tpu.memref_slice %arg12[%select_n3A_236] : memref<3x!tpu.dma_semaphore, #tpu.memory_space<semaphore_mem>> -> memref<1x!tpu.dma_semaphore, #tpu.memory_space<semaphore_mem>>
        %dma_start3A_976 = tpu.memref_squeeze %dma_start3A_975 : memref<1x!tpu.dma_semaphore, #tpu.memory_space<semaphore_mem>> -> memref<!tpu.dma_semaphore, #tpu.memory_space<semaphore_mem>>
        %dma_start3A_977 = arith.constant 0 : i32
        %dma_start3A_978 = tpu.memref_slice %arg5[%add3A_874, %dma_start3A_977] : memref<16384x1024xf32, #tpu.memory_space<hbm>> -> memref<1x1024xf32, #tpu.memory_space<hbm>>
        tpu.enqueue_dma source(%arg10 : memref<1x1024xf32, #tpu.memory_space<vmem>>) target(%dma_start3A_978 : memref<1x1024xf32, #tpu.memory_space<hbm>>) target_semaphore(%dma_start3A_976 : memref<!tpu.dma_semaphore, #tpu.memory_space<semaphore_mem>>)
      } else {
      }
      %slice3A_883 = vector.extract_strided_slice %sub3A_684 {offsets = [11], sizes = [1], strides = [1]} : vector<16xi32> to vector<1xi32>
      %squeeze3A_884 = vector.extract %slice3A_883[0] : i32 from vector<1xi32>
      %add3A_885 = arith.constant 16 : i32
      %add3A_886 = arith.addi %mul3A_383, %add3A_885 : i32
      %add3A_887 = arith.constant 11 : i32
      %add3A_888 = arith.addi %add3A_886, %add3A_887 : i32
      %add3A_889 = arith.constant 16 : i32
      %add3A_890 = arith.addi %add3A_384, %add3A_889 : i32
      %add3A_891 = arith.constant 11 : i32
      %add3A_892 = arith.addi %add3A_890, %add3A_891 : i32
      %lt3A_893 = arith.cmpi slt, %add3A_888, %min3A : i32
      %convert_element_type3A_894 = arith.extui %lt3A_893 : i1 to i32
      %cond3A_895 = arith.constant 0 : i32
      %cond3A_896 = arith.cmpi ne, %convert_element_type3A_894, %cond3A_895 : i32
      scf.if %cond3A_896 {
        %dma_start3A_973 = arith.constant 0 : i32
        %dma_start3A_974 = tpu.memref_slice %arg9[%select_n3A_236, %squeeze3A_884, %dma_start3A_973] : memref<3x40x1024xf32, #tpu.memory_space<vmem>> -> memref<1x1x1024xf32, #tpu.memory_space<vmem>>
        %dma_start3A_975 = tpu.memref_squeeze %dma_start3A_974 : memref<1x1x1024xf32, #tpu.memory_space<vmem>> -> memref<1x1024xf32, #tpu.memory_space<vmem>>
        %dma_start3A_976 = arith.constant 0 : i32
        %dma_start3A_977 = tpu.memref_slice %arg5[%add3A_892, %dma_start3A_976] : memref<16384x1024xf32, #tpu.memory_space<hbm>> -> memref<1x1024xf32, #tpu.memory_space<hbm>>
        %dma_start3A_978 = tpu.memref_slice %arg12[%select_n3A_236] : memref<3x!tpu.dma_semaphore, #tpu.memory_space<semaphore_mem>> -> memref<1x!tpu.dma_semaphore, #tpu.memory_space<semaphore_mem>>
        %dma_start3A_979 = tpu.memref_squeeze %dma_start3A_978 : memref<1x!tpu.dma_semaphore, #tpu.memory_space<semaphore_mem>> -> memref<!tpu.dma_semaphore, #tpu.memory_space<semaphore_mem>>
        %dma_start3A_980 = arith.constant 0 : i32
        %dma_start3A_981 = tpu.memref_slice %arg5[%add3A_892, %dma_start3A_980] : memref<16384x1024xf32, #tpu.memory_space<hbm>> -> memref<1x1024xf32, #tpu.memory_space<hbm>>
        %dma_start3A_982 = arith.constant 0 : i32
        %dma_start3A_983 = tpu.memref_slice %arg9[%select_n3A_236, %squeeze3A_884, %dma_start3A_982] : memref<3x40x1024xf32, #tpu.memory_space<vmem>> -> memref<1x1x1024xf32, #tpu.memory_space<vmem>>
        %dma_start3A_984 = tpu.memref_squeeze %dma_start3A_983 : memref<1x1x1024xf32, #tpu.memory_space<vmem>> -> memref<1x1024xf32, #tpu.memory_space<vmem>>
        tpu.enqueue_dma source(%dma_start3A_984 : memref<1x1024xf32, #tpu.memory_space<vmem>>) target(%dma_start3A_981 : memref<1x1024xf32, #tpu.memory_space<hbm>>) target_semaphore(%dma_start3A_979 : memref<!tpu.dma_semaphore, #tpu.memory_space<semaphore_mem>>)
      } else {
      }
      %ge3A_897 = arith.cmpi sge, %add3A_888, %min3A : i32
      %convert_element_type3A_898 = arith.extui %ge3A_897 : i1 to i32
      %cond3A_899 = arith.constant 0 : i32
      %cond3A_900 = arith.cmpi ne, %convert_element_type3A_898, %cond3A_899 : i32
      scf.if %cond3A_900 {
        %dma_start3A_973 = arith.constant 0 : i32
        %dma_start3A_974 = tpu.memref_slice %arg5[%add3A_892, %dma_start3A_973] : memref<16384x1024xf32, #tpu.memory_space<hbm>> -> memref<1x1024xf32, #tpu.memory_space<hbm>>
        %dma_start3A_975 = tpu.memref_slice %arg12[%select_n3A_236] : memref<3x!tpu.dma_semaphore, #tpu.memory_space<semaphore_mem>> -> memref<1x!tpu.dma_semaphore, #tpu.memory_space<semaphore_mem>>
        %dma_start3A_976 = tpu.memref_squeeze %dma_start3A_975 : memref<1x!tpu.dma_semaphore, #tpu.memory_space<semaphore_mem>> -> memref<!tpu.dma_semaphore, #tpu.memory_space<semaphore_mem>>
        %dma_start3A_977 = arith.constant 0 : i32
        %dma_start3A_978 = tpu.memref_slice %arg5[%add3A_892, %dma_start3A_977] : memref<16384x1024xf32, #tpu.memory_space<hbm>> -> memref<1x1024xf32, #tpu.memory_space<hbm>>
        tpu.enqueue_dma source(%arg10 : memref<1x1024xf32, #tpu.memory_space<vmem>>) target(%dma_start3A_978 : memref<1x1024xf32, #tpu.memory_space<hbm>>) target_semaphore(%dma_start3A_976 : memref<!tpu.dma_semaphore, #tpu.memory_space<semaphore_mem>>)
      } else {
      }
      %slice3A_901 = vector.extract_strided_slice %sub3A_684 {offsets = [12], sizes = [1], strides = [1]} : vector<16xi32> to vector<1xi32>
      %squeeze3A_902 = vector.extract %slice3A_901[0] : i32 from vector<1xi32>
      %add3A_903 = arith.constant 16 : i32
      %add3A_904 = arith.addi %mul3A_383, %add3A_903 : i32
      %add3A_905 = arith.constant 12 : i32
      %add3A_906 = arith.addi %add3A_904, %add3A_905 : i32
      %add3A_907 = arith.constant 16 : i32
      %add3A_908 = arith.addi %add3A_384, %add3A_907 : i32
      %add3A_909 = arith.constant 12 : i32
      %add3A_910 = arith.addi %add3A_908, %add3A_909 : i32
      %lt3A_911 = arith.cmpi slt, %add3A_906, %min3A : i32
      %convert_element_type3A_912 = arith.extui %lt3A_911 : i1 to i32
      %cond3A_913 = arith.constant 0 : i32
      %cond3A_914 = arith.cmpi ne, %convert_element_type3A_912, %cond3A_913 : i32
      scf.if %cond3A_914 {
        %dma_start3A_973 = arith.constant 0 : i32
        %dma_start3A_974 = tpu.memref_slice %arg9[%select_n3A_236, %squeeze3A_902, %dma_start3A_973] : memref<3x40x1024xf32, #tpu.memory_space<vmem>> -> memref<1x1x1024xf32, #tpu.memory_space<vmem>>
        %dma_start3A_975 = tpu.memref_squeeze %dma_start3A_974 : memref<1x1x1024xf32, #tpu.memory_space<vmem>> -> memref<1x1024xf32, #tpu.memory_space<vmem>>
        %dma_start3A_976 = arith.constant 0 : i32
        %dma_start3A_977 = tpu.memref_slice %arg5[%add3A_910, %dma_start3A_976] : memref<16384x1024xf32, #tpu.memory_space<hbm>> -> memref<1x1024xf32, #tpu.memory_space<hbm>>
        %dma_start3A_978 = tpu.memref_slice %arg12[%select_n3A_236] : memref<3x!tpu.dma_semaphore, #tpu.memory_space<semaphore_mem>> -> memref<1x!tpu.dma_semaphore, #tpu.memory_space<semaphore_mem>>
        %dma_start3A_979 = tpu.memref_squeeze %dma_start3A_978 : memref<1x!tpu.dma_semaphore, #tpu.memory_space<semaphore_mem>> -> memref<!tpu.dma_semaphore, #tpu.memory_space<semaphore_mem>>
        %dma_start3A_980 = arith.constant 0 : i32
        %dma_start3A_981 = tpu.memref_slice %arg5[%add3A_910, %dma_start3A_980] : memref<16384x1024xf32, #tpu.memory_space<hbm>> -> memref<1x1024xf32, #tpu.memory_space<hbm>>
        %dma_start3A_982 = arith.constant 0 : i32
        %dma_start3A_983 = tpu.memref_slice %arg9[%select_n3A_236, %squeeze3A_902, %dma_start3A_982] : memref<3x40x1024xf32, #tpu.memory_space<vmem>> -> memref<1x1x1024xf32, #tpu.memory_space<vmem>>
        %dma_start3A_984 = tpu.memref_squeeze %dma_start3A_983 : memref<1x1x1024xf32, #tpu.memory_space<vmem>> -> memref<1x1024xf32, #tpu.memory_space<vmem>>
        tpu.enqueue_dma source(%dma_start3A_984 : memref<1x1024xf32, #tpu.memory_space<vmem>>) target(%dma_start3A_981 : memref<1x1024xf32, #tpu.memory_space<hbm>>) target_semaphore(%dma_start3A_979 : memref<!tpu.dma_semaphore, #tpu.memory_space<semaphore_mem>>)
      } else {
      }
      %ge3A_915 = arith.cmpi sge, %add3A_906, %min3A : i32
      %convert_element_type3A_916 = arith.extui %ge3A_915 : i1 to i32
      %cond3A_917 = arith.constant 0 : i32
      %cond3A_918 = arith.cmpi ne, %convert_element_type3A_916, %cond3A_917 : i32
      scf.if %cond3A_918 {
        %dma_start3A_973 = arith.constant 0 : i32
        %dma_start3A_974 = tpu.memref_slice %arg5[%add3A_910, %dma_start3A_973] : memref<16384x1024xf32, #tpu.memory_space<hbm>> -> memref<1x1024xf32, #tpu.memory_space<hbm>>
        %dma_start3A_975 = tpu.memref_slice %arg12[%select_n3A_236] : memref<3x!tpu.dma_semaphore, #tpu.memory_space<semaphore_mem>> -> memref<1x!tpu.dma_semaphore, #tpu.memory_space<semaphore_mem>>
        %dma_start3A_976 = tpu.memref_squeeze %dma_start3A_975 : memref<1x!tpu.dma_semaphore, #tpu.memory_space<semaphore_mem>> -> memref<!tpu.dma_semaphore, #tpu.memory_space<semaphore_mem>>
        %dma_start3A_977 = arith.constant 0 : i32
        %dma_start3A_978 = tpu.memref_slice %arg5[%add3A_910, %dma_start3A_977] : memref<16384x1024xf32, #tpu.memory_space<hbm>> -> memref<1x1024xf32, #tpu.memory_space<hbm>>
        tpu.enqueue_dma source(%arg10 : memref<1x1024xf32, #tpu.memory_space<vmem>>) target(%dma_start3A_978 : memref<1x1024xf32, #tpu.memory_space<hbm>>) target_semaphore(%dma_start3A_976 : memref<!tpu.dma_semaphore, #tpu.memory_space<semaphore_mem>>)
      } else {
      }
      %slice3A_919 = vector.extract_strided_slice %sub3A_684 {offsets = [13], sizes = [1], strides = [1]} : vector<16xi32> to vector<1xi32>
      %squeeze3A_920 = vector.extract %slice3A_919[0] : i32 from vector<1xi32>
      %add3A_921 = arith.constant 16 : i32
      %add3A_922 = arith.addi %mul3A_383, %add3A_921 : i32
      %add3A_923 = arith.constant 13 : i32
      %add3A_924 = arith.addi %add3A_922, %add3A_923 : i32
      %add3A_925 = arith.constant 16 : i32
      %add3A_926 = arith.addi %add3A_384, %add3A_925 : i32
      %add3A_927 = arith.constant 13 : i32
      %add3A_928 = arith.addi %add3A_926, %add3A_927 : i32
      %lt3A_929 = arith.cmpi slt, %add3A_924, %min3A : i32
      %convert_element_type3A_930 = arith.extui %lt3A_929 : i1 to i32
      %cond3A_931 = arith.constant 0 : i32
      %cond3A_932 = arith.cmpi ne, %convert_element_type3A_930, %cond3A_931 : i32
      scf.if %cond3A_932 {
        %dma_start3A_973 = arith.constant 0 : i32
        %dma_start3A_974 = tpu.memref_slice %arg9[%select_n3A_236, %squeeze3A_920, %dma_start3A_973] : memref<3x40x1024xf32, #tpu.memory_space<vmem>> -> memref<1x1x1024xf32, #tpu.memory_space<vmem>>
        %dma_start3A_975 = tpu.memref_squeeze %dma_start3A_974 : memref<1x1x1024xf32, #tpu.memory_space<vmem>> -> memref<1x1024xf32, #tpu.memory_space<vmem>>
        %dma_start3A_976 = arith.constant 0 : i32
        %dma_start3A_977 = tpu.memref_slice %arg5[%add3A_928, %dma_start3A_976] : memref<16384x1024xf32, #tpu.memory_space<hbm>> -> memref<1x1024xf32, #tpu.memory_space<hbm>>
        %dma_start3A_978 = tpu.memref_slice %arg12[%select_n3A_236] : memref<3x!tpu.dma_semaphore, #tpu.memory_space<semaphore_mem>> -> memref<1x!tpu.dma_semaphore, #tpu.memory_space<semaphore_mem>>
        %dma_start3A_979 = tpu.memref_squeeze %dma_start3A_978 : memref<1x!tpu.dma_semaphore, #tpu.memory_space<semaphore_mem>> -> memref<!tpu.dma_semaphore, #tpu.memory_space<semaphore_mem>>
        %dma_start3A_980 = arith.constant 0 : i32
        %dma_start3A_981 = tpu.memref_slice %arg5[%add3A_928, %dma_start3A_980] : memref<16384x1024xf32, #tpu.memory_space<hbm>> -> memref<1x1024xf32, #tpu.memory_space<hbm>>
        %dma_start3A_982 = arith.constant 0 : i32
        %dma_start3A_983 = tpu.memref_slice %arg9[%select_n3A_236, %squeeze3A_920, %dma_start3A_982] : memref<3x40x1024xf32, #tpu.memory_space<vmem>> -> memref<1x1x1024xf32, #tpu.memory_space<vmem>>
        %dma_start3A_984 = tpu.memref_squeeze %dma_start3A_983 : memref<1x1x1024xf32, #tpu.memory_space<vmem>> -> memref<1x1024xf32, #tpu.memory_space<vmem>>
        tpu.enqueue_dma source(%dma_start3A_984 : memref<1x1024xf32, #tpu.memory_space<vmem>>) target(%dma_start3A_981 : memref<1x1024xf32, #tpu.memory_space<hbm>>) target_semaphore(%dma_start3A_979 : memref<!tpu.dma_semaphore, #tpu.memory_space<semaphore_mem>>)
      } else {
      }
      %ge3A_933 = arith.cmpi sge, %add3A_924, %min3A : i32
      %convert_element_type3A_934 = arith.extui %ge3A_933 : i1 to i32
      %cond3A_935 = arith.constant 0 : i32
      %cond3A_936 = arith.cmpi ne, %convert_element_type3A_934, %cond3A_935 : i32
      scf.if %cond3A_936 {
        %dma_start3A_973 = arith.constant 0 : i32
        %dma_start3A_974 = tpu.memref_slice %arg5[%add3A_928, %dma_start3A_973] : memref<16384x1024xf32, #tpu.memory_space<hbm>> -> memref<1x1024xf32, #tpu.memory_space<hbm>>
        %dma_start3A_975 = tpu.memref_slice %arg12[%select_n3A_236] : memref<3x!tpu.dma_semaphore, #tpu.memory_space<semaphore_mem>> -> memref<1x!tpu.dma_semaphore, #tpu.memory_space<semaphore_mem>>
        %dma_start3A_976 = tpu.memref_squeeze %dma_start3A_975 : memref<1x!tpu.dma_semaphore, #tpu.memory_space<semaphore_mem>> -> memref<!tpu.dma_semaphore, #tpu.memory_space<semaphore_mem>>
        %dma_start3A_977 = arith.constant 0 : i32
        %dma_start3A_978 = tpu.memref_slice %arg5[%add3A_928, %dma_start3A_977] : memref<16384x1024xf32, #tpu.memory_space<hbm>> -> memref<1x1024xf32, #tpu.memory_space<hbm>>
        tpu.enqueue_dma source(%arg10 : memref<1x1024xf32, #tpu.memory_space<vmem>>) target(%dma_start3A_978 : memref<1x1024xf32, #tpu.memory_space<hbm>>) target_semaphore(%dma_start3A_976 : memref<!tpu.dma_semaphore, #tpu.memory_space<semaphore_mem>>)
      } else {
      }
      %slice3A_937 = vector.extract_strided_slice %sub3A_684 {offsets = [14], sizes = [1], strides = [1]} : vector<16xi32> to vector<1xi32>
      %squeeze3A_938 = vector.extract %slice3A_937[0] : i32 from vector<1xi32>
      %add3A_939 = arith.constant 16 : i32
      %add3A_940 = arith.addi %mul3A_383, %add3A_939 : i32
      %add3A_941 = arith.constant 14 : i32
      %add3A_942 = arith.addi %add3A_940, %add3A_941 : i32
      %add3A_943 = arith.constant 16 : i32
      %add3A_944 = arith.addi %add3A_384, %add3A_943 : i32
      %add3A_945 = arith.constant 14 : i32
      %add3A_946 = arith.addi %add3A_944, %add3A_945 : i32
      %lt3A_947 = arith.cmpi slt, %add3A_942, %min3A : i32
      %convert_element_type3A_948 = arith.extui %lt3A_947 : i1 to i32
      %cond3A_949 = arith.constant 0 : i32
      %cond3A_950 = arith.cmpi ne, %convert_element_type3A_948, %cond3A_949 : i32
      scf.if %cond3A_950 {
        %dma_start3A_973 = arith.constant 0 : i32
        %dma_start3A_974 = tpu.memref_slice %arg9[%select_n3A_236, %squeeze3A_938, %dma_start3A_973] : memref<3x40x1024xf32, #tpu.memory_space<vmem>> -> memref<1x1x1024xf32, #tpu.memory_space<vmem>>
        %dma_start3A_975 = tpu.memref_squeeze %dma_start3A_974 : memref<1x1x1024xf32, #tpu.memory_space<vmem>> -> memref<1x1024xf32, #tpu.memory_space<vmem>>
        %dma_start3A_976 = arith.constant 0 : i32
        %dma_start3A_977 = tpu.memref_slice %arg5[%add3A_946, %dma_start3A_976] : memref<16384x1024xf32, #tpu.memory_space<hbm>> -> memref<1x1024xf32, #tpu.memory_space<hbm>>
        %dma_start3A_978 = tpu.memref_slice %arg12[%select_n3A_236] : memref<3x!tpu.dma_semaphore, #tpu.memory_space<semaphore_mem>> -> memref<1x!tpu.dma_semaphore, #tpu.memory_space<semaphore_mem>>
        %dma_start3A_979 = tpu.memref_squeeze %dma_start3A_978 : memref<1x!tpu.dma_semaphore, #tpu.memory_space<semaphore_mem>> -> memref<!tpu.dma_semaphore, #tpu.memory_space<semaphore_mem>>
        %dma_start3A_980 = arith.constant 0 : i32
        %dma_start3A_981 = tpu.memref_slice %arg5[%add3A_946, %dma_start3A_980] : memref<16384x1024xf32, #tpu.memory_space<hbm>> -> memref<1x1024xf32, #tpu.memory_space<hbm>>
        %dma_start3A_982 = arith.constant 0 : i32
        %dma_start3A_983 = tpu.memref_slice %arg9[%select_n3A_236, %squeeze3A_938, %dma_start3A_982] : memref<3x40x1024xf32, #tpu.memory_space<vmem>> -> memref<1x1x1024xf32, #tpu.memory_space<vmem>>
        %dma_start3A_984 = tpu.memref_squeeze %dma_start3A_983 : memref<1x1x1024xf32, #tpu.memory_space<vmem>> -> memref<1x1024xf32, #tpu.memory_space<vmem>>
        tpu.enqueue_dma source(%dma_start3A_984 : memref<1x1024xf32, #tpu.memory_space<vmem>>) target(%dma_start3A_981 : memref<1x1024xf32, #tpu.memory_space<hbm>>) target_semaphore(%dma_start3A_979 : memref<!tpu.dma_semaphore, #tpu.memory_space<semaphore_mem>>)
      } else {
      }
      %ge3A_951 = arith.cmpi sge, %add3A_942, %min3A : i32
      %convert_element_type3A_952 = arith.extui %ge3A_951 : i1 to i32
      %cond3A_953 = arith.constant 0 : i32
      %cond3A_954 = arith.cmpi ne, %convert_element_type3A_952, %cond3A_953 : i32
      scf.if %cond3A_954 {
        %dma_start3A_973 = arith.constant 0 : i32
        %dma_start3A_974 = tpu.memref_slice %arg5[%add3A_946, %dma_start3A_973] : memref<16384x1024xf32, #tpu.memory_space<hbm>> -> memref<1x1024xf32, #tpu.memory_space<hbm>>
        %dma_start3A_975 = tpu.memref_slice %arg12[%select_n3A_236] : memref<3x!tpu.dma_semaphore, #tpu.memory_space<semaphore_mem>> -> memref<1x!tpu.dma_semaphore, #tpu.memory_space<semaphore_mem>>
        %dma_start3A_976 = tpu.memref_squeeze %dma_start3A_975 : memref<1x!tpu.dma_semaphore, #tpu.memory_space<semaphore_mem>> -> memref<!tpu.dma_semaphore, #tpu.memory_space<semaphore_mem>>
        %dma_start3A_977 = arith.constant 0 : i32
        %dma_start3A_978 = tpu.memref_slice %arg5[%add3A_946, %dma_start3A_977] : memref<16384x1024xf32, #tpu.memory_space<hbm>> -> memref<1x1024xf32, #tpu.memory_space<hbm>>
        tpu.enqueue_dma source(%arg10 : memref<1x1024xf32, #tpu.memory_space<vmem>>) target(%dma_start3A_978 : memref<1x1024xf32, #tpu.memory_space<hbm>>) target_semaphore(%dma_start3A_976 : memref<!tpu.dma_semaphore, #tpu.memory_space<semaphore_mem>>)
      } else {
      }
      %slice3A_955 = vector.extract_strided_slice %sub3A_684 {offsets = [15], sizes = [1], strides = [1]} : vector<16xi32> to vector<1xi32>
      %squeeze3A_956 = vector.extract %slice3A_955[0] : i32 from vector<1xi32>
      %add3A_957 = arith.constant 16 : i32
      %add3A_958 = arith.addi %mul3A_383, %add3A_957 : i32
      %add3A_959 = arith.constant 15 : i32
      %add3A_960 = arith.addi %add3A_958, %add3A_959 : i32
      %add3A_961 = arith.constant 16 : i32
      %add3A_962 = arith.addi %add3A_384, %add3A_961 : i32
      %add3A_963 = arith.constant 15 : i32
      %add3A_964 = arith.addi %add3A_962, %add3A_963 : i32
      %lt3A_965 = arith.cmpi slt, %add3A_960, %min3A : i32
      %convert_element_type3A_966 = arith.extui %lt3A_965 : i1 to i32
      %cond3A_967 = arith.constant 0 : i32
      %cond3A_968 = arith.cmpi ne, %convert_element_type3A_966, %cond3A_967 : i32
      scf.if %cond3A_968 {
        %dma_start3A_973 = arith.constant 0 : i32
        %dma_start3A_974 = tpu.memref_slice %arg9[%select_n3A_236, %squeeze3A_956, %dma_start3A_973] : memref<3x40x1024xf32, #tpu.memory_space<vmem>> -> memref<1x1x1024xf32, #tpu.memory_space<vmem>>
        %dma_start3A_975 = tpu.memref_squeeze %dma_start3A_974 : memref<1x1x1024xf32, #tpu.memory_space<vmem>> -> memref<1x1024xf32, #tpu.memory_space<vmem>>
        %dma_start3A_976 = arith.constant 0 : i32
        %dma_start3A_977 = tpu.memref_slice %arg5[%add3A_964, %dma_start3A_976] : memref<16384x1024xf32, #tpu.memory_space<hbm>> -> memref<1x1024xf32, #tpu.memory_space<hbm>>
        %dma_start3A_978 = tpu.memref_slice %arg12[%select_n3A_236] : memref<3x!tpu.dma_semaphore, #tpu.memory_space<semaphore_mem>> -> memref<1x!tpu.dma_semaphore, #tpu.memory_space<semaphore_mem>>
        %dma_start3A_979 = tpu.memref_squeeze %dma_start3A_978 : memref<1x!tpu.dma_semaphore, #tpu.memory_space<semaphore_mem>> -> memref<!tpu.dma_semaphore, #tpu.memory_space<semaphore_mem>>
        %dma_start3A_980 = arith.constant 0 : i32
        %dma_start3A_981 = tpu.memref_slice %arg5[%add3A_964, %dma_start3A_980] : memref<16384x1024xf32, #tpu.memory_space<hbm>> -> memref<1x1024xf32, #tpu.memory_space<hbm>>
        %dma_start3A_982 = arith.constant 0 : i32
        %dma_start3A_983 = tpu.memref_slice %arg9[%select_n3A_236, %squeeze3A_956, %dma_start3A_982] : memref<3x40x1024xf32, #tpu.memory_space<vmem>> -> memref<1x1x1024xf32, #tpu.memory_space<vmem>>
        %dma_start3A_984 = tpu.memref_squeeze %dma_start3A_983 : memref<1x1x1024xf32, #tpu.memory_space<vmem>> -> memref<1x1024xf32, #tpu.memory_space<vmem>>
        tpu.enqueue_dma source(%dma_start3A_984 : memref<1x1024xf32, #tpu.memory_space<vmem>>) target(%dma_start3A_981 : memref<1x1024xf32, #tpu.memory_space<hbm>>) target_semaphore(%dma_start3A_979 : memref<!tpu.dma_semaphore, #tpu.memory_space<semaphore_mem>>)
      } else {
      }
      %ge3A_969 = arith.cmpi sge, %add3A_960, %min3A : i32
      %convert_element_type3A_970 = arith.extui %ge3A_969 : i1 to i32
      %cond3A_971 = arith.constant 0 : i32
      %cond3A_972 = arith.cmpi ne, %convert_element_type3A_970, %cond3A_971 : i32
      scf.if %cond3A_972 {
        %dma_start3A_973 = arith.constant 0 : i32
        %dma_start3A_974 = tpu.memref_slice %arg5[%add3A_964, %dma_start3A_973] : memref<16384x1024xf32, #tpu.memory_space<hbm>> -> memref<1x1024xf32, #tpu.memory_space<hbm>>
        %dma_start3A_975 = tpu.memref_slice %arg12[%select_n3A_236] : memref<3x!tpu.dma_semaphore, #tpu.memory_space<semaphore_mem>> -> memref<1x!tpu.dma_semaphore, #tpu.memory_space<semaphore_mem>>
        %dma_start3A_976 = tpu.memref_squeeze %dma_start3A_975 : memref<1x!tpu.dma_semaphore, #tpu.memory_space<semaphore_mem>> -> memref<!tpu.dma_semaphore, #tpu.memory_space<semaphore_mem>>
        %dma_start3A_977 = arith.constant 0 : i32
        %dma_start3A_978 = tpu.memref_slice %arg5[%add3A_964, %dma_start3A_977] : memref<16384x1024xf32, #tpu.memory_space<hbm>> -> memref<1x1024xf32, #tpu.memory_space<hbm>>
        tpu.enqueue_dma source(%arg10 : memref<1x1024xf32, #tpu.memory_space<vmem>>) target(%dma_start3A_978 : memref<1x1024xf32, #tpu.memory_space<hbm>>) target_semaphore(%dma_start3A_976 : memref<!tpu.dma_semaphore, #tpu.memory_space<semaphore_mem>>)
      } else {
      }
      scf.yield %multiple_of3A_294, %mul3A_327 : i32, i32
    }
    %scan3A_213 = arith.constant 16 : i32
    %scan3A_214 = arith.constant 0 : i32
    %scan3A_215 = arith.constant 14 : i32
    %scan3A_216 = arith.constant 2 : i32
    %scan3A_217 = arith.addi %scan3A_215, %scan3A_216 : i32
    %scan3A_218 = arith.constant 1 : i32
    scf.for %scan3A_220 = %scan3A_215 to %scan3A_217 step %scan3A_218  : i32 {
      %jit3A_221 = arith.constant 3 : i32
      %eq3A = arith.constant 0 : i32
      %eq3A_222 = arith.cmpi eq, %jit3A_221, %eq3A : i32
      %jit3A_223 = arith.constant 1 : i32
      %select_n3A_224 = arith.select %eq3A_222, %jit3A_223, %jit3A_221 : i32
      %rem3A_225 = arith.remsi %scan3A_220, %select_n3A_224 : i32
      %ne3A_226 = arith.constant 0 : i32
      %ne3A_227 = arith.cmpi ne, %rem3A_225, %ne3A_226 : i32
      %lt3A = arith.constant 0 : i32
      %lt3A_228 = arith.cmpi slt, %rem3A_225, %lt3A : i32
      %lt3A_229 = arith.constant 0 : i32
      %lt3A_230 = arith.cmpi slt, %select_n3A_224, %lt3A_229 : i32
      %ne3A_231 = arith.xori %lt3A_228, %lt3A_230 : i1
      %and3A_232 = arith.andi %ne3A_231, %ne3A_227 : i1
      %add3A_233 = arith.addi %rem3A_225, %select_n3A_224 : i32
      %select_n3A_234 = arith.select %and3A_232, %add3A_233, %rem3A_225 : i32
      %mul3A_235 = arith.constant 4 : i32
      %mul3A_236 = arith.muli %scan3A_220, %mul3A_235 : i32
      %add3A_237 = arith.addi %sub3A_19, %mul3A_236 : i32
      %mul3A_238 = arith.constant 32 : i32
      %mul3A_239 = arith.muli %add3A_237, %mul3A_238 : i32
      %add3A_240 = arith.addi %mul3A_21, %mul3A_239 : i32
      %jit3A_241 = arith.constant 3 : i32
      %eq3A_242 = arith.constant 0 : i32
      %eq3A_243 = arith.cmpi eq, %jit3A_241, %eq3A_242 : i32
      %jit3A_244 = arith.constant 1 : i32
      %select_n3A_245 = arith.select %eq3A_243, %jit3A_244, %jit3A_241 : i32
      %rem3A_246 = arith.remsi %scan3A_220, %select_n3A_245 : i32
      %ne3A_247 = arith.constant 0 : i32
      %ne3A_248 = arith.cmpi ne, %rem3A_246, %ne3A_247 : i32
      %lt3A_249 = arith.constant 0 : i32
      %lt3A_250 = arith.cmpi slt, %rem3A_246, %lt3A_249 : i32
      %lt3A_251 = arith.constant 0 : i32
      %lt3A_252 = arith.cmpi slt, %select_n3A_245, %lt3A_251 : i32
      %ne3A_253 = arith.xori %lt3A_250, %lt3A_252 : i1
      %and3A_254 = arith.andi %ne3A_253, %ne3A_248 : i1
      %add3A_255 = arith.addi %rem3A_246, %select_n3A_245 : i32
      %select_n3A_256 = arith.select %and3A_254, %add3A_255, %rem3A_246 : i32
      %dma_wait3A_257 = arith.constant 0 : i32
      %dma_wait3A_258 = arith.constant 0 : i32
      %dma_wait3A_259 = tpu.memref_slice %arg9[%select_n3A_234, %dma_wait3A_257, %dma_wait3A_258] : memref<3x40x1024xf32, #tpu.memory_space<vmem>> -> memref<1x32x1024xf32, #tpu.memory_space<vmem>>
      %dma_wait3A_260 = tpu.memref_squeeze %dma_wait3A_259 : memref<1x32x1024xf32, #tpu.memory_space<vmem>> -> memref<32x1024xf32, #tpu.memory_space<vmem>>
      %dma_wait3A_261 = arith.constant 0 : i32
      %dma_wait3A_262 = tpu.memref_slice %arg5[%add3A_240, %dma_wait3A_261] : memref<16384x1024xf32, #tpu.memory_space<hbm>> -> memref<32x1024xf32, #tpu.memory_space<hbm>>
      %dma_wait3A_263 = tpu.memref_slice %arg12[%select_n3A_256] : memref<3x!tpu.dma_semaphore, #tpu.memory_space<semaphore_mem>> -> memref<1x!tpu.dma_semaphore, #tpu.memory_space<semaphore_mem>>
      %dma_wait3A_264 = tpu.memref_squeeze %dma_wait3A_263 : memref<1x!tpu.dma_semaphore, #tpu.memory_space<semaphore_mem>> -> memref<!tpu.dma_semaphore, #tpu.memory_space<semaphore_mem>>
      %dma_wait3A_265 = arith.constant 0 : i32
      %dma_wait3A_266 = tpu.memref_slice %arg5[%add3A_240, %dma_wait3A_265] : memref<16384x1024xf32, #tpu.memory_space<hbm>> -> memref<32x1024xf32, #tpu.memory_space<hbm>>
      %dma_wait3A_267 = arith.constant 0 : i32
      %dma_wait3A_268 = arith.constant 0 : i32
      %dma_wait3A_269 = tpu.memref_slice %arg9[%select_n3A_234, %dma_wait3A_267, %dma_wait3A_268] : memref<3x40x1024xf32, #tpu.memory_space<vmem>> -> memref<1x32x1024xf32, #tpu.memory_space<vmem>>
      %dma_wait3A_270 = tpu.memref_squeeze %dma_wait3A_269 : memref<1x32x1024xf32, #tpu.memory_space<vmem>> -> memref<32x1024xf32, #tpu.memory_space<vmem>>
      tpu.wait_dma2 semaphore(%dma_wait3A_264 : memref<!tpu.dma_semaphore, #tpu.memory_space<semaphore_mem>>) src(%dma_wait3A_270 : memref<32x1024xf32, #tpu.memory_space<vmem>>) dst(%dma_wait3A_266 : memref<32x1024xf32, #tpu.memory_space<hbm>>)
    }
    %scan3A_219 = arith.constant 2 : i32
    return
  }
}

</mosaic_0001>

<sc_bundles>
// kernel: kernel.3.cloned.1.call-start
scs
__scs_entry_jumppad:
0x0: {  	(pc) =	sbr.rel $0x88, $3  }
0x1: {  	(tag) =	ssettag $0x0;
	lr =	simm.s32 $0x1  }
0x2: {  	[smem:$0x3F9E] =	sst lr;
	_ =	strace $0xD0000000  }
0x3: {  	_ = 	snop  }
0x4: {  	_ = 	snop  }
0x5: {  	_ = 	snop  }
0x6: {  	_ = 	snop  }
0x7: {  	_ = 	snop  }
__scs_overlays_trampoline_lowered:
0x8: {  	[smem:$0x3FAD] =	sst s0  }
0x9: {  	[smem:$0x3FAE] =	sst s1  }
0xa: {  	[smem:$0x3FAF] =	sst s2  }
0xb: {  	[smem:$0x3FB0] =	sst s3  }
0xc: {  	[smem:$0x3FB1] =	sst s4  }
0xd: {  	[smem:$0x3FB2] =	sst s5  }
0xe: {  	[smem:$0x3FB3] =	sst s6  }
0xf: {  	[smem:$0x3FB4] =	sst s7  }
0x10: {  	[smem:$0x3FB5] =	sst s8  }
0x11: {  	[smem:$0x3FB6] =	sst s9;
	s0 =	simm.s32 @!p0 $0x0  }
0x12: {  	s1 =	sld [smem:$0x3F9C];
	s0 =	simm.s32 @p0 $0x1  }
0x13: {  	[smem:$0x3FB7] =	sst s0;
	s0 =	simm.s32 @!p1 $0x0  }
0x14: {  	s2 =	sld [smem:$0x3F9B];
	s0 =	simm.s32 @p1 $0x1  }
0x15: {  	[smem:$0x3FB8] =	sst s0;
	s0 =	simm.s32 @!p2 $0x0  }
0x16: {  	s3 =	sld [smem:$0x3FDB];
	s0 =	simm.s32 @p2 $0x1  }
0x17: {  	s4 =	simm.s32 $0x1BF5;
	[smem:$0x3FBA] =	sst s0  }
0x18: {  	s0 =	sld [smem:$0x3F9D];
	_ =	swait.ge [sflag:s4], $0x0  }
0x19: {  	s7 =	sld [smem:$0x3F9E]  }
0x1a: {  	s8 =	sadd.s32 $0xFFFFE003, lr  }
0x1b: {  	s9 =	sadd.s32 $0xFFFFFEF7, lr;
	s5 =	simm.s32 $0xFFFFFFFF;
	p2 =	slt.u32 s8, $0xFFFFF086  }
0x1c: {  	p1 =	slt.u32 s9, $0xF7A;
	s5 =	simm.s32 @!p2 $0x0  }
0x1d: {  	s5 =	simm.s32 @p1 $0x1;
	p0 =	seq.s32 s7, s2  }
0x1e: {  	s7 =	smul.u32 @!p0 $0xF7A, s2;
	p2 =	seq.s32 @!p0 s5, $0x0  }
0x1f: {  	s9 =	smul.u32 $0xF7A, s1;
	s8 =	simm.s32 @!p0 $0x1BF5;
	p2 =	por !p2, p0  }
0x20: {  	[sflag:s8] =	ssyncset.s32 @!p0 $0xFFFFF086;
	s6 =	sadd.s32 @!p0 s3, s7;
	s7 =	simm.s32 @!p0 $0x108  }
0x21: {  	s3 =	sadd.s32 s3, s9;
	s6 =	sadd.s32 @!p0 $0x88, s6;
	s7 =	simm.s32 @p2 $0x1082  }
0x22: {  	[simem:s7], [sflag:s8] =	dma.local @!p0 [hbm:s6], $0xF7A  }
0x23: {  	s9 =	sor.u32 $0xD0000000, s2;
	s6 =	simm.s32 $0x108;
	_ =	swait.ge @!p0 [sflag:s8], $0x0  }
0x24: {  	s3 =	sadd.s32 $0x88, s3;
	s6 =	simm.s32 @!p1 $0x1082;
	[sflag:s4] =	ssyncset.s32 $0xFFFFF086  }
0x25: {  	[simem:s6], [sflag:s4] =	dma.local [hbm:s3], $0xF7A  }
0x26: {  	[smem:$0x3F9E] =	sst s1;
	(tag) =	ssettag s2;
	_ =	strace s9  }
0x27: {  	s1 =	sld [smem:$0x3FAE]  }
0x28: {  	s2 =	sld [smem:$0x3FAF]  }
0x29: {  	s4 =	sld [smem:$0x3FB1]  }
0x2a: {  	p0 =	seq.s32 s5, $0x0;
	s5 =	sld [smem:$0x3FB2]  }
0x2b: {  	s6 =	sld [smem:$0x3FB3]  }
0x2c: {  	s7 =	sld [smem:$0x3FB4]  }
0x2d: {  	s3 =	simm.s32 $0x108;
	s8 =	sld [smem:$0x3FB5]  }
0x2e: {  	s3 =	simm.s32 @!p0 $0x1082;
	s9 =	sld [smem:$0x3FB6]  }
0x2f: {  	lr =	sadd.s32 s0, s3;
	s0 =	sld [smem:$0x3FAD]  }
0x30: {  	s3 =	sld [smem:$0x3FB0]  }
0x31: {  	[smem:$0x3FB9] =	sst s10  }
0x32: {  	s10 =	sld [smem:$0x3FB7];
	_ =	sdelay $0x3  }
0x33: {  	p0 =	seq.s32 s10, $0x1;
	s10 =	sld [smem:$0x3FB9];
	_ =	sdelay $0x3  }
0x34: {  	[smem:$0x3FB9] =	sst s10  }
0x35: {  	s10 =	sld [smem:$0x3FB8];
	_ =	sdelay $0x3  }
0x36: {  	p1 =	seq.s32 s10, $0x1;
	s10 =	sld [smem:$0x3FB9];
	_ =	sdelay $0x3  }
0x37: {  	[smem:$0x3FB9] =	sst s10  }
0x38: {  	s10 =	sld [smem:$0x3FBA]  }
0x39: {  	_ = 	snop;
	(pc) =	sbr.ind lr, $3  }
0x3a: {  	_ = 	snop  }
0x3b: {  	_ = 	snop  }
0x3c: {  	p2 =	seq.s32 s10, $0x1;
	s10 =	sld [smem:$0x3FB9]  }
0x3d: {  	_ =	shalt  }
0x3e: {  	_ =	shalt  }
0x3f: {  	_ =	shalt  }
0x40: {  	_ =	shalt  }
0x41: {  	_ =	shalt  }
0x42: {  	_ =	shalt  }
0x43: {  	_ =	shalt  }
0x44: {  	_ =	shalt  }
0x45: {  	_ =	shalt  }
0x46: {  	_ =	shalt  }
0x47: {  	_ =	shalt  }
0x48: {  	_ =	shalt  }
0x49: {  	_ =	shalt  }
0x4a: {  	_ =	shalt  }
0x4b: {  	_ =	shalt  }
0x4c: {  	_ =	shalt  }
0x4d: {  	_ =	shalt  }
0x4e: {  	_ =	shalt  }
0x4f: {  	_ =	shalt  }
0x50: {  	_ =	shalt  }
0x51: {  	_ =	shalt  }
0x52: {  	_ =	shalt  }
0x53: {  	_ =	shalt  }
0x54: {  	_ =	shalt  }
0x55: {  	_ =	shalt  }
0x56: {  	_ =	shalt  }
0x57: {  	_ =	shalt  }
0x58: {  	_ =	shalt  }
0x59: {  	_ =	shalt  }
0x5a: {  	_ =	shalt  }
0x5b: {  	_ =	shalt  }
0x5c: {  	_ =	shalt  }
0x5d: {  	_ =	shalt  }
0x5e: {  	_ =	shalt  }
0x5f: {  	_ =	shalt  }
0x60: {  	_ =	shalt  }
0x61: {  	_ =	shalt  }
0x62: {  	_ =	shalt  }
0x63: {  	_ =	shalt  }
0x64: {  	_ =	shalt  }
0x65: {  	_ =	shalt  }
0x66: {  	_ =	shalt  }
0x67: {  	_ =	shalt  }
0x68: {  	_ =	shalt  }
0x69: {  	_ =	shalt  }
0x6a: {  	_ =	shalt  }
0x6b: {  	_ =	shalt  }
0x6c: {  	_ =	shalt  }
0x6d: {  	_ =	shalt  }
0x6e: {  	_ =	shalt  }
0x6f: {  	_ =	shalt  }
0x70: {  	_ =	shalt  }
0x71: {  	_ =	shalt  }
0x72: {  	_ =	shalt  }
0x73: {  	_ =	shalt  }
0x74: {  	_ =	shalt  }
0x75: {  	_ =	shalt  }
0x76: {  	_ =	shalt  }
0x77: {  	_ =	shalt  }
0x78: {  	_ =	shalt  }
0x79: {  	_ =	shalt  }
0x7a: {  	_ =	shalt  }
0x7b: {  	_ =	shalt  }
0x7c: {  	_ =	shalt  }
0x7d: {  	_ =	shalt  }
0x7e: {  	_ =	shalt  }
0x7f: {  	_ =	shalt  }
0x80: {  	_ =	shalt  }
0x81: {  	_ =	shalt  }
0x82: {  	_ =	shalt  }
0x83: {  	_ =	shalt  }
0x84: {  	_ =	shalt  }
0x85: {  	_ =	shalt  }
0x86: {  	_ =	shalt  }
0x87: {  	_ =	shalt  }
.Lfunc_end0:
.L_simem_size_0:
called_computation_lowered:
.L_overlay_start_0:
0x88: {  	s2 =	sld [smem:$0x3FD9]  }
0x89: {  	s3 =	sld [smem:$0x3FFE];
	_ =	sdelay $0x1  }
0x8a: {  	s1 =	srdreg.scid  }
0x8b: {  	s0 =	sand.u32 $0x1, s1  }
0x8c: {  	s17 =	sshll.u32 s0, $0xA;
	s2 =	sadd.s32 s3, s2  }
0x8d: {  	s2 =	sadd.s32 s2, s17  }
0x8e: {  	[smem:$0x3FC5] =	sst s2  }
0x8f: {  	_ = 	snop  }
0x90: {  	s2 =	sld [smem:$0x3FC9]  }
0x91: {  	s18 =	sld [smem:$0x3FC8]  }
0x92: {  	s4 =	sld [smem:$0x3FD0];
	(tm) =	ssettm $0x1  }
0x93: {  	s5 =	sld [smem:$0x3FFB];
	_ =	sdelay $0x3  }
0x94: {  	_ =	strace s5  }
0x95: {  	s5 =	sld [smem:$0x3FFC];
	_ =	sdelay $0x3  }
0x96: {  	_ =	strace s5  }
0x97: {  	s5 =	sld [smem:$0x3FFD];
	_ =	sdelay $0x3  }
0x98: {  	_ =	strace s5  }
0x99: {  	_ =	strace $0x8FFFFFFF  }
0x9a: {  	s19 =	sld [smem:$0x3FDB];
	_ =	sdelay $0x1  }
0x9b: {  	s6 =	simm.s32 $_scs_section_size  }
0x9c: {  	s7 =	simm.s32 $_size__tile_overlayer_lowered;
	s8 =	simm.s32 $_tile_overlayer_lowered  }
0x9d: {  	s22 =	simm.s32 $0x1BFF;
	s21 =	sshll.u32 s8, $0x1;
	s5 =	sadd.s32 s6, s19  }
0x9e: {  	s9 =	simm.s32 $0x0;
	s20 =	sshll.u32 s7, $0x1;
	s7 =	sadd.s32 s21, s5  }
0x9f: {  	[timem:s9], [sflag:s22] =	dma.local [hbm:s7], s20  }
0xa0: {  	_ =	swait.ge [sflag:s22], s20  }
0xa1: {  	s6 =	ssub.s32 $0x0, s20;
	[sflag:s22] =	ssyncset.done $0x0  }
0xa2: {  	[sflag:s22] =	ssyncadd.s32 s6;
	_ =	sdelay $0x1  }
0xa3: {  	s23 =	simm.s32 $0x1B8B  }
0xa4: {  	_ =	swait.ge [sflag:s23], $0x1  }
0xa5: {  	[sflag:s23] =	ssyncset.done $0x0  }
0xa6: {  	s25 =	simm.s32 $0x1B8E;
	s24 =	sld [smem:$0x3FFE];
	[sflag:s23] =	ssyncadd.s32 $0xFFFFFFFF  }
0xa7: {  	s26 =	simm.s32 $execute0_lowered;
	[smem:$0x3FD2] =	sst s25  }
0xa8: {  	s7 =	sshll.u32 s26, $0x1;
	_ =	strace $0x80000046;
	[dreg:$0x1] =	wrdreg $0xFFFFFFFF  }
0xa9: {  	s28 =	simm.s32 $_size_execute0_lowered;
	s5 =	sadd.s32 s5, s7;
	[dreg:$0x0] =	wrdreg $0x0  }
0xaa: {  	s7 =	sshll.u32 s28, $0x1;
	[dreg:$0x2] =	wrdreg s5  }
0xab: {  	[dreg:$0x3] =	wrdreg s7  }
0xac: {  	[dreg:$0x4] =	wrdreg $0xC0  }
0xad: {  	_ =	task [dreg:s9], $0x5FFFF  }
0xae: {  	[dreg:$0x1] =	wrdreg $0xFFFFFFFF  }
0xaf: {  	[dreg:$0x0] =	wrdreg $0x60  }
0xb0: {  	[dreg:$0x2] =	wrdreg s2  }
0xb1: {  	[dreg:$0x3] =	wrdreg s18  }
0xb2: {  	[dreg:$0x4] =	wrdreg s24  }
0xb3: {  	[dreg:$0x5] =	wrdreg s4  }
0xb4: {  	[dreg:$0x6] =	wrdreg $0x9  }
0xb5: {  	_ =	task.clear_ibuf [dreg:s9], $0x7FFFF;
	_ =	strace $0x90000046  }
0xb6: {  	s29 =	simm.s32 $0x9;
	_ =	strace $0x80000048  }
0xb7: {  	_ =	swait.ge [sflag:s29], $0x1  }
0xb8: {  	[sflag:s29] =	ssyncadd.s32 $0xFFFFFFFF  }
0xb9: {  	_ =	strace $0x90000048  }
0xba: {  	_ =	sfence  }
0xbb: {  	s30 =	sld [smem:$0x0];
	_ =	sdelay $0x2  }
0xbc: {  	s31 =	sshll.u32 s1, $0xD;
	s1 =	sshrl.u32 s1, $0x2  }
0xbd: {  	s3 =	sand.u32 $0x4000, s31;
	s1 =	sadd.s32 s1, s30  }
0xbe: {  	s0 =	sor.u32 s3, s0;
	s1 =	sshll.u32 s1, $0x11  }
0xbf: {  	s0 =	sor.u32 s1, s0  }
0xc0: {  	s0 =	sadd.s32 $0x8F2B, s0  }
0xc1: {  	[sflag:s0] =	ssyncadd.remote.s32 $0x1  }
0xc2: {  	_ =	sfence.sel $0xFFFF  }
0xc3: {  	[dreg:$0x0] =	wrdreg $0xFFFFFFFF;
	(pc) =	sbr.abs _section_cstart, $3  }
0xc4: {  	[dreg:$0x1] =	wrdreg $0xFFFFFFFF  }
0xc5: {  	_ =	task.clear_ibuf [dreg:s9], $0x2FFFF;
	_ =	strace $0x9FFFFFFF  }
0xc6: {  	(tm) =	ssettm $0x7FFFFFFF  }
0xc7: {  	_ =	shalt  }
tec
execute0_lowered:
.L_overlay_start_1:
0x0: {  	(tag) =	ssettag $0x1  }
0x1: {  	s0 =	rddreg [dreg:$0x1]  }
0x2: {  	s1 =	rddreg [dreg:$0x2]  }
0x3: {  	s18 =	rddreg [dreg:$0x3];
	s3 =	simm.s32 $0x0;
	s2 =	srdreg.scid  }
0x4: {  	s9 =	stileid.u32;
	[smem:$0x7FF] =	sst s3  }
0x5: {  	s2 =	sand.u32 $0x1, s2;
	s1 =	sadd.s32 $0x400, s1;
	s4 =	sshrl.u32 s9, $0x1  }
0x6: {  	s6 =	sshll.u32 s9, $0x6;
	s24 =	sadd.s32 $0x10, s18;
	s25 =	sadd.s32 $0x20, s18  }
0x7: {  	s21 =	sshll.u32 s9, $0x8;
	s26 =	sadd.s32 $0x30, s18;
	s23 =	sadd.s32 $0x40, s18  }
0x8: {  	s29 =	sadd.s32 $0x50, s18;
	s30 =	sadd.s32 $0x60, s18;
	s31 =	sadd.s32 $0x70, s18  }
0x9: {  	s13 =	sshll.u32 s9, $0xD;
	_ =	strace $0x80000047;
	s15 =	ssub.s32 $0x2, s2  }
0xa: {  	[dreg:$0x5] =	wrdreg s1;
	s5 =	sshll.u32 s4, $0x4;
	s7 =	sshll.u32 s2, $0x5  }
0xb: {  	s19 =	sshll.u32 s4, $0x7;
	s22 =	sshll.u32 s2, $0x7;
	s28 =	smul.u32 $0x780, s4  }
0xc: {  	s10 =	smul.u32 $0x3C000, s4;
	[dreg:$0x16] =	wrdreg s23;
	s16 =	sshrl.u32 s15, $0x1  }
0xd: {  	s0 =	sadd.s32 s0, s5;
	s17 =	sor.u32 s7, s6;
	s6 =	sshll.u32 s4, $0x9  }
0xe: {  	s3 =	sor.u32 s22, s21;
	s1 =	ssub.s32 s15, s16;
	[dreg:$0x6] =	wrdreg s0  }
0xf: {  	s20 =	sand.u32 $0x60, s17;
	s7 =	ssub.s32 s17, s19;
	s3 =	ssub.s32 s3, s6  }
0x10: {  	s0 =	sadd.s32 s28, s17;
	s8 =	sor.u32 $0x280, s20;
	s1 =	smax.u32 s1, $0x1  }
0x11: {  	s3 =	sor.u32 $0x40, s3;
	s0 =	sshll.u32 s0, $0x7;
	[dreg:$0x7] =	wrdreg s1  }
0x12: {  	s3 =	sshra.s32 s3, $0x2;
	s11 =	sadd.s32 s0, s31;
	s12 =	sadd.s32 s0, s30  }
0x13: {  	s14 =	sadd.s32 s0, s29;
	s15 =	sadd.s32 s0, s23;
	s1 =	sadd.s32 $0x280, s3  }
0x14: {  	s19 =	sadd.s32 s0, s26;
	s22 =	sadd.s32 $0xC00, s11;
	[dreg:$0x8] =	wrdreg s1  }
0x15: {  	s21 =	sadd.s32 s0, s25;
	s28 =	sadd.s32 $0xC00, s14;
	[dreg:$0x9] =	wrdreg s22  }
0x16: {  	s3 =	sadd.s32 $0x800, s11;
	s9 =	sadd.s32 $0x800, s14;
	[dreg:$0xa] =	wrdreg s28  }
0x17: {  	s20 =	sadd.s32 $0xC00, s12;
	s11 =	sadd.s32 $0xC00, s15;
	[dreg:$0xb] =	wrdreg s9  }
0x18: {  	s4 =	sadd.s32 $0x800, s12;
	s12 =	sadd.s32 $0xC00, s19;
	[dreg:$0xc] =	wrdreg s11  }
0x19: {  	s17 =	sadd.s32 s0, s18;
	s14 =	sadd.s32 $0xC00, s21;
	[dreg:$0xd] =	wrdreg s12  }
0x1a: {  	s5 =	sadd.s32 $0x800, s15;
	s15 =	sadd.s32 $0x800, s21;
	[dreg:$0xf] =	wrdreg s14  }
0x1b: {  	s1 =	sadd.s32 s13, s10;
	s13 =	sadd.s32 $0x800, s19;
	[dreg:$0x10] =	wrdreg s15  }
.Ltmp0:
0x1c: {  	s22 =	sadd.s32 $0xC00, s17;
	[dreg:$0xe] =	wrdreg s13;
	(pc) =	sbr.rel .LBB2_1-.Ltmp0, $4  }
0x1d: {  	s10 =	sadd.s32 s0, s24;
	s28 =	sadd.s32 $0x800, s17;
	[dreg:$0x13] =	wrdreg s22  }
0x1e: {  	s2 =	sshll.u32 s2, $0xC;
	s19 =	sadd.s32 $0xC00, s10;
	[dreg:$0x14] =	wrdreg s28  }
0x1f: {  	v2 =	vimm.s32 $0x0;
	v3 =	vimm.f32 $0.0e+00;
	s12 =	simm.s32 $0x280;
	s21 =	sadd.s32 $0x800, s10;
	[dreg:$0x11] =	wrdreg s19  }
0x20: {  	v4 =	vimm.s32 $0x1;
	v0 =	vmov s6;
	v1 =	vmov s8;
	s16 =	sor.u32 s2, s1;
	s2 =	simm.s32 $0x0;
	[dreg:$0x12] =	wrdreg s21  }
.LBB2_13:
0x21: {  	s0 =	simm.s32 $0x6  }
0x22: {  	_ =	swait.ge [sflag:s0], $0x8000  }
0x23: {  	[sflag:s0] =	ssyncset.done $0x0  }
0x24: {  	s1 =	simm.s32 $0x4;
	[sflag:s0] =	ssyncadd.s32 $0xFFFF8000  }
0x25: {  	_ =	swait.ge [sflag:s1], $0x8000  }
0x26: {  	s2 =	rddreg [dreg:$0x15]  }
0x27: {  	s28 =	rddreg [dreg:$0x7];
	s2 =	sadd.s32 $0x1, s2  }
0x28: {  	p0 =	sne.s32 s2, s28  }
.Ltmp1:
0x29: {  	_ = 	snop;
	(pc) =	sbr.rel @!p0 .LBB2_14-.Ltmp1, $3  }
0x2a: {  	_ =	sdelay $0x1  }
0x2b: {  	[sflag:s1] =	ssyncset.done $0x0  }
0x2c: {  	s12 =	simm.s32 $0x280;
	[sflag:s1] =	ssyncadd.s32 $0xFFFF8000  }
.LBB2_1:
0x2d: {  	[dreg:$0x15] =	wrdreg s2  }
0x2e: {  	s21 =	rddreg [dreg:$0x5]  }
0x2f: {  	s1 =	simm.s32 $0x0;
	s22 =	rddreg [dreg:$0x6];
	s0 =	simm.s32 $0x400  }
0x30: {  	[tilespmem:s1], [sflag:$0x7] =	stream.linear.gather [hbm4b:s21+s1], $0x80, $0x38;
	[tilespmem:$0x1EE80] =	vst v63  }
0x31: {  	s28 =	simm.s32 $0x80;
	s2 =	simm.s32 $0x100;
	s1 =	simm.s32 $0x0  }
0x32: {  	[tilespmem:s28], [sflag:$0x8] =	stream.strided.gather [hbm4b:s22+s28], $0x200, s0, s28, $0x38;
	[tilespmem:$0x1EE80] =	vst v63  }
.LBB2_2:
0x33: {  	p0 =	sne.s32 s2, $0x1F00;
	[tilespmem:s1+$0x2B0] =	vst v2;
	s6 =	smov.u32 s2;
	s2 =	sadd.s32 $0x100, s2  }
.Ltmp2:
0x34: {  	[tilespmem:s1+$0x2A0] =	vst v2;
	(pc) =	sbr.rel @p0 .LBB2_2-.Ltmp2, $3  }
0x35: {  	[tilespmem:s1+$0x280] =	vst v2  }
0x36: {  	[tilespmem:s1+$0x290] =	vst v2;
	_ =	sdelay $0x1  }
0x37: {  	s1 =	sshra.s32 s6, $0x2  }
0x38: {  	[tilespmem:s1+$0x2B0] =	vst v2  }
0x39: {  	[tilespmem:s1+$0x2A0] =	vst v2  }
0x3a: {  	[tilespmem:s1+$0x280] =	vst v2  }
0x3b: {  	[tilespmem:s1+$0x290] =	vst v2  }
0x3c: {  	[tilespmem:$0x1EA80] =	vst v3  }
0x3d: {  	[tilespmem:$0x1EA90] =	vst v3  }
0x3e: {  	[tilespmem:$0x1EAA0] =	vst v3  }
0x3f: {  	[tilespmem:$0x1EAB0] =	vst v3  }
0x40: {  	[tilespmem:$0x1EAC0] =	vst v3  }
0x41: {  	[tilespmem:$0x1EAD0] =	vst v3  }
0x42: {  	[tilespmem:$0x1EAE0] =	vst v3  }
0x43: {  	[tilespmem:$0x1EAF0] =	vst v3  }
0x44: {  	[tilespmem:$0x1EB00] =	vst v3  }
0x45: {  	[tilespmem:$0x1EB10] =	vst v3  }
0x46: {  	[tilespmem:$0x1EB20] =	vst v3  }
0x47: {  	[tilespmem:$0x1EB30] =	vst v3  }
0x48: {  	[tilespmem:$0x1EB40] =	vst v3  }
0x49: {  	[tilespmem:$0x1EB50] =	vst v3  }
0x4a: {  	[tilespmem:$0x1EB60] =	vst v3  }
0x4b: {  	[tilespmem:$0x1EB70] =	vst v3  }
0x4c: {  	[tilespmem:$0x1EB80] =	vst v3  }
0x4d: {  	[tilespmem:$0x1EB90] =	vst v3  }
0x4e: {  	[tilespmem:$0x1EBA0] =	vst v3  }
0x4f: {  	[tilespmem:$0x1EBB0] =	vst v3  }
0x50: {  	[tilespmem:$0x1EBC0] =	vst v3  }
0x51: {  	[tilespmem:$0x1EBD0] =	vst v3  }
0x52: {  	[tilespmem:$0x1EBE0] =	vst v3  }
0x53: {  	[tilespmem:$0x1EBF0] =	vst v3  }
0x54: {  	[tilespmem:$0x1EC00] =	vst v3  }
0x55: {  	[tilespmem:$0x1EC10] =	vst v3  }
0x56: {  	[tilespmem:$0x1EC20] =	vst v3  }
0x57: {  	[tilespmem:$0x1EC30] =	vst v3  }
0x58: {  	[tilespmem:$0x1EC40] =	vst v3  }
0x59: {  	[tilespmem:$0x1EC50] =	vst v3  }
0x5a: {  	[tilespmem:$0x1EC60] =	vst v3  }
0x5b: {  	[tilespmem:$0x1EC70] =	vst v3  }
0x5c: {  	[tilespmem:$0x1EC80] =	vst v3  }
0x5d: {  	[tilespmem:$0x1EC90] =	vst v3  }
0x5e: {  	[tilespmem:$0x1ECA0] =	vst v3  }
0x5f: {  	[tilespmem:$0x1ECB0] =	vst v3  }
0x60: {  	[tilespmem:$0x1ECC0] =	vst v3  }
0x61: {  	[tilespmem:$0x1ECD0] =	vst v3  }
0x62: {  	[tilespmem:$0x1ECE0] =	vst v3  }
0x63: {  	[tilespmem:$0x1ECF0] =	vst v3  }
0x64: {  	[tilespmem:$0x1ED00] =	vst v3  }
0x65: {  	[tilespmem:$0x1ED10] =	vst v3  }
0x66: {  	[tilespmem:$0x1ED20] =	vst v3  }
0x67: {  	[tilespmem:$0x1ED30] =	vst v3  }
0x68: {  	[tilespmem:$0x1ED40] =	vst v3  }
0x69: {  	[tilespmem:$0x1ED50] =	vst v3  }
0x6a: {  	[tilespmem:$0x1ED60] =	vst v3  }
0x6b: {  	[tilespmem:$0x1ED70] =	vst v3  }
0x6c: {  	[tilespmem:$0x1ED80] =	vst v3  }
0x6d: {  	[tilespmem:$0x1ED90] =	vst v3  }
0x6e: {  	[tilespmem:$0x1EDA0] =	vst v3  }
0x6f: {  	[tilespmem:$0x1EDB0] =	vst v3  }
0x70: {  	[tilespmem:$0x1EDC0] =	vst v3  }
0x71: {  	[tilespmem:$0x1EDD0] =	vst v3  }
0x72: {  	[tilespmem:$0x1EDE0] =	vst v3  }
0x73: {  	[tilespmem:$0x1EDF0] =	vst v3  }
0x74: {  	[tilespmem:$0x1EE00] =	vst v3  }
0x75: {  	[tilespmem:$0x1EE10] =	vst v3  }
0x76: {  	[tilespmem:$0x1EE20] =	vst v3  }
0x77: {  	[tilespmem:$0x1EE30] =	vst v3  }
0x78: {  	[tilespmem:$0x1EE40] =	vst v3  }
0x79: {  	[tilespmem:$0x1EE50] =	vst v3  }
0x7a: {  	[tilespmem:$0x1EE60] =	vst v3  }
0x7b: {  	s0 =	simm.s32 $0x8;
	[tilespmem:$0x1EE70] =	vst v3  }
0x7c: {  	_ =	swait.ge [sflag:s0], $0x200  }
0x7d: {  	[sflag:s0] =	ssyncset.done $0x0  }
0x7e: {  	s28 =	simm.s32 $0x7;
	[sflag:s0] =	ssyncadd.s32 $0xFFFFFE00  }
0x7f: {  	_ =	swait.ge [sflag:s28], $0x80  }
0x80: {  	[sflag:s28] =	ssyncset.done $0x0  }
0x81: {  	s1 =	simm.s32 $0x0;
	[sflag:s28] =	ssyncadd.s32 $0xFFFFFF80  }
0x82: {  	v5 =	vld [tilespmem:s1+$0x80];
	_ =	sdelay $0x4  }
0x83: {  	vm0 =	vgt.s32 v5, $0x1  }
0x84: {  	v5 =	vnsel vm0, $0x1, v5  }
0x85: {  	(xrf0) =	vadd.scan.msk.s32 $0xffff, v5;
	_ =	sdelay $0x5  }
0x86: {  	s8 =	simm.s32 $0x0;
	v5, _, _ =	vpop (xrf0)  }
0x87: {  	v6 =	vadd.s32 s8, v5  }
0x88: {  	v7 =	vxor.u32 $0x80000000, v6  }
0x89: {  	(xrf0) =	vmax.scan.msk.u32 $0xffff, v7;
	_ =	sdelay $0x2  }
0x8a: {  	vm14 =	vlt.s32 v6, $0x800;
	_ =	sdelay $0x2  }
0x8b: {  	v7, _, _ =	vpop (xrf0)  }
0x8c: {  	(v2sf) =	vpush v7, $0xF  }
0x8d: {  	v5 =	vld [tilespmem:$0x0]  }
0x8e: {  	s6 =	simm.s32 $0x10;
	[tilespmem:v6+s12+$0x0] =	vst.idx.add.s32.msk vm14, v4  }
0x8f: {  	v6 =	vld [tilespmem:s6+$0x80];
	_ =	sdelay $0x4  }
0x90: {  	vm15 =	vgt.s32 v6, $0x1  }
0x91: {  	v6 =	vnsel vm15, $0x1, v6  }
0x92: {  	s2 =	simm.s32 $0x80;
	s10 =	simm.s32 $0xC0;
	s9 =	simm.s32 $0x80;
	(xrf0) =	vadd.scan.msk.s32 $0xffff, v6  }
.LBB2_4:
0x93: {  	p0 =	sne.s32 s10, $0x7C0;
	_ =	sdelay $0x3  }
0x94: {  	s11 =	spop (v2sf)  }
0x95: {  	v6, _, _ =	vpop (xrf0);
	s11 =	sxor.u32 $0x80000000, s11  }
0x96: {  	v6 =	vadd.s32 s11, v6  }
0x97: {  	vm0 =	vlt.s32 v6, $0x800;
	v7 =	vxor.u32 $0x80000000, v6  }
0x98: {  	(xrf0) =	vmax.scan.msk.u32 $0xffff, v7;
	_ =	sdelay $0x4  }
0x99: {  	[tilespmem:v6+s12+$0x0] =	vst.idx.add.s32.msk vm0, v4  }
0x9a: {  	v6, _, _ =	vpop (xrf0)  }
0x9b: {  	(v2sf) =	vpush v6, $0xF;
	_ =	sdelay $0x1  }
0x9c: {  	s11 =	sshra.s32 s9, $0x2;
	s9 =	smov.u32 s10  }
0x9d: {  	v6 =	vld [tilespmem:s11+$0x80];
	_ =	sdelay $0x2  }
.Ltmp3:
0x9e: {  	(pc) =	sbr.rel @p0 .LBB2_4-.Ltmp3, $4  }
0x9f: {  	_ = 	snop  }
0xa0: {  	vm0 =	vgt.s32 v6, $0x1  }
0xa1: {  	v6 =	vnsel vm0, $0x1, v6  }
0xa2: {  	s10 =	sadd.s32 $0x40, s10;
	(xrf0) =	vadd.scan.msk.s32 $0xffff, v6  }
0xa3: {  	_ =	sdelay $0x3  }
0xa4: {  	s10 =	spop (v2sf)  }
0xa5: {  	v6, _, _ =	vpop (xrf0);
	s10 =	sxor.u32 $0x80000000, s10  }
0xa6: {  	v6 =	vadd.s32 s10, v6  }
0xa7: {  	v7 =	vxor.u32 $0x80000000, v6  }
0xa8: {  	(xrf0) =	vmax.scan.msk.u32 $0xffff, v7;
	_ =	sdelay $0x2  }
0xa9: {  	vm0 =	vlt.s32 v6, $0x800;
	_ =	sdelay $0x2  }
0xaa: {  	v7, _, _ =	vpop (xrf0)  }
0xab: {  	(v2sf) =	vpush v7, $0xF;
	_ =	sdelay $0x1  }
0xac: {  	s9 =	sshra.s32 s9, $0x2;
	[tilespmem:v6+s12+$0x0] =	vst.idx.add.s32.msk vm0, v4  }
0xad: {  	v6 =	vld [tilespmem:s9+$0x80];
	_ =	sdelay $0x4  }
0xae: {  	vm13 =	vgt.s32 v6, $0x1  }
0xaf: {  	v6 =	vnsel vm13, $0x1, v6  }
0xb0: {  	(xrf0) =	vadd.scan.msk.s32 $0xffff, v6;
	_ =	sdelay $0x4  }
0xb1: {  	s22 =	spop (v2sf)  }
0xb2: {  	v6, _, _ =	vpop (xrf0);
	s9 =	sxor.u32 $0x80000000, s22  }
0xb3: {  	v6 =	vadd.s32 s9, v6  }
0xb4: {  	vm14 =	vlt.s32 v6, $0x800;
	_ =	sdelay $0x4  }
0xb5: {  	v7 =	vxor.u32 $0x80000000, v6  }
0xb6: {  	(xrf0) =	vmax.scan.msk.u32 $0xffff, v7;
	[tilespmem:v6+s12+$0x0] =	vst.idx.add.s32.msk vm14, v4  }
0xb7: {  	v6 =	vld [tilespmem:s1+$0x280];
	_ =	sdelay $0x4  }
0xb8: {  	v7, _, _ =	vpop (xrf0);
	(xrf0) =	vadd.scan.msk.s32 $0xffff, v6  }
0xb9: {  	(v2sf) =	vpush v7, $0xF;
	_ =	sdelay $0x4  }
0xba: {  	v6, _, _ =	vpop (xrf0)  }
0xbb: {  	v6 =	vadd.s32 s8, v6  }
0xbc: {  	v7 =	vxor.u32 $0x80000000, v6  }
0xbd: {  	(xrf0) =	vmax.scan.msk.u32 $0xffff, v7  }
0xbe: {  	vm15 =	vlt.s32 v6, $0x1FF  }
0xbf: {  	v6 =	vnsel vm15, $0x1FF, v6  }
0xc0: {  	v6 =	vadd.s32 v0, v6;
	_ =	sdelay $0x2  }
0xc1: {  	[tilespmem:s1+$0x280] =	vst v6;
	v6, _, _ =	vpop (xrf0)  }
0xc2: {  	s28 =	spop (v2sf);
	(v2sf) =	vpush v6, $0xF;
	_ =	sdelay $0x4  }
0xc3: {  	v6 =	vld [tilespmem:s6+$0x280];
	_ =	sdelay $0x3  }
0xc4: {  	s8 =	simm.s32 $0xC0;
	s0 =	sxor.u32 $0x80000000, s28  }
.LBB2_6:
0xc5: {  	p0 =	sne.s32 s8, $0x1C0;
	(xrf0) =	vadd.scan.msk.s32 $0xffff, v6;
	_ =	sdelay $0x4  }
0xc6: {  	s9 =	spop (v2sf)  }
0xc7: {  	v6, _, _ =	vpop (xrf0);
	s9 =	sxor.u32 $0x80000000, s9  }
0xc8: {  	v6 =	vadd.s32 s9, v6  }
0xc9: {  	vm0 =	vlt.s32 v6, $0x1FF;
	v7 =	vxor.u32 $0x80000000, v6  }
0xca: {  	v6 =	vnsel vm0, $0x1FF, v6;
	(xrf0) =	vmax.scan.msk.u32 $0xffff, v7  }
0xcb: {  	v6 =	vadd.s32 v0, v6  }
0xcc: {  	[tilespmem:s6+$0x280] =	vst v6;
	_ =	sdelay $0x3  }
0xcd: {  	v6, _, _ =	vpop (xrf0)  }
0xce: {  	(v2sf) =	vpush v6, $0xF;
	_ =	sdelay $0x3  }
0xcf: {  	s6 =	sshra.s32 s2, $0x2;
	s2 =	smov.u32 s8  }
.Ltmp4:
0xd0: {  	v6 =	vld [tilespmem:s6+$0x280];
	(pc) =	sbr.rel @p0 .LBB2_6-.Ltmp4, $2  }
0xd1: {  	_ =	sdelay $0x2  }
0xd2: {  	s8 =	sadd.s32 $0x40, s8  }
0xd3: {  	(xrf0) =	vadd.scan.msk.s32 $0xffff, v6;
	_ =	sdelay $0x4  }
0xd4: {  	s8 =	spop (v2sf)  }
0xd5: {  	v6, _, _ =	vpop (xrf0);
	s8 =	sxor.u32 $0x80000000, s8  }
0xd6: {  	v6 =	vadd.s32 s8, v6  }
0xd7: {  	v7 =	vxor.u32 $0x80000000, v6  }
0xd8: {  	(xrf0) =	vmax.scan.msk.u32 $0xffff, v7;
	_ =	sdelay $0x5  }
0xd9: {  	v7, _, _ =	vpop (xrf0)  }
0xda: {  	(v2sf) =	vpush v7, $0xF  }
0xdb: {  	vm0 =	vlt.s32 v6, $0x1FF  }
0xdc: {  	v6 =	vnsel vm0, $0x1FF, v6  }
0xdd: {  	v6 =	vadd.s32 v0, v6  }
0xde: {  	s2 =	sshra.s32 s2, $0x2;
	[tilespmem:s6+$0x280] =	vst v6  }
0xdf: {  	v6 =	vld [tilespmem:s2+$0x280];
	_ =	sdelay $0x4  }
0xe0: {  	(xrf0) =	vadd.scan.msk.s32 $0xffff, v6;
	_ =	sdelay $0x4  }
0xe1: {  	s12 =	spop (v2sf)  }
0xe2: {  	v6, _, _ =	vpop (xrf0);
	s6 =	sxor.u32 $0x80000000, s12  }
0xe3: {  	v6 =	vadd.s32 s6, v6  }
0xe4: {  	v7 =	vxor.u32 $0x80000000, v6  }
0xe5: {  	v5 =	vxor.u32 $0x80000000, v5;
	vm14 =	vlt.s32 v6, $0x1FF;
	(xrf0) =	vmax.scan.msk.u32 $0xffff, v7  }
0xe6: {  	v6 =	vnsel vm14, $0x1FF, v6;
	(xrf0) =	vmax.scan.msk.u32 $0xffff, v5  }
0xe7: {  	v5 =	vadd.s32 v0, v6  }
0xe8: {  	[tilespmem:s2+$0x280] =	vst v5  }
0xe9: {  	v5 =	vld [tilespmem:s7+$0x280];
	_ =	sdelay $0x1  }
0xea: {  	v6, _, _ =	vpop (xrf0)  }
0xeb: {  	(v2sf) =	vpush v6, $0xF;
	v6, _, _ =	vpop (xrf0)  }
0xec: {  	(v2sf) =	vpush v6, $0xF  }
0xed: {  	(v2sf) =	vpush v5, $0x0;
	_ =	sdelay $0x3  }
0xee: {  	v5 =	vld [tilespmem:s7+$0x290];
	_ =	sdelay $0x4  }
0xef: {  	(v2sf) =	vpush v5, $0xF;
	_ =	sdelay $0x3  }
0xf0: {  	s6 =	spop (v2sf)  }
0xf1: {  	s2 =	spop (v2sf)  }
0xf2: {  	s13 =	spop (v2sf)  }
0xf3: {  	s9 =	sand.u32 $0x7, s13  }
0xf4: {  	s10 =	sshra.s32 s13, $0x1F;
	p0 =	slt.s32 s13, $0x1;
	p1 =	sne.s32 s9, $0x0  }
0xf5: {  	s14 =	sshrl.u32 s10, $0x1D;
	p0 =	por !p0, !p1  }
0xf6: {  	s9 =	simm.s32 $0x1;
	s8 =	sadd.s32 s14, s13;
	p0 =	por !p0, !p0  }
0xf7: {  	s8 =	sshrl.u32 s8, $0x3;
	s9 =	simm.s32 @!p0 $0x0  }
0xf8: {  	s8 =	ssub.s32 s8, s9  }
0xf9: {  	s28 =	sshll.u32 s8, $0x3  }
0xfa: {  	p0 =	slt.s32 s28, $0xFD8  }
0xfb: {  	s15 =	spop (v2sf);
	s28 =	simm.s32 @!p0 $0xFD8  }
0xfc: {  	s19 =	ssub.s32 s15, s28  }
0xfd: {  	s8 =	sand.u32 $0x3, s15;
	s10 =	sadd.s32 $0x4, s19  }
0xfe: {  	p6 =	sne.s32 s8, $0x0;
	s11 =	sshra.s32 s10, $0x1F;
	p5 =	slt.s32 s10, $0x1  }
0xff: {  	s21 =	sshrl.u32 s11, $0x1E;
	p0 =	por !p6, !p5  }
0x100: {  	s8 =	sadd.s32 s21, s10;
	p0 =	por !p0, !p0;
	s10 =	simm.s32 $0x1  }
0x101: {  	s8 =	sshrl.u32 s8, $0x2;
	s10 =	simm.s32 @!p0 $0x0  }
0x102: {  	s8 =	ssub.s32 s8, s10  }
0x103: {  	s12 =	sshll.u32 s8, $0x2  }
0x104: {  	s19 =	rddreg [dreg:$0x0];
	s11 =	simm.s32 $0x20;
	p0 =	sgt.s32 s12, $0x1F  }
0x105: {  	s8 =	sadd.s32 $0xFFFFFFE0, s12;
	s10 =	smov.u32 s12;
	p2 =	slt.s32 s12, $0x20  }
0x106: {  	s10 =	smov.u32 @p0 s8;
	s13 =	sshll.u32 @!p2 s28, $0x7;
	s15 =	simm.s32 @!p2 $0x0  }
0x107: {  	s1 =	simm.s32 @!p2 $0xA80;
	s11 =	simm.s32 @!p0 $0x0;
	p1 =	sgt.s32 s10, $0xF  }
0x108: {  	s8 =	sadd.s32 $0xFFFFFFF0, s10;
	s13 =	sadd.s32 @!p2 s19, s13;
	s14 =	smov.u32 s10  }
0x109: {  	[tilespmem:s1], [sflag:$0x1] =	stream.linear.gather @!p2 [hbm4b:s13+s15], $0x8000, $0x38;
	[tilespmem:$0x1EE80] =	vst v63  }
0x10a: {  	s14 =	smov.u32 @p1 s8;
	p2 =	slt.s32 s10, $0x10;
	s1 =	simm.s32 $0x10  }
0x10b: {  	s8 =	sadd.s32 @!p2 s28, s11;
	s1 =	simm.s32 @!p1 $0x0;
	s10 =	sshll.u32 @!p2 s11, $0xA  }
0x10c: {  	s13 =	simm.s32 @!p2 $0x0;
	p1 =	slt.s32 s14, $0x8;
	s8 =	sshll.u32 @!p2 s8, $0x7  }
0x10d: {  	s10 =	sadd.s32 @!p2 $0xA80, s10;
	s1 =	sor.u32 s11, s1;
	s8 =	sadd.s32 @!p2 s19, s8  }
0x10e: {  	[tilespmem:s10], [sflag:$0x1] =	stream.linear.gather @!p2 [hbm4b:s8+s13], $0x4000, $0x38;
	[tilespmem:$0x1EE80] =	vst v63  }
0x10f: {  	p0 =	sgt.s32 s14, $0x7;
	s11 =	sadd.s32 @!p1 s28, s1;
	s8 =	sadd.s32 $0xFFFFFFF8, s14  }
0x110: {  	s10 =	smov.u32 s14;
	s13 =	sshll.u32 @!p1 s1, $0xA;
	s11 =	sshll.u32 @!p1 s11, $0x7  }
0x111: {  	s14 =	simm.s32 @!p1 $0x0;
	s10 =	smov.u32 @p0 s8;
	s8 =	simm.s32 $0x8  }
0x112: {  	s13 =	sadd.s32 @!p1 $0xA80, s13;
	s11 =	sadd.s32 @!p1 s19, s11;
	s8 =	simm.s32 @!p0 $0x0  }
0x113: {  	[tilespmem:s13], [sflag:$0x1] =	stream.linear.gather @!p1 [hbm4b:s11+s14], $0x2000, $0x38;
	[tilespmem:$0x1EE80] =	vst v63  }
0x114: {  	p0 =	slt.s32 s10, $0x4;
	s1 =	sor.u32 s1, s8  }
0x115: {  	s8 =	sadd.s32 @!p0 s28, s1  }
0x116: {  	s8 =	sshll.u32 @!p0 s8, $0x7  }
0x117: {  	s1 =	sshll.u32 @!p0 s1, $0xA;
	s8 =	sand.u32 @!p0 $0x1FFFFC00, s8  }
0x118: {  	s11 =	simm.s32 @!p0 $0x0;
	s10 =	sadd.s32 @!p0 $0xA80, s1;
	s8 =	sadd.s32 @!p0 s19, s8  }
0x119: {  	[tilespmem:s10], [sflag:$0x1] =	stream.linear.gather @!p0 [hbm4b:s8+s11], $0x200, $0x38;
	[tilespmem:$0x1EE80] =	vst v63  }
0x11a: {  	s13 =	sadd.s32 @!p0 $0xE80, s1;
	s10 =	sadd.s32 @!p0 $0x80, s8  }
0x11b: {  	[tilespmem:s13], [sflag:$0x1] =	stream.linear.gather @!p0 [hbm4b:s10+s11], $0x200, $0x38;
	[tilespmem:$0x1EE80] =	vst v63  }
0x11c: {  	s10 =	sadd.s32 @!p0 $0x100, s8;
	s13 =	sadd.s32 @!p0 $0x1280, s1  }
0x11d: {  	[tilespmem:s13], [sflag:$0x1] =	stream.linear.gather @!p0 [hbm4b:s10+s11], $0x200, $0x38;
	[tilespmem:$0x1EE80] =	vst v63  }
0x11e: {  	s10 =	sadd.s32 @!p0 $0x180, s8;
	s13 =	sadd.s32 @!p0 $0x1680, s1  }
0x11f: {  	[tilespmem:s13], [sflag:$0x1] =	stream.linear.gather @!p0 [hbm4b:s10+s11], $0x200, $0x38;
	[tilespmem:$0x1EE80] =	vst v63  }
0x120: {  	s10 =	sadd.s32 @!p0 $0x200, s8;
	s13 =	sadd.s32 @!p0 $0x1A80, s1  }
0x121: {  	[tilespmem:s13], [sflag:$0x1] =	stream.linear.gather @!p0 [hbm4b:s10+s11], $0x200, $0x38;
	[tilespmem:$0x1EE80] =	vst v63  }
0x122: {  	s10 =	sadd.s32 @!p0 $0x280, s8;
	s13 =	sadd.s32 @!p0 $0x1E80, s1  }
0x123: {  	[tilespmem:s13], [sflag:$0x1] =	stream.linear.gather @!p0 [hbm4b:s10+s11], $0x200, $0x38;
	[tilespmem:$0x1EE80] =	vst v63  }
0x124: {  	s10 =	sadd.s32 @!p0 $0x300, s8;
	s13 =	sadd.s32 @!p0 $0x2280, s1  }
0x125: {  	[tilespmem:s13], [sflag:$0x1] =	stream.linear.gather @!p0 [hbm4b:s10+s11], $0x200, $0x38;
	[tilespmem:$0x1EE80] =	vst v63  }
0x126: {  	s22 =	simm.s32 $0x80;
	s8 =	sadd.s32 @!p0 $0x380, s8;
	s1 =	sadd.s32 @!p0 $0x2680, s1  }
0x127: {  	[tilespmem:s1], [sflag:$0x1] =	stream.linear.gather @!p0 [hbm4b:s8+s11], $0x200, $0x38;
	[tilespmem:$0x1EE80] =	vst v63  }
0x128: {  	v5 =	vld [tilespmem:s22+$0x280];
	_ =	sdelay $0x4  }
0x129: {  	(xrf0) =	vadd.scan.msk.s32 $0xffff, v5;
	_ =	sdelay $0x5  }
0x12a: {  	s6 =	sxor.u32 $0x80000000, s6;
	v5, _, _ =	vpop (xrf0)  }
0x12b: {  	v5 =	vadd.s32 s6, v5  }
0x12c: {  	v6 =	vxor.u32 $0x80000000, v5  }
0x12d: {  	(xrf0) =	vmax.scan.msk.u32 $0xffff, v6  }
0x12e: {  	vm15 =	vlt.s32 v5, $0x1FF  }
0x12f: {  	v5 =	vnsel vm15, $0x1FF, v5  }
0x130: {  	v5 =	vadd.s32 v0, v5;
	_ =	sdelay $0x2  }
0x131: {  	[tilespmem:s22+$0x280] =	vst v5;
	v5, _, _ =	vpop (xrf0)  }
0x132: {  	(v2sf) =	vpush v5, $0xF;
	_ =	sdelay $0x3  }
0x133: {  	s15 =	sxor.u32 $0x80000000, s2;
	s2 =	simm.s32 $0x90  }
0x134: {  	v5 =	vld [tilespmem:s2+$0x280];
	_ =	sdelay $0x2  }
0x135: {  	p0 =	slt.s32 s0, s15  }
0x136: {  	s1 =	simm.s32 $0x280;
	s15 =	smov.u32 @p0 s0;
	s6 =	simm.s32 $0x2C0  }
.LBB2_8:
0x137: {  	p0 =	sne.s32 s6, $0x1FC0;
	(xrf0) =	vadd.scan.msk.s32 $0xffff, v5;
	_ =	sdelay $0x4  }
0x138: {  	s8 =	spop (v2sf)  }
0x139: {  	v5, _, _ =	vpop (xrf0);
	s8 =	sxor.u32 $0x80000000, s8  }
0x13a: {  	v5 =	vadd.s32 s8, v5  }
0x13b: {  	vm0 =	vlt.s32 v5, $0x1FF;
	v6 =	vxor.u32 $0x80000000, v5  }
0x13c: {  	v5 =	vnsel vm0, $0x1FF, v5;
	(xrf0) =	vmax.scan.msk.u32 $0xffff, v6  }
0x13d: {  	v5 =	vadd.s32 v0, v5  }
0x13e: {  	[tilespmem:s2+$0x280] =	vst v5;
	_ =	sdelay $0x3  }
0x13f: {  	v5, _, _ =	vpop (xrf0)  }
0x140: {  	(v2sf) =	vpush v5, $0xF;
	_ =	sdelay $0x3  }
0x141: {  	s2 =	sshra.s32 s1, $0x2;
	s1 =	smov.u32 s6  }
.Ltmp5:
0x142: {  	v5 =	vld [tilespmem:s2+$0x280];
	(pc) =	sbr.rel @p0 .LBB2_8-.Ltmp5, $2  }
0x143: {  	_ =	sdelay $0x2  }
0x144: {  	s6 =	sadd.s32 $0x40, s6  }
0x145: {  	(xrf0) =	vadd.scan.msk.s32 $0xffff, v5;
	_ =	sdelay $0x4  }
0x146: {  	s6 =	spop (v2sf)  }
0x147: {  	v5, _, _ =	vpop (xrf0);
	s6 =	sxor.u32 $0x80000000, s6  }
0x148: {  	v5 =	vadd.s32 s6, v5  }
0x149: {  	v6 =	vxor.u32 $0x80000000, v5  }
0x14a: {  	(xrf0) =	vmax.scan.msk.u32 $0xffff, v6;
	_ =	sdelay $0x5  }
0x14b: {  	v6, _, _ =	vpop (xrf0)  }
0x14c: {  	(v2sf) =	vpush v6, $0xF  }
0x14d: {  	vm0 =	vlt.s32 v5, $0x1FF  }
0x14e: {  	v5 =	vnsel vm0, $0x1FF, v5  }
0x14f: {  	v5 =	vadd.s32 v0, v5  }
0x150: {  	s1 =	sshra.s32 s1, $0x2;
	[tilespmem:s2+$0x280] =	vst v5  }
0x151: {  	v5 =	vld [tilespmem:s1+$0x280];
	_ =	sdelay $0x4  }
0x152: {  	(xrf0) =	vadd.scan.msk.s32 $0xffff, v5;
	_ =	sdelay $0x4  }
0x153: {  	s21 =	spop (v2sf)  }
0x154: {  	v5, _, _ =	vpop (xrf0);
	s2 =	sxor.u32 $0x80000000, s21  }
0x155: {  	v5 =	vadd.s32 s2, v5  }
0x156: {  	v6 =	vxor.u32 $0x80000000, v5  }
0x157: {  	(xrf0) =	vmax.scan.msk.u32 $0xffff, v6;
	_ =	sdelay $0x5  }
0x158: {  	v6, _, _ =	vpop (xrf0)  }
0x159: {  	(v2sf) =	vpush v6, $0xF;
	_ =	sdelay $0xa  }
.Ltmp6:
0x15a: {  	_ = 	snop;
	(pc) =	sbr.rel .LBB2_10-.Ltmp6, $4  }
0x15b: {  	vm15 =	vlt.s32 v5, $0x1FF  }
0x15c: {  	v5 =	vnsel vm15, $0x1FF, v5  }
0x15d: {  	s8 =	simm.s32 $0x0;
	s6 =	simm.s32 $0x0;
	v5 =	vadd.s32 v0, v5  }
0x15e: {  	s2 =	rddreg [dreg:$0x8];
	[tilespmem:s1+$0x280] =	vst v5;
	s1 =	simm.s32 $0x1;
	s22 =	spop (v2sf)  }
.LBB2_12:
0x15f: {  	p0 =	slt.s32 s12, $0x20  }
0x160: {  	p1 =	sgt.s32 s12, $0x1F;
	s10 =	sadd.s32 $0xFFFFFFE0, s12;
	s14 =	sadd.s32 @!p0 $0x1, s11  }
0x161: {  	s12 =	smov.u32 @p1 s10;
	_ =	swait.ge @!p0 [sflag:s14], $0x8000  }
0x162: {  	p1 =	slt.s32 s12, $0x10;
	[sflag:s14] =	ssyncset.done @!p0 $0x0  }
0x163: {  	s10 =	sadd.s32 @!p1 $0x1, s11;
	[sflag:s14] =	ssyncadd.s32 @!p0 $0xFFFF8000  }
0x164: {  	p0 =	sgt.s32 s12, $0xF;
	s14 =	sadd.s32 $0xFFFFFFF0, s12;
	_ =	swait.ge @!p1 [sflag:s10], $0x4000  }
0x165: {  	s12 =	smov.u32 @p0 s14;
	[sflag:s10] =	ssyncset.done @!p1 $0x0  }
0x166: {  	p0 =	slt.s32 s12, $0x8;
	[sflag:s10] =	ssyncadd.s32 @!p1 $0xFFFFC000  }
0x167: {  	p1 =	sgt.s32 s12, $0x7;
	s10 =	sadd.s32 $0xFFFFFFF8, s12;
	s14 =	sadd.s32 @!p0 $0x1, s11  }
0x168: {  	s12 =	smov.u32 @p1 s10;
	_ =	swait.ge @!p0 [sflag:s14], $0x2000  }
0x169: {  	[sflag:s14] =	ssyncset.done @!p0 $0x0;
	p1 =	slt.s32 s12, $0x4  }
0x16a: {  	[sflag:s14] =	ssyncadd.s32 @!p0 $0xFFFFE000;
	s10 =	sadd.s32 @!p1 $0x1, s11  }
0x16b: {  	_ =	swait.ge @!p1 [sflag:s10], $0x1000  }
0x16c: {  	s12 =	sadd.s32 s8, s7;
	[sflag:s10] =	ssyncset.done @!p1 $0x0  }
0x16d: {  	s22 =	sand.u32 $0xFFFFFF80, s12;
	[sflag:s10] =	ssyncadd.s32 @!p1 $0xFFFFF000  }
0x16e: {  	v6 =	vld.idx.msk [tilespmem:v1+s22+$0x0 ss:$0x1], $0xffff;
	_ =	sdelay $0x3  }
0x16f: {  	v5 =	vmov s28  }
0x170: {  	p1 =	sge.s32 s12, s15;
	v6 =	vsub.s32 v6, v5  }
0x171: {  	(v2sf) =	vpush @!p1 v6, $0x0;
	_ =	sdelay $0xb  }
0x172: {  	s9 =	sadd.s32 @p1 $0x4, s11;
	s10 =	sadd.s32 @p1 s6, s17  }
0x173: {  	s14 =	simm.s32 @p1 $0x80;
	s19 =	simm.s32 @p1 $0x400;
	s21 =	simm.s32 @p1 $0x1EA80  }
0x174: {  	[hbm4b:s10+s14] =	stream.strided.scatter @p1 [tilespmem:s21], [sflag:s9], $0x400, s19, s14, $0x38;
	[tilespmem:$0x1EE80] =	vst v63  }
0x175: {  	s10 =	smul.u32 @!p1 $0x28000, s11;
	s9 =	spop @!p1 (v2sf)  }
0x176: {  	s14 =	sshll.u32 @!p1 s9, $0xA  }
0x177: {  	s10 =	sshrl.u32 @!p1 s10, $0x2;
	s9 =	sshll.u32 @!p1 s9, $0x7;
	s14 =	sand.u32 @!p1 $0xFFFFE000, s14  }
0x178: {  	s9 =	sand.u32 @!p1 $0x380, s9;
	s10 =	sadd.s32 @!p1 s14, s10  }
0x179: {  	s0 =	sadd.s32 $0x1, s12;
	s19 =	sadd.s32 @!p1 s6, s17;
	s9 =	sor.u32 @!p1 s10, s9  }
0x17a: {  	s21 =	simm.s32 @!p1 $0x0;
	s14 =	sadd.s32 @!p1 $0x4, s11;
	s10 =	sadd.s32 @!p1 $0xA80, s9  }
0x17b: {  	[hbm4b:s19+s21] =	stream.linear.scatter @!p1 [tilespmem:s10], [sflag:s14], $0x80, $0x38;
	[tilespmem:$0x1EE80] =	vst v63  }
0x17c: {  	p0 =	sge.s32 s0, s15;
	s22 =	sadd.s32 @!p1 $0x80, s19;
	s10 =	sadd.s32 @!p1 $0xE80, s9  }
0x17d: {  	[hbm4b:s22+s21] =	stream.linear.scatter @!p1 [tilespmem:s10], [sflag:s14], $0x80, $0x38;
	[tilespmem:$0x1EE80] =	vst v63  }
0x17e: {  	(v2sf) =	vpush @!p0 v6, $0x1;
	s22 =	sadd.s32 @!p1 $0x1280, s9;
	s10 =	sadd.s32 @!p1 $0x100, s19  }
0x17f: {  	[hbm4b:s10+s21] =	stream.linear.scatter @!p1 [tilespmem:s22], [sflag:s14], $0x80, $0x38;
	[tilespmem:$0x1EE80] =	vst v63  }
0x180: {  	s10 =	sadd.s32 @!p1 $0x1680, s9;
	s22 =	sadd.s32 @!p1 $0x180, s19  }
0x181: {  	[hbm4b:s22+s21] =	stream.linear.scatter @!p1 [tilespmem:s10], [sflag:s14], $0x80, $0x38;
	[tilespmem:$0x1EE80] =	vst v63  }
0x182: {  	s10 =	sadd.s32 @!p1 $0x1A80, s9;
	s22 =	sadd.s32 @!p1 $0x200, s19  }
0x183: {  	[hbm4b:s22+s21] =	stream.linear.scatter @!p1 [tilespmem:s10], [sflag:s14], $0x80, $0x38;
	[tilespmem:$0x1EE80] =	vst v63  }
0x184: {  	s10 =	sadd.s32 @!p1 $0x1E80, s9;
	s22 =	sadd.s32 @!p1 $0x280, s19  }
0x185: {  	[hbm4b:s22+s21] =	stream.linear.scatter @!p1 [tilespmem:s10], [sflag:s14], $0x80, $0x38;
	[tilespmem:$0x1EE80] =	vst v63  }
0x186: {  	s10 =	sadd.s32 @!p1 $0x2280, s9;
	s22 =	sadd.s32 @!p1 $0x300, s19  }
0x187: {  	[hbm4b:s22+s21] =	stream.linear.scatter @!p1 [tilespmem:s10], [sflag:s14], $0x80, $0x38;
	[tilespmem:$0x1EE80] =	vst v63  }
0x188: {  	s9 =	sadd.s32 @!p1 $0x2680, s9;
	s10 =	sadd.s32 @!p1 $0x380, s19  }
0x189: {  	[hbm4b:s10+s21] =	stream.linear.scatter @!p1 [tilespmem:s9], [sflag:s14], $0x80, $0x38;
	[tilespmem:$0x1EE80] =	vst v63  }
0x18a: {  	s19 =	simm.s32 @p0 $0x400;
	s9 =	sadd.s32 @p0 s6, s17;
	s10 =	sadd.s32 @p0 $0x4, s11  }
0x18b: {  	s14 =	simm.s32 @p0 $0x80;
	s21 =	simm.s32 @p0 $0x1EA80;
	s9 =	sadd.s32 @p0 $0x10, s9  }
0x18c: {  	[hbm4b:s9+s14] =	stream.strided.scatter @p0 [tilespmem:s21], [sflag:s10], $0x400, s19, s14, $0x38;
	[tilespmem:$0x1EE80] =	vst v63  }
0x18d: {  	s9 =	spop @!p0 (v2sf);
	s10 =	smul.u32 @!p0 $0x28000, s11  }
0x18e: {  	s14 =	sshll.u32 @!p0 s9, $0xA  }
0x18f: {  	s9 =	sshll.u32 @!p0 s9, $0x7;
	s14 =	sand.u32 @!p0 $0xFFFFE000, s14;
	s10 =	sshrl.u32 @!p0 s10, $0x2  }
0x190: {  	s0 =	sadd.s32 $0x2, s12;
	s9 =	sand.u32 @!p0 $0x380, s9;
	s10 =	sadd.s32 @!p0 s14, s10  }
0x191: {  	s22 =	simm.s32 @!p0 $0x0;
	s9 =	sor.u32 @!p0 s10, s9;
	s10 =	sadd.s32 @!p0 s6, s17  }
0x192: {  	s14 =	sadd.s32 @!p0 $0x4, s11;
	s19 =	sadd.s32 @!p0 $0xA80, s9;
	s21 =	sadd.s32 @!p0 $0x10, s10  }
0x193: {  	[hbm4b:s21+s22] =	stream.linear.scatter @!p0 [tilespmem:s19], [sflag:s14], $0x80, $0x38;
	[tilespmem:$0x1EE80] =	vst v63  }
0x194: {  	p1 =	sge.s32 s0, s15;
	s19 =	sadd.s32 @!p0 $0xE80, s9;
	s21 =	sadd.s32 @!p0 $0x90, s10  }
0x195: {  	[hbm4b:s21+s22] =	stream.linear.scatter @!p0 [tilespmem:s19], [sflag:s14], $0x80, $0x38;
	[tilespmem:$0x1EE80] =	vst v63  }
0x196: {  	(v2sf) =	vpush @!p1 v6, $0x2;
	s21 =	sadd.s32 @!p0 $0x1280, s9;
	s19 =	sadd.s32 @!p0 $0x110, s10  }
0x197: {  	[hbm4b:s19+s22] =	stream.linear.scatter @!p0 [tilespmem:s21], [sflag:s14], $0x80, $0x38;
	[tilespmem:$0x1EE80] =	vst v63  }
0x198: {  	s19 =	sadd.s32 @!p0 $0x1680, s9;
	s21 =	sadd.s32 @!p0 $0x190, s10  }
0x199: {  	[hbm4b:s21+s22] =	stream.linear.scatter @!p0 [tilespmem:s19], [sflag:s14], $0x80, $0x38;
	[tilespmem:$0x1EE80] =	vst v63  }
0x19a: {  	s19 =	sadd.s32 @!p0 $0x1A80, s9;
	s21 =	sadd.s32 @!p0 $0x210, s10  }
0x19b: {  	[hbm4b:s21+s22] =	stream.linear.scatter @!p0 [tilespmem:s19], [sflag:s14], $0x80, $0x38;
	[tilespmem:$0x1EE80] =	vst v63  }
0x19c: {  	s19 =	sadd.s32 @!p0 $0x1E80, s9;
	s21 =	sadd.s32 @!p0 $0x290, s10  }
0x19d: {  	[hbm4b:s21+s22] =	stream.linear.scatter @!p0 [tilespmem:s19], [sflag:s14], $0x80, $0x38;
	[tilespmem:$0x1EE80] =	vst v63  }
0x19e: {  	s19 =	sadd.s32 @!p0 $0x2280, s9;
	s21 =	sadd.s32 @!p0 $0x310, s10  }
0x19f: {  	[hbm4b:s21+s22] =	stream.linear.scatter @!p0 [tilespmem:s19], [sflag:s14], $0x80, $0x38;
	[tilespmem:$0x1EE80] =	vst v63  }
0x1a0: {  	s9 =	sadd.s32 @!p0 $0x2680, s9;
	s10 =	sadd.s32 @!p0 $0x390, s10  }
0x1a1: {  	[hbm4b:s10+s22] =	stream.linear.scatter @!p0 [tilespmem:s9], [sflag:s14], $0x80, $0x38;
	[tilespmem:$0x1EE80] =	vst v63  }
0x1a2: {  	s19 =	simm.s32 @p1 $0x400;
	s21 =	simm.s32 @p1 $0x1EA80;
	s9 =	sadd.s32 @p1 s6, s17  }
0x1a3: {  	s10 =	sadd.s32 @p1 $0x4, s11;
	s14 =	simm.s32 @p1 $0x80;
	s9 =	sadd.s32 @p1 $0x20, s9  }
0x1a4: {  	[hbm4b:s9+s14] =	stream.strided.scatter @p1 [tilespmem:s21], [sflag:s10], $0x400, s19, s14, $0x38;
	[tilespmem:$0x1EE80] =	vst v63  }
0x1a5: {  	s9 =	spop @!p1 (v2sf);
	s10 =	smul.u32 @!p1 $0x28000, s11  }
0x1a6: {  	s14 =	sshll.u32 @!p1 s9, $0xA  }
0x1a7: {  	s9 =	sshll.u32 @!p1 s9, $0x7;
	s14 =	sand.u32 @!p1 $0xFFFFE000, s14;
	s10 =	sshrl.u32 @!p1 s10, $0x2  }
0x1a8: {  	s0 =	sadd.s32 $0x3, s12;
	s9 =	sand.u32 @!p1 $0x380, s9;
	s10 =	sadd.s32 @!p1 s14, s10  }
0x1a9: {  	s22 =	simm.s32 @!p1 $0x0;
	s9 =	sor.u32 @!p1 s10, s9;
	s10 =	sadd.s32 @!p1 s6, s17  }
0x1aa: {  	s14 =	sadd.s32 @!p1 $0x4, s11;
	s19 =	sadd.s32 @!p1 $0xA80, s9;
	s21 =	sadd.s32 @!p1 $0x20, s10  }
0x1ab: {  	[hbm4b:s21+s22] =	stream.linear.scatter @!p1 [tilespmem:s19], [sflag:s14], $0x80, $0x38;
	[tilespmem:$0x1EE80] =	vst v63  }
0x1ac: {  	p0 =	sge.s32 s0, s15;
	s19 =	sadd.s32 @!p1 $0xE80, s9;
	s21 =	sadd.s32 @!p1 $0xA0, s10  }
0x1ad: {  	[hbm4b:s21+s22] =	stream.linear.scatter @!p1 [tilespmem:s19], [sflag:s14], $0x80, $0x38;
	[tilespmem:$0x1EE80] =	vst v63  }
0x1ae: {  	(v2sf) =	vpush @!p0 v6, $0x3;
	s21 =	sadd.s32 @!p1 $0x1280, s9;
	s19 =	sadd.s32 @!p1 $0x120, s10  }
0x1af: {  	[hbm4b:s19+s22] =	stream.linear.scatter @!p1 [tilespmem:s21], [sflag:s14], $0x80, $0x38;
	[tilespmem:$0x1EE80] =	vst v63  }
0x1b0: {  	s19 =	sadd.s32 @!p1 $0x1680, s9;
	s21 =	sadd.s32 @!p1 $0x1A0, s10  }
0x1b1: {  	[hbm4b:s21+s22] =	stream.linear.scatter @!p1 [tilespmem:s19], [sflag:s14], $0x80, $0x38;
	[tilespmem:$0x1EE80] =	vst v63  }
0x1b2: {  	s19 =	sadd.s32 @!p1 $0x1A80, s9;
	s21 =	sadd.s32 @!p1 $0x220, s10  }
0x1b3: {  	[hbm4b:s21+s22] =	stream.linear.scatter @!p1 [tilespmem:s19], [sflag:s14], $0x80, $0x38;
	[tilespmem:$0x1EE80] =	vst v63  }
0x1b4: {  	s19 =	sadd.s32 @!p1 $0x1E80, s9;
	s21 =	sadd.s32 @!p1 $0x2A0, s10  }
0x1b5: {  	[hbm4b:s21+s22] =	stream.linear.scatter @!p1 [tilespmem:s19], [sflag:s14], $0x80, $0x38;
	[tilespmem:$0x1EE80] =	vst v63  }
0x1b6: {  	s19 =	sadd.s32 @!p1 $0x2280, s9;
	s21 =	sadd.s32 @!p1 $0x320, s10  }
0x1b7: {  	[hbm4b:s21+s22] =	stream.linear.scatter @!p1 [tilespmem:s19], [sflag:s14], $0x80, $0x38;
	[tilespmem:$0x1EE80] =	vst v63  }
0x1b8: {  	s9 =	sadd.s32 @!p1 $0x2680, s9;
	s10 =	sadd.s32 @!p1 $0x3A0, s10  }
0x1b9: {  	[hbm4b:s10+s22] =	stream.linear.scatter @!p1 [tilespmem:s9], [sflag:s14], $0x80, $0x38;
	[tilespmem:$0x1EE80] =	vst v63  }
0x1ba: {  	s19 =	simm.s32 @p0 $0x400;
	s21 =	simm.s32 @p0 $0x1EA80;
	s9 =	sadd.s32 @p0 s6, s17  }
0x1bb: {  	s10 =	sadd.s32 @p0 $0x4, s11;
	s14 =	simm.s32 @p0 $0x80;
	s9 =	sadd.s32 @p0 $0x30, s9  }
0x1bc: {  	[hbm4b:s9+s14] =	stream.strided.scatter @p0 [tilespmem:s21], [sflag:s10], $0x400, s19, s14, $0x38;
	[tilespmem:$0x1EE80] =	vst v63  }
0x1bd: {  	s9 =	spop @!p0 (v2sf);
	s10 =	smul.u32 @!p0 $0x28000, s11  }
0x1be: {  	s14 =	sshll.u32 @!p0 s9, $0xA  }
0x1bf: {  	s9 =	sshll.u32 @!p0 s9, $0x7;
	s14 =	sand.u32 @!p0 $0xFFFFE000, s14;
	s10 =	sshrl.u32 @!p0 s10, $0x2  }
0x1c0: {  	s0 =	sadd.s32 $0x4, s12;
	s9 =	sand.u32 @!p0 $0x380, s9;
	s10 =	sadd.s32 @!p0 s14, s10  }
0x1c1: {  	s22 =	simm.s32 @!p0 $0x0;
	s9 =	sor.u32 @!p0 s10, s9;
	s10 =	sadd.s32 @!p0 s6, s17  }
0x1c2: {  	s14 =	sadd.s32 @!p0 $0x4, s11;
	s19 =	sadd.s32 @!p0 $0xA80, s9;
	s21 =	sadd.s32 @!p0 $0x30, s10  }
0x1c3: {  	[hbm4b:s21+s22] =	stream.linear.scatter @!p0 [tilespmem:s19], [sflag:s14], $0x80, $0x38;
	[tilespmem:$0x1EE80] =	vst v63  }
0x1c4: {  	p1 =	sge.s32 s0, s15;
	s19 =	sadd.s32 @!p0 $0xE80, s9;
	s21 =	sadd.s32 @!p0 $0xB0, s10  }
0x1c5: {  	[hbm4b:s21+s22] =	stream.linear.scatter @!p0 [tilespmem:s19], [sflag:s14], $0x80, $0x38;
	[tilespmem:$0x1EE80] =	vst v63  }
0x1c6: {  	(v2sf) =	vpush @!p1 v6, $0x4;
	s21 =	sadd.s32 @!p0 $0x1280, s9;
	s19 =	sadd.s32 @!p0 $0x130, s10  }
0x1c7: {  	[hbm4b:s19+s22] =	stream.linear.scatter @!p0 [tilespmem:s21], [sflag:s14], $0x80, $0x38;
	[tilespmem:$0x1EE80] =	vst v63  }
0x1c8: {  	s19 =	sadd.s32 @!p0 $0x1680, s9;
	s21 =	sadd.s32 @!p0 $0x1B0, s10  }
0x1c9: {  	[hbm4b:s21+s22] =	stream.linear.scatter @!p0 [tilespmem:s19], [sflag:s14], $0x80, $0x38;
	[tilespmem:$0x1EE80] =	vst v63  }
0x1ca: {  	s19 =	sadd.s32 @!p0 $0x1A80, s9;
	s21 =	sadd.s32 @!p0 $0x230, s10  }
0x1cb: {  	[hbm4b:s21+s22] =	stream.linear.scatter @!p0 [tilespmem:s19], [sflag:s14], $0x80, $0x38;
	[tilespmem:$0x1EE80] =	vst v63  }
0x1cc: {  	s19 =	sadd.s32 @!p0 $0x1E80, s9;
	s21 =	sadd.s32 @!p0 $0x2B0, s10  }
0x1cd: {  	[hbm4b:s21+s22] =	stream.linear.scatter @!p0 [tilespmem:s19], [sflag:s14], $0x80, $0x38;
	[tilespmem:$0x1EE80] =	vst v63  }
0x1ce: {  	s19 =	sadd.s32 @!p0 $0x2280, s9;
	s21 =	sadd.s32 @!p0 $0x330, s10  }
0x1cf: {  	[hbm4b:s21+s22] =	stream.linear.scatter @!p0 [tilespmem:s19], [sflag:s14], $0x80, $0x38;
	[tilespmem:$0x1EE80] =	vst v63  }
0x1d0: {  	s9 =	sadd.s32 @!p0 $0x2680, s9;
	s10 =	sadd.s32 @!p0 $0x3B0, s10  }
0x1d1: {  	[hbm4b:s10+s22] =	stream.linear.scatter @!p0 [tilespmem:s9], [sflag:s14], $0x80, $0x38;
	[tilespmem:$0x1EE80] =	vst v63  }
0x1d2: {  	s19 =	simm.s32 @p1 $0x400;
	s21 =	simm.s32 @p1 $0x1EA80;
	s9 =	sadd.s32 @p1 s6, s17  }
0x1d3: {  	s10 =	sadd.s32 @p1 $0x4, s11;
	s14 =	simm.s32 @p1 $0x80;
	s9 =	sadd.s32 @p1 $0x40, s9  }
0x1d4: {  	[hbm4b:s9+s14] =	stream.strided.scatter @p1 [tilespmem:s21], [sflag:s10], $0x400, s19, s14, $0x38;
	[tilespmem:$0x1EE80] =	vst v63  }
0x1d5: {  	s9 =	spop @!p1 (v2sf);
	s10 =	smul.u32 @!p1 $0x28000, s11  }
0x1d6: {  	s14 =	sshll.u32 @!p1 s9, $0xA  }
0x1d7: {  	s9 =	sshll.u32 @!p1 s9, $0x7;
	s14 =	sand.u32 @!p1 $0xFFFFE000, s14;
	s10 =	sshrl.u32 @!p1 s10, $0x2  }
0x1d8: {  	s0 =	sadd.s32 $0x5, s12;
	s9 =	sand.u32 @!p1 $0x380, s9;
	s10 =	sadd.s32 @!p1 s14, s10  }
0x1d9: {  	s22 =	simm.s32 @!p1 $0x0;
	s9 =	sor.u32 @!p1 s10, s9;
	s10 =	sadd.s32 @!p1 s6, s17  }
0x1da: {  	s14 =	sadd.s32 @!p1 $0x4, s11;
	s19 =	sadd.s32 @!p1 $0xA80, s9;
	s21 =	sadd.s32 @!p1 $0x40, s10  }
0x1db: {  	[hbm4b:s21+s22] =	stream.linear.scatter @!p1 [tilespmem:s19], [sflag:s14], $0x80, $0x38;
	[tilespmem:$0x1EE80] =	vst v63  }
0x1dc: {  	p0 =	sge.s32 s0, s15;
	s19 =	sadd.s32 @!p1 $0xE80, s9;
	s21 =	sadd.s32 @!p1 $0xC0, s10  }
0x1dd: {  	[hbm4b:s21+s22] =	stream.linear.scatter @!p1 [tilespmem:s19], [sflag:s14], $0x80, $0x38;
	[tilespmem:$0x1EE80] =	vst v63  }
0x1de: {  	(v2sf) =	vpush @!p0 v6, $0x5;
	s21 =	sadd.s32 @!p1 $0x1280, s9;
	s19 =	sadd.s32 @!p1 $0x140, s10  }
0x1df: {  	[hbm4b:s19+s22] =	stream.linear.scatter @!p1 [tilespmem:s21], [sflag:s14], $0x80, $0x38;
	[tilespmem:$0x1EE80] =	vst v63  }
0x1e0: {  	s19 =	sadd.s32 @!p1 $0x1680, s9;
	s21 =	sadd.s32 @!p1 $0x1C0, s10  }
0x1e1: {  	[hbm4b:s21+s22] =	stream.linear.scatter @!p1 [tilespmem:s19], [sflag:s14], $0x80, $0x38;
	[tilespmem:$0x1EE80] =	vst v63  }
0x1e2: {  	s19 =	sadd.s32 @!p1 $0x1A80, s9;
	s21 =	sadd.s32 @!p1 $0x240, s10  }
0x1e3: {  	[hbm4b:s21+s22] =	stream.linear.scatter @!p1 [tilespmem:s19], [sflag:s14], $0x80, $0x38;
	[tilespmem:$0x1EE80] =	vst v63  }
0x1e4: {  	s19 =	sadd.s32 @!p1 $0x1E80, s9;
	s21 =	sadd.s32 @!p1 $0x2C0, s10  }
0x1e5: {  	[hbm4b:s21+s22] =	stream.linear.scatter @!p1 [tilespmem:s19], [sflag:s14], $0x80, $0x38;
	[tilespmem:$0x1EE80] =	vst v63  }
0x1e6: {  	s19 =	sadd.s32 @!p1 $0x2280, s9;
	s21 =	sadd.s32 @!p1 $0x340, s10  }
0x1e7: {  	[hbm4b:s21+s22] =	stream.linear.scatter @!p1 [tilespmem:s19], [sflag:s14], $0x80, $0x38;
	[tilespmem:$0x1EE80] =	vst v63  }
0x1e8: {  	s9 =	sadd.s32 @!p1 $0x2680, s9;
	s10 =	sadd.s32 @!p1 $0x3C0, s10  }
0x1e9: {  	[hbm4b:s10+s22] =	stream.linear.scatter @!p1 [tilespmem:s9], [sflag:s14], $0x80, $0x38;
	[tilespmem:$0x1EE80] =	vst v63  }
0x1ea: {  	s19 =	simm.s32 @p0 $0x400;
	s21 =	simm.s32 @p0 $0x1EA80;
	s9 =	sadd.s32 @p0 s6, s17  }
0x1eb: {  	s10 =	sadd.s32 @p0 $0x4, s11;
	s14 =	simm.s32 @p0 $0x80;
	s9 =	sadd.s32 @p0 $0x50, s9  }
0x1ec: {  	[hbm4b:s9+s14] =	stream.strided.scatter @p0 [tilespmem:s21], [sflag:s10], $0x400, s19, s14, $0x38;
	[tilespmem:$0x1EE80] =	vst v63  }
0x1ed: {  	s9 =	spop @!p0 (v2sf);
	s10 =	smul.u32 @!p0 $0x28000, s11  }
0x1ee: {  	s14 =	sshll.u32 @!p0 s9, $0xA  }
0x1ef: {  	s9 =	sshll.u32 @!p0 s9, $0x7;
	s14 =	sand.u32 @!p0 $0xFFFFE000, s14;
	s10 =	sshrl.u32 @!p0 s10, $0x2  }
0x1f0: {  	s0 =	sadd.s32 $0x6, s12;
	s9 =	sand.u32 @!p0 $0x380, s9;
	s10 =	sadd.s32 @!p0 s14, s10  }
0x1f1: {  	s22 =	simm.s32 @!p0 $0x0;
	s9 =	sor.u32 @!p0 s10, s9;
	s10 =	sadd.s32 @!p0 s6, s17  }
0x1f2: {  	s14 =	sadd.s32 @!p0 $0x4, s11;
	s19 =	sadd.s32 @!p0 $0xA80, s9;
	s21 =	sadd.s32 @!p0 $0x50, s10  }
0x1f3: {  	[hbm4b:s21+s22] =	stream.linear.scatter @!p0 [tilespmem:s19], [sflag:s14], $0x80, $0x38;
	[tilespmem:$0x1EE80] =	vst v63  }
0x1f4: {  	p1 =	sge.s32 s0, s15;
	s19 =	sadd.s32 @!p0 $0xE80, s9;
	s21 =	sadd.s32 @!p0 $0xD0, s10  }
0x1f5: {  	[hbm4b:s21+s22] =	stream.linear.scatter @!p0 [tilespmem:s19], [sflag:s14], $0x80, $0x38;
	[tilespmem:$0x1EE80] =	vst v63  }
0x1f6: {  	(v2sf) =	vpush @!p1 v6, $0x6;
	s21 =	sadd.s32 @!p0 $0x1280, s9;
	s19 =	sadd.s32 @!p0 $0x150, s10  }
0x1f7: {  	[hbm4b:s19+s22] =	stream.linear.scatter @!p0 [tilespmem:s21], [sflag:s14], $0x80, $0x38;
	[tilespmem:$0x1EE80] =	vst v63  }
0x1f8: {  	s19 =	sadd.s32 @!p0 $0x1680, s9;
	s21 =	sadd.s32 @!p0 $0x1D0, s10  }
0x1f9: {  	[hbm4b:s21+s22] =	stream.linear.scatter @!p0 [tilespmem:s19], [sflag:s14], $0x80, $0x38;
	[tilespmem:$0x1EE80] =	vst v63  }
0x1fa: {  	s19 =	sadd.s32 @!p0 $0x1A80, s9;
	s21 =	sadd.s32 @!p0 $0x250, s10  }
0x1fb: {  	[hbm4b:s21+s22] =	stream.linear.scatter @!p0 [tilespmem:s19], [sflag:s14], $0x80, $0x38;
	[tilespmem:$0x1EE80] =	vst v63  }
0x1fc: {  	s19 =	sadd.s32 @!p0 $0x1E80, s9;
	s21 =	sadd.s32 @!p0 $0x2D0, s10  }
0x1fd: {  	[hbm4b:s21+s22] =	stream.linear.scatter @!p0 [tilespmem:s19], [sflag:s14], $0x80, $0x38;
	[tilespmem:$0x1EE80] =	vst v63  }
0x1fe: {  	s19 =	sadd.s32 @!p0 $0x2280, s9;
	s21 =	sadd.s32 @!p0 $0x350, s10  }
0x1ff: {  	[hbm4b:s21+s22] =	stream.linear.scatter @!p0 [tilespmem:s19], [sflag:s14], $0x80, $0x38;
	[tilespmem:$0x1EE80] =	vst v63  }
0x200: {  	s9 =	sadd.s32 @!p0 $0x2680, s9;
	s10 =	sadd.s32 @!p0 $0x3D0, s10  }
0x201: {  	[hbm4b:s10+s22] =	stream.linear.scatter @!p0 [tilespmem:s9], [sflag:s14], $0x80, $0x38;
	[tilespmem:$0x1EE80] =	vst v63  }
0x202: {  	s19 =	simm.s32 @p1 $0x400;
	s21 =	simm.s32 @p1 $0x1EA80;
	s9 =	sadd.s32 @p1 s6, s17  }
0x203: {  	s10 =	sadd.s32 @p1 $0x4, s11;
	s14 =	simm.s32 @p1 $0x80;
	s9 =	sadd.s32 @p1 $0x60, s9  }
0x204: {  	[hbm4b:s9+s14] =	stream.strided.scatter @p1 [tilespmem:s21], [sflag:s10], $0x400, s19, s14, $0x38;
	[tilespmem:$0x1EE80] =	vst v63  }
0x205: {  	s9 =	spop @!p1 (v2sf);
	s10 =	smul.u32 @!p1 $0x28000, s11  }
0x206: {  	s14 =	sshll.u32 @!p1 s9, $0xA  }
0x207: {  	s9 =	sshll.u32 @!p1 s9, $0x7;
	s14 =	sand.u32 @!p1 $0xFFFFE000, s14;
	s10 =	sshrl.u32 @!p1 s10, $0x2  }
0x208: {  	s0 =	sadd.s32 $0x7, s12;
	s9 =	sand.u32 @!p1 $0x380, s9;
	s10 =	sadd.s32 @!p1 s14, s10  }
0x209: {  	s22 =	simm.s32 @!p1 $0x0;
	s9 =	sor.u32 @!p1 s10, s9;
	s10 =	sadd.s32 @!p1 s6, s17  }
0x20a: {  	s14 =	sadd.s32 @!p1 $0x4, s11;
	s19 =	sadd.s32 @!p1 $0xA80, s9;
	s21 =	sadd.s32 @!p1 $0x60, s10  }
0x20b: {  	[hbm4b:s21+s22] =	stream.linear.scatter @!p1 [tilespmem:s19], [sflag:s14], $0x80, $0x38;
	[tilespmem:$0x1EE80] =	vst v63  }
0x20c: {  	p2 =	sge.s32 s0, s15;
	s19 =	sadd.s32 @!p1 $0xE80, s9;
	s21 =	sadd.s32 @!p1 $0xE0, s10  }
0x20d: {  	[hbm4b:s21+s22] =	stream.linear.scatter @!p1 [tilespmem:s19], [sflag:s14], $0x80, $0x38;
	[tilespmem:$0x1EE80] =	vst v63  }
0x20e: {  	(v2sf) =	vpush @!p2 v6, $0x7;
	s21 =	sadd.s32 @!p1 $0x1280, s9;
	s19 =	sadd.s32 @!p1 $0x160, s10  }
0x20f: {  	[hbm4b:s19+s22] =	stream.linear.scatter @!p1 [tilespmem:s21], [sflag:s14], $0x80, $0x38;
	[tilespmem:$0x1EE80] =	vst v63  }
0x210: {  	s19 =	sadd.s32 @!p1 $0x1680, s9;
	s21 =	sadd.s32 @!p1 $0x1E0, s10  }
0x211: {  	[hbm4b:s21+s22] =	stream.linear.scatter @!p1 [tilespmem:s19], [sflag:s14], $0x80, $0x38;
	[tilespmem:$0x1EE80] =	vst v63  }
0x212: {  	s19 =	sadd.s32 @!p1 $0x1A80, s9;
	s21 =	sadd.s32 @!p1 $0x260, s10  }
0x213: {  	[hbm4b:s21+s22] =	stream.linear.scatter @!p1 [tilespmem:s19], [sflag:s14], $0x80, $0x38;
	[tilespmem:$0x1EE80] =	vst v63  }
0x214: {  	s19 =	sadd.s32 @!p1 $0x1E80, s9;
	s21 =	sadd.s32 @!p1 $0x2E0, s10  }
0x215: {  	[hbm4b:s21+s22] =	stream.linear.scatter @!p1 [tilespmem:s19], [sflag:s14], $0x80, $0x38;
	[tilespmem:$0x1EE80] =	vst v63  }
0x216: {  	s19 =	sadd.s32 @!p1 $0x2280, s9;
	s21 =	sadd.s32 @!p1 $0x360, s10  }
0x217: {  	[hbm4b:s21+s22] =	stream.linear.scatter @!p1 [tilespmem:s19], [sflag:s14], $0x80, $0x38;
	[tilespmem:$0x1EE80] =	vst v63  }
0x218: {  	s9 =	sadd.s32 @!p1 $0x2680, s9;
	s10 =	sadd.s32 @!p1 $0x3E0, s10  }
0x219: {  	[hbm4b:s10+s22] =	stream.linear.scatter @!p1 [tilespmem:s9], [sflag:s14], $0x80, $0x38;
	[tilespmem:$0x1EE80] =	vst v63  }
0x21a: {  	s19 =	simm.s32 @p2 $0x400;
	s21 =	simm.s32 @p2 $0x1EA80;
	s9 =	sadd.s32 @p2 s6, s17  }
0x21b: {  	s10 =	sadd.s32 @p2 $0x4, s11;
	s14 =	simm.s32 @p2 $0x80;
	s9 =	sadd.s32 @p2 $0x70, s9  }
0x21c: {  	[hbm4b:s9+s14] =	stream.strided.scatter @p2 [tilespmem:s21], [sflag:s10], $0x400, s19, s14, $0x38;
	[tilespmem:$0x1EE80] =	vst v63  }
0x21d: {  	s9 =	spop @!p2 (v2sf);
	s10 =	smul.u32 @!p2 $0x28000, s11  }
0x21e: {  	s14 =	sshll.u32 @!p2 s9, $0xA  }
0x21f: {  	s9 =	sshll.u32 @!p2 s9, $0x7;
	s14 =	sand.u32 @!p2 $0xFFFFE000, s14;
	s10 =	sshrl.u32 @!p2 s10, $0x2  }
0x220: {  	s9 =	sand.u32 @!p2 $0x380, s9;
	s10 =	sadd.s32 @!p2 s14, s10  }
0x221: {  	s22 =	simm.s32 @!p2 $0x0;
	s9 =	sor.u32 @!p2 s10, s9;
	s10 =	sadd.s32 @!p2 s6, s17  }
0x222: {  	s14 =	sadd.s32 @!p2 $0x4, s11;
	s19 =	sadd.s32 @!p2 $0xA80, s9;
	s21 =	sadd.s32 @!p2 $0x70, s10  }
0x223: {  	[hbm4b:s21+s22] =	stream.linear.scatter @!p2 [tilespmem:s19], [sflag:s14], $0x80, $0x38;
	[tilespmem:$0x1EE80] =	vst v63  }
0x224: {  	s0 =	sadd.s32 $0x8, s12;
	s19 =	sadd.s32 @!p2 $0xE80, s9;
	s21 =	sadd.s32 @!p2 $0xF0, s10  }
0x225: {  	[hbm4b:s21+s22] =	stream.linear.scatter @!p2 [tilespmem:s19], [sflag:s14], $0x80, $0x38;
	[tilespmem:$0x1EE80] =	vst v63  }
0x226: {  	p0 =	sge.s32 s0, s15;
	s19 =	sadd.s32 @!p2 $0x1280, s9;
	s21 =	sadd.s32 @!p2 $0x170, s10  }
0x227: {  	[hbm4b:s21+s22] =	stream.linear.scatter @!p2 [tilespmem:s19], [sflag:s14], $0x80, $0x38;
	[tilespmem:$0x1EE80] =	vst v63  }
0x228: {  	(v2sf) =	vpush @!p0 v6, $0x8;
	s21 =	sadd.s32 @!p2 $0x1680, s9;
	s19 =	sadd.s32 @!p2 $0x1F0, s10  }
0x229: {  	[hbm4b:s19+s22] =	stream.linear.scatter @!p2 [tilespmem:s21], [sflag:s14], $0x80, $0x38;
	[tilespmem:$0x1EE80] =	vst v63  }
0x22a: {  	s19 =	sadd.s32 @!p2 $0x1A80, s9;
	s21 =	sadd.s32 @!p2 $0x270, s10  }
0x22b: {  	[hbm4b:s21+s22] =	stream.linear.scatter @!p2 [tilespmem:s19], [sflag:s14], $0x80, $0x38;
	[tilespmem:$0x1EE80] =	vst v63  }
0x22c: {  	s19 =	sadd.s32 @!p2 $0x1E80, s9;
	s21 =	sadd.s32 @!p2 $0x2F0, s10  }
0x22d: {  	[hbm4b:s21+s22] =	stream.linear.scatter @!p2 [tilespmem:s19], [sflag:s14], $0x80, $0x38;
	[tilespmem:$0x1EE80] =	vst v63  }
0x22e: {  	s19 =	sadd.s32 @!p2 $0x2280, s9;
	s21 =	sadd.s32 @!p2 $0x370, s10  }
0x22f: {  	[hbm4b:s21+s22] =	stream.linear.scatter @!p2 [tilespmem:s19], [sflag:s14], $0x80, $0x38;
	[tilespmem:$0x1EE80] =	vst v63  }
0x230: {  	s9 =	sadd.s32 @!p2 $0x2680, s9;
	s10 =	sadd.s32 @!p2 $0x3F0, s10  }
0x231: {  	[hbm4b:s10+s22] =	stream.linear.scatter @!p2 [tilespmem:s9], [sflag:s14], $0x80, $0x38;
	[tilespmem:$0x1EE80] =	vst v63  }
0x232: {  	s9 =	sadd.s32 @p0 s6, s16  }
0x233: {  	s9 =	sadd.s32 @p0 $0x400, s9  }
0x234: {  	s19 =	simm.s32 @p0 $0x400;
	s21 =	simm.s32 @p0 $0x1EA80;
	s9 =	sand.u32 @p0 $0x1FFFF400, s9  }
0x235: {  	s10 =	sadd.s32 @p0 $0x4, s11;
	s14 =	simm.s32 @p0 $0x80;
	s9 =	sadd.s32 @p0 s18, s9  }
0x236: {  	[hbm4b:s9+s14] =	stream.strided.scatter @p0 [tilespmem:s21], [sflag:s10], $0x400, s19, s14, $0x38;
	[tilespmem:$0x1EE80] =	vst v63  }
0x237: {  	s9 =	spop @!p0 (v2sf);
	s14 =	smul.u32 @!p0 $0x28000, s11  }
0x238: {  	s19 =	sadd.s32 @!p0 s6, s16;
	s10 =	sshll.u32 @!p0 s9, $0xA  }
0x239: {  	s9 =	sshll.u32 @!p0 s9, $0x7;
	s10 =	sand.u32 @!p0 $0xFFFFE000, s10;
	s14 =	sshrl.u32 @!p0 s14, $0x2  }
0x23a: {  	s9 =	sand.u32 @!p0 $0x380, s9;
	s10 =	sadd.s32 @!p0 s10, s14;
	s14 =	sadd.s32 @!p0 $0x400, s19  }
0x23b: {  	s21 =	simm.s32 @!p0 $0x0;
	s9 =	sor.u32 @!p0 s10, s9;
	s10 =	sand.u32 @!p0 $0x1FFFF400, s14  }
0x23c: {  	s19 =	sadd.s32 @!p0 $0x4, s11;
	s14 =	sadd.s32 @!p0 $0xA80, s9;
	s10 =	sadd.s32 @!p0 s18, s10  }
0x23d: {  	[hbm4b:s10+s21] =	stream.linear.scatter @!p0 [tilespmem:s14], [sflag:s19], $0x80, $0x38;
	[tilespmem:$0x1EE80] =	vst v63  }
0x23e: {  	s0 =	sadd.s32 $0x9, s12;
	s14 =	sadd.s32 @!p0 $0xE80, s9;
	s22 =	sadd.s32 @!p0 $0x80, s10  }
0x23f: {  	[hbm4b:s22+s21] =	stream.linear.scatter @!p0 [tilespmem:s14], [sflag:s19], $0x80, $0x38;
	[tilespmem:$0x1EE80] =	vst v63  }
0x240: {  	p1 =	sge.s32 s0, s15;
	s14 =	sadd.s32 @!p0 $0x1280, s9;
	s22 =	sadd.s32 @!p0 $0x100, s10  }
0x241: {  	[hbm4b:s22+s21] =	stream.linear.scatter @!p0 [tilespmem:s14], [sflag:s19], $0x80, $0x38;
	[tilespmem:$0x1EE80] =	vst v63  }
0x242: {  	(v2sf) =	vpush @!p1 v6, $0x9;
	s22 =	sadd.s32 @!p0 $0x1680, s9;
	s14 =	sadd.s32 @!p0 $0x180, s10  }
0x243: {  	[hbm4b:s14+s21] =	stream.linear.scatter @!p0 [tilespmem:s22], [sflag:s19], $0x80, $0x38;
	[tilespmem:$0x1EE80] =	vst v63  }
0x244: {  	s14 =	sadd.s32 @!p0 $0x1A80, s9;
	s22 =	sadd.s32 @!p0 $0x200, s10  }
0x245: {  	[hbm4b:s22+s21] =	stream.linear.scatter @!p0 [tilespmem:s14], [sflag:s19], $0x80, $0x38;
	[tilespmem:$0x1EE80] =	vst v63  }
0x246: {  	s14 =	sadd.s32 @!p0 $0x1E80, s9;
	s22 =	sadd.s32 @!p0 $0x280, s10  }
0x247: {  	[hbm4b:s22+s21] =	stream.linear.scatter @!p0 [tilespmem:s14], [sflag:s19], $0x80, $0x38;
	[tilespmem:$0x1EE80] =	vst v63  }
0x248: {  	s14 =	sadd.s32 @!p0 $0x2280, s9;
	s22 =	sadd.s32 @!p0 $0x300, s10  }
0x249: {  	[hbm4b:s22+s21] =	stream.linear.scatter @!p0 [tilespmem:s14], [sflag:s19], $0x80, $0x38;
	[tilespmem:$0x1EE80] =	vst v63  }
0x24a: {  	s9 =	sadd.s32 @!p0 $0x2680, s9;
	s10 =	sadd.s32 @!p0 $0x380, s10  }
0x24b: {  	[hbm4b:s10+s21] =	stream.linear.scatter @!p0 [tilespmem:s9], [sflag:s19], $0x80, $0x38;
	[tilespmem:$0x1EE80] =	vst v63  }
0x24c: {  	s9 =	sadd.s32 @p1 s6, s16  }
0x24d: {  	s9 =	sadd.s32 @p1 $0x480, s9  }
0x24e: {  	s14 =	simm.s32 @p1 $0x80;
	s10 =	sadd.s32 @p1 $0x4, s11;
	s9 =	sand.u32 @p1 $0x1FFFF400, s9  }
0x24f: {  	s19 =	simm.s32 @p1 $0x400;
	s21 =	simm.s32 @p1 $0x1EA80;
	s9 =	sadd.s32 @p1 s9, s24  }
0x250: {  	[hbm4b:s9+s14] =	stream.strided.scatter @p1 [tilespmem:s21], [sflag:s10], $0x400, s19, s14, $0x38;
	[tilespmem:$0x1EE80] =	vst v63  }
0x251: {  	s9 =	spop @!p1 (v2sf);
	s14 =	smul.u32 @!p1 $0x28000, s11  }
0x252: {  	s19 =	sadd.s32 @!p1 s6, s16;
	s10 =	sshll.u32 @!p1 s9, $0xA  }
0x253: {  	s9 =	sshll.u32 @!p1 s9, $0x7;
	s10 =	sand.u32 @!p1 $0xFFFFE000, s10;
	s14 =	sshrl.u32 @!p1 s14, $0x2  }
0x254: {  	s9 =	sand.u32 @!p1 $0x380, s9;
	s10 =	sadd.s32 @!p1 s10, s14;
	s14 =	sadd.s32 @!p1 $0x480, s19  }
0x255: {  	s21 =	simm.s32 @!p1 $0x0;
	s9 =	sor.u32 @!p1 s10, s9;
	s10 =	sand.u32 @!p1 $0x1FFFF400, s14  }
0x256: {  	s19 =	sadd.s32 @!p1 $0x4, s11;
	s14 =	sadd.s32 @!p1 $0xA80, s9;
	s10 =	sadd.s32 @!p1 s10, s24  }
0x257: {  	[hbm4b:s10+s21] =	stream.linear.scatter @!p1 [tilespmem:s14], [sflag:s19], $0x80, $0x38;
	[tilespmem:$0x1EE80] =	vst v63  }
0x258: {  	s0 =	sadd.s32 $0xA, s12;
	s14 =	sadd.s32 @!p1 $0xE80, s9;
	s22 =	sadd.s32 @!p1 $0x80, s10  }
0x259: {  	[hbm4b:s22+s21] =	stream.linear.scatter @!p1 [tilespmem:s14], [sflag:s19], $0x80, $0x38;
	[tilespmem:$0x1EE80] =	vst v63  }
0x25a: {  	p0 =	sge.s32 s0, s15;
	s14 =	sadd.s32 @!p1 $0x1280, s9;
	s22 =	sadd.s32 @!p1 $0x100, s10  }
0x25b: {  	[hbm4b:s22+s21] =	stream.linear.scatter @!p1 [tilespmem:s14], [sflag:s19], $0x80, $0x38;
	[tilespmem:$0x1EE80] =	vst v63  }
0x25c: {  	(v2sf) =	vpush @!p0 v6, $0xA;
	s22 =	sadd.s32 @!p1 $0x1680, s9;
	s14 =	sadd.s32 @!p1 $0x180, s10  }
0x25d: {  	[hbm4b:s14+s21] =	stream.linear.scatter @!p1 [tilespmem:s22], [sflag:s19], $0x80, $0x38;
	[tilespmem:$0x1EE80] =	vst v63  }
0x25e: {  	s14 =	sadd.s32 @!p1 $0x1A80, s9;
	s22 =	sadd.s32 @!p1 $0x200, s10  }
0x25f: {  	[hbm4b:s22+s21] =	stream.linear.scatter @!p1 [tilespmem:s14], [sflag:s19], $0x80, $0x38;
	[tilespmem:$0x1EE80] =	vst v63  }
0x260: {  	s14 =	sadd.s32 @!p1 $0x1E80, s9;
	s22 =	sadd.s32 @!p1 $0x280, s10  }
0x261: {  	[hbm4b:s22+s21] =	stream.linear.scatter @!p1 [tilespmem:s14], [sflag:s19], $0x80, $0x38;
	[tilespmem:$0x1EE80] =	vst v63  }
0x262: {  	s14 =	sadd.s32 @!p1 $0x2280, s9;
	s22 =	sadd.s32 @!p1 $0x300, s10  }
0x263: {  	[hbm4b:s22+s21] =	stream.linear.scatter @!p1 [tilespmem:s14], [sflag:s19], $0x80, $0x38;
	[tilespmem:$0x1EE80] =	vst v63  }
0x264: {  	s9 =	sadd.s32 @!p1 $0x2680, s9;
	s10 =	sadd.s32 @!p1 $0x380, s10  }
0x265: {  	[hbm4b:s10+s21] =	stream.linear.scatter @!p1 [tilespmem:s9], [sflag:s19], $0x80, $0x38;
	[tilespmem:$0x1EE80] =	vst v63  }
0x266: {  	s9 =	sadd.s32 @p0 s6, s16  }
0x267: {  	s9 =	sadd.s32 @p0 $0x500, s9  }
0x268: {  	s14 =	simm.s32 @p0 $0x80;
	s10 =	sadd.s32 @p0 $0x4, s11;
	s9 =	sand.u32 @p0 $0x1FFFF400, s9  }
0x269: {  	s19 =	simm.s32 @p0 $0x400;
	s21 =	simm.s32 @p0 $0x1EA80;
	s9 =	sadd.s32 @p0 s9, s25  }
0x26a: {  	[hbm4b:s9+s14] =	stream.strided.scatter @p0 [tilespmem:s21], [sflag:s10], $0x400, s19, s14, $0x38;
	[tilespmem:$0x1EE80] =	vst v63  }
0x26b: {  	s9 =	spop @!p0 (v2sf);
	s14 =	smul.u32 @!p0 $0x28000, s11  }
0x26c: {  	s19 =	sadd.s32 @!p0 s6, s16;
	s10 =	sshll.u32 @!p0 s9, $0xA  }
0x26d: {  	s9 =	sshll.u32 @!p0 s9, $0x7;
	s10 =	sand.u32 @!p0 $0xFFFFE000, s10;
	s14 =	sshrl.u32 @!p0 s14, $0x2  }
0x26e: {  	s9 =	sand.u32 @!p0 $0x380, s9;
	s10 =	sadd.s32 @!p0 s10, s14;
	s14 =	sadd.s32 @!p0 $0x500, s19  }
0x26f: {  	s21 =	simm.s32 @!p0 $0x0;
	s9 =	sor.u32 @!p0 s10, s9;
	s10 =	sand.u32 @!p0 $0x1FFFF400, s14  }
0x270: {  	s19 =	sadd.s32 @!p0 $0x4, s11;
	s14 =	sadd.s32 @!p0 $0xA80, s9;
	s10 =	sadd.s32 @!p0 s10, s25  }
0x271: {  	[hbm4b:s10+s21] =	stream.linear.scatter @!p0 [tilespmem:s14], [sflag:s19], $0x80, $0x38;
	[tilespmem:$0x1EE80] =	vst v63  }
0x272: {  	s0 =	sadd.s32 $0xB, s12;
	s14 =	sadd.s32 @!p0 $0xE80, s9;
	s22 =	sadd.s32 @!p0 $0x80, s10  }
0x273: {  	[hbm4b:s22+s21] =	stream.linear.scatter @!p0 [tilespmem:s14], [sflag:s19], $0x80, $0x38;
	[tilespmem:$0x1EE80] =	vst v63  }
0x274: {  	p1 =	sge.s32 s0, s15;
	s14 =	sadd.s32 @!p0 $0x1280, s9;
	s22 =	sadd.s32 @!p0 $0x100, s10  }
0x275: {  	[hbm4b:s22+s21] =	stream.linear.scatter @!p0 [tilespmem:s14], [sflag:s19], $0x80, $0x38;
	[tilespmem:$0x1EE80] =	vst v63  }
0x276: {  	(v2sf) =	vpush @!p1 v6, $0xB;
	s22 =	sadd.s32 @!p0 $0x1680, s9;
	s14 =	sadd.s32 @!p0 $0x180, s10  }
0x277: {  	[hbm4b:s14+s21] =	stream.linear.scatter @!p0 [tilespmem:s22], [sflag:s19], $0x80, $0x38;
	[tilespmem:$0x1EE80] =	vst v63  }
0x278: {  	s14 =	sadd.s32 @!p0 $0x1A80, s9;
	s22 =	sadd.s32 @!p0 $0x200, s10  }
0x279: {  	[hbm4b:s22+s21] =	stream.linear.scatter @!p0 [tilespmem:s14], [sflag:s19], $0x80, $0x38;
	[tilespmem:$0x1EE80] =	vst v63  }
0x27a: {  	s14 =	sadd.s32 @!p0 $0x1E80, s9;
	s22 =	sadd.s32 @!p0 $0x280, s10  }
0x27b: {  	[hbm4b:s22+s21] =	stream.linear.scatter @!p0 [tilespmem:s14], [sflag:s19], $0x80, $0x38;
	[tilespmem:$0x1EE80] =	vst v63  }
0x27c: {  	s14 =	sadd.s32 @!p0 $0x2280, s9;
	s22 =	sadd.s32 @!p0 $0x300, s10  }
0x27d: {  	[hbm4b:s22+s21] =	stream.linear.scatter @!p0 [tilespmem:s14], [sflag:s19], $0x80, $0x38;
	[tilespmem:$0x1EE80] =	vst v63  }
0x27e: {  	s9 =	sadd.s32 @!p0 $0x2680, s9;
	s10 =	sadd.s32 @!p0 $0x380, s10  }
0x27f: {  	[hbm4b:s10+s21] =	stream.linear.scatter @!p0 [tilespmem:s9], [sflag:s19], $0x80, $0x38;
	[tilespmem:$0x1EE80] =	vst v63  }
0x280: {  	s9 =	sadd.s32 @p1 s6, s16  }
0x281: {  	s9 =	sadd.s32 @p1 $0x580, s9  }
0x282: {  	s14 =	simm.s32 @p1 $0x80;
	s10 =	sadd.s32 @p1 $0x4, s11;
	s9 =	sand.u32 @p1 $0x1FFFF400, s9  }
0x283: {  	s19 =	simm.s32 @p1 $0x400;
	s21 =	simm.s32 @p1 $0x1EA80;
	s9 =	sadd.s32 @p1 s9, s26  }
0x284: {  	[hbm4b:s9+s14] =	stream.strided.scatter @p1 [tilespmem:s21], [sflag:s10], $0x400, s19, s14, $0x38;
	[tilespmem:$0x1EE80] =	vst v63  }
0x285: {  	s9 =	spop @!p1 (v2sf);
	s14 =	smul.u32 @!p1 $0x28000, s11  }
0x286: {  	s19 =	sadd.s32 @!p1 s6, s16;
	s10 =	sshll.u32 @!p1 s9, $0xA  }
0x287: {  	s9 =	sshll.u32 @!p1 s9, $0x7;
	s10 =	sand.u32 @!p1 $0xFFFFE000, s10;
	s14 =	sshrl.u32 @!p1 s14, $0x2  }
0x288: {  	s9 =	sand.u32 @!p1 $0x380, s9;
	s10 =	sadd.s32 @!p1 s10, s14;
	s14 =	sadd.s32 @!p1 $0x580, s19  }
0x289: {  	s21 =	simm.s32 @!p1 $0x0;
	s9 =	sor.u32 @!p1 s10, s9;
	s10 =	sand.u32 @!p1 $0x1FFFF400, s14  }
0x28a: {  	s19 =	sadd.s32 @!p1 $0x4, s11;
	s14 =	sadd.s32 @!p1 $0xA80, s9;
	s10 =	sadd.s32 @!p1 s10, s26  }
0x28b: {  	[hbm4b:s10+s21] =	stream.linear.scatter @!p1 [tilespmem:s14], [sflag:s19], $0x80, $0x38;
	[tilespmem:$0x1EE80] =	vst v63  }
0x28c: {  	s0 =	sadd.s32 $0xC, s12;
	s14 =	sadd.s32 @!p1 $0xE80, s9;
	s22 =	sadd.s32 @!p1 $0x80, s10  }
0x28d: {  	[hbm4b:s22+s21] =	stream.linear.scatter @!p1 [tilespmem:s14], [sflag:s19], $0x80, $0x38;
	[tilespmem:$0x1EE80] =	vst v63  }
0x28e: {  	p0 =	sge.s32 s0, s15;
	s14 =	sadd.s32 @!p1 $0x1280, s9;
	s22 =	sadd.s32 @!p1 $0x100, s10  }
0x28f: {  	[hbm4b:s22+s21] =	stream.linear.scatter @!p1 [tilespmem:s14], [sflag:s19], $0x80, $0x38;
	[tilespmem:$0x1EE80] =	vst v63  }
0x290: {  	(v2sf) =	vpush @!p0 v6, $0xC;
	s22 =	sadd.s32 @!p1 $0x1680, s9;
	s14 =	sadd.s32 @!p1 $0x180, s10  }
0x291: {  	[hbm4b:s14+s21] =	stream.linear.scatter @!p1 [tilespmem:s22], [sflag:s19], $0x80, $0x38;
	[tilespmem:$0x1EE80] =	vst v63  }
0x292: {  	s14 =	sadd.s32 @!p1 $0x1A80, s9;
	s22 =	sadd.s32 @!p1 $0x200, s10  }
0x293: {  	[hbm4b:s22+s21] =	stream.linear.scatter @!p1 [tilespmem:s14], [sflag:s19], $0x80, $0x38;
	[tilespmem:$0x1EE80] =	vst v63  }
0x294: {  	s14 =	sadd.s32 @!p1 $0x1E80, s9;
	s22 =	sadd.s32 @!p1 $0x280, s10  }
0x295: {  	[hbm4b:s22+s21] =	stream.linear.scatter @!p1 [tilespmem:s14], [sflag:s19], $0x80, $0x38;
	[tilespmem:$0x1EE80] =	vst v63  }
0x296: {  	s14 =	sadd.s32 @!p1 $0x2280, s9;
	s22 =	sadd.s32 @!p1 $0x300, s10  }
0x297: {  	[hbm4b:s22+s21] =	stream.linear.scatter @!p1 [tilespmem:s14], [sflag:s19], $0x80, $0x38;
	[tilespmem:$0x1EE80] =	vst v63  }
0x298: {  	s9 =	sadd.s32 @!p1 $0x2680, s9;
	s10 =	sadd.s32 @!p1 $0x380, s10  }
0x299: {  	[hbm4b:s10+s21] =	stream.linear.scatter @!p1 [tilespmem:s9], [sflag:s19], $0x80, $0x38;
	[tilespmem:$0x1EE80] =	vst v63  }
0x29a: {  	s9 =	sadd.s32 @p0 s6, s16  }
0x29b: {  	s9 =	sadd.s32 @p0 $0x600, s9  }
0x29c: {  	s14 =	simm.s32 @p0 $0x80;
	s10 =	sadd.s32 @p0 $0x4, s11;
	s9 =	sand.u32 @p0 $0x1FFFF400, s9  }
0x29d: {  	s19 =	simm.s32 @p0 $0x400;
	s21 =	simm.s32 @p0 $0x1EA80;
	s9 =	sadd.s32 @p0 s9, s23  }
0x29e: {  	[hbm4b:s9+s14] =	stream.strided.scatter @p0 [tilespmem:s21], [sflag:s10], $0x400, s19, s14, $0x38;
	[tilespmem:$0x1EE80] =	vst v63  }
0x29f: {  	s9 =	spop @!p0 (v2sf);
	s14 =	smul.u32 @!p0 $0x28000, s11  }
0x2a0: {  	s19 =	sadd.s32 @!p0 s6, s16;
	s10 =	sshll.u32 @!p0 s9, $0xA  }
0x2a1: {  	s9 =	sshll.u32 @!p0 s9, $0x7;
	s10 =	sand.u32 @!p0 $0xFFFFE000, s10;
	s14 =	sshrl.u32 @!p0 s14, $0x2  }
0x2a2: {  	s9 =	sand.u32 @!p0 $0x380, s9;
	s10 =	sadd.s32 @!p0 s10, s14;
	s14 =	sadd.s32 @!p0 $0x600, s19  }
0x2a3: {  	s21 =	simm.s32 @!p0 $0x0;
	s9 =	sor.u32 @!p0 s10, s9;
	s10 =	sand.u32 @!p0 $0x1FFFF400, s14  }
0x2a4: {  	s19 =	sadd.s32 @!p0 $0x4, s11;
	s14 =	sadd.s32 @!p0 $0xA80, s9;
	s10 =	sadd.s32 @!p0 s10, s23  }
0x2a5: {  	[hbm4b:s10+s21] =	stream.linear.scatter @!p0 [tilespmem:s14], [sflag:s19], $0x80, $0x38;
	[tilespmem:$0x1EE80] =	vst v63  }
0x2a6: {  	s0 =	sadd.s32 $0xD, s12;
	s14 =	sadd.s32 @!p0 $0xE80, s9;
	s22 =	sadd.s32 @!p0 $0x80, s10  }
0x2a7: {  	[hbm4b:s22+s21] =	stream.linear.scatter @!p0 [tilespmem:s14], [sflag:s19], $0x80, $0x38;
	[tilespmem:$0x1EE80] =	vst v63  }
0x2a8: {  	p1 =	sge.s32 s0, s15;
	s14 =	sadd.s32 @!p0 $0x1280, s9;
	s22 =	sadd.s32 @!p0 $0x100, s10  }
0x2a9: {  	[hbm4b:s22+s21] =	stream.linear.scatter @!p0 [tilespmem:s14], [sflag:s19], $0x80, $0x38;
	[tilespmem:$0x1EE80] =	vst v63  }
0x2aa: {  	(v2sf) =	vpush @!p1 v6, $0xD;
	s22 =	sadd.s32 @!p0 $0x1680, s9;
	s14 =	sadd.s32 @!p0 $0x180, s10  }
0x2ab: {  	[hbm4b:s14+s21] =	stream.linear.scatter @!p0 [tilespmem:s22], [sflag:s19], $0x80, $0x38;
	[tilespmem:$0x1EE80] =	vst v63  }
0x2ac: {  	s14 =	sadd.s32 @!p0 $0x1A80, s9;
	s22 =	sadd.s32 @!p0 $0x200, s10  }
0x2ad: {  	[hbm4b:s22+s21] =	stream.linear.scatter @!p0 [tilespmem:s14], [sflag:s19], $0x80, $0x38;
	[tilespmem:$0x1EE80] =	vst v63  }
0x2ae: {  	s14 =	sadd.s32 @!p0 $0x1E80, s9;
	s22 =	sadd.s32 @!p0 $0x280, s10  }
0x2af: {  	[hbm4b:s22+s21] =	stream.linear.scatter @!p0 [tilespmem:s14], [sflag:s19], $0x80, $0x38;
	[tilespmem:$0x1EE80] =	vst v63  }
0x2b0: {  	s14 =	sadd.s32 @!p0 $0x2280, s9;
	s22 =	sadd.s32 @!p0 $0x300, s10  }
0x2b1: {  	[hbm4b:s22+s21] =	stream.linear.scatter @!p0 [tilespmem:s14], [sflag:s19], $0x80, $0x38;
	[tilespmem:$0x1EE80] =	vst v63  }
0x2b2: {  	s9 =	sadd.s32 @!p0 $0x2680, s9;
	s10 =	sadd.s32 @!p0 $0x380, s10  }
0x2b3: {  	[hbm4b:s10+s21] =	stream.linear.scatter @!p0 [tilespmem:s9], [sflag:s19], $0x80, $0x38;
	[tilespmem:$0x1EE80] =	vst v63  }
0x2b4: {  	s9 =	sadd.s32 @p1 s6, s16  }
0x2b5: {  	s9 =	sadd.s32 @p1 $0x680, s9  }
0x2b6: {  	s14 =	simm.s32 @p1 $0x80;
	s10 =	sadd.s32 @p1 $0x4, s11;
	s9 =	sand.u32 @p1 $0x1FFFF400, s9  }
0x2b7: {  	s19 =	simm.s32 @p1 $0x400;
	s21 =	simm.s32 @p1 $0x1EA80;
	s9 =	sadd.s32 @p1 s9, s29  }
0x2b8: {  	[hbm4b:s9+s14] =	stream.strided.scatter @p1 [tilespmem:s21], [sflag:s10], $0x400, s19, s14, $0x38;
	[tilespmem:$0x1EE80] =	vst v63  }
0x2b9: {  	s9 =	spop @!p1 (v2sf);
	s14 =	smul.u32 @!p1 $0x28000, s11  }
0x2ba: {  	s19 =	sadd.s32 @!p1 s6, s16;
	s10 =	sshll.u32 @!p1 s9, $0xA  }
0x2bb: {  	s9 =	sshll.u32 @!p1 s9, $0x7;
	s10 =	sand.u32 @!p1 $0xFFFFE000, s10;
	s14 =	sshrl.u32 @!p1 s14, $0x2  }
0x2bc: {  	s9 =	sand.u32 @!p1 $0x380, s9;
	s10 =	sadd.s32 @!p1 s10, s14;
	s14 =	sadd.s32 @!p1 $0x680, s19  }
0x2bd: {  	s21 =	simm.s32 @!p1 $0x0;
	s9 =	sor.u32 @!p1 s10, s9;
	s10 =	sand.u32 @!p1 $0x1FFFF400, s14  }
0x2be: {  	s19 =	sadd.s32 @!p1 $0x4, s11;
	s14 =	sadd.s32 @!p1 $0xA80, s9;
	s10 =	sadd.s32 @!p1 s10, s29  }
0x2bf: {  	[hbm4b:s10+s21] =	stream.linear.scatter @!p1 [tilespmem:s14], [sflag:s19], $0x80, $0x38;
	[tilespmem:$0x1EE80] =	vst v63  }
0x2c0: {  	s0 =	sadd.s32 $0xE, s12;
	s14 =	sadd.s32 @!p1 $0xE80, s9;
	s22 =	sadd.s32 @!p1 $0x80, s10  }
0x2c1: {  	[hbm4b:s22+s21] =	stream.linear.scatter @!p1 [tilespmem:s14], [sflag:s19], $0x80, $0x38;
	[tilespmem:$0x1EE80] =	vst v63  }
0x2c2: {  	p0 =	sge.s32 s0, s15;
	s14 =	sadd.s32 @!p1 $0x1280, s9;
	s22 =	sadd.s32 @!p1 $0x100, s10  }
0x2c3: {  	[hbm4b:s22+s21] =	stream.linear.scatter @!p1 [tilespmem:s14], [sflag:s19], $0x80, $0x38;
	[tilespmem:$0x1EE80] =	vst v63  }
0x2c4: {  	(v2sf) =	vpush @!p0 v6, $0xE;
	s22 =	sadd.s32 @!p1 $0x1680, s9;
	s14 =	sadd.s32 @!p1 $0x180, s10  }
0x2c5: {  	[hbm4b:s14+s21] =	stream.linear.scatter @!p1 [tilespmem:s22], [sflag:s19], $0x80, $0x38;
	[tilespmem:$0x1EE80] =	vst v63  }
0x2c6: {  	s14 =	sadd.s32 @!p1 $0x1A80, s9;
	s22 =	sadd.s32 @!p1 $0x200, s10  }
0x2c7: {  	[hbm4b:s22+s21] =	stream.linear.scatter @!p1 [tilespmem:s14], [sflag:s19], $0x80, $0x38;
	[tilespmem:$0x1EE80] =	vst v63  }
0x2c8: {  	s14 =	sadd.s32 @!p1 $0x1E80, s9;
	s22 =	sadd.s32 @!p1 $0x280, s10  }
0x2c9: {  	[hbm4b:s22+s21] =	stream.linear.scatter @!p1 [tilespmem:s14], [sflag:s19], $0x80, $0x38;
	[tilespmem:$0x1EE80] =	vst v63  }
0x2ca: {  	s14 =	sadd.s32 @!p1 $0x2280, s9;
	s22 =	sadd.s32 @!p1 $0x300, s10  }
0x2cb: {  	[hbm4b:s22+s21] =	stream.linear.scatter @!p1 [tilespmem:s14], [sflag:s19], $0x80, $0x38;
	[tilespmem:$0x1EE80] =	vst v63  }
0x2cc: {  	s9 =	sadd.s32 @!p1 $0x2680, s9;
	s10 =	sadd.s32 @!p1 $0x380, s10  }
0x2cd: {  	[hbm4b:s10+s21] =	stream.linear.scatter @!p1 [tilespmem:s9], [sflag:s19], $0x80, $0x38;
	[tilespmem:$0x1EE80] =	vst v63  }
0x2ce: {  	s9 =	sadd.s32 @p0 s6, s16  }
0x2cf: {  	s9 =	sadd.s32 @p0 $0x700, s9  }
0x2d0: {  	s14 =	simm.s32 @p0 $0x80;
	s10 =	sadd.s32 @p0 $0x4, s11;
	s9 =	sand.u32 @p0 $0x1FFFF400, s9  }
0x2d1: {  	s19 =	simm.s32 @p0 $0x400;
	s21 =	simm.s32 @p0 $0x1EA80;
	s9 =	sadd.s32 @p0 s9, s30  }
0x2d2: {  	[hbm4b:s9+s14] =	stream.strided.scatter @p0 [tilespmem:s21], [sflag:s10], $0x400, s19, s14, $0x38;
	[tilespmem:$0x1EE80] =	vst v63  }
0x2d3: {  	s9 =	spop @!p0 (v2sf);
	s14 =	smul.u32 @!p0 $0x28000, s11  }
0x2d4: {  	s19 =	sadd.s32 @!p0 s6, s16;
	s10 =	sshll.u32 @!p0 s9, $0xA  }
0x2d5: {  	s9 =	sshll.u32 @!p0 s9, $0x7;
	s10 =	sand.u32 @!p0 $0xFFFFE000, s10;
	s14 =	sshrl.u32 @!p0 s14, $0x2  }
0x2d6: {  	s9 =	sand.u32 @!p0 $0x380, s9;
	s10 =	sadd.s32 @!p0 s10, s14;
	s14 =	sadd.s32 @!p0 $0x700, s19  }
0x2d7: {  	s21 =	simm.s32 @!p0 $0x0;
	s9 =	sor.u32 @!p0 s10, s9;
	s10 =	sand.u32 @!p0 $0x1FFFF400, s14  }
0x2d8: {  	s19 =	sadd.s32 @!p0 $0x4, s11;
	s14 =	sadd.s32 @!p0 $0xA80, s9;
	s10 =	sadd.s32 @!p0 s10, s30  }
0x2d9: {  	[hbm4b:s10+s21] =	stream.linear.scatter @!p0 [tilespmem:s14], [sflag:s19], $0x80, $0x38;
	[tilespmem:$0x1EE80] =	vst v63  }
0x2da: {  	s0 =	sadd.s32 $0xF, s12;
	s14 =	sadd.s32 @!p0 $0xE80, s9;
	s22 =	sadd.s32 @!p0 $0x80, s10  }
0x2db: {  	[hbm4b:s22+s21] =	stream.linear.scatter @!p0 [tilespmem:s14], [sflag:s19], $0x80, $0x38;
	[tilespmem:$0x1EE80] =	vst v63  }
0x2dc: {  	p1 =	sge.s32 s0, s15;
	s14 =	sadd.s32 @!p0 $0x1280, s9;
	s22 =	sadd.s32 @!p0 $0x100, s10  }
0x2dd: {  	[hbm4b:s22+s21] =	stream.linear.scatter @!p0 [tilespmem:s14], [sflag:s19], $0x80, $0x38;
	[tilespmem:$0x1EE80] =	vst v63  }
0x2de: {  	(v2sf) =	vpush @!p1 v6, $0xF;
	s22 =	sadd.s32 @!p0 $0x1680, s9;
	s14 =	sadd.s32 @!p0 $0x180, s10  }
0x2df: {  	[hbm4b:s14+s21] =	stream.linear.scatter @!p0 [tilespmem:s22], [sflag:s19], $0x80, $0x38;
	[tilespmem:$0x1EE80] =	vst v63  }
0x2e0: {  	s14 =	sadd.s32 @!p0 $0x1A80, s9;
	s22 =	sadd.s32 @!p0 $0x200, s10  }
0x2e1: {  	[hbm4b:s22+s21] =	stream.linear.scatter @!p0 [tilespmem:s14], [sflag:s19], $0x80, $0x38;
	[tilespmem:$0x1EE80] =	vst v63  }
0x2e2: {  	s14 =	sadd.s32 @!p0 $0x1E80, s9;
	s22 =	sadd.s32 @!p0 $0x280, s10  }
0x2e3: {  	[hbm4b:s22+s21] =	stream.linear.scatter @!p0 [tilespmem:s14], [sflag:s19], $0x80, $0x38;
	[tilespmem:$0x1EE80] =	vst v63  }
0x2e4: {  	s14 =	sadd.s32 @!p0 $0x2280, s9;
	s22 =	sadd.s32 @!p0 $0x300, s10  }
0x2e5: {  	[hbm4b:s22+s21] =	stream.linear.scatter @!p0 [tilespmem:s14], [sflag:s19], $0x80, $0x38;
	[tilespmem:$0x1EE80] =	vst v63  }
0x2e6: {  	s9 =	sadd.s32 @!p0 $0x2680, s9;
	s10 =	sadd.s32 @!p0 $0x380, s10  }
0x2e7: {  	[hbm4b:s10+s21] =	stream.linear.scatter @!p0 [tilespmem:s9], [sflag:s19], $0x80, $0x38;
	[tilespmem:$0x1EE80] =	vst v63  }
0x2e8: {  	s9 =	sadd.s32 @p1 s6, s16  }
0x2e9: {  	s9 =	sadd.s32 @p1 $0x780, s9  }
0x2ea: {  	s14 =	simm.s32 @p1 $0x80;
	s10 =	sadd.s32 @p1 $0x4, s11;
	s9 =	sand.u32 @p1 $0x1FFFF400, s9  }
0x2eb: {  	s19 =	simm.s32 @p1 $0x400;
	s21 =	simm.s32 @p1 $0x1EA80;
	s9 =	sadd.s32 @p1 s9, s31  }
0x2ec: {  	[hbm4b:s9+s14] =	stream.strided.scatter @p1 [tilespmem:s21], [sflag:s10], $0x400, s19, s14, $0x38;
	[tilespmem:$0x1EE80] =	vst v63  }
0x2ed: {  	s9 =	spop @!p1 (v2sf);
	s14 =	smul.u32 @!p1 $0x28000, s11  }
0x2ee: {  	s19 =	sadd.s32 @!p1 s6, s16;
	s10 =	sshll.u32 @!p1 s9, $0xA  }
0x2ef: {  	s9 =	sshll.u32 @!p1 s9, $0x7;
	s10 =	sand.u32 @!p1 $0xFFFFE000, s10;
	s14 =	sshrl.u32 @!p1 s14, $0x2  }
0x2f0: {  	s9 =	sand.u32 @!p1 $0x380, s9;
	s10 =	sadd.s32 @!p1 s10, s14;
	s14 =	sadd.s32 @!p1 $0x780, s19  }
0x2f1: {  	s21 =	simm.s32 @!p1 $0x0;
	s9 =	sor.u32 @!p1 s10, s9;
	s10 =	sand.u32 @!p1 $0x1FFFF400, s14  }
0x2f2: {  	s19 =	sadd.s32 @!p1 $0x4, s11;
	s14 =	sadd.s32 @!p1 $0xA80, s9;
	s10 =	sadd.s32 @!p1 s10, s31  }
0x2f3: {  	[hbm4b:s10+s21] =	stream.linear.scatter @!p1 [tilespmem:s14], [sflag:s19], $0x80, $0x38;
	[tilespmem:$0x1EE80] =	vst v63  }
0x2f4: {  	s14 =	sadd.s32 @!p1 $0xE80, s9;
	s22 =	sadd.s32 @!p1 $0x80, s10  }
0x2f5: {  	[hbm4b:s22+s21] =	stream.linear.scatter @!p1 [tilespmem:s14], [sflag:s19], $0x80, $0x38;
	[tilespmem:$0x1EE80] =	vst v63  }
0x2f6: {  	s14 =	sadd.s32 @!p1 $0x1280, s9;
	s22 =	sadd.s32 @!p1 $0x100, s10  }
0x2f7: {  	[hbm4b:s22+s21] =	stream.linear.scatter @!p1 [tilespmem:s14], [sflag:s19], $0x80, $0x38;
	[tilespmem:$0x1EE80] =	vst v63  }
0x2f8: {  	s14 =	sadd.s32 @!p1 $0x1680, s9;
	s22 =	sadd.s32 @!p1 $0x180, s10  }
0x2f9: {  	[hbm4b:s22+s21] =	stream.linear.scatter @!p1 [tilespmem:s14], [sflag:s19], $0x80, $0x38;
	[tilespmem:$0x1EE80] =	vst v63  }
0x2fa: {  	s14 =	sadd.s32 @!p1 $0x1A80, s9;
	s22 =	sadd.s32 @!p1 $0x200, s10  }
0x2fb: {  	[hbm4b:s22+s21] =	stream.linear.scatter @!p1 [tilespmem:s14], [sflag:s19], $0x80, $0x38;
	[tilespmem:$0x1EE80] =	vst v63  }
0x2fc: {  	s14 =	sadd.s32 @!p1 $0x1E80, s9;
	s22 =	sadd.s32 @!p1 $0x280, s10  }
0x2fd: {  	[hbm4b:s22+s21] =	stream.linear.scatter @!p1 [tilespmem:s14], [sflag:s19], $0x80, $0x38;
	[tilespmem:$0x1EE80] =	vst v63  }
0x2fe: {  	s14 =	sadd.s32 @!p1 $0x2280, s9;
	s22 =	sadd.s32 @!p1 $0x300, s10  }
0x2ff: {  	[hbm4b:s22+s21] =	stream.linear.scatter @!p1 [tilespmem:s14], [sflag:s19], $0x80, $0x38;
	[tilespmem:$0x1EE80] =	vst v63  }
0x300: {  	s9 =	sadd.s32 @!p1 $0x2680, s9;
	s10 =	sadd.s32 @!p1 $0x380, s10  }
0x301: {  	[hbm4b:s10+s21] =	stream.linear.scatter @!p1 [tilespmem:s9], [sflag:s19], $0x80, $0x38;
	[tilespmem:$0x1EE80] =	vst v63  }
0x302: {  	v6 =	vld [tilespmem:s2+$0x0];
	_ =	sdelay $0x3  }
0x303: {  	s21 =	sadd.s32 $0x10, s12  }
0x304: {  	p1 =	sge.s32 s21, s15;
	v5 =	vsub.s32 v6, v5  }
0x305: {  	(v2sf) =	vpush @!p1 v5, $0x0;
	_ =	sdelay $0xa  }
0x306: {  	s0 =	rddreg [dreg:$0x14]  }
0x307: {  	s9 =	sadd.s32 @p1 $0x4, s11;
	s10 =	sadd.s32 @p1 s6, s0  }
0x308: {  	s14 =	simm.s32 @p1 $0x80;
	s19 =	simm.s32 @p1 $0x400;
	s21 =	simm.s32 @p1 $0x1EA80  }
0x309: {  	[hbm4b:s10+s14] =	stream.strided.scatter @p1 [tilespmem:s21], [sflag:s9], $0x400, s19, s14, $0x38;
	[tilespmem:$0x1EE80] =	vst v63  }
0x30a: {  	s10 =	smul.u32 @!p1 $0x28000, s11;
	s9 =	spop @!p1 (v2sf)  }
0x30b: {  	s14 =	sshll.u32 @!p1 s9, $0xA  }
0x30c: {  	s10 =	sshrl.u32 @!p1 s10, $0x2;
	s9 =	sshll.u32 @!p1 s9, $0x7;
	s14 =	sand.u32 @!p1 $0xFFFFE000, s14  }
0x30d: {  	s9 =	sand.u32 @!p1 $0x380, s9;
	s10 =	sadd.s32 @!p1 s14, s10  }
0x30e: {  	s19 =	sadd.s32 @!p1 s6, s0;
	s9 =	sor.u32 @!p1 s10, s9  }
0x30f: {  	s21 =	simm.s32 @!p1 $0x0;
	s14 =	sadd.s32 @!p1 $0x4, s11;
	s10 =	sadd.s32 @!p1 $0xA80, s9  }
0x310: {  	[hbm4b:s19+s21] =	stream.linear.scatter @!p1 [tilespmem:s10], [sflag:s14], $0x80, $0x38;
	[tilespmem:$0x1EE80] =	vst v63  }
0x311: {  	s22 =	sadd.s32 @!p1 $0x80, s19;
	s10 =	sadd.s32 @!p1 $0xE80, s9  }
0x312: {  	[hbm4b:s22+s21] =	stream.linear.scatter @!p1 [tilespmem:s10], [sflag:s14], $0x80, $0x38;
	[tilespmem:$0x1EE80] =	vst v63  }
0x313: {  	s22 =	sadd.s32 $0x11, s12  }
0x314: {  	p0 =	sge.s32 s22, s15  }
0x315: {  	s10 =	sadd.s32 @!p1 $0x1280, s9;
	s22 =	sadd.s32 @!p1 $0x100, s19;
	(v2sf) =	vpush @!p0 v5, $0x1  }
0x316: {  	[hbm4b:s22+s21] =	stream.linear.scatter @!p1 [tilespmem:s10], [sflag:s14], $0x80, $0x38;
	[tilespmem:$0x1EE80] =	vst v63  }
0x317: {  	s10 =	sadd.s32 @!p1 $0x1680, s9;
	s22 =	sadd.s32 @!p1 $0x180, s19  }
0x318: {  	[hbm4b:s22+s21] =	stream.linear.scatter @!p1 [tilespmem:s10], [sflag:s14], $0x80, $0x38;
	[tilespmem:$0x1EE80] =	vst v63  }
0x319: {  	s10 =	sadd.s32 @!p1 $0x1A80, s9;
	s22 =	sadd.s32 @!p1 $0x200, s19  }
0x31a: {  	[hbm4b:s22+s21] =	stream.linear.scatter @!p1 [tilespmem:s10], [sflag:s14], $0x80, $0x38;
	[tilespmem:$0x1EE80] =	vst v63  }
0x31b: {  	s10 =	sadd.s32 @!p1 $0x1E80, s9;
	s22 =	sadd.s32 @!p1 $0x280, s19  }
0x31c: {  	[hbm4b:s22+s21] =	stream.linear.scatter @!p1 [tilespmem:s10], [sflag:s14], $0x80, $0x38;
	[tilespmem:$0x1EE80] =	vst v63  }
0x31d: {  	s10 =	sadd.s32 @!p1 $0x2280, s9;
	s22 =	sadd.s32 @!p1 $0x300, s19  }
0x31e: {  	[hbm4b:s22+s21] =	stream.linear.scatter @!p1 [tilespmem:s10], [sflag:s14], $0x80, $0x38;
	[tilespmem:$0x1EE80] =	vst v63  }
0x31f: {  	s9 =	sadd.s32 @!p1 $0x2680, s9;
	s10 =	sadd.s32 @!p1 $0x380, s19  }
0x320: {  	[hbm4b:s10+s21] =	stream.linear.scatter @!p1 [tilespmem:s9], [sflag:s14], $0x80, $0x38;
	[tilespmem:$0x1EE80] =	vst v63  }
0x321: {  	s0 =	rddreg [dreg:$0x12];
	s19 =	simm.s32 @p0 $0x400;
	s9 =	sadd.s32 @p0 $0x4, s11  }
0x322: {  	s10 =	sadd.s32 @p0 s6, s0;
	s14 =	simm.s32 @p0 $0x80;
	s21 =	simm.s32 @p0 $0x1EA80  }
0x323: {  	[hbm4b:s10+s14] =	stream.strided.scatter @p0 [tilespmem:s21], [sflag:s9], $0x400, s19, s14, $0x38;
	[tilespmem:$0x1EE80] =	vst v63  }
0x324: {  	s10 =	smul.u32 @!p0 $0x28000, s11;
	s9 =	spop @!p0 (v2sf)  }
0x325: {  	s14 =	sshll.u32 @!p0 s9, $0xA  }
0x326: {  	s10 =	sshrl.u32 @!p0 s10, $0x2;
	s9 =	sshll.u32 @!p0 s9, $0x7;
	s14 =	sand.u32 @!p0 $0xFFFFE000, s14  }
0x327: {  	s9 =	sand.u32 @!p0 $0x380, s9;
	s10 =	sadd.s32 @!p0 s14, s10  }
0x328: {  	s19 =	sadd.s32 @!p0 s6, s0;
	s21 =	simm.s32 @!p0 $0x0;
	s9 =	sor.u32 @!p0 s10, s9  }
0x329: {  	s0 =	sadd.s32 $0x12, s12;
	s14 =	sadd.s32 @!p0 $0x4, s11;
	s10 =	sadd.s32 @!p0 $0xA80, s9  }
0x32a: {  	[hbm4b:s19+s21] =	stream.linear.scatter @!p0 [tilespmem:s10], [sflag:s14], $0x80, $0x38;
	[tilespmem:$0x1EE80] =	vst v63  }
0x32b: {  	s22 =	sadd.s32 @!p0 $0x80, s19;
	p1 =	sge.s32 s0, s15;
	s10 =	sadd.s32 @!p0 $0xE80, s9  }
0x32c: {  	[hbm4b:s22+s21] =	stream.linear.scatter @!p0 [tilespmem:s10], [sflag:s14], $0x80, $0x38;
	[tilespmem:$0x1EE80] =	vst v63  }
0x32d: {  	(v2sf) =	vpush @!p1 v5, $0x2;
	s10 =	sadd.s32 @!p0 $0x1280, s9;
	s22 =	sadd.s32 @!p0 $0x100, s19  }
0x32e: {  	[hbm4b:s22+s21] =	stream.linear.scatter @!p0 [tilespmem:s10], [sflag:s14], $0x80, $0x38;
	[tilespmem:$0x1EE80] =	vst v63  }
0x32f: {  	s10 =	sadd.s32 @!p0 $0x1680, s9;
	s22 =	sadd.s32 @!p0 $0x180, s19  }
0x330: {  	[hbm4b:s22+s21] =	stream.linear.scatter @!p0 [tilespmem:s10], [sflag:s14], $0x80, $0x38;
	[tilespmem:$0x1EE80] =	vst v63  }
0x331: {  	s10 =	sadd.s32 @!p0 $0x1A80, s9;
	s22 =	sadd.s32 @!p0 $0x200, s19  }
0x332: {  	[hbm4b:s22+s21] =	stream.linear.scatter @!p0 [tilespmem:s10], [sflag:s14], $0x80, $0x38;
	[tilespmem:$0x1EE80] =	vst v63  }
0x333: {  	s10 =	sadd.s32 @!p0 $0x1E80, s9;
	s22 =	sadd.s32 @!p0 $0x280, s19  }
0x334: {  	[hbm4b:s22+s21] =	stream.linear.scatter @!p0 [tilespmem:s10], [sflag:s14], $0x80, $0x38;
	[tilespmem:$0x1EE80] =	vst v63  }
0x335: {  	s10 =	sadd.s32 @!p0 $0x2280, s9;
	s22 =	sadd.s32 @!p0 $0x300, s19  }
0x336: {  	[hbm4b:s22+s21] =	stream.linear.scatter @!p0 [tilespmem:s10], [sflag:s14], $0x80, $0x38;
	[tilespmem:$0x1EE80] =	vst v63  }
0x337: {  	s9 =	sadd.s32 @!p0 $0x2680, s9;
	s10 =	sadd.s32 @!p0 $0x380, s19  }
0x338: {  	[hbm4b:s10+s21] =	stream.linear.scatter @!p0 [tilespmem:s9], [sflag:s14], $0x80, $0x38;
	[tilespmem:$0x1EE80] =	vst v63  }
0x339: {  	s0 =	rddreg [dreg:$0x10];
	s19 =	simm.s32 @p1 $0x400;
	s9 =	sadd.s32 @p1 $0x4, s11  }
0x33a: {  	s10 =	sadd.s32 @p1 s6, s0;
	s14 =	simm.s32 @p1 $0x80;
	s21 =	simm.s32 @p1 $0x1EA80  }
0x33b: {  	[hbm4b:s10+s14] =	stream.strided.scatter @p1 [tilespmem:s21], [sflag:s9], $0x400, s19, s14, $0x38;
	[tilespmem:$0x1EE80] =	vst v63  }
0x33c: {  	s9 =	spop @!p1 (v2sf);
	s10 =	smul.u32 @!p1 $0x28000, s11  }
0x33d: {  	s14 =	sshll.u32 @!p1 s9, $0xA  }
0x33e: {  	s9 =	sshll.u32 @!p1 s9, $0x7;
	s14 =	sand.u32 @!p1 $0xFFFFE000, s14;
	s10 =	sshrl.u32 @!p1 s10, $0x2  }
0x33f: {  	s9 =	sand.u32 @!p1 $0x380, s9;
	s10 =	sadd.s32 @!p1 s14, s10  }
0x340: {  	s19 =	sadd.s32 @!p1 s6, s0;
	s9 =	sor.u32 @!p1 s10, s9  }
0x341: {  	s21 =	simm.s32 @!p1 $0x0;
	s14 =	sadd.s32 @!p1 $0x4, s11;
	s10 =	sadd.s32 @!p1 $0xA80, s9  }
0x342: {  	[hbm4b:s19+s21] =	stream.linear.scatter @!p1 [tilespmem:s10], [sflag:s14], $0x80, $0x38;
	[tilespmem:$0x1EE80] =	vst v63  }
0x343: {  	s22 =	sadd.s32 @!p1 $0x80, s19;
	s10 =	sadd.s32 @!p1 $0xE80, s9  }
0x344: {  	[hbm4b:s22+s21] =	stream.linear.scatter @!p1 [tilespmem:s10], [sflag:s14], $0x80, $0x38;
	[tilespmem:$0x1EE80] =	vst v63  }
0x345: {  	s22 =	sadd.s32 $0x13, s12  }
0x346: {  	p0 =	sge.s32 s22, s15  }
0x347: {  	s10 =	sadd.s32 @!p1 $0x1280, s9;
	s22 =	sadd.s32 @!p1 $0x100, s19;
	(v2sf) =	vpush @!p0 v5, $0x3  }
0x348: {  	[hbm4b:s22+s21] =	stream.linear.scatter @!p1 [tilespmem:s10], [sflag:s14], $0x80, $0x38;
	[tilespmem:$0x1EE80] =	vst v63  }
0x349: {  	s10 =	sadd.s32 @!p1 $0x1680, s9;
	s22 =	sadd.s32 @!p1 $0x180, s19  }
0x34a: {  	[hbm4b:s22+s21] =	stream.linear.scatter @!p1 [tilespmem:s10], [sflag:s14], $0x80, $0x38;
	[tilespmem:$0x1EE80] =	vst v63  }
0x34b: {  	s10 =	sadd.s32 @!p1 $0x1A80, s9;
	s22 =	sadd.s32 @!p1 $0x200, s19  }
0x34c: {  	[hbm4b:s22+s21] =	stream.linear.scatter @!p1 [tilespmem:s10], [sflag:s14], $0x80, $0x38;
	[tilespmem:$0x1EE80] =	vst v63  }
0x34d: {  	s10 =	sadd.s32 @!p1 $0x1E80, s9;
	s22 =	sadd.s32 @!p1 $0x280, s19  }
0x34e: {  	[hbm4b:s22+s21] =	stream.linear.scatter @!p1 [tilespmem:s10], [sflag:s14], $0x80, $0x38;
	[tilespmem:$0x1EE80] =	vst v63  }
0x34f: {  	s10 =	sadd.s32 @!p1 $0x2280, s9;
	s22 =	sadd.s32 @!p1 $0x300, s19  }
0x350: {  	[hbm4b:s22+s21] =	stream.linear.scatter @!p1 [tilespmem:s10], [sflag:s14], $0x80, $0x38;
	[tilespmem:$0x1EE80] =	vst v63  }
0x351: {  	s9 =	sadd.s32 @!p1 $0x2680, s9;
	s10 =	sadd.s32 @!p1 $0x380, s19  }
0x352: {  	[hbm4b:s10+s21] =	stream.linear.scatter @!p1 [tilespmem:s9], [sflag:s14], $0x80, $0x38;
	[tilespmem:$0x1EE80] =	vst v63  }
0x353: {  	s0 =	rddreg [dreg:$0xe];
	s19 =	simm.s32 @p0 $0x400;
	s9 =	sadd.s32 @p0 $0x4, s11  }
0x354: {  	s10 =	sadd.s32 @p0 s6, s0;
	s14 =	simm.s32 @p0 $0x80;
	s21 =	simm.s32 @p0 $0x1EA80  }
0x355: {  	[hbm4b:s10+s14] =	stream.strided.scatter @p0 [tilespmem:s21], [sflag:s9], $0x400, s19, s14, $0x38;
	[tilespmem:$0x1EE80] =	vst v63  }
0x356: {  	s10 =	smul.u32 @!p0 $0x28000, s11;
	s9 =	spop @!p0 (v2sf)  }
0x357: {  	s14 =	sshll.u32 @!p0 s9, $0xA  }
0x358: {  	s10 =	sshrl.u32 @!p0 s10, $0x2;
	s9 =	sshll.u32 @!p0 s9, $0x7;
	s14 =	sand.u32 @!p0 $0xFFFFE000, s14  }
0x359: {  	s9 =	sand.u32 @!p0 $0x380, s9;
	s10 =	sadd.s32 @!p0 s14, s10  }
0x35a: {  	s19 =	sadd.s32 @!p0 s6, s0;
	s21 =	simm.s32 @!p0 $0x0;
	s9 =	sor.u32 @!p0 s10, s9  }
0x35b: {  	s0 =	sadd.s32 $0x14, s12;
	s14 =	sadd.s32 @!p0 $0x4, s11;
	s10 =	sadd.s32 @!p0 $0xA80, s9  }
0x35c: {  	[hbm4b:s19+s21] =	stream.linear.scatter @!p0 [tilespmem:s10], [sflag:s14], $0x80, $0x38;
	[tilespmem:$0x1EE80] =	vst v63  }
0x35d: {  	s22 =	sadd.s32 @!p0 $0x80, s19;
	p1 =	sge.s32 s0, s15;
	s10 =	sadd.s32 @!p0 $0xE80, s9  }
0x35e: {  	[hbm4b:s22+s21] =	stream.linear.scatter @!p0 [tilespmem:s10], [sflag:s14], $0x80, $0x38;
	[tilespmem:$0x1EE80] =	vst v63  }
0x35f: {  	(v2sf) =	vpush @!p1 v5, $0x4;
	s10 =	sadd.s32 @!p0 $0x1280, s9;
	s22 =	sadd.s32 @!p0 $0x100, s19  }
0x360: {  	[hbm4b:s22+s21] =	stream.linear.scatter @!p0 [tilespmem:s10], [sflag:s14], $0x80, $0x38;
	[tilespmem:$0x1EE80] =	vst v63  }
0x361: {  	s10 =	sadd.s32 @!p0 $0x1680, s9;
	s22 =	sadd.s32 @!p0 $0x180, s19  }
0x362: {  	[hbm4b:s22+s21] =	stream.linear.scatter @!p0 [tilespmem:s10], [sflag:s14], $0x80, $0x38;
	[tilespmem:$0x1EE80] =	vst v63  }
0x363: {  	s10 =	sadd.s32 @!p0 $0x1A80, s9;
	s22 =	sadd.s32 @!p0 $0x200, s19  }
0x364: {  	[hbm4b:s22+s21] =	stream.linear.scatter @!p0 [tilespmem:s10], [sflag:s14], $0x80, $0x38;
	[tilespmem:$0x1EE80] =	vst v63  }
0x365: {  	s10 =	sadd.s32 @!p0 $0x1E80, s9;
	s22 =	sadd.s32 @!p0 $0x280, s19  }
0x366: {  	[hbm4b:s22+s21] =	stream.linear.scatter @!p0 [tilespmem:s10], [sflag:s14], $0x80, $0x38;
	[tilespmem:$0x1EE80] =	vst v63  }
0x367: {  	s10 =	sadd.s32 @!p0 $0x2280, s9;
	s22 =	sadd.s32 @!p0 $0x300, s19  }
0x368: {  	[hbm4b:s22+s21] =	stream.linear.scatter @!p0 [tilespmem:s10], [sflag:s14], $0x80, $0x38;
	[tilespmem:$0x1EE80] =	vst v63  }
0x369: {  	s9 =	sadd.s32 @!p0 $0x2680, s9;
	s10 =	sadd.s32 @!p0 $0x380, s19  }
0x36a: {  	[hbm4b:s10+s21] =	stream.linear.scatter @!p0 [tilespmem:s9], [sflag:s14], $0x80, $0x38;
	[tilespmem:$0x1EE80] =	vst v63  }
0x36b: {  	s19 =	simm.s32 @p1 $0x400;
	s9 =	sadd.s32 @p1 $0x4, s11  }
0x36c: {  	s10 =	sadd.s32 @p1 s6, s5;
	s14 =	simm.s32 @p1 $0x80;
	s21 =	simm.s32 @p1 $0x1EA80  }
0x36d: {  	[hbm4b:s10+s14] =	stream.strided.scatter @p1 [tilespmem:s21], [sflag:s9], $0x400, s19, s14, $0x38;
	[tilespmem:$0x1EE80] =	vst v63  }
0x36e: {  	s9 =	spop @!p1 (v2sf);
	s10 =	smul.u32 @!p1 $0x28000, s11  }
0x36f: {  	s14 =	sshll.u32 @!p1 s9, $0xA  }
0x370: {  	s9 =	sshll.u32 @!p1 s9, $0x7;
	s14 =	sand.u32 @!p1 $0xFFFFE000, s14;
	s10 =	sshrl.u32 @!p1 s10, $0x2  }
0x371: {  	s9 =	sand.u32 @!p1 $0x380, s9;
	s10 =	sadd.s32 @!p1 s14, s10  }
0x372: {  	s19 =	sadd.s32 @!p1 s6, s5;
	s9 =	sor.u32 @!p1 s10, s9  }
0x373: {  	s21 =	simm.s32 @!p1 $0x0;
	s14 =	sadd.s32 @!p1 $0x4, s11;
	s10 =	sadd.s32 @!p1 $0xA80, s9  }
0x374: {  	[hbm4b:s19+s21] =	stream.linear.scatter @!p1 [tilespmem:s10], [sflag:s14], $0x80, $0x38;
	[tilespmem:$0x1EE80] =	vst v63  }
0x375: {  	s22 =	sadd.s32 @!p1 $0x80, s19;
	s10 =	sadd.s32 @!p1 $0xE80, s9  }
0x376: {  	[hbm4b:s22+s21] =	stream.linear.scatter @!p1 [tilespmem:s10], [sflag:s14], $0x80, $0x38;
	[tilespmem:$0x1EE80] =	vst v63  }
0x377: {  	s22 =	sadd.s32 $0x15, s12  }
0x378: {  	p0 =	sge.s32 s22, s15  }
0x379: {  	s10 =	sadd.s32 @!p1 $0x1280, s9;
	s22 =	sadd.s32 @!p1 $0x100, s19;
	(v2sf) =	vpush @!p0 v5, $0x5  }
0x37a: {  	[hbm4b:s22+s21] =	stream.linear.scatter @!p1 [tilespmem:s10], [sflag:s14], $0x80, $0x38;
	[tilespmem:$0x1EE80] =	vst v63  }
0x37b: {  	s10 =	sadd.s32 @!p1 $0x1680, s9;
	s22 =	sadd.s32 @!p1 $0x180, s19  }
0x37c: {  	[hbm4b:s22+s21] =	stream.linear.scatter @!p1 [tilespmem:s10], [sflag:s14], $0x80, $0x38;
	[tilespmem:$0x1EE80] =	vst v63  }
0x37d: {  	s10 =	sadd.s32 @!p1 $0x1A80, s9;
	s22 =	sadd.s32 @!p1 $0x200, s19  }
0x37e: {  	[hbm4b:s22+s21] =	stream.linear.scatter @!p1 [tilespmem:s10], [sflag:s14], $0x80, $0x38;
	[tilespmem:$0x1EE80] =	vst v63  }
0x37f: {  	s10 =	sadd.s32 @!p1 $0x1E80, s9;
	s22 =	sadd.s32 @!p1 $0x280, s19  }
0x380: {  	[hbm4b:s22+s21] =	stream.linear.scatter @!p1 [tilespmem:s10], [sflag:s14], $0x80, $0x38;
	[tilespmem:$0x1EE80] =	vst v63  }
0x381: {  	s10 =	sadd.s32 @!p1 $0x2280, s9;
	s22 =	sadd.s32 @!p1 $0x300, s19  }
0x382: {  	[hbm4b:s22+s21] =	stream.linear.scatter @!p1 [tilespmem:s10], [sflag:s14], $0x80, $0x38;
	[tilespmem:$0x1EE80] =	vst v63  }
0x383: {  	s9 =	sadd.s32 @!p1 $0x2680, s9;
	s10 =	sadd.s32 @!p1 $0x380, s19  }
0x384: {  	[hbm4b:s10+s21] =	stream.linear.scatter @!p1 [tilespmem:s9], [sflag:s14], $0x80, $0x38;
	[tilespmem:$0x1EE80] =	vst v63  }
0x385: {  	s0 =	rddreg [dreg:$0xb];
	s19 =	simm.s32 @p0 $0x400;
	s9 =	sadd.s32 @p0 $0x4, s11  }
0x386: {  	s10 =	sadd.s32 @p0 s6, s0;
	s14 =	simm.s32 @p0 $0x80;
	s21 =	simm.s32 @p0 $0x1EA80  }
0x387: {  	[hbm4b:s10+s14] =	stream.strided.scatter @p0 [tilespmem:s21], [sflag:s9], $0x400, s19, s14, $0x38;
	[tilespmem:$0x1EE80] =	vst v63  }
0x388: {  	s10 =	smul.u32 @!p0 $0x28000, s11;
	s9 =	spop @!p0 (v2sf)  }
0x389: {  	s14 =	sshll.u32 @!p0 s9, $0xA  }
0x38a: {  	s10 =	sshrl.u32 @!p0 s10, $0x2;
	s9 =	sshll.u32 @!p0 s9, $0x7;
	s14 =	sand.u32 @!p0 $0xFFFFE000, s14  }
0x38b: {  	s9 =	sand.u32 @!p0 $0x380, s9;
	s10 =	sadd.s32 @!p0 s14, s10  }
0x38c: {  	s19 =	sadd.s32 @!p0 s6, s0;
	s21 =	simm.s32 @!p0 $0x0;
	s9 =	sor.u32 @!p0 s10, s9  }
0x38d: {  	s0 =	sadd.s32 $0x16, s12;
	s14 =	sadd.s32 @!p0 $0x4, s11;
	s10 =	sadd.s32 @!p0 $0xA80, s9  }
0x38e: {  	[hbm4b:s19+s21] =	stream.linear.scatter @!p0 [tilespmem:s10], [sflag:s14], $0x80, $0x38;
	[tilespmem:$0x1EE80] =	vst v63  }
0x38f: {  	s22 =	sadd.s32 @!p0 $0x80, s19;
	p1 =	sge.s32 s0, s15;
	s10 =	sadd.s32 @!p0 $0xE80, s9  }
0x390: {  	[hbm4b:s22+s21] =	stream.linear.scatter @!p0 [tilespmem:s10], [sflag:s14], $0x80, $0x38;
	[tilespmem:$0x1EE80] =	vst v63  }
0x391: {  	(v2sf) =	vpush @!p1 v5, $0x6;
	s10 =	sadd.s32 @!p0 $0x1280, s9;
	s22 =	sadd.s32 @!p0 $0x100, s19  }
0x392: {  	[hbm4b:s22+s21] =	stream.linear.scatter @!p0 [tilespmem:s10], [sflag:s14], $0x80, $0x38;
	[tilespmem:$0x1EE80] =	vst v63  }
0x393: {  	s10 =	sadd.s32 @!p0 $0x1680, s9;
	s22 =	sadd.s32 @!p0 $0x180, s19  }
0x394: {  	[hbm4b:s22+s21] =	stream.linear.scatter @!p0 [tilespmem:s10], [sflag:s14], $0x80, $0x38;
	[tilespmem:$0x1EE80] =	vst v63  }
0x395: {  	s10 =	sadd.s32 @!p0 $0x1A80, s9;
	s22 =	sadd.s32 @!p0 $0x200, s19  }
0x396: {  	[hbm4b:s22+s21] =	stream.linear.scatter @!p0 [tilespmem:s10], [sflag:s14], $0x80, $0x38;
	[tilespmem:$0x1EE80] =	vst v63  }
0x397: {  	s10 =	sadd.s32 @!p0 $0x1E80, s9;
	s22 =	sadd.s32 @!p0 $0x280, s19  }
0x398: {  	[hbm4b:s22+s21] =	stream.linear.scatter @!p0 [tilespmem:s10], [sflag:s14], $0x80, $0x38;
	[tilespmem:$0x1EE80] =	vst v63  }
0x399: {  	s10 =	sadd.s32 @!p0 $0x2280, s9;
	s22 =	sadd.s32 @!p0 $0x300, s19  }
0x39a: {  	[hbm4b:s22+s21] =	stream.linear.scatter @!p0 [tilespmem:s10], [sflag:s14], $0x80, $0x38;
	[tilespmem:$0x1EE80] =	vst v63  }
0x39b: {  	s9 =	sadd.s32 @!p0 $0x2680, s9;
	s10 =	sadd.s32 @!p0 $0x380, s19  }
0x39c: {  	[hbm4b:s10+s21] =	stream.linear.scatter @!p0 [tilespmem:s9], [sflag:s14], $0x80, $0x38;
	[tilespmem:$0x1EE80] =	vst v63  }
0x39d: {  	s19 =	simm.s32 @p1 $0x400;
	s9 =	sadd.s32 @p1 $0x4, s11  }
0x39e: {  	s10 =	sadd.s32 @p1 s6, s4;
	s14 =	simm.s32 @p1 $0x80;
	s21 =	simm.s32 @p1 $0x1EA80  }
0x39f: {  	[hbm4b:s10+s14] =	stream.strided.scatter @p1 [tilespmem:s21], [sflag:s9], $0x400, s19, s14, $0x38;
	[tilespmem:$0x1EE80] =	vst v63  }
0x3a0: {  	s9 =	spop @!p1 (v2sf);
	s10 =	smul.u32 @!p1 $0x28000, s11  }
0x3a1: {  	s14 =	sshll.u32 @!p1 s9, $0xA  }
0x3a2: {  	s9 =	sshll.u32 @!p1 s9, $0x7;
	s14 =	sand.u32 @!p1 $0xFFFFE000, s14;
	s10 =	sshrl.u32 @!p1 s10, $0x2  }
0x3a3: {  	s9 =	sand.u32 @!p1 $0x380, s9;
	s10 =	sadd.s32 @!p1 s14, s10  }
0x3a4: {  	s19 =	sadd.s32 @!p1 s6, s4;
	s9 =	sor.u32 @!p1 s10, s9  }
0x3a5: {  	s21 =	simm.s32 @!p1 $0x0;
	s14 =	sadd.s32 @!p1 $0x4, s11;
	s10 =	sadd.s32 @!p1 $0xA80, s9  }
0x3a6: {  	[hbm4b:s19+s21] =	stream.linear.scatter @!p1 [tilespmem:s10], [sflag:s14], $0x80, $0x38;
	[tilespmem:$0x1EE80] =	vst v63  }
0x3a7: {  	s22 =	sadd.s32 @!p1 $0x80, s19;
	s10 =	sadd.s32 @!p1 $0xE80, s9  }
0x3a8: {  	[hbm4b:s22+s21] =	stream.linear.scatter @!p1 [tilespmem:s10], [sflag:s14], $0x80, $0x38;
	[tilespmem:$0x1EE80] =	vst v63  }
0x3a9: {  	s22 =	sadd.s32 $0x17, s12  }
0x3aa: {  	p0 =	sge.s32 s22, s15  }
0x3ab: {  	s10 =	sadd.s32 @!p1 $0x1280, s9;
	s22 =	sadd.s32 @!p1 $0x100, s19;
	(v2sf) =	vpush @!p0 v5, $0x7  }
0x3ac: {  	[hbm4b:s22+s21] =	stream.linear.scatter @!p1 [tilespmem:s10], [sflag:s14], $0x80, $0x38;
	[tilespmem:$0x1EE80] =	vst v63  }
0x3ad: {  	s10 =	sadd.s32 @!p1 $0x1680, s9;
	s22 =	sadd.s32 @!p1 $0x180, s19  }
0x3ae: {  	[hbm4b:s22+s21] =	stream.linear.scatter @!p1 [tilespmem:s10], [sflag:s14], $0x80, $0x38;
	[tilespmem:$0x1EE80] =	vst v63  }
0x3af: {  	s10 =	sadd.s32 @!p1 $0x1A80, s9;
	s22 =	sadd.s32 @!p1 $0x200, s19  }
0x3b0: {  	[hbm4b:s22+s21] =	stream.linear.scatter @!p1 [tilespmem:s10], [sflag:s14], $0x80, $0x38;
	[tilespmem:$0x1EE80] =	vst v63  }
0x3b1: {  	s10 =	sadd.s32 @!p1 $0x1E80, s9;
	s22 =	sadd.s32 @!p1 $0x280, s19  }
0x3b2: {  	[hbm4b:s22+s21] =	stream.linear.scatter @!p1 [tilespmem:s10], [sflag:s14], $0x80, $0x38;
	[tilespmem:$0x1EE80] =	vst v63  }
0x3b3: {  	s10 =	sadd.s32 @!p1 $0x2280, s9;
	s22 =	sadd.s32 @!p1 $0x300, s19  }
0x3b4: {  	[hbm4b:s22+s21] =	stream.linear.scatter @!p1 [tilespmem:s10], [sflag:s14], $0x80, $0x38;
	[tilespmem:$0x1EE80] =	vst v63  }
0x3b5: {  	s9 =	sadd.s32 @!p1 $0x2680, s9;
	s10 =	sadd.s32 @!p1 $0x380, s19  }
0x3b6: {  	[hbm4b:s10+s21] =	stream.linear.scatter @!p1 [tilespmem:s9], [sflag:s14], $0x80, $0x38;
	[tilespmem:$0x1EE80] =	vst v63  }
0x3b7: {  	s19 =	simm.s32 @p0 $0x400;
	s9 =	sadd.s32 @p0 $0x4, s11  }
0x3b8: {  	s10 =	sadd.s32 @p0 s6, s3;
	s14 =	simm.s32 @p0 $0x80;
	s21 =	simm.s32 @p0 $0x1EA80  }
0x3b9: {  	[hbm4b:s10+s14] =	stream.strided.scatter @p0 [tilespmem:s21], [sflag:s9], $0x400, s19, s14, $0x38;
	[tilespmem:$0x1EE80] =	vst v63  }
0x3ba: {  	s10 =	smul.u32 @!p0 $0x28000, s11;
	s9 =	spop @!p0 (v2sf)  }
0x3bb: {  	s14 =	sshll.u32 @!p0 s9, $0xA  }
0x3bc: {  	s10 =	sshrl.u32 @!p0 s10, $0x2;
	s9 =	sshll.u32 @!p0 s9, $0x7;
	s14 =	sand.u32 @!p0 $0xFFFFE000, s14  }
0x3bd: {  	s9 =	sand.u32 @!p0 $0x380, s9;
	s10 =	sadd.s32 @!p0 s14, s10  }
0x3be: {  	s0 =	sadd.s32 $0x18, s12;
	s19 =	sadd.s32 @!p0 s6, s3;
	s9 =	sor.u32 @!p0 s10, s9  }
0x3bf: {  	s21 =	simm.s32 @!p0 $0x0;
	s14 =	sadd.s32 @!p0 $0x4, s11;
	s10 =	sadd.s32 @!p0 $0xA80, s9  }
0x3c0: {  	[hbm4b:s19+s21] =	stream.linear.scatter @!p0 [tilespmem:s10], [sflag:s14], $0x80, $0x38;
	[tilespmem:$0x1EE80] =	vst v63  }
0x3c1: {  	p1 =	sge.s32 s0, s15;
	s22 =	sadd.s32 @!p0 $0x80, s19;
	s10 =	sadd.s32 @!p0 $0xE80, s9  }
0x3c2: {  	[hbm4b:s22+s21] =	stream.linear.scatter @!p0 [tilespmem:s10], [sflag:s14], $0x80, $0x38;
	[tilespmem:$0x1EE80] =	vst v63  }
0x3c3: {  	(v2sf) =	vpush @!p1 v5, $0x8;
	s10 =	sadd.s32 @!p0 $0x1280, s9;
	s22 =	sadd.s32 @!p0 $0x100, s19  }
0x3c4: {  	[hbm4b:s22+s21] =	stream.linear.scatter @!p0 [tilespmem:s10], [sflag:s14], $0x80, $0x38;
	[tilespmem:$0x1EE80] =	vst v63  }
0x3c5: {  	s10 =	sadd.s32 @!p0 $0x1680, s9;
	s22 =	sadd.s32 @!p0 $0x180, s19  }
0x3c6: {  	[hbm4b:s22+s21] =	stream.linear.scatter @!p0 [tilespmem:s10], [sflag:s14], $0x80, $0x38;
	[tilespmem:$0x1EE80] =	vst v63  }
0x3c7: {  	s10 =	sadd.s32 @!p0 $0x1A80, s9;
	s22 =	sadd.s32 @!p0 $0x200, s19  }
0x3c8: {  	[hbm4b:s22+s21] =	stream.linear.scatter @!p0 [tilespmem:s10], [sflag:s14], $0x80, $0x38;
	[tilespmem:$0x1EE80] =	vst v63  }
0x3c9: {  	s10 =	sadd.s32 @!p0 $0x1E80, s9;
	s22 =	sadd.s32 @!p0 $0x280, s19  }
0x3ca: {  	[hbm4b:s22+s21] =	stream.linear.scatter @!p0 [tilespmem:s10], [sflag:s14], $0x80, $0x38;
	[tilespmem:$0x1EE80] =	vst v63  }
0x3cb: {  	s10 =	sadd.s32 @!p0 $0x2280, s9;
	s22 =	sadd.s32 @!p0 $0x300, s19  }
0x3cc: {  	[hbm4b:s22+s21] =	stream.linear.scatter @!p0 [tilespmem:s10], [sflag:s14], $0x80, $0x38;
	[tilespmem:$0x1EE80] =	vst v63  }
0x3cd: {  	s9 =	sadd.s32 @!p0 $0x2680, s9;
	s10 =	sadd.s32 @!p0 $0x380, s19  }
0x3ce: {  	[hbm4b:s10+s21] =	stream.linear.scatter @!p0 [tilespmem:s9], [sflag:s14], $0x80, $0x38;
	[tilespmem:$0x1EE80] =	vst v63  }
0x3cf: {  	s0 =	rddreg [dreg:$0x13];
	s19 =	simm.s32 @p1 $0x400;
	s9 =	sadd.s32 @p1 $0x4, s11  }
0x3d0: {  	s10 =	sadd.s32 @p1 s6, s0;
	s14 =	simm.s32 @p1 $0x80;
	s21 =	simm.s32 @p1 $0x1EA80  }
0x3d1: {  	[hbm4b:s10+s14] =	stream.strided.scatter @p1 [tilespmem:s21], [sflag:s9], $0x400, s19, s14, $0x38;
	[tilespmem:$0x1EE80] =	vst v63  }
0x3d2: {  	s9 =	spop @!p1 (v2sf);
	s10 =	smul.u32 @!p1 $0x28000, s11  }
0x3d3: {  	s14 =	sshll.u32 @!p1 s9, $0xA  }
0x3d4: {  	s9 =	sshll.u32 @!p1 s9, $0x7;
	s14 =	sand.u32 @!p1 $0xFFFFE000, s14;
	s10 =	sshrl.u32 @!p1 s10, $0x2  }
0x3d5: {  	s9 =	sand.u32 @!p1 $0x380, s9;
	s10 =	sadd.s32 @!p1 s14, s10  }
0x3d6: {  	s19 =	sadd.s32 @!p1 s6, s0;
	s9 =	sor.u32 @!p1 s10, s9  }
0x3d7: {  	s21 =	simm.s32 @!p1 $0x0;
	s14 =	sadd.s32 @!p1 $0x4, s11;
	s10 =	sadd.s32 @!p1 $0xA80, s9  }
0x3d8: {  	[hbm4b:s19+s21] =	stream.linear.scatter @!p1 [tilespmem:s10], [sflag:s14], $0x80, $0x38;
	[tilespmem:$0x1EE80] =	vst v63  }
0x3d9: {  	s22 =	sadd.s32 @!p1 $0x80, s19;
	s10 =	sadd.s32 @!p1 $0xE80, s9  }
0x3da: {  	[hbm4b:s22+s21] =	stream.linear.scatter @!p1 [tilespmem:s10], [sflag:s14], $0x80, $0x38;
	[tilespmem:$0x1EE80] =	vst v63  }
0x3db: {  	s22 =	sadd.s32 $0x19, s12  }
0x3dc: {  	p0 =	sge.s32 s22, s15  }
0x3dd: {  	s10 =	sadd.s32 @!p1 $0x1280, s9;
	s22 =	sadd.s32 @!p1 $0x100, s19;
	(v2sf) =	vpush @!p0 v5, $0x9  }
0x3de: {  	[hbm4b:s22+s21] =	stream.linear.scatter @!p1 [tilespmem:s10], [sflag:s14], $0x80, $0x38;
	[tilespmem:$0x1EE80] =	vst v63  }
0x3df: {  	s10 =	sadd.s32 @!p1 $0x1680, s9;
	s22 =	sadd.s32 @!p1 $0x180, s19  }
0x3e0: {  	[hbm4b:s22+s21] =	stream.linear.scatter @!p1 [tilespmem:s10], [sflag:s14], $0x80, $0x38;
	[tilespmem:$0x1EE80] =	vst v63  }
0x3e1: {  	s10 =	sadd.s32 @!p1 $0x1A80, s9;
	s22 =	sadd.s32 @!p1 $0x200, s19  }
0x3e2: {  	[hbm4b:s22+s21] =	stream.linear.scatter @!p1 [tilespmem:s10], [sflag:s14], $0x80, $0x38;
	[tilespmem:$0x1EE80] =	vst v63  }
0x3e3: {  	s10 =	sadd.s32 @!p1 $0x1E80, s9;
	s22 =	sadd.s32 @!p1 $0x280, s19  }
0x3e4: {  	[hbm4b:s22+s21] =	stream.linear.scatter @!p1 [tilespmem:s10], [sflag:s14], $0x80, $0x38;
	[tilespmem:$0x1EE80] =	vst v63  }
0x3e5: {  	s10 =	sadd.s32 @!p1 $0x2280, s9;
	s22 =	sadd.s32 @!p1 $0x300, s19  }
0x3e6: {  	[hbm4b:s22+s21] =	stream.linear.scatter @!p1 [tilespmem:s10], [sflag:s14], $0x80, $0x38;
	[tilespmem:$0x1EE80] =	vst v63  }
0x3e7: {  	s9 =	sadd.s32 @!p1 $0x2680, s9;
	s10 =	sadd.s32 @!p1 $0x380, s19  }
0x3e8: {  	[hbm4b:s10+s21] =	stream.linear.scatter @!p1 [tilespmem:s9], [sflag:s14], $0x80, $0x38;
	[tilespmem:$0x1EE80] =	vst v63  }
0x3e9: {  	s0 =	rddreg [dreg:$0x11];
	s19 =	simm.s32 @p0 $0x400;
	s9 =	sadd.s32 @p0 $0x4, s11  }
0x3ea: {  	s10 =	sadd.s32 @p0 s6, s0;
	s14 =	simm.s32 @p0 $0x80;
	s21 =	simm.s32 @p0 $0x1EA80  }
0x3eb: {  	[hbm4b:s10+s14] =	stream.strided.scatter @p0 [tilespmem:s21], [sflag:s9], $0x400, s19, s14, $0x38;
	[tilespmem:$0x1EE80] =	vst v63  }
0x3ec: {  	s10 =	smul.u32 @!p0 $0x28000, s11;
	s9 =	spop @!p0 (v2sf)  }
0x3ed: {  	s14 =	sshll.u32 @!p0 s9, $0xA  }
0x3ee: {  	s10 =	sshrl.u32 @!p0 s10, $0x2;
	s9 =	sshll.u32 @!p0 s9, $0x7;
	s14 =	sand.u32 @!p0 $0xFFFFE000, s14  }
0x3ef: {  	s9 =	sand.u32 @!p0 $0x380, s9;
	s10 =	sadd.s32 @!p0 s14, s10  }
0x3f0: {  	s19 =	sadd.s32 @!p0 s6, s0;
	s21 =	simm.s32 @!p0 $0x0;
	s9 =	sor.u32 @!p0 s10, s9  }
0x3f1: {  	s0 =	sadd.s32 $0x1A, s12;
	s14 =	sadd.s32 @!p0 $0x4, s11;
	s10 =	sadd.s32 @!p0 $0xA80, s9  }
0x3f2: {  	[hbm4b:s19+s21] =	stream.linear.scatter @!p0 [tilespmem:s10], [sflag:s14], $0x80, $0x38;
	[tilespmem:$0x1EE80] =	vst v63  }
0x3f3: {  	s22 =	sadd.s32 @!p0 $0x80, s19;
	p1 =	sge.s32 s0, s15;
	s10 =	sadd.s32 @!p0 $0xE80, s9  }
0x3f4: {  	[hbm4b:s22+s21] =	stream.linear.scatter @!p0 [tilespmem:s10], [sflag:s14], $0x80, $0x38;
	[tilespmem:$0x1EE80] =	vst v63  }
0x3f5: {  	(v2sf) =	vpush @!p1 v5, $0xA;
	s10 =	sadd.s32 @!p0 $0x1280, s9;
	s22 =	sadd.s32 @!p0 $0x100, s19  }
0x3f6: {  	[hbm4b:s22+s21] =	stream.linear.scatter @!p0 [tilespmem:s10], [sflag:s14], $0x80, $0x38;
	[tilespmem:$0x1EE80] =	vst v63  }
0x3f7: {  	s10 =	sadd.s32 @!p0 $0x1680, s9;
	s22 =	sadd.s32 @!p0 $0x180, s19  }
0x3f8: {  	[hbm4b:s22+s21] =	stream.linear.scatter @!p0 [tilespmem:s10], [sflag:s14], $0x80, $0x38;
	[tilespmem:$0x1EE80] =	vst v63  }
0x3f9: {  	s10 =	sadd.s32 @!p0 $0x1A80, s9;
	s22 =	sadd.s32 @!p0 $0x200, s19  }
0x3fa: {  	[hbm4b:s22+s21] =	stream.linear.scatter @!p0 [tilespmem:s10], [sflag:s14], $0x80, $0x38;
	[tilespmem:$0x1EE80] =	vst v63  }
0x3fb: {  	s10 =	sadd.s32 @!p0 $0x1E80, s9;
	s22 =	sadd.s32 @!p0 $0x280, s19  }
0x3fc: {  	[hbm4b:s22+s21] =	stream.linear.scatter @!p0 [tilespmem:s10], [sflag:s14], $0x80, $0x38;
	[tilespmem:$0x1EE80] =	vst v63  }
0x3fd: {  	s10 =	sadd.s32 @!p0 $0x2280, s9;
	s22 =	sadd.s32 @!p0 $0x300, s19  }
0x3fe: {  	[hbm4b:s22+s21] =	stream.linear.scatter @!p0 [tilespmem:s10], [sflag:s14], $0x80, $0x38;
	[tilespmem:$0x1EE80] =	vst v63  }
0x3ff: {  	s9 =	sadd.s32 @!p0 $0x2680, s9;
	s10 =	sadd.s32 @!p0 $0x380, s19  }
0x400: {  	[hbm4b:s10+s21] =	stream.linear.scatter @!p0 [tilespmem:s9], [sflag:s14], $0x80, $0x38;
	[tilespmem:$0x1EE80] =	vst v63  }
0x401: {  	s0 =	rddreg [dreg:$0xf];
	s19 =	simm.s32 @p1 $0x400;
	s9 =	sadd.s32 @p1 $0x4, s11  }
0x402: {  	s10 =	sadd.s32 @p1 s6, s0;
	s14 =	simm.s32 @p1 $0x80;
	s21 =	simm.s32 @p1 $0x1EA80  }
0x403: {  	[hbm4b:s10+s14] =	stream.strided.scatter @p1 [tilespmem:s21], [sflag:s9], $0x400, s19, s14, $0x38;
	[tilespmem:$0x1EE80] =	vst v63  }
0x404: {  	s9 =	spop @!p1 (v2sf);
	s10 =	smul.u32 @!p1 $0x28000, s11  }
0x405: {  	s14 =	sshll.u32 @!p1 s9, $0xA  }
0x406: {  	s9 =	sshll.u32 @!p1 s9, $0x7;
	s14 =	sand.u32 @!p1 $0xFFFFE000, s14;
	s10 =	sshrl.u32 @!p1 s10, $0x2  }
0x407: {  	s9 =	sand.u32 @!p1 $0x380, s9;
	s10 =	sadd.s32 @!p1 s14, s10  }
0x408: {  	s19 =	sadd.s32 @!p1 s6, s0;
	s9 =	sor.u32 @!p1 s10, s9  }
0x409: {  	s21 =	simm.s32 @!p1 $0x0;
	s14 =	sadd.s32 @!p1 $0x4, s11;
	s10 =	sadd.s32 @!p1 $0xA80, s9  }
0x40a: {  	[hbm4b:s19+s21] =	stream.linear.scatter @!p1 [tilespmem:s10], [sflag:s14], $0x80, $0x38;
	[tilespmem:$0x1EE80] =	vst v63  }
0x40b: {  	s22 =	sadd.s32 @!p1 $0x80, s19;
	s10 =	sadd.s32 @!p1 $0xE80, s9  }
0x40c: {  	[hbm4b:s22+s21] =	stream.linear.scatter @!p1 [tilespmem:s10], [sflag:s14], $0x80, $0x38;
	[tilespmem:$0x1EE80] =	vst v63  }
0x40d: {  	s22 =	sadd.s32 $0x1B, s12  }
0x40e: {  	p0 =	sge.s32 s22, s15  }
0x40f: {  	s10 =	sadd.s32 @!p1 $0x1280, s9;
	s22 =	sadd.s32 @!p1 $0x100, s19;
	(v2sf) =	vpush @!p0 v5, $0xB  }
0x410: {  	[hbm4b:s22+s21] =	stream.linear.scatter @!p1 [tilespmem:s10], [sflag:s14], $0x80, $0x38;
	[tilespmem:$0x1EE80] =	vst v63  }
0x411: {  	s10 =	sadd.s32 @!p1 $0x1680, s9;
	s22 =	sadd.s32 @!p1 $0x180, s19  }
0x412: {  	[hbm4b:s22+s21] =	stream.linear.scatter @!p1 [tilespmem:s10], [sflag:s14], $0x80, $0x38;
	[tilespmem:$0x1EE80] =	vst v63  }
0x413: {  	s10 =	sadd.s32 @!p1 $0x1A80, s9;
	s22 =	sadd.s32 @!p1 $0x200, s19  }
0x414: {  	[hbm4b:s22+s21] =	stream.linear.scatter @!p1 [tilespmem:s10], [sflag:s14], $0x80, $0x38;
	[tilespmem:$0x1EE80] =	vst v63  }
0x415: {  	s10 =	sadd.s32 @!p1 $0x1E80, s9;
	s22 =	sadd.s32 @!p1 $0x280, s19  }
0x416: {  	[hbm4b:s22+s21] =	stream.linear.scatter @!p1 [tilespmem:s10], [sflag:s14], $0x80, $0x38;
	[tilespmem:$0x1EE80] =	vst v63  }
0x417: {  	s10 =	sadd.s32 @!p1 $0x2280, s9;
	s22 =	sadd.s32 @!p1 $0x300, s19  }
0x418: {  	[hbm4b:s22+s21] =	stream.linear.scatter @!p1 [tilespmem:s10], [sflag:s14], $0x80, $0x38;
	[tilespmem:$0x1EE80] =	vst v63  }
0x419: {  	s9 =	sadd.s32 @!p1 $0x2680, s9;
	s10 =	sadd.s32 @!p1 $0x380, s19  }
0x41a: {  	[hbm4b:s10+s21] =	stream.linear.scatter @!p1 [tilespmem:s9], [sflag:s14], $0x80, $0x38;
	[tilespmem:$0x1EE80] =	vst v63  }
0x41b: {  	s0 =	rddreg [dreg:$0xd];
	s19 =	simm.s32 @p0 $0x400;
	s9 =	sadd.s32 @p0 $0x4, s11  }
0x41c: {  	s10 =	sadd.s32 @p0 s6, s0;
	s14 =	simm.s32 @p0 $0x80;
	s21 =	simm.s32 @p0 $0x1EA80  }
0x41d: {  	[hbm4b:s10+s14] =	stream.strided.scatter @p0 [tilespmem:s21], [sflag:s9], $0x400, s19, s14, $0x38;
	[tilespmem:$0x1EE80] =	vst v63  }
0x41e: {  	s10 =	smul.u32 @!p0 $0x28000, s11;
	s9 =	spop @!p0 (v2sf)  }
0x41f: {  	s14 =	sshll.u32 @!p0 s9, $0xA  }
0x420: {  	s10 =	sshrl.u32 @!p0 s10, $0x2;
	s9 =	sshll.u32 @!p0 s9, $0x7;
	s14 =	sand.u32 @!p0 $0xFFFFE000, s14  }
0x421: {  	s9 =	sand.u32 @!p0 $0x380, s9;
	s10 =	sadd.s32 @!p0 s14, s10  }
0x422: {  	s19 =	sadd.s32 @!p0 s6, s0;
	s21 =	simm.s32 @!p0 $0x0;
	s9 =	sor.u32 @!p0 s10, s9  }
0x423: {  	s0 =	sadd.s32 $0x1C, s12;
	s14 =	sadd.s32 @!p0 $0x4, s11;
	s10 =	sadd.s32 @!p0 $0xA80, s9  }
0x424: {  	[hbm4b:s19+s21] =	stream.linear.scatter @!p0 [tilespmem:s10], [sflag:s14], $0x80, $0x38;
	[tilespmem:$0x1EE80] =	vst v63  }
0x425: {  	s22 =	sadd.s32 @!p0 $0x80, s19;
	p1 =	sge.s32 s0, s15;
	s10 =	sadd.s32 @!p0 $0xE80, s9  }
0x426: {  	[hbm4b:s22+s21] =	stream.linear.scatter @!p0 [tilespmem:s10], [sflag:s14], $0x80, $0x38;
	[tilespmem:$0x1EE80] =	vst v63  }
0x427: {  	(v2sf) =	vpush @!p1 v5, $0xC;
	s10 =	sadd.s32 @!p0 $0x1280, s9;
	s22 =	sadd.s32 @!p0 $0x100, s19  }
0x428: {  	[hbm4b:s22+s21] =	stream.linear.scatter @!p0 [tilespmem:s10], [sflag:s14], $0x80, $0x38;
	[tilespmem:$0x1EE80] =	vst v63  }
0x429: {  	s10 =	sadd.s32 @!p0 $0x1680, s9;
	s22 =	sadd.s32 @!p0 $0x180, s19  }
0x42a: {  	[hbm4b:s22+s21] =	stream.linear.scatter @!p0 [tilespmem:s10], [sflag:s14], $0x80, $0x38;
	[tilespmem:$0x1EE80] =	vst v63  }
0x42b: {  	s10 =	sadd.s32 @!p0 $0x1A80, s9;
	s22 =	sadd.s32 @!p0 $0x200, s19  }
0x42c: {  	[hbm4b:s22+s21] =	stream.linear.scatter @!p0 [tilespmem:s10], [sflag:s14], $0x80, $0x38;
	[tilespmem:$0x1EE80] =	vst v63  }
0x42d: {  	s10 =	sadd.s32 @!p0 $0x1E80, s9;
	s22 =	sadd.s32 @!p0 $0x280, s19  }
0x42e: {  	[hbm4b:s22+s21] =	stream.linear.scatter @!p0 [tilespmem:s10], [sflag:s14], $0x80, $0x38;
	[tilespmem:$0x1EE80] =	vst v63  }
0x42f: {  	s10 =	sadd.s32 @!p0 $0x2280, s9;
	s22 =	sadd.s32 @!p0 $0x300, s19  }
0x430: {  	[hbm4b:s22+s21] =	stream.linear.scatter @!p0 [tilespmem:s10], [sflag:s14], $0x80, $0x38;
	[tilespmem:$0x1EE80] =	vst v63  }
0x431: {  	s9 =	sadd.s32 @!p0 $0x2680, s9;
	s10 =	sadd.s32 @!p0 $0x380, s19  }
0x432: {  	[hbm4b:s10+s21] =	stream.linear.scatter @!p0 [tilespmem:s9], [sflag:s14], $0x80, $0x38;
	[tilespmem:$0x1EE80] =	vst v63  }
0x433: {  	s0 =	rddreg [dreg:$0xc];
	s19 =	simm.s32 @p1 $0x400;
	s9 =	sadd.s32 @p1 $0x4, s11  }
0x434: {  	s10 =	sadd.s32 @p1 s6, s0;
	s14 =	simm.s32 @p1 $0x80;
	s21 =	simm.s32 @p1 $0x1EA80  }
0x435: {  	[hbm4b:s10+s14] =	stream.strided.scatter @p1 [tilespmem:s21], [sflag:s9], $0x400, s19, s14, $0x38;
	[tilespmem:$0x1EE80] =	vst v63  }
0x436: {  	s9 =	spop @!p1 (v2sf);
	s10 =	smul.u32 @!p1 $0x28000, s11  }
0x437: {  	s14 =	sshll.u32 @!p1 s9, $0xA  }
0x438: {  	s9 =	sshll.u32 @!p1 s9, $0x7;
	s14 =	sand.u32 @!p1 $0xFFFFE000, s14;
	s10 =	sshrl.u32 @!p1 s10, $0x2  }
0x439: {  	s9 =	sand.u32 @!p1 $0x380, s9;
	s10 =	sadd.s32 @!p1 s14, s10  }
0x43a: {  	s19 =	sadd.s32 @!p1 s6, s0;
	s9 =	sor.u32 @!p1 s10, s9  }
0x43b: {  	s21 =	simm.s32 @!p1 $0x0;
	s14 =	sadd.s32 @!p1 $0x4, s11;
	s10 =	sadd.s32 @!p1 $0xA80, s9  }
0x43c: {  	[hbm4b:s19+s21] =	stream.linear.scatter @!p1 [tilespmem:s10], [sflag:s14], $0x80, $0x38;
	[tilespmem:$0x1EE80] =	vst v63  }
0x43d: {  	s22 =	sadd.s32 @!p1 $0x80, s19;
	s10 =	sadd.s32 @!p1 $0xE80, s9  }
0x43e: {  	[hbm4b:s22+s21] =	stream.linear.scatter @!p1 [tilespmem:s10], [sflag:s14], $0x80, $0x38;
	[tilespmem:$0x1EE80] =	vst v63  }
0x43f: {  	s22 =	sadd.s32 $0x1D, s12  }
0x440: {  	p0 =	sge.s32 s22, s15  }
0x441: {  	s10 =	sadd.s32 @!p1 $0x1280, s9;
	s22 =	sadd.s32 @!p1 $0x100, s19;
	(v2sf) =	vpush @!p0 v5, $0xD  }
0x442: {  	[hbm4b:s22+s21] =	stream.linear.scatter @!p1 [tilespmem:s10], [sflag:s14], $0x80, $0x38;
	[tilespmem:$0x1EE80] =	vst v63  }
0x443: {  	s10 =	sadd.s32 @!p1 $0x1680, s9;
	s22 =	sadd.s32 @!p1 $0x180, s19  }
0x444: {  	[hbm4b:s22+s21] =	stream.linear.scatter @!p1 [tilespmem:s10], [sflag:s14], $0x80, $0x38;
	[tilespmem:$0x1EE80] =	vst v63  }
0x445: {  	s10 =	sadd.s32 @!p1 $0x1A80, s9;
	s22 =	sadd.s32 @!p1 $0x200, s19  }
0x446: {  	[hbm4b:s22+s21] =	stream.linear.scatter @!p1 [tilespmem:s10], [sflag:s14], $0x80, $0x38;
	[tilespmem:$0x1EE80] =	vst v63  }
0x447: {  	s10 =	sadd.s32 @!p1 $0x1E80, s9;
	s22 =	sadd.s32 @!p1 $0x280, s19  }
0x448: {  	[hbm4b:s22+s21] =	stream.linear.scatter @!p1 [tilespmem:s10], [sflag:s14], $0x80, $0x38;
	[tilespmem:$0x1EE80] =	vst v63  }
0x449: {  	s10 =	sadd.s32 @!p1 $0x2280, s9;
	s22 =	sadd.s32 @!p1 $0x300, s19  }
0x44a: {  	[hbm4b:s22+s21] =	stream.linear.scatter @!p1 [tilespmem:s10], [sflag:s14], $0x80, $0x38;
	[tilespmem:$0x1EE80] =	vst v63  }
0x44b: {  	s9 =	sadd.s32 @!p1 $0x2680, s9;
	s10 =	sadd.s32 @!p1 $0x380, s19  }
0x44c: {  	[hbm4b:s10+s21] =	stream.linear.scatter @!p1 [tilespmem:s9], [sflag:s14], $0x80, $0x38;
	[tilespmem:$0x1EE80] =	vst v63  }
0x44d: {  	s0 =	rddreg [dreg:$0xa];
	s19 =	simm.s32 @p0 $0x400;
	s9 =	sadd.s32 @p0 $0x4, s11  }
0x44e: {  	s10 =	sadd.s32 @p0 s6, s0;
	s14 =	simm.s32 @p0 $0x80;
	s21 =	simm.s32 @p0 $0x1EA80  }
0x44f: {  	[hbm4b:s10+s14] =	stream.strided.scatter @p0 [tilespmem:s21], [sflag:s9], $0x400, s19, s14, $0x38;
	[tilespmem:$0x1EE80] =	vst v63  }
0x450: {  	s10 =	smul.u32 @!p0 $0x28000, s11;
	s9 =	spop @!p0 (v2sf)  }
0x451: {  	s14 =	sshll.u32 @!p0 s9, $0xA  }
0x452: {  	s10 =	sshrl.u32 @!p0 s10, $0x2;
	s9 =	sshll.u32 @!p0 s9, $0x7;
	s14 =	sand.u32 @!p0 $0xFFFFE000, s14  }
0x453: {  	s9 =	sand.u32 @!p0 $0x380, s9;
	s10 =	sadd.s32 @!p0 s14, s10  }
0x454: {  	s19 =	sadd.s32 @!p0 s6, s0;
	s21 =	simm.s32 @!p0 $0x0;
	s9 =	sor.u32 @!p0 s10, s9  }
0x455: {  	s0 =	sadd.s32 $0x1E, s12;
	s14 =	sadd.s32 @!p0 $0x4, s11;
	s10 =	sadd.s32 @!p0 $0xA80, s9  }
0x456: {  	[hbm4b:s19+s21] =	stream.linear.scatter @!p0 [tilespmem:s10], [sflag:s14], $0x80, $0x38;
	[tilespmem:$0x1EE80] =	vst v63  }
0x457: {  	s22 =	sadd.s32 @!p0 $0x80, s19;
	p1 =	sge.s32 s0, s15;
	s10 =	sadd.s32 @!p0 $0xE80, s9  }
0x458: {  	[hbm4b:s22+s21] =	stream.linear.scatter @!p0 [tilespmem:s10], [sflag:s14], $0x80, $0x38;
	[tilespmem:$0x1EE80] =	vst v63  }
0x459: {  	(v2sf) =	vpush @!p1 v5, $0xE;
	s10 =	sadd.s32 @!p0 $0x1280, s9;
	s22 =	sadd.s32 @!p0 $0x100, s19  }
0x45a: {  	[hbm4b:s22+s21] =	stream.linear.scatter @!p0 [tilespmem:s10], [sflag:s14], $0x80, $0x38;
	[tilespmem:$0x1EE80] =	vst v63  }
0x45b: {  	s10 =	sadd.s32 @!p0 $0x1680, s9;
	s22 =	sadd.s32 @!p0 $0x180, s19  }
0x45c: {  	[hbm4b:s22+s21] =	stream.linear.scatter @!p0 [tilespmem:s10], [sflag:s14], $0x80, $0x38;
	[tilespmem:$0x1EE80] =	vst v63  }
0x45d: {  	s10 =	sadd.s32 @!p0 $0x1A80, s9;
	s22 =	sadd.s32 @!p0 $0x200, s19  }
0x45e: {  	[hbm4b:s22+s21] =	stream.linear.scatter @!p0 [tilespmem:s10], [sflag:s14], $0x80, $0x38;
	[tilespmem:$0x1EE80] =	vst v63  }
0x45f: {  	s10 =	sadd.s32 @!p0 $0x1E80, s9;
	s22 =	sadd.s32 @!p0 $0x280, s19  }
0x460: {  	[hbm4b:s22+s21] =	stream.linear.scatter @!p0 [tilespmem:s10], [sflag:s14], $0x80, $0x38;
	[tilespmem:$0x1EE80] =	vst v63  }
0x461: {  	s10 =	sadd.s32 @!p0 $0x2280, s9;
	s22 =	sadd.s32 @!p0 $0x300, s19  }
0x462: {  	[hbm4b:s22+s21] =	stream.linear.scatter @!p0 [tilespmem:s10], [sflag:s14], $0x80, $0x38;
	[tilespmem:$0x1EE80] =	vst v63  }
0x463: {  	s9 =	sadd.s32 @!p0 $0x2680, s9;
	s10 =	sadd.s32 @!p0 $0x380, s19  }
0x464: {  	[hbm4b:s10+s21] =	stream.linear.scatter @!p0 [tilespmem:s9], [sflag:s14], $0x80, $0x38;
	[tilespmem:$0x1EE80] =	vst v63  }
0x465: {  	s19 =	simm.s32 @p1 $0x400;
	s9 =	sadd.s32 @p1 $0x4, s11  }
0x466: {  	s10 =	sadd.s32 @p1 s6, s20;
	s14 =	simm.s32 @p1 $0x80;
	s21 =	simm.s32 @p1 $0x1EA80  }
0x467: {  	[hbm4b:s10+s14] =	stream.strided.scatter @p1 [tilespmem:s21], [sflag:s9], $0x400, s19, s14, $0x38;
	[tilespmem:$0x1EE80] =	vst v63  }
0x468: {  	s9 =	spop @!p1 (v2sf);
	s10 =	smul.u32 @!p1 $0x28000, s11  }
0x469: {  	s14 =	sshll.u32 @!p1 s9, $0xA  }
0x46a: {  	s9 =	sshll.u32 @!p1 s9, $0x7;
	s14 =	sand.u32 @!p1 $0xFFFFE000, s14;
	s10 =	sshrl.u32 @!p1 s10, $0x2  }
0x46b: {  	s9 =	sand.u32 @!p1 $0x380, s9;
	s10 =	sadd.s32 @!p1 s14, s10  }
0x46c: {  	s19 =	sadd.s32 @!p1 s6, s20;
	s9 =	sor.u32 @!p1 s10, s9  }
0x46d: {  	s21 =	simm.s32 @!p1 $0x0;
	s14 =	sadd.s32 @!p1 $0x4, s11;
	s10 =	sadd.s32 @!p1 $0xA80, s9  }
0x46e: {  	[hbm4b:s19+s21] =	stream.linear.scatter @!p1 [tilespmem:s10], [sflag:s14], $0x80, $0x38;
	[tilespmem:$0x1EE80] =	vst v63  }
0x46f: {  	s22 =	sadd.s32 @!p1 $0x80, s19;
	s10 =	sadd.s32 @!p1 $0xE80, s9  }
0x470: {  	[hbm4b:s22+s21] =	stream.linear.scatter @!p1 [tilespmem:s10], [sflag:s14], $0x80, $0x38;
	[tilespmem:$0x1EE80] =	vst v63  }
0x471: {  	s22 =	sadd.s32 $0x1F, s12  }
0x472: {  	p0 =	sge.s32 s22, s15  }
0x473: {  	(v2sf) =	vpush @!p0 v5, $0xF  }
0x474: {  	s10 =	sadd.s32 @!p1 $0x1280, s9;
	s12 =	sadd.s32 @!p1 $0x100, s19  }
0x475: {  	[hbm4b:s12+s21] =	stream.linear.scatter @!p1 [tilespmem:s10], [sflag:s14], $0x80, $0x38;
	[tilespmem:$0x1EE80] =	vst v63  }
0x476: {  	s10 =	sadd.s32 @!p1 $0x1680, s9;
	s12 =	sadd.s32 @!p1 $0x180, s19  }
0x477: {  	[hbm4b:s12+s21] =	stream.linear.scatter @!p1 [tilespmem:s10], [sflag:s14], $0x80, $0x38;
	[tilespmem:$0x1EE80] =	vst v63  }
0x478: {  	s10 =	sadd.s32 @!p1 $0x1A80, s9;
	s12 =	sadd.s32 @!p1 $0x200, s19  }
0x479: {  	[hbm4b:s12+s21] =	stream.linear.scatter @!p1 [tilespmem:s10], [sflag:s14], $0x80, $0x38;
	[tilespmem:$0x1EE80] =	vst v63  }
0x47a: {  	s0 =	rddreg [dreg:$0x9];
	s10 =	sadd.s32 @!p1 $0x1E80, s9;
	s12 =	sadd.s32 @!p1 $0x280, s19  }
0x47b: {  	[hbm4b:s12+s21] =	stream.linear.scatter @!p1 [tilespmem:s10], [sflag:s14], $0x80, $0x38;
	[tilespmem:$0x1EE80] =	vst v63  }
0x47c: {  	s10 =	sadd.s32 @!p1 $0x2280, s9;
	s12 =	sadd.s32 @!p1 $0x300, s19;
	s9 =	sadd.s32 @!p1 $0x2680, s9  }
0x47d: {  	[hbm4b:s12+s21] =	stream.linear.scatter @!p1 [tilespmem:s10], [sflag:s14], $0x80, $0x38;
	[tilespmem:$0x1EE80] =	vst v63  }
0x47e: {  	s10 =	sadd.s32 @!p1 $0x380, s19;
	s12 =	simm.s32 @p0 $0x80;
	s19 =	simm.s32 @p0 $0x1EA80  }
0x47f: {  	[hbm4b:s10+s21] =	stream.linear.scatter @!p1 [tilespmem:s9], [sflag:s14], $0x80, $0x38;
	[tilespmem:$0x1EE80] =	vst v63  }
0x480: {  	s9 =	sadd.s32 @p0 $0x4, s11;
	s10 =	sadd.s32 @p0 s6, s0;
	s14 =	simm.s32 @p0 $0x400  }
0x481: {  	[hbm4b:s10+s12] =	stream.strided.scatter @p0 [tilespmem:s19], [sflag:s9], $0x400, s14, s12, $0x38;
	[tilespmem:$0x1EE80] =	vst v63  }
0x482: {  	s10 =	smul.u32 @!p0 $0x28000, s11;
	s9 =	spop @!p0 (v2sf)  }
0x483: {  	s12 =	sshll.u32 @!p0 s9, $0xA  }
0x484: {  	s10 =	sshrl.u32 @!p0 s10, $0x2;
	s9 =	sshll.u32 @!p0 s9, $0x7;
	s12 =	sand.u32 @!p0 $0xFFFFE000, s12  }
0x485: {  	s9 =	sand.u32 @!p0 $0x380, s9;
	s10 =	sadd.s32 @!p0 s12, s10  }
0x486: {  	s11 =	sadd.s32 @!p0 $0x4, s11;
	s9 =	sor.u32 @!p0 s10, s9  }
0x487: {  	s14 =	simm.s32 @!p0 $0x0;
	s12 =	sadd.s32 @!p0 s6, s0;
	s10 =	sadd.s32 @!p0 $0xA80, s9  }
0x488: {  	[hbm4b:s12+s14] =	stream.linear.scatter @!p0 [tilespmem:s10], [sflag:s11], $0x80, $0x38;
	[tilespmem:$0x1EE80] =	vst v63  }
0x489: {  	s19 =	sadd.s32 @!p0 $0x80, s12;
	s10 =	sadd.s32 @!p0 $0xE80, s9  }
0x48a: {  	[hbm4b:s19+s14] =	stream.linear.scatter @!p0 [tilespmem:s10], [sflag:s11], $0x80, $0x38;
	[tilespmem:$0x1EE80] =	vst v63  }
0x48b: {  	s10 =	sadd.s32 @!p0 $0x1280, s9;
	s19 =	sadd.s32 @!p0 $0x100, s12  }
0x48c: {  	[hbm4b:s19+s14] =	stream.linear.scatter @!p0 [tilespmem:s10], [sflag:s11], $0x80, $0x38;
	[tilespmem:$0x1EE80] =	vst v63  }
0x48d: {  	s10 =	sadd.s32 @!p0 $0x1680, s9;
	s19 =	sadd.s32 @!p0 $0x180, s12  }
0x48e: {  	[hbm4b:s19+s14] =	stream.linear.scatter @!p0 [tilespmem:s10], [sflag:s11], $0x80, $0x38;
	[tilespmem:$0x1EE80] =	vst v63  }
0x48f: {  	s10 =	sadd.s32 @!p0 $0x1A80, s9;
	s19 =	sadd.s32 @!p0 $0x200, s12  }
0x490: {  	[hbm4b:s19+s14] =	stream.linear.scatter @!p0 [tilespmem:s10], [sflag:s11], $0x80, $0x38;
	[tilespmem:$0x1EE80] =	vst v63  }
0x491: {  	s10 =	sadd.s32 @!p0 $0x1E80, s9;
	s19 =	sadd.s32 @!p0 $0x280, s12  }
0x492: {  	[hbm4b:s19+s14] =	stream.linear.scatter @!p0 [tilespmem:s10], [sflag:s11], $0x80, $0x38;
	[tilespmem:$0x1EE80] =	vst v63  }
0x493: {  	s10 =	sadd.s32 @!p0 $0x2280, s9;
	s19 =	sadd.s32 @!p0 $0x300, s12  }
0x494: {  	[hbm4b:s19+s14] =	stream.linear.scatter @!p0 [tilespmem:s10], [sflag:s11], $0x80, $0x38;
	[tilespmem:$0x1EE80] =	vst v63  }
0x495: {  	s8 =	sadd.s32 $0x80, s8;
	s9 =	sadd.s32 @!p0 $0x2680, s9;
	s10 =	sadd.s32 @!p0 $0x380, s12  }
0x496: {  	[hbm4b:s10+s14] =	stream.linear.scatter @!p0 [tilespmem:s9], [sflag:s11], $0x80, $0x38;
	[tilespmem:$0x1EE80] =	vst v63  }
0x497: {  	p0 =	sne.s32 s8, $0x800  }
.Ltmp7:
0x498: {  	_ = 	snop;
	(pc) =	sbr.rel @!p0 .LBB2_13-.Ltmp7, $3  }
0x499: {  	_ =	sdelay $0x1  }
0x49a: {  	s1 =	sadd.s32 $0x1, s1;
	s28 =	smov.u32 s13  }
0x49b: {  	s2 =	sadd.s32 $0x80, s2;
	s6 =	sadd.s32 $0x4000, s6;
	s12 =	rddreg [dreg:$0x17]  }
.LBB2_10:
0x49c: {  	s10 =	sadd.s32 $0xFFFFFFFF, s1  }
0x49d: {  	p0 =	slt.u32 s10, $0x2  }
0x49e: {  	s11 =	sadd.s32 @!p0 $0xFFFFFFFE, s10  }
0x49f: {  	s13 =	sand.u32 @!p0 $0xFF, s11  }
0x4a0: {  	s13 =	smul.u32 @!p0 $0xAB, s13;
	_ =	sdelay $0x1  }
0x4a1: {  	s13 =	sshrl.u32 @!p0 s13, $0x9  }
0x4a2: {  	s13 =	smul.u32 @!p0 $0x3, s13;
	_ =	sdelay $0x1  }
0x4a3: {  	s11 =	ssub.s32 @!p0 s11, s13  }
0x4a4: {  	s11 =	sor.u32 @!p0 $0x4, s11  }
0x4a5: {  	s21 =	smin.u32 s1, $0xF;
	s11 =	sand.u32 @!p0 $0xFF, s11  }
0x4a6: {  	s13 =	sshll.u32 s21, $0x7;
	_ =	swait.ge @!p0 [sflag:s11], $0x8000  }
0x4a7: {  	s13 =	sadd.s32 s7, s13;
	[sflag:s11] =	ssyncset.done @!p0 $0x0  }
0x4a8: {  	s22 =	sand.u32 $0xFFFFFF80, s13;
	[sflag:s11] =	ssyncadd.s32 @!p0 $0xFFFF8000  }
0x4a9: {  	v5 =	vld.idx.msk [tilespmem:v1+s22+$0x0 ss:$0x1], $0xffff;
	_ =	sdelay $0x4  }
0x4aa: {  	(v2sf) =	vpush v5, $0x0;
	_ =	sdelay $0x3  }
0x4ab: {  	v5 =	vld.idx.msk [tilespmem:v1+s22+$0x10 ss:$0x1], $0xffff;
	_ =	sdelay $0x4  }
0x4ac: {  	(v2sf) =	vpush v5, $0xF;
	_ =	sdelay $0x5  }
0x4ad: {  	s0 =	spop (v2sf)  }
0x4ae: {  	s9 =	sand.u32 $0x7, s0  }
0x4af: {  	s14 =	sshra.s32 s0, $0x1F;
	p4 =	slt.s32 s0, $0x1;
	p1 =	sne.s32 s9, $0x0  }
0x4b0: {  	s14 =	sshrl.u32 s14, $0x1D;
	p0 =	por !p4, !p1  }
0x4b1: {  	s13 =	simm.s32 $0x1;
	s11 =	sadd.s32 s14, s0;
	p0 =	por !p0, !p0  }
0x4b2: {  	s11 =	sshrl.u32 s11, $0x3;
	s13 =	simm.s32 @!p0 $0x0  }
0x4b3: {  	s11 =	ssub.s32 s11, s13  }
0x4b4: {  	s13 =	sshll.u32 s11, $0x3  }
0x4b5: {  	s19 =	smul.u32 $0xAB, s10;
	p0 =	slt.s32 s13, $0xFD8  }
0x4b6: {  	s21 =	spop (v2sf);
	s13 =	simm.s32 @!p0 $0xFD8  }
0x4b7: {  	s11 =	sshrl.u32 s19, $0x9;
	s19 =	ssub.s32 s21, s13  }
0x4b8: {  	s14 =	sand.u32 $0x3, s21;
	s19 =	sadd.s32 $0x4, s19  }
0x4b9: {  	p5 =	sne.s32 s14, $0x0;
	s22 =	sshra.s32 s19, $0x1F;
	p6 =	slt.s32 s19, $0x1  }
0x4ba: {  	s14 =	sshrl.u32 s22, $0x1E;
	p0 =	por !p5, !p6  }
0x4bb: {  	s14 =	sadd.s32 s14, s19;
	p0 =	por !p0, !p0;
	s19 =	simm.s32 $0x1  }
0x4bc: {  	s19 =	simm.s32 @!p0 $0x0;
	p0 =	seq.s32 s8, $0x780  }
.Ltmp8:
0x4bd: {  	s11 =	sand.u32 $0x7F, s11;
	(pc) =	sbr.rel @p0 .LBB2_12-.Ltmp8, $4  }
0x4be: {  	s11 =	smul.u32 $0x3, s11;
	s14 =	sshrl.u32 s14, $0x2  }
0x4bf: {  	s14 =	ssub.s32 s14, s19  }
0x4c0: {  	s10 =	ssub.s32 s10, s11;
	s0 =	sshll.u32 s14, $0x2  }
0x4c1: {  	s11 =	sand.u32 $0xFF, s10;
	[dreg:$0x17] =	wrdreg s0  }
0x4c2: {  	s14 =	smul.u32 $0xAB, s1;
	s10 =	rddreg [dreg:$0x17]  }
0x4c3: {  	s23 =	simm.s32 $0x20;
	s9 =	smov.u32 s4;
	s4 =	smov.u32 s29  }
0x4c4: {  	s29 =	smov.u32 s24;
	s18 =	smov.u32 s31;
	s31 =	smov.u32 s26  }
0x4c5: {  	s0 =	smov.u32 s20;
	s20 =	smov.u32 s7;
	s14 =	sshrl.u32 s14, $0x9  }
0x4c6: {  	s7 =	smov.u32 s3;
	s3 =	smov.u32 s30;
	s14 =	sand.u32 $0x7F, s14  }
0x4c7: {  	p1 =	sgt.s32 s10, $0x1F;
	s19 =	sadd.s32 $0xFFFFFFE0, s10;
	s14 =	smul.u32 $0x3, s14  }
0x4c8: {  	s30 =	smov.u32 s25;
	p0 =	slt.s32 s10, $0x20;
	s10 =	smov.u32 @p1 s19  }
0x4c9: {  	s23 =	simm.s32 @!p1 $0x0;
	p2 =	sgt.s32 s10, $0xF;
	s14 =	ssub.s32 s1, s14  }
0x4ca: {  	s21 =	sadd.s32 $0xFFFFFFF0, s10;
	s22 =	smov.u32 s10;
	s14 =	sand.u32 $0xFF, s14  }
0x4cb: {  	p1 =	slt.s32 s10, $0x10;
	s10 =	rddreg [dreg:$0x0];
	s19 =	smul.u32 @!p0 $0x28000, s14  }
0x4cc: {  	s24 =	sshll.u32 @!p0 s13, $0x7;
	s22 =	smov.u32 @p2 s21;
	s26 =	smov.u32 s10  }
0x4cd: {  	s10 =	sadd.s32 @!p0 s10, s24;
	s24 =	simm.s32 @!p0 $0x0;
	s19 =	sshrl.u32 @!p0 s19, $0x2  }
0x4ce: {  	s21 =	sadd.s32 @!p0 $0x1, s14;
	s25 =	smul.u32 @!p1 $0x28000, s14;
	s19 =	sor.u32 @!p0 $0xA80, s19  }
0x4cf: {  	[tilespmem:s19], [sflag:s21] =	stream.linear.gather @!p0 [hbm4b:s10+s24], $0x8000, $0x38;
	[tilespmem:$0x1EE80] =	vst v63  }
0x4d0: {  	s10 =	simm.s32 $0x10;
	s19 =	sshrl.u32 @!p1 s25, $0x2  }
0x4d1: {  	s21 =	sshll.u32 @!p1 s23, $0xA;
	s24 =	simm.s32 @!p1 $0x0;
	s10 =	simm.s32 @!p2 $0x0  }
0x4d2: {  	s19 =	sadd.s32 @!p1 s21, s19;
	s21 =	sadd.s32 @!p1 s13, s23;
	p2 =	slt.s32 s22, $0x8  }
0x4d3: {  	s10 =	sor.u32 s23, s10;
	s19 =	sadd.s32 @!p1 $0xA80, s19;
	s21 =	sshll.u32 @!p1 s21, $0x7  }
0x4d4: {  	s23 =	sadd.s32 @!p1 $0x1, s14;
	s25 =	smul.u32 @!p2 $0x28000, s14;
	s21 =	sadd.s32 @!p1 s26, s21  }
0x4d5: {  	[tilespmem:s19], [sflag:s23] =	stream.linear.gather @!p1 [hbm4b:s21+s24], $0x4000, $0x38;
	[tilespmem:$0x1EE80] =	vst v63  }
0x4d6: {  	p0 =	sgt.s32 s22, $0x7;
	s19 =	sadd.s32 $0xFFFFFFF8, s22;
	s21 =	sshrl.u32 @!p2 s25, $0x2  }
0x4d7: {  	s23 =	sshll.u32 @!p2 s10, $0xA;
	s24 =	sadd.s32 @!p2 $0x1, s14;
	s25 =	simm.s32 @!p2 $0x0  }
0x4d8: {  	s22 =	smov.u32 @p0 s19;
	s19 =	sadd.s32 @!p2 s23, s21;
	s21 =	sadd.s32 @!p2 s13, s10  }
0x4d9: {  	s23 =	simm.s32 $0x8;
	s19 =	sadd.s32 @!p2 $0xA80, s19;
	s21 =	sshll.u32 @!p2 s21, $0x7  }
0x4da: {  	s23 =	simm.s32 @!p0 $0x0;
	p0 =	slt.s32 s22, $0x4;
	s21 =	sadd.s32 @!p2 s26, s21  }
0x4db: {  	[tilespmem:s19], [sflag:s24] =	stream.linear.gather @!p2 [hbm4b:s21+s25], $0x2000, $0x38;
	[tilespmem:$0x1EE80] =	vst v63  }
0x4dc: {  	s10 =	sor.u32 s10, s23;
	s22 =	simm.s32 @!p0 $0x0;
	s19 =	smul.u32 @!p0 $0x28000, s14  }
0x4dd: {  	s25 =	smov.u32 s30;
	s30 =	smov.u32 s3;
	s21 =	sadd.s32 @!p0 s13, s10  }
0x4de: {  	s10 =	sshll.u32 @!p0 s10, $0xA;
	s21 =	sshll.u32 @!p0 s21, $0x7;
	s19 =	sshrl.u32 @!p0 s19, $0x2  }
0x4df: {  	s3 =	smov.u32 s7;
	s10 =	sadd.s32 @!p0 s10, s19;
	s19 =	sand.u32 @!p0 $0x1FFFFC00, s21  }
0x4e0: {  	s14 =	sadd.s32 @!p0 $0x1, s14;
	s21 =	sadd.s32 @!p0 $0xA80, s10;
	s19 =	sadd.s32 @!p0 s26, s19  }
0x4e1: {  	[tilespmem:s21], [sflag:s14] =	stream.linear.gather @!p0 [hbm4b:s19+s22], $0x200, $0x38;
	[tilespmem:$0x1EE80] =	vst v63  }
0x4e2: {  	s7 =	smov.u32 s20;
	s23 =	sadd.s32 @!p0 $0xE80, s10;
	s21 =	sadd.s32 @!p0 $0x80, s19  }
0x4e3: {  	[tilespmem:s23], [sflag:s14] =	stream.linear.gather @!p0 [hbm4b:s21+s22], $0x200, $0x38;
	[tilespmem:$0x1EE80] =	vst v63  }
0x4e4: {  	s20 =	smov.u32 s0;
	s21 =	sadd.s32 @!p0 $0x100, s19;
	s23 =	sadd.s32 @!p0 $0x1280, s10  }
0x4e5: {  	[tilespmem:s23], [sflag:s14] =	stream.linear.gather @!p0 [hbm4b:s21+s22], $0x200, $0x38;
	[tilespmem:$0x1EE80] =	vst v63  }
0x4e6: {  	s24 =	smov.u32 s29;
	s21 =	sadd.s32 @!p0 $0x180, s19;
	s23 =	sadd.s32 @!p0 $0x1680, s10  }
0x4e7: {  	[tilespmem:s23], [sflag:s14] =	stream.linear.gather @!p0 [hbm4b:s21+s22], $0x200, $0x38;
	[tilespmem:$0x1EE80] =	vst v63  }
0x4e8: {  	s29 =	smov.u32 s4;
	s21 =	sadd.s32 @!p0 $0x200, s19;
	s23 =	sadd.s32 @!p0 $0x1A80, s10  }
0x4e9: {  	[tilespmem:s23], [sflag:s14] =	stream.linear.gather @!p0 [hbm4b:s21+s22], $0x200, $0x38;
	[tilespmem:$0x1EE80] =	vst v63  }
0x4ea: {  	s4 =	smov.u32 s9;
	s21 =	sadd.s32 @!p0 $0x280, s19;
	s23 =	sadd.s32 @!p0 $0x1E80, s10  }
0x4eb: {  	[tilespmem:s23], [sflag:s14] =	stream.linear.gather @!p0 [hbm4b:s21+s22], $0x200, $0x38;
	[tilespmem:$0x1EE80] =	vst v63  }
.Ltmp9:
0x4ec: {  	s26 =	smov.u32 s31;
	s31 =	smov.u32 s18;
	(pc) =	sbr.rel .LBB2_12-.Ltmp9, $4  }
0x4ed: {  	s18 =	rddreg [dreg:$0x3];
	s21 =	sadd.s32 @!p0 $0x300, s19;
	s23 =	sadd.s32 @!p0 $0x2280, s10  }
0x4ee: {  	[tilespmem:s23], [sflag:s14] =	stream.linear.gather @!p0 [hbm4b:s21+s22], $0x200, $0x38;
	[tilespmem:$0x1EE80] =	vst v63  }
0x4ef: {  	s19 =	sadd.s32 @!p0 $0x380, s19;
	s10 =	sadd.s32 @!p0 $0x2680, s10;
	s23 =	rddreg [dreg:$0x16]  }
0x4f0: {  	[tilespmem:s10], [sflag:s14] =	stream.linear.gather @!p0 [hbm4b:s19+s22], $0x200, $0x38;
	[tilespmem:$0x1EE80] =	vst v63  }
.LBB2_14:
0x4f1: {  	_ =	sfence.sel $0x180000  }
0x4f2: {  	[bflag:$0x0] =	sbarrier.arrive $0xFFFF  }
0x4f3: {  	_ =	strace $0x90000047  }
0x4f4: {  	s0 =	stileid.u32;
	[bflag:$0x2] =	sbarrier.arrive $0xFFFF  }
0x4f5: {  	p0 =	sne.s32 s0, $0x0;
	s0 =	rddreg [dreg:$0x4]  }
0x4f6: {  	s0 =	sadd.s32 @!p0 $0x100000, s0  }
0x4f7: {  	[sflag:s0] =	ssyncadd.tile.s32 @!p0 $0x1;
	_ =	shalt  }
.Lfunc_end2:
_tile_overlayer_lowered:
.L_overlay_start_2:
0x4f8: {  	(tag) =	ssettag $0x2  }
0x4f9: {  	s0 =	rddreg [dreg:$0x0];
	s2 =	stileid.u32  }
0x4fa: {  	s1 =	rddreg [dreg:$0x1];
	p0 =	sne.s32 s2, $0x0  }
0x4fb: {  	s3 =	rddreg [dreg:$0x2];
	[bflag:$0x3] =	sbarrier.arrive $0xFFFF;
	s2 =	simm.s32 @!p0 $0x1C09  }
0x4fc: {  	[timem:s3], [sflag:s2] =	dma.local @!p0 [hbm:s0], s1  }
0x4fd: {  	s0 =	simm.s32 @!p0 $0x9  }
0x4fe: {  	_ =	swait.ge @!p0 [sflag:s0], s1  }
0x4ff: {  	s1 =	ssub.s32 @!p0 $0x0, s1;
	[sflag:s0] =	ssyncset.done @!p0 $0x0  }
0x500: {  	[sflag:s0] =	ssyncadd.s32 @!p0 s1  }
0x501: {  	[bflag:$0x3] =	sbarrier.arrive $0xFFFF  }
0x502: {  	_ =	shalt  }

</sc_bundles>
